<compile_context>
chip_gen: v7x
topology: tpu7x:2x2x1
jax: 0.10.2.dev20260603
libtpu: 0.0.44.dev20260713+nightly
codegen_flags: <defaults>
</compile_context>

<pallas_src>
import functools

import jax
import jax.numpy as jnp
from jax import lax
from jax.experimental import pallas as pl
from jax.experimental.pallas import tpu as pltpu
from jax.experimental.pallas import tpu_sc as plsc

N = 10000
E = 320000
C = 128
NC = 2
NS = 16
NW = NC * NS
K = 64
EPT = 10048
NCH = EPT // K
EP = NW * EPT
NPAD = 10240
RPT = NPAD // NS
DEGW = 16
ZR = 40


def _sc_agg_body(x_hbm, src_hbm, dst_hbm, acc_out, deg_out,
                 acc_sh, deg_sh, src_v, dst_v, rows_v, ones_v, zd_v,
                 sem0, sem1, sem2, sem3):
    c = lax.axis_index("c")
    s = lax.axis_index("s")
    wid = s * NC + c

    zero16 = jnp.zeros((16,), jnp.float32)
    one_hot16 = jnp.where(lax.iota(jnp.int32, 16) == 0,
                          jnp.float32(1.0), jnp.float32(0.0))

    def zrow(i, _):
        for t in range(C // 16):
            rows_v[0, i, pl.ds(t * 16, 16)] = zero16
        ones_v[i, pl.ds(0, DEGW)] = one_hot16
        return 0
    lax.fori_loop(0, K, zrow, 0)

    def zdrow(i, _):
        zd_v[i, pl.ds(0, DEGW)] = zero16
        return 0
    lax.fori_loop(0, ZR, zdrow, 0)

    di = pltpu.async_copy(src_hbm.at[wid], src_v, sem0)
    dj = pltpu.async_copy(dst_hbm.at[wid], dst_v, sem1)
    zacc = []
    zdeg = []
    for j in range(RPT // ZR):
        zacc.append(pltpu.async_copy(
            rows_v.at[0, pl.ds(0, ZR)],
            acc_sh.at[pl.ds(s * RPT + j * ZR, ZR)], sem2))
        zdeg.append(pltpu.async_copy(
            zd_v, deg_sh.at[pl.ds(s * RPT + j * ZR, ZR)], sem3))
    di.wait()
    dj.wait()
    for d in zacc + zdeg:
        d.wait()
    plsc.subcore_barrier()

    gs = (sem0, sem1)

    def start_g(j, b):
        pltpu.async_copy(x_hbm.at[src_v.at[j]], rows_v.at[b], gs[b])

    def step(j, b, bn, last=False):
        pltpu.make_async_copy(x_hbm.at[src_v.at[j]], rows_v.at[b],
                              gs[b]).wait()
        if not last:
            start_g(j + 1, bn)
        pltpu.sync_copy(rows_v.at[b], acc_sh.at[dst_v.at[j]], add=True)
        pltpu.sync_copy(ones_v, deg_sh.at[dst_v.at[j]], add=True)

    start_g(0, 0)
    step(0, 0, 1)

    def body(t, _):
        jA = 2 * t + 1
        step(jA, 1, 0)
        step(jA + 1, 0, 1)
        return 0
    lax.fori_loop(0, (NCH - 3) // 2, body, 0)

    step(NCH - 2, 1, 0)
    step(NCH - 1, 0, 1, last=True)
    plsc.subcore_barrier()

    @pl.when(s < NS - 1)
    def _():
        d1 = pltpu.async_copy(acc_sh.at[pl.ds(s * RPT, RPT)],
                              acc_out.at[c, pl.ds(s * RPT, RPT)], sem0)
        d2 = pltpu.async_copy(deg_sh.at[pl.ds(s * RPT, RPT)],
                              deg_out.at[c, pl.ds(s * RPT, RPT)], sem1)
        d1.wait()
        d2.wait()

    @pl.when(s == NS - 1)
    def _():
        TR = N - (NS - 1) * RPT
        d1 = pltpu.async_copy(acc_sh.at[pl.ds((NS - 1) * RPT, TR)],
                              acc_out.at[c, pl.ds((NS - 1) * RPT, TR)], sem0)
        d2 = pltpu.async_copy(deg_sh.at[pl.ds((NS - 1) * RPT, TR)],
                              deg_out.at[c, pl.ds((NS - 1) * RPT, TR)], sem1)
        d1.wait()
        d2.wait()


def _sc_agg(x, src3, dst3):
    mesh = plsc.VectorSubcoreMesh(core_axis_name="c", subcore_axis_name="s")
    f = pl.kernel(
        _sc_agg_body,
        out_type=[
            jax.ShapeDtypeStruct((NC, N, C), jnp.float32),
            jax.ShapeDtypeStruct((NC, N, DEGW), jnp.float32),
        ],
        mesh=mesh,
        scratch_types=[
            pltpu.VMEM_SHARED((NPAD, C), jnp.float32),
            pltpu.VMEM_SHARED((NPAD, DEGW), jnp.float32),
            pltpu.VMEM((NCH, K), jnp.int32),
            pltpu.VMEM((NCH, K), jnp.int32),
            pltpu.VMEM((2, K, C), jnp.float32),
            pltpu.VMEM((K, DEGW), jnp.float32),
            pltpu.VMEM((ZR, DEGW), jnp.float32),
            pltpu.SemaphoreType.DMA,
            pltpu.SemaphoreType.DMA,
            pltpu.SemaphoreType.DMA,
            pltpu.SemaphoreType.DMA,
        ],
        compiler_params=pltpu.CompilerParams(use_tc_tiling_on_sc=False),
    )
    return f(x, src3, dst3)


def _tc_layer_body(acc_ref, deg_ref, x_ref, wl_ref, wr_ref, b_ref, a_ref,
                   o_ref):
    aggsum = acc_ref[0] + acc_ref[1]
    deg = deg_ref[0, :, 0:1] + deg_ref[1, :, 0:1]
    agg = aggsum * (1.0 / jnp.maximum(deg, 1.0))
    h = (jnp.dot(agg, wl_ref[...], preferred_element_type=jnp.float32)
         + jnp.dot(x_ref[...], wr_ref[...], preferred_element_type=jnp.float32)
         + b_ref[...])
    o_ref[...] = jnp.where(h > 0, h, a_ref[...] * h)


def _tc_layer(acc, deg, x, wlT, wrT, b2, a2):
    BN = 1000
    return pl.pallas_call(
        _tc_layer_body,
        grid=(N // BN,),
        in_specs=[
            pl.BlockSpec((NC, BN, C), lambda i: (0, i, 0)),
            pl.BlockSpec((NC, BN, DEGW), lambda i: (0, i, 0)),
            pl.BlockSpec((BN, C), lambda i: (i, 0)),
            pl.BlockSpec((C, C), lambda i: (0, 0)),
            pl.BlockSpec((C, C), lambda i: (0, 0)),
            pl.BlockSpec((1, C), lambda i: (0, 0)),
            pl.BlockSpec((1, C), lambda i: (0, 0)),
        ],
        out_specs=pl.BlockSpec((BN, C), lambda i: (i, 0)),
        out_shape=jax.ShapeDtypeStruct((N, C), jnp.float32),
    )(acc, deg, x, wlT, wrT, b2, a2)


def kernel(x, edge_index, W_l0, W_r0, b0, a0, W_l1, W_r1, b1, a1):
    x = x.astype(jnp.float32)
    pad_sd = jnp.arange(EP - E, dtype=jnp.int32) % (NPAD - N)
    src3 = jnp.concatenate([edge_index[0], pad_sd]).reshape(NW, NCH, K)
    dst3 = jnp.concatenate([edge_index[1], pad_sd + N]).reshape(NW, NCH, K)

    acc, deg = _sc_agg(x, src3, dst3)
    x1 = _tc_layer(acc, deg, x, W_l0.T, W_r0.T,
                   b0.reshape(1, C), a0.reshape(1, C))
    acc, deg = _sc_agg(x1, src3, dst3)
    x2 = _tc_layer(acc, deg, x1, W_l1.T, W_r1.T,
                   b1.reshape(1, C), a1.reshape(1, C))
    return x2

# --- scband reference (transcript-rebuilt; emitter-appended) ---
"""Pipeline reference for scband-encoder-52475910423106 (READ-ONLY COPY).

The authoritative reference and input builder live on the scoring server;
editing this copy changes nothing except your own understanding.
"""

import jax, jax.numpy as jnp
import numpy as np

N, E, C = 10000, 320000, 128


def setup_inputs(seed: int = 0) -> dict:
    key = jax.random.key(seed)
    ks = jax.random.split(key, 12)
    x = jax.random.normal(ks[0], (N, C), dtype=jnp.float32)
    edge_index = jax.random.randint(ks[1], (2, E), 0, N, dtype=jnp.int32)
    s = 1.0 / np.sqrt(C)
    # Layer 0 params: SAGEConv(lin_l applied to aggregated neighbors, lin_r to root) + PReLU weight
    W_l0 = jax.random.uniform(ks[2], (C, C), dtype=jnp.float32, minval=-s, maxval=s)
    W_r0 = jax.random.uniform(ks[3], (C, C), dtype=jnp.float32, minval=-s, maxval=s)
    b0 = jax.random.uniform(ks[4], (C,), dtype=jnp.float32, minval=-s, maxval=s)
    a0 = jnp.full((C,), 0.25, dtype=jnp.float32)
    # Layer 1 params
    W_l1 = jax.random.uniform(ks[5], (C, C), dtype=jnp.float32, minval=-s, maxval=s)
    W_r1 = jax.random.uniform(ks[6], (C, C), dtype=jnp.float32, minval=-s, maxval=s)
    b1 = jax.random.uniform(ks[7], (C,), dtype=jnp.float32, minval=-s, maxval=s)
    a1 = jnp.full((C,), 0.25, dtype=jnp.float32)
    return {"x": x, "edge_index": edge_index, "W_l0": W_l0, "W_r0": W_r0, "b0": b0, "a0": a0, "W_l1": W_l1, "W_r1": W_r1, "b1": b1, "a1": a1}


def _sage_prelu_layer(x, edge_index, W_l, W_r, b, a):
    n = x.shape[0]
    src = edge_index[0]
    dst = edge_index[1]
    msg = jnp.take(x, src, axis=0)                                  # gather (memory-bound)
    agg_sum = jax.ops.segment_sum(msg, dst, num_segments=n)         # scatter-add
    deg = jax.ops.segment_sum(jnp.ones((msg.shape[0],), dtype=x.dtype), dst, num_segments=n)
    agg = agg_sum / jnp.clip(deg, 1.0)[:, None]                     # mean aggregation
    h = agg @ W_l.T + x @ W_r.T + b                                 # SAGEConv linear transforms
    return jnp.where(h > 0, h, a * h)                               # PReLU (per-channel)


def reference(x, edge_index, W_l0, W_r0, b0, a0, W_l1, W_r1, b1, a1):
    x = x.astype(jnp.float32)
    x = _sage_prelu_layer(x, edge_index, W_l0, W_r0, b0, a0)
    x = _sage_prelu_layer(x, edge_index, W_l1, W_r1, b1, a1)
    return x

if __name__ == "__main__":
    import jax
    _d = setup_inputs()
    print(jax.jit(kernel)(*tuple(_d.values())))

</pallas_src>

<mosaic_0001>
#map = affine_map<(d0, d1) -> (0, 0)>
#map1 = affine_map<(d0, d1) -> (0, 0, 0)>
module attributes {stable_mosaic.version = 14 : i64} {
  func.func @_sc_agg_body(%arg0: i32, %arg1: i32, %arg2: memref<10000x128xf32, #tpu.memory_space<hbm>>, %arg3: memref<32x157x64xi32, #tpu.memory_space<hbm>>, %arg4: memref<32x157x64xi32, #tpu.memory_space<hbm>>, %arg5: memref<2x10000x128xf32, #tpu.memory_space<hbm>>, %arg6: memref<2x10000x16xf32, #tpu.memory_space<hbm>>, %arg7: memref<10240x128xf32, #tpu.memory_space<vmem_shared>>, %arg8: memref<10240x16xf32, #tpu.memory_space<vmem_shared>>, %arg9: memref<157x64xi32, #tpu.memory_space<vmem>>, %arg10: memref<157x64xi32, #tpu.memory_space<vmem>>, %arg11: memref<2x64x128xf32, #tpu.memory_space<vmem>>, %arg12: memref<64x16xf32, #tpu.memory_space<vmem>>, %arg13: memref<40x16xf32, #tpu.memory_space<vmem>>, %arg14: memref<!tpu.dma_semaphore, #tpu.memory_space<semaphore_mem>>, %arg15: memref<!tpu.dma_semaphore, #tpu.memory_space<semaphore_mem>>, %arg16: memref<!tpu.dma_semaphore, #tpu.memory_space<semaphore_mem>>, %arg17: memref<!tpu.dma_semaphore, #tpu.memory_space<semaphore_mem>>) attributes {dimension_semantics = [#tpu.dimension_semantics<core_parallel>, #tpu.dimension_semantics<subcore_parallel>], iteration_bounds = array<i64: 2, 16>, scalar_prefetch = 0 : i64, scratch_operands = 11 : i64, tpu.core_type = #tpu.core_type<sc_vector_subcore>, window_params = [{transform_indices = #map}, {transform_indices = #map1}, {transform_indices = #map1}, {transform_indices = #map1}, {transform_indices = #map1}]} {
    %mul3A = arith.constant 2 : i32
    %mul3A_0 = arith.muli %arg1, %mul3A : i32
    %add3A = arith.addi %mul3A_0, %arg0 : i32
    %broadcast_in_dim3A = arith.constant 0.000000e+00 : f32
    %broadcast_in_dim3A_1 = vector.broadcast %broadcast_in_dim3A : f32 to vector<16xf32>
    %iota3A = tpu.iota {dimensions = array<i32: 0>} : vector<16xi32>
    %eq3A = arith.constant 0 : i32
    %eq3A_2 = vector.broadcast %eq3A : i32 to vector<16xi32>
    %eq3A_3 = arith.cmpi eq, %iota3A, %eq3A_2 : vector<16xi32>
    %jit3A = arith.constant 1.000000e+00 : f32
    %jit3A_4 = arith.constant 0.000000e+00 : f32
    %broadcast_in_dim3A_5 = vector.broadcast %jit3A : f32 to vector<16xf32>
    %broadcast_in_dim3A_6 = vector.broadcast %jit3A_4 : f32 to vector<16xf32>
    %select_n3A = arith.select %eq3A_3, %broadcast_in_dim3A_5, %broadcast_in_dim3A_6 : vector<16xi1>, vector<16xf32>
    %scan3A = arith.constant 0 : i32
    %scan3A_7 = arith.constant 0 : i32
    %scan3A_8 = arith.constant 64 : i32
    %scan3A_9 = arith.addi %scan3A_7, %scan3A_8 : i32
    %scan3A_10 = arith.constant 1 : i32
    %scan3A_11 = scf.for %scan3A_817 = %scan3A_7 to %scan3A_9 step %scan3A_10 iter_args(%scan3A_818 = %scan3A) -> (i32)  : i32 {
      %swap3A = arith.constant 0 : i32
      %swap3A_819 = arith.index_cast %swap3A : i32 to index
      %swap3A_820 = arith.index_cast %scan3A_817 : i32 to index
      %swap3A_821 = arith.constant 0 : index
      %swap3A_822 = tpu.vector_load %arg11[%swap3A_819, %swap3A_820, %swap3A_821] {strides = array<i32>} : memref<2x64x128xf32, #tpu.memory_space<vmem>>, vector<1x1x16xf32>,
      %swap3A_823 = vector.shape_cast %swap3A_822 : vector<1x1x16xf32> to vector<16xf32>
      %swap3A_824 = vector.shape_cast %broadcast_in_dim3A_1 : vector<16xf32> to vector<1x1x16xf32>
      tpu.vector_store %arg11[%swap3A_819, %swap3A_820, %swap3A_821], %swap3A_824 {strides = array<i32>} : memref<2x64x128xf32, #tpu.memory_space<vmem>>, vector<1x1x16xf32>,
      %swap3A_825 = arith.constant 0 : i32
      %swap3A_826 = arith.index_cast %swap3A_825 : i32 to index
      %swap3A_827 = arith.index_cast %scan3A_817 : i32 to index
      %swap3A_828 = arith.constant 16 : index
      %swap3A_829 = tpu.vector_load %arg11[%swap3A_826, %swap3A_827, %swap3A_828] {strides = array<i32>} : memref<2x64x128xf32, #tpu.memory_space<vmem>>, vector<1x1x16xf32>,
      %swap3A_830 = vector.shape_cast %swap3A_829 : vector<1x1x16xf32> to vector<16xf32>
      %swap3A_831 = vector.shape_cast %broadcast_in_dim3A_1 : vector<16xf32> to vector<1x1x16xf32>
      tpu.vector_store %arg11[%swap3A_826, %swap3A_827, %swap3A_828], %swap3A_831 {strides = array<i32>} : memref<2x64x128xf32, #tpu.memory_space<vmem>>, vector<1x1x16xf32>,
      %swap3A_832 = arith.constant 0 : i32
      %swap3A_833 = arith.index_cast %swap3A_832 : i32 to index
      %swap3A_834 = arith.index_cast %scan3A_817 : i32 to index
      %swap3A_835 = arith.constant 32 : index
      %swap3A_836 = tpu.vector_load %arg11[%swap3A_833, %swap3A_834, %swap3A_835] {strides = array<i32>} : memref<2x64x128xf32, #tpu.memory_space<vmem>>, vector<1x1x16xf32>,
      %swap3A_837 = vector.shape_cast %swap3A_836 : vector<1x1x16xf32> to vector<16xf32>
      %swap3A_838 = vector.shape_cast %broadcast_in_dim3A_1 : vector<16xf32> to vector<1x1x16xf32>
      tpu.vector_store %arg11[%swap3A_833, %swap3A_834, %swap3A_835], %swap3A_838 {strides = array<i32>} : memref<2x64x128xf32, #tpu.memory_space<vmem>>, vector<1x1x16xf32>,
      %swap3A_839 = arith.constant 0 : i32
      %swap3A_840 = arith.index_cast %swap3A_839 : i32 to index
      %swap3A_841 = arith.index_cast %scan3A_817 : i32 to index
      %swap3A_842 = arith.constant 48 : index
      %swap3A_843 = tpu.vector_load %arg11[%swap3A_840, %swap3A_841, %swap3A_842] {strides = array<i32>} : memref<2x64x128xf32, #tpu.memory_space<vmem>>, vector<1x1x16xf32>,
      %swap3A_844 = vector.shape_cast %swap3A_843 : vector<1x1x16xf32> to vector<16xf32>
      %swap3A_845 = vector.shape_cast %broadcast_in_dim3A_1 : vector<16xf32> to vector<1x1x16xf32>
      tpu.vector_store %arg11[%swap3A_840, %swap3A_841, %swap3A_842], %swap3A_845 {strides = array<i32>} : memref<2x64x128xf32, #tpu.memory_space<vmem>>, vector<1x1x16xf32>,
      %swap3A_846 = arith.constant 0 : i32
      %swap3A_847 = arith.index_cast %swap3A_846 : i32 to index
      %swap3A_848 = arith.index_cast %scan3A_817 : i32 to index
      %swap3A_849 = arith.constant 64 : index
      %swap3A_850 = tpu.vector_load %arg11[%swap3A_847, %swap3A_848, %swap3A_849] {strides = array<i32>} : memref<2x64x128xf32, #tpu.memory_space<vmem>>, vector<1x1x16xf32>,
      %swap3A_851 = vector.shape_cast %swap3A_850 : vector<1x1x16xf32> to vector<16xf32>
      %swap3A_852 = vector.shape_cast %broadcast_in_dim3A_1 : vector<16xf32> to vector<1x1x16xf32>
      tpu.vector_store %arg11[%swap3A_847, %swap3A_848, %swap3A_849], %swap3A_852 {strides = array<i32>} : memref<2x64x128xf32, #tpu.memory_space<vmem>>, vector<1x1x16xf32>,
      %swap3A_853 = arith.constant 0 : i32
      %swap3A_854 = arith.index_cast %swap3A_853 : i32 to index
      %swap3A_855 = arith.index_cast %scan3A_817 : i32 to index
      %swap3A_856 = arith.constant 80 : index
      %swap3A_857 = tpu.vector_load %arg11[%swap3A_854, %swap3A_855, %swap3A_856] {strides = array<i32>} : memref<2x64x128xf32, #tpu.memory_space<vmem>>, vector<1x1x16xf32>,
      %swap3A_858 = vector.shape_cast %swap3A_857 : vector<1x1x16xf32> to vector<16xf32>
      %swap3A_859 = vector.shape_cast %broadcast_in_dim3A_1 : vector<16xf32> to vector<1x1x16xf32>
      tpu.vector_store %arg11[%swap3A_854, %swap3A_855, %swap3A_856], %swap3A_859 {strides = array<i32>} : memref<2x64x128xf32, #tpu.memory_space<vmem>>, vector<1x1x16xf32>,
      %swap3A_860 = arith.constant 0 : i32
      %swap3A_861 = arith.index_cast %swap3A_860 : i32 to index
      %swap3A_862 = arith.index_cast %scan3A_817 : i32 to index
      %swap3A_863 = arith.constant 96 : index
      %swap3A_864 = tpu.vector_load %arg11[%swap3A_861, %swap3A_862, %swap3A_863] {strides = array<i32>} : memref<2x64x128xf32, #tpu.memory_space<vmem>>, vector<1x1x16xf32>,
      %swap3A_865 = vector.shape_cast %swap3A_864 : vector<1x1x16xf32> to vector<16xf32>
      %swap3A_866 = vector.shape_cast %broadcast_in_dim3A_1 : vector<16xf32> to vector<1x1x16xf32>
      tpu.vector_store %arg11[%swap3A_861, %swap3A_862, %swap3A_863], %swap3A_866 {strides = array<i32>} : memref<2x64x128xf32, #tpu.memory_space<vmem>>, vector<1x1x16xf32>,
      %swap3A_867 = arith.constant 0 : i32
      %swap3A_868 = arith.index_cast %swap3A_867 : i32 to index
      %swap3A_869 = arith.index_cast %scan3A_817 : i32 to index
      %swap3A_870 = arith.constant 112 : index
      %swap3A_871 = tpu.vector_load %arg11[%swap3A_868, %swap3A_869, %swap3A_870] {strides = array<i32>} : memref<2x64x128xf32, #tpu.memory_space<vmem>>, vector<1x1x16xf32>,
      %swap3A_872 = vector.shape_cast %swap3A_871 : vector<1x1x16xf32> to vector<16xf32>
      %swap3A_873 = vector.shape_cast %broadcast_in_dim3A_1 : vector<16xf32> to vector<1x1x16xf32>
      tpu.vector_store %arg11[%swap3A_868, %swap3A_869, %swap3A_870], %swap3A_873 {strides = array<i32>} : memref<2x64x128xf32, #tpu.memory_space<vmem>>, vector<1x1x16xf32>,
      %swap3A_874 = arith.index_cast %scan3A_817 : i32 to index
      %swap3A_875 = arith.constant 0 : index
      %swap3A_876 = tpu.vector_load %arg12[%swap3A_874, %swap3A_875] {strides = array<i32>} : memref<64x16xf32, #tpu.memory_space<vmem>>, vector<1x16xf32>,
      %swap3A_877 = vector.shape_cast %swap3A_876 : vector<1x16xf32> to vector<16xf32>
      %swap3A_878 = vector.shape_cast %select_n3A : vector<16xf32> to vector<1x16xf32>
      tpu.vector_store %arg12[%swap3A_874, %swap3A_875], %swap3A_878 {strides = array<i32>} : memref<64x16xf32, #tpu.memory_space<vmem>>, vector<1x16xf32>,
      %scan3A_879 = arith.constant 0 : i32
      scf.yield %scan3A_879 : i32
    }
    %scan3A_12 = arith.constant 64 : i32
    %scan3A_13 = arith.constant 0 : i32
    %scan3A_14 = arith.constant 0 : i32
    %scan3A_15 = arith.constant 40 : i32
    %scan3A_16 = arith.addi %scan3A_14, %scan3A_15 : i32
    %scan3A_17 = arith.constant 1 : i32
    %scan3A_18 = scf.for %scan3A_817 = %scan3A_14 to %scan3A_16 step %scan3A_17 iter_args(%scan3A_818 = %scan3A_13) -> (i32)  : i32 {
      %swap3A = arith.index_cast %scan3A_817 : i32 to index
      %swap3A_819 = arith.constant 0 : index
      %swap3A_820 = tpu.vector_load %arg13[%swap3A, %swap3A_819] {strides = array<i32>} : memref<40x16xf32, #tpu.memory_space<vmem>>, vector<1x16xf32>,
      %swap3A_821 = vector.shape_cast %swap3A_820 : vector<1x16xf32> to vector<16xf32>
      %swap3A_822 = vector.shape_cast %broadcast_in_dim3A_1 : vector<16xf32> to vector<1x16xf32>
      tpu.vector_store %arg13[%swap3A, %swap3A_819], %swap3A_822 {strides = array<i32>} : memref<40x16xf32, #tpu.memory_space<vmem>>, vector<1x16xf32>,
      %scan3A_823 = arith.constant 0 : i32
      scf.yield %scan3A_823 : i32
    }
    %scan3A_19 = arith.constant 40 : i32
    %dma_start3A = arith.constant 0 : i32
    %dma_start3A_20 = arith.constant 0 : i32
    %dma_start3A_21 = tpu.memref_slice %arg3[%add3A, %dma_start3A, %dma_start3A_20] : memref<32x157x64xi32, #tpu.memory_space<hbm>> -> memref<1x157x64xi32, #tpu.memory_space<hbm>>
    %dma_start3A_22 = tpu.memref_squeeze %dma_start3A_21 : memref<1x157x64xi32, #tpu.memory_space<hbm>> -> memref<157x64xi32, #tpu.memory_space<hbm>>
    %dma_start3A_23 = arith.constant 0 : i32
    %dma_start3A_24 = arith.constant 0 : i32
    %dma_start3A_25 = tpu.memref_slice %arg3[%add3A, %dma_start3A_23, %dma_start3A_24] : memref<32x157x64xi32, #tpu.memory_space<hbm>> -> memref<1x157x64xi32, #tpu.memory_space<hbm>>
    %dma_start3A_26 = tpu.memref_squeeze %dma_start3A_25 : memref<1x157x64xi32, #tpu.memory_space<hbm>> -> memref<157x64xi32, #tpu.memory_space<hbm>>
    tpu.enqueue_dma source(%dma_start3A_26 : memref<157x64xi32, #tpu.memory_space<hbm>>) target(%arg9 : memref<157x64xi32, #tpu.memory_space<vmem>>) target_semaphore(%arg14 : memref<!tpu.dma_semaphore, #tpu.memory_space<semaphore_mem>>)
    %dma_start3A_27 = arith.constant 0 : i32
    %dma_start3A_28 = arith.constant 0 : i32
    %dma_start3A_29 = tpu.memref_slice %arg4[%add3A, %dma_start3A_27, %dma_start3A_28] : memref<32x157x64xi32, #tpu.memory_space<hbm>> -> memref<1x157x64xi32, #tpu.memory_space<hbm>>
    %dma_start3A_30 = tpu.memref_squeeze %dma_start3A_29 : memref<1x157x64xi32, #tpu.memory_space<hbm>> -> memref<157x64xi32, #tpu.memory_space<hbm>>
    %dma_start3A_31 = arith.constant 0 : i32
    %dma_start3A_32 = arith.constant 0 : i32
    %dma_start3A_33 = tpu.memref_slice %arg4[%add3A, %dma_start3A_31, %dma_start3A_32] : memref<32x157x64xi32, #tpu.memory_space<hbm>> -> memref<1x157x64xi32, #tpu.memory_space<hbm>>
    %dma_start3A_34 = tpu.memref_squeeze %dma_start3A_33 : memref<1x157x64xi32, #tpu.memory_space<hbm>> -> memref<157x64xi32, #tpu.memory_space<hbm>>
    tpu.enqueue_dma source(%dma_start3A_34 : memref<157x64xi32, #tpu.memory_space<hbm>>) target(%arg10 : memref<157x64xi32, #tpu.memory_space<vmem>>) target_semaphore(%arg15 : memref<!tpu.dma_semaphore, #tpu.memory_space<semaphore_mem>>)
    %mul3A_35 = arith.constant 640 : i32
    %mul3A_36 = arith.muli %arg1, %mul3A_35 : i32
    %add3A_37 = arith.constant 0 : i32
    %add3A_38 = arith.addi %mul3A_36, %add3A_37 : i32
    %dma_start3A_39 = arith.constant 0 : i32
    %dma_start3A_40 = arith.constant 0 : i32
    %dma_start3A_41 = arith.constant 0 : i32
    %dma_start3A_42 = tpu.memref_slice %arg11[%dma_start3A_39, %dma_start3A_40, %dma_start3A_41] : memref<2x64x128xf32, #tpu.memory_space<vmem>> -> memref<1x40x128xf32, #tpu.memory_space<vmem>>
    %dma_start3A_43 = tpu.memref_squeeze %dma_start3A_42 : memref<1x40x128xf32, #tpu.memory_space<vmem>> -> memref<40x128xf32, #tpu.memory_space<vmem>>
    %dma_start3A_44 = arith.constant 0 : i32
    %dma_start3A_45 = tpu.memref_slice %arg7[%add3A_38, %dma_start3A_44] : memref<10240x128xf32, #tpu.memory_space<vmem_shared>> -> memref<40x128xf32, #tpu.memory_space<vmem_shared>>
    %dma_start3A_46 = arith.constant 0 : i32
    %dma_start3A_47 = tpu.memref_slice %arg7[%add3A_38, %dma_start3A_46] : memref<10240x128xf32, #tpu.memory_space<vmem_shared>> -> memref<40x128xf32, #tpu.memory_space<vmem_shared>>
    %dma_start3A_48 = arith.constant 0 : i32
    %dma_start3A_49 = arith.constant 0 : i32
    %dma_start3A_50 = tpu.memref_slice %arg11[%dma_start3A_39, %dma_start3A_48, %dma_start3A_49] : memref<2x64x128xf32, #tpu.memory_space<vmem>> -> memref<1x40x128xf32, #tpu.memory_space<vmem>>
    %dma_start3A_51 = tpu.memref_squeeze %dma_start3A_50 : memref<1x40x128xf32, #tpu.memory_space<vmem>> -> memref<40x128xf32, #tpu.memory_space<vmem>>
    tpu.enqueue_dma source(%dma_start3A_51 : memref<40x128xf32, #tpu.memory_space<vmem>>) target(%dma_start3A_47 : memref<40x128xf32, #tpu.memory_space<vmem_shared>>) target_semaphore(%arg16 : memref<!tpu.dma_semaphore, #tpu.memory_space<semaphore_mem>>)
    %mul3A_52 = arith.constant 640 : i32
    %mul3A_53 = arith.muli %arg1, %mul3A_52 : i32
    %add3A_54 = arith.constant 0 : i32
    %add3A_55 = arith.addi %mul3A_53, %add3A_54 : i32
    %dma_start3A_56 = arith.constant 0 : i32
    %dma_start3A_57 = tpu.memref_slice %arg8[%add3A_55, %dma_start3A_56] : memref<10240x16xf32, #tpu.memory_space<vmem_shared>> -> memref<40x16xf32, #tpu.memory_space<vmem_shared>>
    %dma_start3A_58 = arith.constant 0 : i32
    %dma_start3A_59 = tpu.memref_slice %arg8[%add3A_55, %dma_start3A_58] : memref<10240x16xf32, #tpu.memory_space<vmem_shared>> -> memref<40x16xf32, #tpu.memory_space<vmem_shared>>
    tpu.enqueue_dma source(%arg13 : memref<40x16xf32, #tpu.memory_space<vmem>>) target(%dma_start3A_59 : memref<40x16xf32, #tpu.memory_space<vmem_shared>>) target_semaphore(%arg17 : memref<!tpu.dma_semaphore, #tpu.memory_space<semaphore_mem>>)
    %mul3A_60 = arith.constant 640 : i32
    %mul3A_61 = arith.muli %arg1, %mul3A_60 : i32
    %add3A_62 = arith.constant 40 : i32
    %add3A_63 = arith.addi %mul3A_61, %add3A_62 : i32
    %dma_start3A_64 = arith.constant 0 : i32
    %dma_start3A_65 = arith.constant 0 : i32
    %dma_start3A_66 = arith.constant 0 : i32
    %dma_start3A_67 = tpu.memref_slice %arg11[%dma_start3A_64, %dma_start3A_65, %dma_start3A_66] : memref<2x64x128xf32, #tpu.memory_space<vmem>> -> memref<1x40x128xf32, #tpu.memory_space<vmem>>
    %dma_start3A_68 = tpu.memref_squeeze %dma_start3A_67 : memref<1x40x128xf32, #tpu.memory_space<vmem>> -> memref<40x128xf32, #tpu.memory_space<vmem>>
    %dma_start3A_69 = arith.constant 0 : i32
    %dma_start3A_70 = tpu.memref_slice %arg7[%add3A_63, %dma_start3A_69] : memref<10240x128xf32, #tpu.memory_space<vmem_shared>> -> memref<40x128xf32, #tpu.memory_space<vmem_shared>>
    %dma_start3A_71 = arith.constant 0 : i32
    %dma_start3A_72 = tpu.memref_slice %arg7[%add3A_63, %dma_start3A_71] : memref<10240x128xf32, #tpu.memory_space<vmem_shared>> -> memref<40x128xf32, #tpu.memory_space<vmem_shared>>
    %dma_start3A_73 = arith.constant 0 : i32
    %dma_start3A_74 = arith.constant 0 : i32
    %dma_start3A_75 = tpu.memref_slice %arg11[%dma_start3A_64, %dma_start3A_73, %dma_start3A_74] : memref<2x64x128xf32, #tpu.memory_space<vmem>> -> memref<1x40x128xf32, #tpu.memory_space<vmem>>
    %dma_start3A_76 = tpu.memref_squeeze %dma_start3A_75 : memref<1x40x128xf32, #tpu.memory_space<vmem>> -> memref<40x128xf32, #tpu.memory_space<vmem>>
    tpu.enqueue_dma source(%dma_start3A_76 : memref<40x128xf32, #tpu.memory_space<vmem>>) target(%dma_start3A_72 : memref<40x128xf32, #tpu.memory_space<vmem_shared>>) target_semaphore(%arg16 : memref<!tpu.dma_semaphore, #tpu.memory_space<semaphore_mem>>)
    %mul3A_77 = arith.constant 640 : i32
    %mul3A_78 = arith.muli %arg1, %mul3A_77 : i32
    %add3A_79 = arith.constant 40 : i32
    %add3A_80 = arith.addi %mul3A_78, %add3A_79 : i32
    %dma_start3A_81 = arith.constant 0 : i32
    %dma_start3A_82 = tpu.memref_slice %arg8[%add3A_80, %dma_start3A_81] : memref<10240x16xf32, #tpu.memory_space<vmem_shared>> -> memref<40x16xf32, #tpu.memory_space<vmem_shared>>
    %dma_start3A_83 = arith.constant 0 : i32
    %dma_start3A_84 = tpu.memref_slice %arg8[%add3A_80, %dma_start3A_83] : memref<10240x16xf32, #tpu.memory_space<vmem_shared>> -> memref<40x16xf32, #tpu.memory_space<vmem_shared>>
    tpu.enqueue_dma source(%arg13 : memref<40x16xf32, #tpu.memory_space<vmem>>) target(%dma_start3A_84 : memref<40x16xf32, #tpu.memory_space<vmem_shared>>) target_semaphore(%arg17 : memref<!tpu.dma_semaphore, #tpu.memory_space<semaphore_mem>>)
    %mul3A_85 = arith.constant 640 : i32
    %mul3A_86 = arith.muli %arg1, %mul3A_85 : i32
    %add3A_87 = arith.constant 80 : i32
    %add3A_88 = arith.addi %mul3A_86, %add3A_87 : i32
    %dma_start3A_89 = arith.constant 0 : i32
    %dma_start3A_90 = arith.constant 0 : i32
    %dma_start3A_91 = arith.constant 0 : i32
    %dma_start3A_92 = tpu.memref_slice %arg11[%dma_start3A_89, %dma_start3A_90, %dma_start3A_91] : memref<2x64x128xf32, #tpu.memory_space<vmem>> -> memref<1x40x128xf32, #tpu.memory_space<vmem>>
    %dma_start3A_93 = tpu.memref_squeeze %dma_start3A_92 : memref<1x40x128xf32, #tpu.memory_space<vmem>> -> memref<40x128xf32, #tpu.memory_space<vmem>>
    %dma_start3A_94 = arith.constant 0 : i32
    %dma_start3A_95 = tpu.memref_slice %arg7[%add3A_88, %dma_start3A_94] : memref<10240x128xf32, #tpu.memory_space<vmem_shared>> -> memref<40x128xf32, #tpu.memory_space<vmem_shared>>
    %dma_start3A_96 = arith.constant 0 : i32
    %dma_start3A_97 = tpu.memref_slice %arg7[%add3A_88, %dma_start3A_96] : memref<10240x128xf32, #tpu.memory_space<vmem_shared>> -> memref<40x128xf32, #tpu.memory_space<vmem_shared>>
    %dma_start3A_98 = arith.constant 0 : i32
    %dma_start3A_99 = arith.constant 0 : i32
    %dma_start3A_100 = tpu.memref_slice %arg11[%dma_start3A_89, %dma_start3A_98, %dma_start3A_99] : memref<2x64x128xf32, #tpu.memory_space<vmem>> -> memref<1x40x128xf32, #tpu.memory_space<vmem>>
    %dma_start3A_101 = tpu.memref_squeeze %dma_start3A_100 : memref<1x40x128xf32, #tpu.memory_space<vmem>> -> memref<40x128xf32, #tpu.memory_space<vmem>>
    tpu.enqueue_dma source(%dma_start3A_101 : memref<40x128xf32, #tpu.memory_space<vmem>>) target(%dma_start3A_97 : memref<40x128xf32, #tpu.memory_space<vmem_shared>>) target_semaphore(%arg16 : memref<!tpu.dma_semaphore, #tpu.memory_space<semaphore_mem>>)
    %mul3A_102 = arith.constant 640 : i32
    %mul3A_103 = arith.muli %arg1, %mul3A_102 : i32
    %add3A_104 = arith.constant 80 : i32
    %add3A_105 = arith.addi %mul3A_103, %add3A_104 : i32
    %dma_start3A_106 = arith.constant 0 : i32
    %dma_start3A_107 = tpu.memref_slice %arg8[%add3A_105, %dma_start3A_106] : memref<10240x16xf32, #tpu.memory_space<vmem_shared>> -> memref<40x16xf32, #tpu.memory_space<vmem_shared>>
    %dma_start3A_108 = arith.constant 0 : i32
    %dma_start3A_109 = tpu.memref_slice %arg8[%add3A_105, %dma_start3A_108] : memref<10240x16xf32, #tpu.memory_space<vmem_shared>> -> memref<40x16xf32, #tpu.memory_space<vmem_shared>>
    tpu.enqueue_dma source(%arg13 : memref<40x16xf32, #tpu.memory_space<vmem>>) target(%dma_start3A_109 : memref<40x16xf32, #tpu.memory_space<vmem_shared>>) target_semaphore(%arg17 : memref<!tpu.dma_semaphore, #tpu.memory_space<semaphore_mem>>)
    %mul3A_110 = arith.constant 640 : i32
    %mul3A_111 = arith.muli %arg1, %mul3A_110 : i32
    %add3A_112 = arith.constant 120 : i32
    %add3A_113 = arith.addi %mul3A_111, %add3A_112 : i32
    %dma_start3A_114 = arith.constant 0 : i32
    %dma_start3A_115 = arith.constant 0 : i32
    %dma_start3A_116 = arith.constant 0 : i32
    %dma_start3A_117 = tpu.memref_slice %arg11[%dma_start3A_114, %dma_start3A_115, %dma_start3A_116] : memref<2x64x128xf32, #tpu.memory_space<vmem>> -> memref<1x40x128xf32, #tpu.memory_space<vmem>>
    %dma_start3A_118 = tpu.memref_squeeze %dma_start3A_117 : memref<1x40x128xf32, #tpu.memory_space<vmem>> -> memref<40x128xf32, #tpu.memory_space<vmem>>
    %dma_start3A_119 = arith.constant 0 : i32
    %dma_start3A_120 = tpu.memref_slice %arg7[%add3A_113, %dma_start3A_119] : memref<10240x128xf32, #tpu.memory_space<vmem_shared>> -> memref<40x128xf32, #tpu.memory_space<vmem_shared>>
    %dma_start3A_121 = arith.constant 0 : i32
    %dma_start3A_122 = tpu.memref_slice %arg7[%add3A_113, %dma_start3A_121] : memref<10240x128xf32, #tpu.memory_space<vmem_shared>> -> memref<40x128xf32, #tpu.memory_space<vmem_shared>>
    %dma_start3A_123 = arith.constant 0 : i32
    %dma_start3A_124 = arith.constant 0 : i32
    %dma_start3A_125 = tpu.memref_slice %arg11[%dma_start3A_114, %dma_start3A_123, %dma_start3A_124] : memref<2x64x128xf32, #tpu.memory_space<vmem>> -> memref<1x40x128xf32, #tpu.memory_space<vmem>>
    %dma_start3A_126 = tpu.memref_squeeze %dma_start3A_125 : memref<1x40x128xf32, #tpu.memory_space<vmem>> -> memref<40x128xf32, #tpu.memory_space<vmem>>
    tpu.enqueue_dma source(%dma_start3A_126 : memref<40x128xf32, #tpu.memory_space<vmem>>) target(%dma_start3A_122 : memref<40x128xf32, #tpu.memory_space<vmem_shared>>) target_semaphore(%arg16 : memref<!tpu.dma_semaphore, #tpu.memory_space<semaphore_mem>>)
    %mul3A_127 = arith.constant 640 : i32
    %mul3A_128 = arith.muli %arg1, %mul3A_127 : i32
    %add3A_129 = arith.constant 120 : i32
    %add3A_130 = arith.addi %mul3A_128, %add3A_129 : i32
    %dma_start3A_131 = arith.constant 0 : i32
    %dma_start3A_132 = tpu.memref_slice %arg8[%add3A_130, %dma_start3A_131] : memref<10240x16xf32, #tpu.memory_space<vmem_shared>> -> memref<40x16xf32, #tpu.memory_space<vmem_shared>>
    %dma_start3A_133 = arith.constant 0 : i32
    %dma_start3A_134 = tpu.memref_slice %arg8[%add3A_130, %dma_start3A_133] : memref<10240x16xf32, #tpu.memory_space<vmem_shared>> -> memref<40x16xf32, #tpu.memory_space<vmem_shared>>
    tpu.enqueue_dma source(%arg13 : memref<40x16xf32, #tpu.memory_space<vmem>>) target(%dma_start3A_134 : memref<40x16xf32, #tpu.memory_space<vmem_shared>>) target_semaphore(%arg17 : memref<!tpu.dma_semaphore, #tpu.memory_space<semaphore_mem>>)
    %mul3A_135 = arith.constant 640 : i32
    %mul3A_136 = arith.muli %arg1, %mul3A_135 : i32
    %add3A_137 = arith.constant 160 : i32
    %add3A_138 = arith.addi %mul3A_136, %add3A_137 : i32
    %dma_start3A_139 = arith.constant 0 : i32
    %dma_start3A_140 = arith.constant 0 : i32
    %dma_start3A_141 = arith.constant 0 : i32
    %dma_start3A_142 = tpu.memref_slice %arg11[%dma_start3A_139, %dma_start3A_140, %dma_start3A_141] : memref<2x64x128xf32, #tpu.memory_space<vmem>> -> memref<1x40x128xf32, #tpu.memory_space<vmem>>
    %dma_start3A_143 = tpu.memref_squeeze %dma_start3A_142 : memref<1x40x128xf32, #tpu.memory_space<vmem>> -> memref<40x128xf32, #tpu.memory_space<vmem>>
    %dma_start3A_144 = arith.constant 0 : i32
    %dma_start3A_145 = tpu.memref_slice %arg7[%add3A_138, %dma_start3A_144] : memref<10240x128xf32, #tpu.memory_space<vmem_shared>> -> memref<40x128xf32, #tpu.memory_space<vmem_shared>>
    %dma_start3A_146 = arith.constant 0 : i32
    %dma_start3A_147 = tpu.memref_slice %arg7[%add3A_138, %dma_start3A_146] : memref<10240x128xf32, #tpu.memory_space<vmem_shared>> -> memref<40x128xf32, #tpu.memory_space<vmem_shared>>
    %dma_start3A_148 = arith.constant 0 : i32
    %dma_start3A_149 = arith.constant 0 : i32
    %dma_start3A_150 = tpu.memref_slice %arg11[%dma_start3A_139, %dma_start3A_148, %dma_start3A_149] : memref<2x64x128xf32, #tpu.memory_space<vmem>> -> memref<1x40x128xf32, #tpu.memory_space<vmem>>
    %dma_start3A_151 = tpu.memref_squeeze %dma_start3A_150 : memref<1x40x128xf32, #tpu.memory_space<vmem>> -> memref<40x128xf32, #tpu.memory_space<vmem>>
    tpu.enqueue_dma source(%dma_start3A_151 : memref<40x128xf32, #tpu.memory_space<vmem>>) target(%dma_start3A_147 : memref<40x128xf32, #tpu.memory_space<vmem_shared>>) target_semaphore(%arg16 : memref<!tpu.dma_semaphore, #tpu.memory_space<semaphore_mem>>)
    %mul3A_152 = arith.constant 640 : i32
    %mul3A_153 = arith.muli %arg1, %mul3A_152 : i32
    %add3A_154 = arith.constant 160 : i32
    %add3A_155 = arith.addi %mul3A_153, %add3A_154 : i32
    %dma_start3A_156 = arith.constant 0 : i32
    %dma_start3A_157 = tpu.memref_slice %arg8[%add3A_155, %dma_start3A_156] : memref<10240x16xf32, #tpu.memory_space<vmem_shared>> -> memref<40x16xf32, #tpu.memory_space<vmem_shared>>
    %dma_start3A_158 = arith.constant 0 : i32
    %dma_start3A_159 = tpu.memref_slice %arg8[%add3A_155, %dma_start3A_158] : memref<10240x16xf32, #tpu.memory_space<vmem_shared>> -> memref<40x16xf32, #tpu.memory_space<vmem_shared>>
    tpu.enqueue_dma source(%arg13 : memref<40x16xf32, #tpu.memory_space<vmem>>) target(%dma_start3A_159 : memref<40x16xf32, #tpu.memory_space<vmem_shared>>) target_semaphore(%arg17 : memref<!tpu.dma_semaphore, #tpu.memory_space<semaphore_mem>>)
    %mul3A_160 = arith.constant 640 : i32
    %mul3A_161 = arith.muli %arg1, %mul3A_160 : i32
    %add3A_162 = arith.constant 200 : i32
    %add3A_163 = arith.addi %mul3A_161, %add3A_162 : i32
    %dma_start3A_164 = arith.constant 0 : i32
    %dma_start3A_165 = arith.constant 0 : i32
    %dma_start3A_166 = arith.constant 0 : i32
    %dma_start3A_167 = tpu.memref_slice %arg11[%dma_start3A_164, %dma_start3A_165, %dma_start3A_166] : memref<2x64x128xf32, #tpu.memory_space<vmem>> -> memref<1x40x128xf32, #tpu.memory_space<vmem>>
    %dma_start3A_168 = tpu.memref_squeeze %dma_start3A_167 : memref<1x40x128xf32, #tpu.memory_space<vmem>> -> memref<40x128xf32, #tpu.memory_space<vmem>>
    %dma_start3A_169 = arith.constant 0 : i32
    %dma_start3A_170 = tpu.memref_slice %arg7[%add3A_163, %dma_start3A_169] : memref<10240x128xf32, #tpu.memory_space<vmem_shared>> -> memref<40x128xf32, #tpu.memory_space<vmem_shared>>
    %dma_start3A_171 = arith.constant 0 : i32
    %dma_start3A_172 = tpu.memref_slice %arg7[%add3A_163, %dma_start3A_171] : memref<10240x128xf32, #tpu.memory_space<vmem_shared>> -> memref<40x128xf32, #tpu.memory_space<vmem_shared>>
    %dma_start3A_173 = arith.constant 0 : i32
    %dma_start3A_174 = arith.constant 0 : i32
    %dma_start3A_175 = tpu.memref_slice %arg11[%dma_start3A_164, %dma_start3A_173, %dma_start3A_174] : memref<2x64x128xf32, #tpu.memory_space<vmem>> -> memref<1x40x128xf32, #tpu.memory_space<vmem>>
    %dma_start3A_176 = tpu.memref_squeeze %dma_start3A_175 : memref<1x40x128xf32, #tpu.memory_space<vmem>> -> memref<40x128xf32, #tpu.memory_space<vmem>>
    tpu.enqueue_dma source(%dma_start3A_176 : memref<40x128xf32, #tpu.memory_space<vmem>>) target(%dma_start3A_172 : memref<40x128xf32, #tpu.memory_space<vmem_shared>>) target_semaphore(%arg16 : memref<!tpu.dma_semaphore, #tpu.memory_space<semaphore_mem>>)
    %mul3A_177 = arith.constant 640 : i32
    %mul3A_178 = arith.muli %arg1, %mul3A_177 : i32
    %add3A_179 = arith.constant 200 : i32
    %add3A_180 = arith.addi %mul3A_178, %add3A_179 : i32
    %dma_start3A_181 = arith.constant 0 : i32
    %dma_start3A_182 = tpu.memref_slice %arg8[%add3A_180, %dma_start3A_181] : memref<10240x16xf32, #tpu.memory_space<vmem_shared>> -> memref<40x16xf32, #tpu.memory_space<vmem_shared>>
    %dma_start3A_183 = arith.constant 0 : i32
    %dma_start3A_184 = tpu.memref_slice %arg8[%add3A_180, %dma_start3A_183] : memref<10240x16xf32, #tpu.memory_space<vmem_shared>> -> memref<40x16xf32, #tpu.memory_space<vmem_shared>>
    tpu.enqueue_dma source(%arg13 : memref<40x16xf32, #tpu.memory_space<vmem>>) target(%dma_start3A_184 : memref<40x16xf32, #tpu.memory_space<vmem_shared>>) target_semaphore(%arg17 : memref<!tpu.dma_semaphore, #tpu.memory_space<semaphore_mem>>)
    %mul3A_185 = arith.constant 640 : i32
    %mul3A_186 = arith.muli %arg1, %mul3A_185 : i32
    %add3A_187 = arith.constant 240 : i32
    %add3A_188 = arith.addi %mul3A_186, %add3A_187 : i32
    %dma_start3A_189 = arith.constant 0 : i32
    %dma_start3A_190 = arith.constant 0 : i32
    %dma_start3A_191 = arith.constant 0 : i32
    %dma_start3A_192 = tpu.memref_slice %arg11[%dma_start3A_189, %dma_start3A_190, %dma_start3A_191] : memref<2x64x128xf32, #tpu.memory_space<vmem>> -> memref<1x40x128xf32, #tpu.memory_space<vmem>>
    %dma_start3A_193 = tpu.memref_squeeze %dma_start3A_192 : memref<1x40x128xf32, #tpu.memory_space<vmem>> -> memref<40x128xf32, #tpu.memory_space<vmem>>
    %dma_start3A_194 = arith.constant 0 : i32
    %dma_start3A_195 = tpu.memref_slice %arg7[%add3A_188, %dma_start3A_194] : memref<10240x128xf32, #tpu.memory_space<vmem_shared>> -> memref<40x128xf32, #tpu.memory_space<vmem_shared>>
    %dma_start3A_196 = arith.constant 0 : i32
    %dma_start3A_197 = tpu.memref_slice %arg7[%add3A_188, %dma_start3A_196] : memref<10240x128xf32, #tpu.memory_space<vmem_shared>> -> memref<40x128xf32, #tpu.memory_space<vmem_shared>>
    %dma_start3A_198 = arith.constant 0 : i32
    %dma_start3A_199 = arith.constant 0 : i32
    %dma_start3A_200 = tpu.memref_slice %arg11[%dma_start3A_189, %dma_start3A_198, %dma_start3A_199] : memref<2x64x128xf32, #tpu.memory_space<vmem>> -> memref<1x40x128xf32, #tpu.memory_space<vmem>>
    %dma_start3A_201 = tpu.memref_squeeze %dma_start3A_200 : memref<1x40x128xf32, #tpu.memory_space<vmem>> -> memref<40x128xf32, #tpu.memory_space<vmem>>
    tpu.enqueue_dma source(%dma_start3A_201 : memref<40x128xf32, #tpu.memory_space<vmem>>) target(%dma_start3A_197 : memref<40x128xf32, #tpu.memory_space<vmem_shared>>) target_semaphore(%arg16 : memref<!tpu.dma_semaphore, #tpu.memory_space<semaphore_mem>>)
    %mul3A_202 = arith.constant 640 : i32
    %mul3A_203 = arith.muli %arg1, %mul3A_202 : i32
    %add3A_204 = arith.constant 240 : i32
    %add3A_205 = arith.addi %mul3A_203, %add3A_204 : i32
    %dma_start3A_206 = arith.constant 0 : i32
    %dma_start3A_207 = tpu.memref_slice %arg8[%add3A_205, %dma_start3A_206] : memref<10240x16xf32, #tpu.memory_space<vmem_shared>> -> memref<40x16xf32, #tpu.memory_space<vmem_shared>>
    %dma_start3A_208 = arith.constant 0 : i32
    %dma_start3A_209 = tpu.memref_slice %arg8[%add3A_205, %dma_start3A_208] : memref<10240x16xf32, #tpu.memory_space<vmem_shared>> -> memref<40x16xf32, #tpu.memory_space<vmem_shared>>
    tpu.enqueue_dma source(%arg13 : memref<40x16xf32, #tpu.memory_space<vmem>>) target(%dma_start3A_209 : memref<40x16xf32, #tpu.memory_space<vmem_shared>>) target_semaphore(%arg17 : memref<!tpu.dma_semaphore, #tpu.memory_space<semaphore_mem>>)
    %mul3A_210 = arith.constant 640 : i32
    %mul3A_211 = arith.muli %arg1, %mul3A_210 : i32
    %add3A_212 = arith.constant 280 : i32
    %add3A_213 = arith.addi %mul3A_211, %add3A_212 : i32
    %dma_start3A_214 = arith.constant 0 : i32
    %dma_start3A_215 = arith.constant 0 : i32
    %dma_start3A_216 = arith.constant 0 : i32
    %dma_start3A_217 = tpu.memref_slice %arg11[%dma_start3A_214, %dma_start3A_215, %dma_start3A_216] : memref<2x64x128xf32, #tpu.memory_space<vmem>> -> memref<1x40x128xf32, #tpu.memory_space<vmem>>
    %dma_start3A_218 = tpu.memref_squeeze %dma_start3A_217 : memref<1x40x128xf32, #tpu.memory_space<vmem>> -> memref<40x128xf32, #tpu.memory_space<vmem>>
    %dma_start3A_219 = arith.constant 0 : i32
    %dma_start3A_220 = tpu.memref_slice %arg7[%add3A_213, %dma_start3A_219] : memref<10240x128xf32, #tpu.memory_space<vmem_shared>> -> memref<40x128xf32, #tpu.memory_space<vmem_shared>>
    %dma_start3A_221 = arith.constant 0 : i32
    %dma_start3A_222 = tpu.memref_slice %arg7[%add3A_213, %dma_start3A_221] : memref<10240x128xf32, #tpu.memory_space<vmem_shared>> -> memref<40x128xf32, #tpu.memory_space<vmem_shared>>
    %dma_start3A_223 = arith.constant 0 : i32
    %dma_start3A_224 = arith.constant 0 : i32
    %dma_start3A_225 = tpu.memref_slice %arg11[%dma_start3A_214, %dma_start3A_223, %dma_start3A_224] : memref<2x64x128xf32, #tpu.memory_space<vmem>> -> memref<1x40x128xf32, #tpu.memory_space<vmem>>
    %dma_start3A_226 = tpu.memref_squeeze %dma_start3A_225 : memref<1x40x128xf32, #tpu.memory_space<vmem>> -> memref<40x128xf32, #tpu.memory_space<vmem>>
    tpu.enqueue_dma source(%dma_start3A_226 : memref<40x128xf32, #tpu.memory_space<vmem>>) target(%dma_start3A_222 : memref<40x128xf32, #tpu.memory_space<vmem_shared>>) target_semaphore(%arg16 : memref<!tpu.dma_semaphore, #tpu.memory_space<semaphore_mem>>)
    %mul3A_227 = arith.constant 640 : i32
    %mul3A_228 = arith.muli %arg1, %mul3A_227 : i32
    %add3A_229 = arith.constant 280 : i32
    %add3A_230 = arith.addi %mul3A_228, %add3A_229 : i32
    %dma_start3A_231 = arith.constant 0 : i32
    %dma_start3A_232 = tpu.memref_slice %arg8[%add3A_230, %dma_start3A_231] : memref<10240x16xf32, #tpu.memory_space<vmem_shared>> -> memref<40x16xf32, #tpu.memory_space<vmem_shared>>
    %dma_start3A_233 = arith.constant 0 : i32
    %dma_start3A_234 = tpu.memref_slice %arg8[%add3A_230, %dma_start3A_233] : memref<10240x16xf32, #tpu.memory_space<vmem_shared>> -> memref<40x16xf32, #tpu.memory_space<vmem_shared>>
    tpu.enqueue_dma source(%arg13 : memref<40x16xf32, #tpu.memory_space<vmem>>) target(%dma_start3A_234 : memref<40x16xf32, #tpu.memory_space<vmem_shared>>) target_semaphore(%arg17 : memref<!tpu.dma_semaphore, #tpu.memory_space<semaphore_mem>>)
    %mul3A_235 = arith.constant 640 : i32
    %mul3A_236 = arith.muli %arg1, %mul3A_235 : i32
    %add3A_237 = arith.constant 320 : i32
    %add3A_238 = arith.addi %mul3A_236, %add3A_237 : i32
    %dma_start3A_239 = arith.constant 0 : i32
    %dma_start3A_240 = arith.constant 0 : i32
    %dma_start3A_241 = arith.constant 0 : i32
    %dma_start3A_242 = tpu.memref_slice %arg11[%dma_start3A_239, %dma_start3A_240, %dma_start3A_241] : memref<2x64x128xf32, #tpu.memory_space<vmem>> -> memref<1x40x128xf32, #tpu.memory_space<vmem>>
    %dma_start3A_243 = tpu.memref_squeeze %dma_start3A_242 : memref<1x40x128xf32, #tpu.memory_space<vmem>> -> memref<40x128xf32, #tpu.memory_space<vmem>>
    %dma_start3A_244 = arith.constant 0 : i32
    %dma_start3A_245 = tpu.memref_slice %arg7[%add3A_238, %dma_start3A_244] : memref<10240x128xf32, #tpu.memory_space<vmem_shared>> -> memref<40x128xf32, #tpu.memory_space<vmem_shared>>
    %dma_start3A_246 = arith.constant 0 : i32
    %dma_start3A_247 = tpu.memref_slice %arg7[%add3A_238, %dma_start3A_246] : memref<10240x128xf32, #tpu.memory_space<vmem_shared>> -> memref<40x128xf32, #tpu.memory_space<vmem_shared>>
    %dma_start3A_248 = arith.constant 0 : i32
    %dma_start3A_249 = arith.constant 0 : i32
    %dma_start3A_250 = tpu.memref_slice %arg11[%dma_start3A_239, %dma_start3A_248, %dma_start3A_249] : memref<2x64x128xf32, #tpu.memory_space<vmem>> -> memref<1x40x128xf32, #tpu.memory_space<vmem>>
    %dma_start3A_251 = tpu.memref_squeeze %dma_start3A_250 : memref<1x40x128xf32, #tpu.memory_space<vmem>> -> memref<40x128xf32, #tpu.memory_space<vmem>>
    tpu.enqueue_dma source(%dma_start3A_251 : memref<40x128xf32, #tpu.memory_space<vmem>>) target(%dma_start3A_247 : memref<40x128xf32, #tpu.memory_space<vmem_shared>>) target_semaphore(%arg16 : memref<!tpu.dma_semaphore, #tpu.memory_space<semaphore_mem>>)
    %mul3A_252 = arith.constant 640 : i32
    %mul3A_253 = arith.muli %arg1, %mul3A_252 : i32
    %add3A_254 = arith.constant 320 : i32
    %add3A_255 = arith.addi %mul3A_253, %add3A_254 : i32
    %dma_start3A_256 = arith.constant 0 : i32
    %dma_start3A_257 = tpu.memref_slice %arg8[%add3A_255, %dma_start3A_256] : memref<10240x16xf32, #tpu.memory_space<vmem_shared>> -> memref<40x16xf32, #tpu.memory_space<vmem_shared>>
    %dma_start3A_258 = arith.constant 0 : i32
    %dma_start3A_259 = tpu.memref_slice %arg8[%add3A_255, %dma_start3A_258] : memref<10240x16xf32, #tpu.memory_space<vmem_shared>> -> memref<40x16xf32, #tpu.memory_space<vmem_shared>>
    tpu.enqueue_dma source(%arg13 : memref<40x16xf32, #tpu.memory_space<vmem>>) target(%dma_start3A_259 : memref<40x16xf32, #tpu.memory_space<vmem_shared>>) target_semaphore(%arg17 : memref<!tpu.dma_semaphore, #tpu.memory_space<semaphore_mem>>)
    %mul3A_260 = arith.constant 640 : i32
    %mul3A_261 = arith.muli %arg1, %mul3A_260 : i32
    %add3A_262 = arith.constant 360 : i32
    %add3A_263 = arith.addi %mul3A_261, %add3A_262 : i32
    %dma_start3A_264 = arith.constant 0 : i32
    %dma_start3A_265 = arith.constant 0 : i32
    %dma_start3A_266 = arith.constant 0 : i32
    %dma_start3A_267 = tpu.memref_slice %arg11[%dma_start3A_264, %dma_start3A_265, %dma_start3A_266] : memref<2x64x128xf32, #tpu.memory_space<vmem>> -> memref<1x40x128xf32, #tpu.memory_space<vmem>>
    %dma_start3A_268 = tpu.memref_squeeze %dma_start3A_267 : memref<1x40x128xf32, #tpu.memory_space<vmem>> -> memref<40x128xf32, #tpu.memory_space<vmem>>
    %dma_start3A_269 = arith.constant 0 : i32
    %dma_start3A_270 = tpu.memref_slice %arg7[%add3A_263, %dma_start3A_269] : memref<10240x128xf32, #tpu.memory_space<vmem_shared>> -> memref<40x128xf32, #tpu.memory_space<vmem_shared>>
    %dma_start3A_271 = arith.constant 0 : i32
    %dma_start3A_272 = tpu.memref_slice %arg7[%add3A_263, %dma_start3A_271] : memref<10240x128xf32, #tpu.memory_space<vmem_shared>> -> memref<40x128xf32, #tpu.memory_space<vmem_shared>>
    %dma_start3A_273 = arith.constant 0 : i32
    %dma_start3A_274 = arith.constant 0 : i32
    %dma_start3A_275 = tpu.memref_slice %arg11[%dma_start3A_264, %dma_start3A_273, %dma_start3A_274] : memref<2x64x128xf32, #tpu.memory_space<vmem>> -> memref<1x40x128xf32, #tpu.memory_space<vmem>>
    %dma_start3A_276 = tpu.memref_squeeze %dma_start3A_275 : memref<1x40x128xf32, #tpu.memory_space<vmem>> -> memref<40x128xf32, #tpu.memory_space<vmem>>
    tpu.enqueue_dma source(%dma_start3A_276 : memref<40x128xf32, #tpu.memory_space<vmem>>) target(%dma_start3A_272 : memref<40x128xf32, #tpu.memory_space<vmem_shared>>) target_semaphore(%arg16 : memref<!tpu.dma_semaphore, #tpu.memory_space<semaphore_mem>>)
    %mul3A_277 = arith.constant 640 : i32
    %mul3A_278 = arith.muli %arg1, %mul3A_277 : i32
    %add3A_279 = arith.constant 360 : i32
    %add3A_280 = arith.addi %mul3A_278, %add3A_279 : i32
    %dma_start3A_281 = arith.constant 0 : i32
    %dma_start3A_282 = tpu.memref_slice %arg8[%add3A_280, %dma_start3A_281] : memref<10240x16xf32, #tpu.memory_space<vmem_shared>> -> memref<40x16xf32, #tpu.memory_space<vmem_shared>>
    %dma_start3A_283 = arith.constant 0 : i32
    %dma_start3A_284 = tpu.memref_slice %arg8[%add3A_280, %dma_start3A_283] : memref<10240x16xf32, #tpu.memory_space<vmem_shared>> -> memref<40x16xf32, #tpu.memory_space<vmem_shared>>
    tpu.enqueue_dma source(%arg13 : memref<40x16xf32, #tpu.memory_space<vmem>>) target(%dma_start3A_284 : memref<40x16xf32, #tpu.memory_space<vmem_shared>>) target_semaphore(%arg17 : memref<!tpu.dma_semaphore, #tpu.memory_space<semaphore_mem>>)
    %mul3A_285 = arith.constant 640 : i32
    %mul3A_286 = arith.muli %arg1, %mul3A_285 : i32
    %add3A_287 = arith.constant 400 : i32
    %add3A_288 = arith.addi %mul3A_286, %add3A_287 : i32
    %dma_start3A_289 = arith.constant 0 : i32
    %dma_start3A_290 = arith.constant 0 : i32
    %dma_start3A_291 = arith.constant 0 : i32
    %dma_start3A_292 = tpu.memref_slice %arg11[%dma_start3A_289, %dma_start3A_290, %dma_start3A_291] : memref<2x64x128xf32, #tpu.memory_space<vmem>> -> memref<1x40x128xf32, #tpu.memory_space<vmem>>
    %dma_start3A_293 = tpu.memref_squeeze %dma_start3A_292 : memref<1x40x128xf32, #tpu.memory_space<vmem>> -> memref<40x128xf32, #tpu.memory_space<vmem>>
    %dma_start3A_294 = arith.constant 0 : i32
    %dma_start3A_295 = tpu.memref_slice %arg7[%add3A_288, %dma_start3A_294] : memref<10240x128xf32, #tpu.memory_space<vmem_shared>> -> memref<40x128xf32, #tpu.memory_space<vmem_shared>>
    %dma_start3A_296 = arith.constant 0 : i32
    %dma_start3A_297 = tpu.memref_slice %arg7[%add3A_288, %dma_start3A_296] : memref<10240x128xf32, #tpu.memory_space<vmem_shared>> -> memref<40x128xf32, #tpu.memory_space<vmem_shared>>
    %dma_start3A_298 = arith.constant 0 : i32
    %dma_start3A_299 = arith.constant 0 : i32
    %dma_start3A_300 = tpu.memref_slice %arg11[%dma_start3A_289, %dma_start3A_298, %dma_start3A_299] : memref<2x64x128xf32, #tpu.memory_space<vmem>> -> memref<1x40x128xf32, #tpu.memory_space<vmem>>
    %dma_start3A_301 = tpu.memref_squeeze %dma_start3A_300 : memref<1x40x128xf32, #tpu.memory_space<vmem>> -> memref<40x128xf32, #tpu.memory_space<vmem>>
    tpu.enqueue_dma source(%dma_start3A_301 : memref<40x128xf32, #tpu.memory_space<vmem>>) target(%dma_start3A_297 : memref<40x128xf32, #tpu.memory_space<vmem_shared>>) target_semaphore(%arg16 : memref<!tpu.dma_semaphore, #tpu.memory_space<semaphore_mem>>)
    %mul3A_302 = arith.constant 640 : i32
    %mul3A_303 = arith.muli %arg1, %mul3A_302 : i32
    %add3A_304 = arith.constant 400 : i32
    %add3A_305 = arith.addi %mul3A_303, %add3A_304 : i32
    %dma_start3A_306 = arith.constant 0 : i32
    %dma_start3A_307 = tpu.memref_slice %arg8[%add3A_305, %dma_start3A_306] : memref<10240x16xf32, #tpu.memory_space<vmem_shared>> -> memref<40x16xf32, #tpu.memory_space<vmem_shared>>
    %dma_start3A_308 = arith.constant 0 : i32
    %dma_start3A_309 = tpu.memref_slice %arg8[%add3A_305, %dma_start3A_308] : memref<10240x16xf32, #tpu.memory_space<vmem_shared>> -> memref<40x16xf32, #tpu.memory_space<vmem_shared>>
    tpu.enqueue_dma source(%arg13 : memref<40x16xf32, #tpu.memory_space<vmem>>) target(%dma_start3A_309 : memref<40x16xf32, #tpu.memory_space<vmem_shared>>) target_semaphore(%arg17 : memref<!tpu.dma_semaphore, #tpu.memory_space<semaphore_mem>>)
    %mul3A_310 = arith.constant 640 : i32
    %mul3A_311 = arith.muli %arg1, %mul3A_310 : i32
    %add3A_312 = arith.constant 440 : i32
    %add3A_313 = arith.addi %mul3A_311, %add3A_312 : i32
    %dma_start3A_314 = arith.constant 0 : i32
    %dma_start3A_315 = arith.constant 0 : i32
    %dma_start3A_316 = arith.constant 0 : i32
    %dma_start3A_317 = tpu.memref_slice %arg11[%dma_start3A_314, %dma_start3A_315, %dma_start3A_316] : memref<2x64x128xf32, #tpu.memory_space<vmem>> -> memref<1x40x128xf32, #tpu.memory_space<vmem>>
    %dma_start3A_318 = tpu.memref_squeeze %dma_start3A_317 : memref<1x40x128xf32, #tpu.memory_space<vmem>> -> memref<40x128xf32, #tpu.memory_space<vmem>>
    %dma_start3A_319 = arith.constant 0 : i32
    %dma_start3A_320 = tpu.memref_slice %arg7[%add3A_313, %dma_start3A_319] : memref<10240x128xf32, #tpu.memory_space<vmem_shared>> -> memref<40x128xf32, #tpu.memory_space<vmem_shared>>
    %dma_start3A_321 = arith.constant 0 : i32
    %dma_start3A_322 = tpu.memref_slice %arg7[%add3A_313, %dma_start3A_321] : memref<10240x128xf32, #tpu.memory_space<vmem_shared>> -> memref<40x128xf32, #tpu.memory_space<vmem_shared>>
    %dma_start3A_323 = arith.constant 0 : i32
    %dma_start3A_324 = arith.constant 0 : i32
    %dma_start3A_325 = tpu.memref_slice %arg11[%dma_start3A_314, %dma_start3A_323, %dma_start3A_324] : memref<2x64x128xf32, #tpu.memory_space<vmem>> -> memref<1x40x128xf32, #tpu.memory_space<vmem>>
    %dma_start3A_326 = tpu.memref_squeeze %dma_start3A_325 : memref<1x40x128xf32, #tpu.memory_space<vmem>> -> memref<40x128xf32, #tpu.memory_space<vmem>>
    tpu.enqueue_dma source(%dma_start3A_326 : memref<40x128xf32, #tpu.memory_space<vmem>>) target(%dma_start3A_322 : memref<40x128xf32, #tpu.memory_space<vmem_shared>>) target_semaphore(%arg16 : memref<!tpu.dma_semaphore, #tpu.memory_space<semaphore_mem>>)
    %mul3A_327 = arith.constant 640 : i32
    %mul3A_328 = arith.muli %arg1, %mul3A_327 : i32
    %add3A_329 = arith.constant 440 : i32
    %add3A_330 = arith.addi %mul3A_328, %add3A_329 : i32
    %dma_start3A_331 = arith.constant 0 : i32
    %dma_start3A_332 = tpu.memref_slice %arg8[%add3A_330, %dma_start3A_331] : memref<10240x16xf32, #tpu.memory_space<vmem_shared>> -> memref<40x16xf32, #tpu.memory_space<vmem_shared>>
    %dma_start3A_333 = arith.constant 0 : i32
    %dma_start3A_334 = tpu.memref_slice %arg8[%add3A_330, %dma_start3A_333] : memref<10240x16xf32, #tpu.memory_space<vmem_shared>> -> memref<40x16xf32, #tpu.memory_space<vmem_shared>>
    tpu.enqueue_dma source(%arg13 : memref<40x16xf32, #tpu.memory_space<vmem>>) target(%dma_start3A_334 : memref<40x16xf32, #tpu.memory_space<vmem_shared>>) target_semaphore(%arg17 : memref<!tpu.dma_semaphore, #tpu.memory_space<semaphore_mem>>)
    %mul3A_335 = arith.constant 640 : i32
    %mul3A_336 = arith.muli %arg1, %mul3A_335 : i32
    %add3A_337 = arith.constant 480 : i32
    %add3A_338 = arith.addi %mul3A_336, %add3A_337 : i32
    %dma_start3A_339 = arith.constant 0 : i32
    %dma_start3A_340 = arith.constant 0 : i32
    %dma_start3A_341 = arith.constant 0 : i32
    %dma_start3A_342 = tpu.memref_slice %arg11[%dma_start3A_339, %dma_start3A_340, %dma_start3A_341] : memref<2x64x128xf32, #tpu.memory_space<vmem>> -> memref<1x40x128xf32, #tpu.memory_space<vmem>>
    %dma_start3A_343 = tpu.memref_squeeze %dma_start3A_342 : memref<1x40x128xf32, #tpu.memory_space<vmem>> -> memref<40x128xf32, #tpu.memory_space<vmem>>
    %dma_start3A_344 = arith.constant 0 : i32
    %dma_start3A_345 = tpu.memref_slice %arg7[%add3A_338, %dma_start3A_344] : memref<10240x128xf32, #tpu.memory_space<vmem_shared>> -> memref<40x128xf32, #tpu.memory_space<vmem_shared>>
    %dma_start3A_346 = arith.constant 0 : i32
    %dma_start3A_347 = tpu.memref_slice %arg7[%add3A_338, %dma_start3A_346] : memref<10240x128xf32, #tpu.memory_space<vmem_shared>> -> memref<40x128xf32, #tpu.memory_space<vmem_shared>>
    %dma_start3A_348 = arith.constant 0 : i32
    %dma_start3A_349 = arith.constant 0 : i32
    %dma_start3A_350 = tpu.memref_slice %arg11[%dma_start3A_339, %dma_start3A_348, %dma_start3A_349] : memref<2x64x128xf32, #tpu.memory_space<vmem>> -> memref<1x40x128xf32, #tpu.memory_space<vmem>>
    %dma_start3A_351 = tpu.memref_squeeze %dma_start3A_350 : memref<1x40x128xf32, #tpu.memory_space<vmem>> -> memref<40x128xf32, #tpu.memory_space<vmem>>
    tpu.enqueue_dma source(%dma_start3A_351 : memref<40x128xf32, #tpu.memory_space<vmem>>) target(%dma_start3A_347 : memref<40x128xf32, #tpu.memory_space<vmem_shared>>) target_semaphore(%arg16 : memref<!tpu.dma_semaphore, #tpu.memory_space<semaphore_mem>>)
    %mul3A_352 = arith.constant 640 : i32
    %mul3A_353 = arith.muli %arg1, %mul3A_352 : i32
    %add3A_354 = arith.constant 480 : i32
    %add3A_355 = arith.addi %mul3A_353, %add3A_354 : i32
    %dma_start3A_356 = arith.constant 0 : i32
    %dma_start3A_357 = tpu.memref_slice %arg8[%add3A_355, %dma_start3A_356] : memref<10240x16xf32, #tpu.memory_space<vmem_shared>> -> memref<40x16xf32, #tpu.memory_space<vmem_shared>>
    %dma_start3A_358 = arith.constant 0 : i32
    %dma_start3A_359 = tpu.memref_slice %arg8[%add3A_355, %dma_start3A_358] : memref<10240x16xf32, #tpu.memory_space<vmem_shared>> -> memref<40x16xf32, #tpu.memory_space<vmem_shared>>
    tpu.enqueue_dma source(%arg13 : memref<40x16xf32, #tpu.memory_space<vmem>>) target(%dma_start3A_359 : memref<40x16xf32, #tpu.memory_space<vmem_shared>>) target_semaphore(%arg17 : memref<!tpu.dma_semaphore, #tpu.memory_space<semaphore_mem>>)
    %mul3A_360 = arith.constant 640 : i32
    %mul3A_361 = arith.muli %arg1, %mul3A_360 : i32
    %add3A_362 = arith.constant 520 : i32
    %add3A_363 = arith.addi %mul3A_361, %add3A_362 : i32
    %dma_start3A_364 = arith.constant 0 : i32
    %dma_start3A_365 = arith.constant 0 : i32
    %dma_start3A_366 = arith.constant 0 : i32
    %dma_start3A_367 = tpu.memref_slice %arg11[%dma_start3A_364, %dma_start3A_365, %dma_start3A_366] : memref<2x64x128xf32, #tpu.memory_space<vmem>> -> memref<1x40x128xf32, #tpu.memory_space<vmem>>
    %dma_start3A_368 = tpu.memref_squeeze %dma_start3A_367 : memref<1x40x128xf32, #tpu.memory_space<vmem>> -> memref<40x128xf32, #tpu.memory_space<vmem>>
    %dma_start3A_369 = arith.constant 0 : i32
    %dma_start3A_370 = tpu.memref_slice %arg7[%add3A_363, %dma_start3A_369] : memref<10240x128xf32, #tpu.memory_space<vmem_shared>> -> memref<40x128xf32, #tpu.memory_space<vmem_shared>>
    %dma_start3A_371 = arith.constant 0 : i32
    %dma_start3A_372 = tpu.memref_slice %arg7[%add3A_363, %dma_start3A_371] : memref<10240x128xf32, #tpu.memory_space<vmem_shared>> -> memref<40x128xf32, #tpu.memory_space<vmem_shared>>
    %dma_start3A_373 = arith.constant 0 : i32
    %dma_start3A_374 = arith.constant 0 : i32
    %dma_start3A_375 = tpu.memref_slice %arg11[%dma_start3A_364, %dma_start3A_373, %dma_start3A_374] : memref<2x64x128xf32, #tpu.memory_space<vmem>> -> memref<1x40x128xf32, #tpu.memory_space<vmem>>
    %dma_start3A_376 = tpu.memref_squeeze %dma_start3A_375 : memref<1x40x128xf32, #tpu.memory_space<vmem>> -> memref<40x128xf32, #tpu.memory_space<vmem>>
    tpu.enqueue_dma source(%dma_start3A_376 : memref<40x128xf32, #tpu.memory_space<vmem>>) target(%dma_start3A_372 : memref<40x128xf32, #tpu.memory_space<vmem_shared>>) target_semaphore(%arg16 : memref<!tpu.dma_semaphore, #tpu.memory_space<semaphore_mem>>)
    %mul3A_377 = arith.constant 640 : i32
    %mul3A_378 = arith.muli %arg1, %mul3A_377 : i32
    %add3A_379 = arith.constant 520 : i32
    %add3A_380 = arith.addi %mul3A_378, %add3A_379 : i32
    %dma_start3A_381 = arith.constant 0 : i32
    %dma_start3A_382 = tpu.memref_slice %arg8[%add3A_380, %dma_start3A_381] : memref<10240x16xf32, #tpu.memory_space<vmem_shared>> -> memref<40x16xf32, #tpu.memory_space<vmem_shared>>
    %dma_start3A_383 = arith.constant 0 : i32
    %dma_start3A_384 = tpu.memref_slice %arg8[%add3A_380, %dma_start3A_383] : memref<10240x16xf32, #tpu.memory_space<vmem_shared>> -> memref<40x16xf32, #tpu.memory_space<vmem_shared>>
    tpu.enqueue_dma source(%arg13 : memref<40x16xf32, #tpu.memory_space<vmem>>) target(%dma_start3A_384 : memref<40x16xf32, #tpu.memory_space<vmem_shared>>) target_semaphore(%arg17 : memref<!tpu.dma_semaphore, #tpu.memory_space<semaphore_mem>>)
    %mul3A_385 = arith.constant 640 : i32
    %mul3A_386 = arith.muli %arg1, %mul3A_385 : i32
    %add3A_387 = arith.constant 560 : i32
    %add3A_388 = arith.addi %mul3A_386, %add3A_387 : i32
    %dma_start3A_389 = arith.constant 0 : i32
    %dma_start3A_390 = arith.constant 0 : i32
    %dma_start3A_391 = arith.constant 0 : i32
    %dma_start3A_392 = tpu.memref_slice %arg11[%dma_start3A_389, %dma_start3A_390, %dma_start3A_391] : memref<2x64x128xf32, #tpu.memory_space<vmem>> -> memref<1x40x128xf32, #tpu.memory_space<vmem>>
    %dma_start3A_393 = tpu.memref_squeeze %dma_start3A_392 : memref<1x40x128xf32, #tpu.memory_space<vmem>> -> memref<40x128xf32, #tpu.memory_space<vmem>>
    %dma_start3A_394 = arith.constant 0 : i32
    %dma_start3A_395 = tpu.memref_slice %arg7[%add3A_388, %dma_start3A_394] : memref<10240x128xf32, #tpu.memory_space<vmem_shared>> -> memref<40x128xf32, #tpu.memory_space<vmem_shared>>
    %dma_start3A_396 = arith.constant 0 : i32
    %dma_start3A_397 = tpu.memref_slice %arg7[%add3A_388, %dma_start3A_396] : memref<10240x128xf32, #tpu.memory_space<vmem_shared>> -> memref<40x128xf32, #tpu.memory_space<vmem_shared>>
    %dma_start3A_398 = arith.constant 0 : i32
    %dma_start3A_399 = arith.constant 0 : i32
    %dma_start3A_400 = tpu.memref_slice %arg11[%dma_start3A_389, %dma_start3A_398, %dma_start3A_399] : memref<2x64x128xf32, #tpu.memory_space<vmem>> -> memref<1x40x128xf32, #tpu.memory_space<vmem>>
    %dma_start3A_401 = tpu.memref_squeeze %dma_start3A_400 : memref<1x40x128xf32, #tpu.memory_space<vmem>> -> memref<40x128xf32, #tpu.memory_space<vmem>>
    tpu.enqueue_dma source(%dma_start3A_401 : memref<40x128xf32, #tpu.memory_space<vmem>>) target(%dma_start3A_397 : memref<40x128xf32, #tpu.memory_space<vmem_shared>>) target_semaphore(%arg16 : memref<!tpu.dma_semaphore, #tpu.memory_space<semaphore_mem>>)
    %mul3A_402 = arith.constant 640 : i32
    %mul3A_403 = arith.muli %arg1, %mul3A_402 : i32
    %add3A_404 = arith.constant 560 : i32
    %add3A_405 = arith.addi %mul3A_403, %add3A_404 : i32
    %dma_start3A_406 = arith.constant 0 : i32
    %dma_start3A_407 = tpu.memref_slice %arg8[%add3A_405, %dma_start3A_406] : memref<10240x16xf32, #tpu.memory_space<vmem_shared>> -> memref<40x16xf32, #tpu.memory_space<vmem_shared>>
    %dma_start3A_408 = arith.constant 0 : i32
    %dma_start3A_409 = tpu.memref_slice %arg8[%add3A_405, %dma_start3A_408] : memref<10240x16xf32, #tpu.memory_space<vmem_shared>> -> memref<40x16xf32, #tpu.memory_space<vmem_shared>>
    tpu.enqueue_dma source(%arg13 : memref<40x16xf32, #tpu.memory_space<vmem>>) target(%dma_start3A_409 : memref<40x16xf32, #tpu.memory_space<vmem_shared>>) target_semaphore(%arg17 : memref<!tpu.dma_semaphore, #tpu.memory_space<semaphore_mem>>)
    %mul3A_410 = arith.constant 640 : i32
    %mul3A_411 = arith.muli %arg1, %mul3A_410 : i32
    %add3A_412 = arith.constant 600 : i32
    %add3A_413 = arith.addi %mul3A_411, %add3A_412 : i32
    %dma_start3A_414 = arith.constant 0 : i32
    %dma_start3A_415 = arith.constant 0 : i32
    %dma_start3A_416 = arith.constant 0 : i32
    %dma_start3A_417 = tpu.memref_slice %arg11[%dma_start3A_414, %dma_start3A_415, %dma_start3A_416] : memref<2x64x128xf32, #tpu.memory_space<vmem>> -> memref<1x40x128xf32, #tpu.memory_space<vmem>>
    %dma_start3A_418 = tpu.memref_squeeze %dma_start3A_417 : memref<1x40x128xf32, #tpu.memory_space<vmem>> -> memref<40x128xf32, #tpu.memory_space<vmem>>
    %dma_start3A_419 = arith.constant 0 : i32
    %dma_start3A_420 = tpu.memref_slice %arg7[%add3A_413, %dma_start3A_419] : memref<10240x128xf32, #tpu.memory_space<vmem_shared>> -> memref<40x128xf32, #tpu.memory_space<vmem_shared>>
    %dma_start3A_421 = arith.constant 0 : i32
    %dma_start3A_422 = tpu.memref_slice %arg7[%add3A_413, %dma_start3A_421] : memref<10240x128xf32, #tpu.memory_space<vmem_shared>> -> memref<40x128xf32, #tpu.memory_space<vmem_shared>>
    %dma_start3A_423 = arith.constant 0 : i32
    %dma_start3A_424 = arith.constant 0 : i32
    %dma_start3A_425 = tpu.memref_slice %arg11[%dma_start3A_414, %dma_start3A_423, %dma_start3A_424] : memref<2x64x128xf32, #tpu.memory_space<vmem>> -> memref<1x40x128xf32, #tpu.memory_space<vmem>>
    %dma_start3A_426 = tpu.memref_squeeze %dma_start3A_425 : memref<1x40x128xf32, #tpu.memory_space<vmem>> -> memref<40x128xf32, #tpu.memory_space<vmem>>
    tpu.enqueue_dma source(%dma_start3A_426 : memref<40x128xf32, #tpu.memory_space<vmem>>) target(%dma_start3A_422 : memref<40x128xf32, #tpu.memory_space<vmem_shared>>) target_semaphore(%arg16 : memref<!tpu.dma_semaphore, #tpu.memory_space<semaphore_mem>>)
    %mul3A_427 = arith.constant 640 : i32
    %mul3A_428 = arith.muli %arg1, %mul3A_427 : i32
    %add3A_429 = arith.constant 600 : i32
    %add3A_430 = arith.addi %mul3A_428, %add3A_429 : i32
    %dma_start3A_431 = arith.constant 0 : i32
    %dma_start3A_432 = tpu.memref_slice %arg8[%add3A_430, %dma_start3A_431] : memref<10240x16xf32, #tpu.memory_space<vmem_shared>> -> memref<40x16xf32, #tpu.memory_space<vmem_shared>>
    %dma_start3A_433 = arith.constant 0 : i32
    %dma_start3A_434 = tpu.memref_slice %arg8[%add3A_430, %dma_start3A_433] : memref<10240x16xf32, #tpu.memory_space<vmem_shared>> -> memref<40x16xf32, #tpu.memory_space<vmem_shared>>
    tpu.enqueue_dma source(%arg13 : memref<40x16xf32, #tpu.memory_space<vmem>>) target(%dma_start3A_434 : memref<40x16xf32, #tpu.memory_space<vmem_shared>>) target_semaphore(%arg17 : memref<!tpu.dma_semaphore, #tpu.memory_space<semaphore_mem>>)
    %dma_wait3A = arith.constant 0 : i32
    %dma_wait3A_435 = arith.constant 0 : i32
    %dma_wait3A_436 = tpu.memref_slice %arg3[%add3A, %dma_wait3A, %dma_wait3A_435] : memref<32x157x64xi32, #tpu.memory_space<hbm>> -> memref<1x157x64xi32, #tpu.memory_space<hbm>>
    %dma_wait3A_437 = tpu.memref_squeeze %dma_wait3A_436 : memref<1x157x64xi32, #tpu.memory_space<hbm>> -> memref<157x64xi32, #tpu.memory_space<hbm>>
    %dma_wait3A_438 = arith.constant 0 : i32
    %dma_wait3A_439 = arith.constant 0 : i32
    %dma_wait3A_440 = tpu.memref_slice %arg3[%add3A, %dma_wait3A_438, %dma_wait3A_439] : memref<32x157x64xi32, #tpu.memory_space<hbm>> -> memref<1x157x64xi32, #tpu.memory_space<hbm>>
    %dma_wait3A_441 = tpu.memref_squeeze %dma_wait3A_440 : memref<1x157x64xi32, #tpu.memory_space<hbm>> -> memref<157x64xi32, #tpu.memory_space<hbm>>
    tpu.wait_dma2 semaphore(%arg14 : memref<!tpu.dma_semaphore, #tpu.memory_space<semaphore_mem>>) src(%dma_wait3A_441 : memref<157x64xi32, #tpu.memory_space<hbm>>) dst(%arg9 : memref<157x64xi32, #tpu.memory_space<vmem>>)
    %dma_wait3A_442 = arith.constant 0 : i32
    %dma_wait3A_443 = arith.constant 0 : i32
    %dma_wait3A_444 = tpu.memref_slice %arg4[%add3A, %dma_wait3A_442, %dma_wait3A_443] : memref<32x157x64xi32, #tpu.memory_space<hbm>> -> memref<1x157x64xi32, #tpu.memory_space<hbm>>
    %dma_wait3A_445 = tpu.memref_squeeze %dma_wait3A_444 : memref<1x157x64xi32, #tpu.memory_space<hbm>> -> memref<157x64xi32, #tpu.memory_space<hbm>>
    %dma_wait3A_446 = arith.constant 0 : i32
    %dma_wait3A_447 = arith.constant 0 : i32
    %dma_wait3A_448 = tpu.memref_slice %arg4[%add3A, %dma_wait3A_446, %dma_wait3A_447] : memref<32x157x64xi32, #tpu.memory_space<hbm>> -> memref<1x157x64xi32, #tpu.memory_space<hbm>>
    %dma_wait3A_449 = tpu.memref_squeeze %dma_wait3A_448 : memref<1x157x64xi32, #tpu.memory_space<hbm>> -> memref<157x64xi32, #tpu.memory_space<hbm>>
    tpu.wait_dma2 semaphore(%arg15 : memref<!tpu.dma_semaphore, #tpu.memory_space<semaphore_mem>>) src(%dma_wait3A_449 : memref<157x64xi32, #tpu.memory_space<hbm>>) dst(%arg10 : memref<157x64xi32, #tpu.memory_space<vmem>>)
    %dma_wait3A_450 = arith.constant 0 : i32
    %dma_wait3A_451 = arith.constant 0 : i32
    %dma_wait3A_452 = arith.constant 0 : i32
    %dma_wait3A_453 = tpu.memref_slice %arg11[%dma_wait3A_450, %dma_wait3A_451, %dma_wait3A_452] : memref<2x64x128xf32, #tpu.memory_space<vmem>> -> memref<1x40x128xf32, #tpu.memory_space<vmem>>
    %dma_wait3A_454 = tpu.memref_squeeze %dma_wait3A_453 : memref<1x40x128xf32, #tpu.memory_space<vmem>> -> memref<40x128xf32, #tpu.memory_space<vmem>>
    %dma_wait3A_455 = arith.constant 0 : i32
    %dma_wait3A_456 = tpu.memref_slice %arg7[%add3A_38, %dma_wait3A_455] : memref<10240x128xf32, #tpu.memory_space<vmem_shared>> -> memref<40x128xf32, #tpu.memory_space<vmem_shared>>
    %dma_wait3A_457 = arith.constant 0 : i32
    %dma_wait3A_458 = tpu.memref_slice %arg7[%add3A_38, %dma_wait3A_457] : memref<10240x128xf32, #tpu.memory_space<vmem_shared>> -> memref<40x128xf32, #tpu.memory_space<vmem_shared>>
    %dma_wait3A_459 = arith.constant 0 : i32
    %dma_wait3A_460 = arith.constant 0 : i32
    %dma_wait3A_461 = tpu.memref_slice %arg11[%dma_wait3A_450, %dma_wait3A_459, %dma_wait3A_460] : memref<2x64x128xf32, #tpu.memory_space<vmem>> -> memref<1x40x128xf32, #tpu.memory_space<vmem>>
    %dma_wait3A_462 = tpu.memref_squeeze %dma_wait3A_461 : memref<1x40x128xf32, #tpu.memory_space<vmem>> -> memref<40x128xf32, #tpu.memory_space<vmem>>
    tpu.wait_dma2 semaphore(%arg16 : memref<!tpu.dma_semaphore, #tpu.memory_space<semaphore_mem>>) src(%dma_wait3A_462 : memref<40x128xf32, #tpu.memory_space<vmem>>) dst(%dma_wait3A_458 : memref<40x128xf32, #tpu.memory_space<vmem_shared>>)
    %dma_wait3A_463 = arith.constant 0 : i32
    %dma_wait3A_464 = arith.constant 0 : i32
    %dma_wait3A_465 = arith.constant 0 : i32
    %dma_wait3A_466 = tpu.memref_slice %arg11[%dma_wait3A_463, %dma_wait3A_464, %dma_wait3A_465] : memref<2x64x128xf32, #tpu.memory_space<vmem>> -> memref<1x40x128xf32, #tpu.memory_space<vmem>>
    %dma_wait3A_467 = tpu.memref_squeeze %dma_wait3A_466 : memref<1x40x128xf32, #tpu.memory_space<vmem>> -> memref<40x128xf32, #tpu.memory_space<vmem>>
    %dma_wait3A_468 = arith.constant 0 : i32
    %dma_wait3A_469 = tpu.memref_slice %arg7[%add3A_63, %dma_wait3A_468] : memref<10240x128xf32, #tpu.memory_space<vmem_shared>> -> memref<40x128xf32, #tpu.memory_space<vmem_shared>>
    %dma_wait3A_470 = arith.constant 0 : i32
    %dma_wait3A_471 = tpu.memref_slice %arg7[%add3A_63, %dma_wait3A_470] : memref<10240x128xf32, #tpu.memory_space<vmem_shared>> -> memref<40x128xf32, #tpu.memory_space<vmem_shared>>
    %dma_wait3A_472 = arith.constant 0 : i32
    %dma_wait3A_473 = arith.constant 0 : i32
    %dma_wait3A_474 = tpu.memref_slice %arg11[%dma_wait3A_463, %dma_wait3A_472, %dma_wait3A_473] : memref<2x64x128xf32, #tpu.memory_space<vmem>> -> memref<1x40x128xf32, #tpu.memory_space<vmem>>
    %dma_wait3A_475 = tpu.memref_squeeze %dma_wait3A_474 : memref<1x40x128xf32, #tpu.memory_space<vmem>> -> memref<40x128xf32, #tpu.memory_space<vmem>>
    tpu.wait_dma2 semaphore(%arg16 : memref<!tpu.dma_semaphore, #tpu.memory_space<semaphore_mem>>) src(%dma_wait3A_475 : memref<40x128xf32, #tpu.memory_space<vmem>>) dst(%dma_wait3A_471 : memref<40x128xf32, #tpu.memory_space<vmem_shared>>)
    %dma_wait3A_476 = arith.constant 0 : i32
    %dma_wait3A_477 = arith.constant 0 : i32
    %dma_wait3A_478 = arith.constant 0 : i32
    %dma_wait3A_479 = tpu.memref_slice %arg11[%dma_wait3A_476, %dma_wait3A_477, %dma_wait3A_478] : memref<2x64x128xf32, #tpu.memory_space<vmem>> -> memref<1x40x128xf32, #tpu.memory_space<vmem>>
    %dma_wait3A_480 = tpu.memref_squeeze %dma_wait3A_479 : memref<1x40x128xf32, #tpu.memory_space<vmem>> -> memref<40x128xf32, #tpu.memory_space<vmem>>
    %dma_wait3A_481 = arith.constant 0 : i32
    %dma_wait3A_482 = tpu.memref_slice %arg7[%add3A_88, %dma_wait3A_481] : memref<10240x128xf32, #tpu.memory_space<vmem_shared>> -> memref<40x128xf32, #tpu.memory_space<vmem_shared>>
    %dma_wait3A_483 = arith.constant 0 : i32
    %dma_wait3A_484 = tpu.memref_slice %arg7[%add3A_88, %dma_wait3A_483] : memref<10240x128xf32, #tpu.memory_space<vmem_shared>> -> memref<40x128xf32, #tpu.memory_space<vmem_shared>>
    %dma_wait3A_485 = arith.constant 0 : i32
    %dma_wait3A_486 = arith.constant 0 : i32
    %dma_wait3A_487 = tpu.memref_slice %arg11[%dma_wait3A_476, %dma_wait3A_485, %dma_wait3A_486] : memref<2x64x128xf32, #tpu.memory_space<vmem>> -> memref<1x40x128xf32, #tpu.memory_space<vmem>>
    %dma_wait3A_488 = tpu.memref_squeeze %dma_wait3A_487 : memref<1x40x128xf32, #tpu.memory_space<vmem>> -> memref<40x128xf32, #tpu.memory_space<vmem>>
    tpu.wait_dma2 semaphore(%arg16 : memref<!tpu.dma_semaphore, #tpu.memory_space<semaphore_mem>>) src(%dma_wait3A_488 : memref<40x128xf32, #tpu.memory_space<vmem>>) dst(%dma_wait3A_484 : memref<40x128xf32, #tpu.memory_space<vmem_shared>>)
    %dma_wait3A_489 = arith.constant 0 : i32
    %dma_wait3A_490 = arith.constant 0 : i32
    %dma_wait3A_491 = arith.constant 0 : i32
    %dma_wait3A_492 = tpu.memref_slice %arg11[%dma_wait3A_489, %dma_wait3A_490, %dma_wait3A_491] : memref<2x64x128xf32, #tpu.memory_space<vmem>> -> memref<1x40x128xf32, #tpu.memory_space<vmem>>
    %dma_wait3A_493 = tpu.memref_squeeze %dma_wait3A_492 : memref<1x40x128xf32, #tpu.memory_space<vmem>> -> memref<40x128xf32, #tpu.memory_space<vmem>>
    %dma_wait3A_494 = arith.constant 0 : i32
    %dma_wait3A_495 = tpu.memref_slice %arg7[%add3A_113, %dma_wait3A_494] : memref<10240x128xf32, #tpu.memory_space<vmem_shared>> -> memref<40x128xf32, #tpu.memory_space<vmem_shared>>
    %dma_wait3A_496 = arith.constant 0 : i32
    %dma_wait3A_497 = tpu.memref_slice %arg7[%add3A_113, %dma_wait3A_496] : memref<10240x128xf32, #tpu.memory_space<vmem_shared>> -> memref<40x128xf32, #tpu.memory_space<vmem_shared>>
    %dma_wait3A_498 = arith.constant 0 : i32
    %dma_wait3A_499 = arith.constant 0 : i32
    %dma_wait3A_500 = tpu.memref_slice %arg11[%dma_wait3A_489, %dma_wait3A_498, %dma_wait3A_499] : memref<2x64x128xf32, #tpu.memory_space<vmem>> -> memref<1x40x128xf32, #tpu.memory_space<vmem>>
    %dma_wait3A_501 = tpu.memref_squeeze %dma_wait3A_500 : memref<1x40x128xf32, #tpu.memory_space<vmem>> -> memref<40x128xf32, #tpu.memory_space<vmem>>
    tpu.wait_dma2 semaphore(%arg16 : memref<!tpu.dma_semaphore, #tpu.memory_space<semaphore_mem>>) src(%dma_wait3A_501 : memref<40x128xf32, #tpu.memory_space<vmem>>) dst(%dma_wait3A_497 : memref<40x128xf32, #tpu.memory_space<vmem_shared>>)
    %dma_wait3A_502 = arith.constant 0 : i32
    %dma_wait3A_503 = arith.constant 0 : i32
    %dma_wait3A_504 = arith.constant 0 : i32
    %dma_wait3A_505 = tpu.memref_slice %arg11[%dma_wait3A_502, %dma_wait3A_503, %dma_wait3A_504] : memref<2x64x128xf32, #tpu.memory_space<vmem>> -> memref<1x40x128xf32, #tpu.memory_space<vmem>>
    %dma_wait3A_506 = tpu.memref_squeeze %dma_wait3A_505 : memref<1x40x128xf32, #tpu.memory_space<vmem>> -> memref<40x128xf32, #tpu.memory_space<vmem>>
    %dma_wait3A_507 = arith.constant 0 : i32
    %dma_wait3A_508 = tpu.memref_slice %arg7[%add3A_138, %dma_wait3A_507] : memref<10240x128xf32, #tpu.memory_space<vmem_shared>> -> memref<40x128xf32, #tpu.memory_space<vmem_shared>>
    %dma_wait3A_509 = arith.constant 0 : i32
    %dma_wait3A_510 = tpu.memref_slice %arg7[%add3A_138, %dma_wait3A_509] : memref<10240x128xf32, #tpu.memory_space<vmem_shared>> -> memref<40x128xf32, #tpu.memory_space<vmem_shared>>
    %dma_wait3A_511 = arith.constant 0 : i32
    %dma_wait3A_512 = arith.constant 0 : i32
    %dma_wait3A_513 = tpu.memref_slice %arg11[%dma_wait3A_502, %dma_wait3A_511, %dma_wait3A_512] : memref<2x64x128xf32, #tpu.memory_space<vmem>> -> memref<1x40x128xf32, #tpu.memory_space<vmem>>
    %dma_wait3A_514 = tpu.memref_squeeze %dma_wait3A_513 : memref<1x40x128xf32, #tpu.memory_space<vmem>> -> memref<40x128xf32, #tpu.memory_space<vmem>>
    tpu.wait_dma2 semaphore(%arg16 : memref<!tpu.dma_semaphore, #tpu.memory_space<semaphore_mem>>) src(%dma_wait3A_514 : memref<40x128xf32, #tpu.memory_space<vmem>>) dst(%dma_wait3A_510 : memref<40x128xf32, #tpu.memory_space<vmem_shared>>)
    %dma_wait3A_515 = arith.constant 0 : i32
    %dma_wait3A_516 = arith.constant 0 : i32
    %dma_wait3A_517 = arith.constant 0 : i32
    %dma_wait3A_518 = tpu.memref_slice %arg11[%dma_wait3A_515, %dma_wait3A_516, %dma_wait3A_517] : memref<2x64x128xf32, #tpu.memory_space<vmem>> -> memref<1x40x128xf32, #tpu.memory_space<vmem>>
    %dma_wait3A_519 = tpu.memref_squeeze %dma_wait3A_518 : memref<1x40x128xf32, #tpu.memory_space<vmem>> -> memref<40x128xf32, #tpu.memory_space<vmem>>
    %dma_wait3A_520 = arith.constant 0 : i32
    %dma_wait3A_521 = tpu.memref_slice %arg7[%add3A_163, %dma_wait3A_520] : memref<10240x128xf32, #tpu.memory_space<vmem_shared>> -> memref<40x128xf32, #tpu.memory_space<vmem_shared>>
    %dma_wait3A_522 = arith.constant 0 : i32
    %dma_wait3A_523 = tpu.memref_slice %arg7[%add3A_163, %dma_wait3A_522] : memref<10240x128xf32, #tpu.memory_space<vmem_shared>> -> memref<40x128xf32, #tpu.memory_space<vmem_shared>>
    %dma_wait3A_524 = arith.constant 0 : i32
    %dma_wait3A_525 = arith.constant 0 : i32
    %dma_wait3A_526 = tpu.memref_slice %arg11[%dma_wait3A_515, %dma_wait3A_524, %dma_wait3A_525] : memref<2x64x128xf32, #tpu.memory_space<vmem>> -> memref<1x40x128xf32, #tpu.memory_space<vmem>>
    %dma_wait3A_527 = tpu.memref_squeeze %dma_wait3A_526 : memref<1x40x128xf32, #tpu.memory_space<vmem>> -> memref<40x128xf32, #tpu.memory_space<vmem>>
    tpu.wait_dma2 semaphore(%arg16 : memref<!tpu.dma_semaphore, #tpu.memory_space<semaphore_mem>>) src(%dma_wait3A_527 : memref<40x128xf32, #tpu.memory_space<vmem>>) dst(%dma_wait3A_523 : memref<40x128xf32, #tpu.memory_space<vmem_shared>>)
    %dma_wait3A_528 = arith.constant 0 : i32
    %dma_wait3A_529 = arith.constant 0 : i32
    %dma_wait3A_530 = arith.constant 0 : i32
    %dma_wait3A_531 = tpu.memref_slice %arg11[%dma_wait3A_528, %dma_wait3A_529, %dma_wait3A_530] : memref<2x64x128xf32, #tpu.memory_space<vmem>> -> memref<1x40x128xf32, #tpu.memory_space<vmem>>
    %dma_wait3A_532 = tpu.memref_squeeze %dma_wait3A_531 : memref<1x40x128xf32, #tpu.memory_space<vmem>> -> memref<40x128xf32, #tpu.memory_space<vmem>>
    %dma_wait3A_533 = arith.constant 0 : i32
    %dma_wait3A_534 = tpu.memref_slice %arg7[%add3A_188, %dma_wait3A_533] : memref<10240x128xf32, #tpu.memory_space<vmem_shared>> -> memref<40x128xf32, #tpu.memory_space<vmem_shared>>
    %dma_wait3A_535 = arith.constant 0 : i32
    %dma_wait3A_536 = tpu.memref_slice %arg7[%add3A_188, %dma_wait3A_535] : memref<10240x128xf32, #tpu.memory_space<vmem_shared>> -> memref<40x128xf32, #tpu.memory_space<vmem_shared>>
    %dma_wait3A_537 = arith.constant 0 : i32
    %dma_wait3A_538 = arith.constant 0 : i32
    %dma_wait3A_539 = tpu.memref_slice %arg11[%dma_wait3A_528, %dma_wait3A_537, %dma_wait3A_538] : memref<2x64x128xf32, #tpu.memory_space<vmem>> -> memref<1x40x128xf32, #tpu.memory_space<vmem>>
    %dma_wait3A_540 = tpu.memref_squeeze %dma_wait3A_539 : memref<1x40x128xf32, #tpu.memory_space<vmem>> -> memref<40x128xf32, #tpu.memory_space<vmem>>
    tpu.wait_dma2 semaphore(%arg16 : memref<!tpu.dma_semaphore, #tpu.memory_space<semaphore_mem>>) src(%dma_wait3A_540 : memref<40x128xf32, #tpu.memory_space<vmem>>) dst(%dma_wait3A_536 : memref<40x128xf32, #tpu.memory_space<vmem_shared>>)
    %dma_wait3A_541 = arith.constant 0 : i32
    %dma_wait3A_542 = arith.constant 0 : i32
    %dma_wait3A_543 = arith.constant 0 : i32
    %dma_wait3A_544 = tpu.memref_slice %arg11[%dma_wait3A_541, %dma_wait3A_542, %dma_wait3A_543] : memref<2x64x128xf32, #tpu.memory_space<vmem>> -> memref<1x40x128xf32, #tpu.memory_space<vmem>>
    %dma_wait3A_545 = tpu.memref_squeeze %dma_wait3A_544 : memref<1x40x128xf32, #tpu.memory_space<vmem>> -> memref<40x128xf32, #tpu.memory_space<vmem>>
    %dma_wait3A_546 = arith.constant 0 : i32
    %dma_wait3A_547 = tpu.memref_slice %arg7[%add3A_213, %dma_wait3A_546] : memref<10240x128xf32, #tpu.memory_space<vmem_shared>> -> memref<40x128xf32, #tpu.memory_space<vmem_shared>>
    %dma_wait3A_548 = arith.constant 0 : i32
    %dma_wait3A_549 = tpu.memref_slice %arg7[%add3A_213, %dma_wait3A_548] : memref<10240x128xf32, #tpu.memory_space<vmem_shared>> -> memref<40x128xf32, #tpu.memory_space<vmem_shared>>
    %dma_wait3A_550 = arith.constant 0 : i32
    %dma_wait3A_551 = arith.constant 0 : i32
    %dma_wait3A_552 = tpu.memref_slice %arg11[%dma_wait3A_541, %dma_wait3A_550, %dma_wait3A_551] : memref<2x64x128xf32, #tpu.memory_space<vmem>> -> memref<1x40x128xf32, #tpu.memory_space<vmem>>
    %dma_wait3A_553 = tpu.memref_squeeze %dma_wait3A_552 : memref<1x40x128xf32, #tpu.memory_space<vmem>> -> memref<40x128xf32, #tpu.memory_space<vmem>>
    tpu.wait_dma2 semaphore(%arg16 : memref<!tpu.dma_semaphore, #tpu.memory_space<semaphore_mem>>) src(%dma_wait3A_553 : memref<40x128xf32, #tpu.memory_space<vmem>>) dst(%dma_wait3A_549 : memref<40x128xf32, #tpu.memory_space<vmem_shared>>)
    %dma_wait3A_554 = arith.constant 0 : i32
    %dma_wait3A_555 = arith.constant 0 : i32
    %dma_wait3A_556 = arith.constant 0 : i32
    %dma_wait3A_557 = tpu.memref_slice %arg11[%dma_wait3A_554, %dma_wait3A_555, %dma_wait3A_556] : memref<2x64x128xf32, #tpu.memory_space<vmem>> -> memref<1x40x128xf32, #tpu.memory_space<vmem>>
    %dma_wait3A_558 = tpu.memref_squeeze %dma_wait3A_557 : memref<1x40x128xf32, #tpu.memory_space<vmem>> -> memref<40x128xf32, #tpu.memory_space<vmem>>
    %dma_wait3A_559 = arith.constant 0 : i32
    %dma_wait3A_560 = tpu.memref_slice %arg7[%add3A_238, %dma_wait3A_559] : memref<10240x128xf32, #tpu.memory_space<vmem_shared>> -> memref<40x128xf32, #tpu.memory_space<vmem_shared>>
    %dma_wait3A_561 = arith.constant 0 : i32
    %dma_wait3A_562 = tpu.memref_slice %arg7[%add3A_238, %dma_wait3A_561] : memref<10240x128xf32, #tpu.memory_space<vmem_shared>> -> memref<40x128xf32, #tpu.memory_space<vmem_shared>>
    %dma_wait3A_563 = arith.constant 0 : i32
    %dma_wait3A_564 = arith.constant 0 : i32
    %dma_wait3A_565 = tpu.memref_slice %arg11[%dma_wait3A_554, %dma_wait3A_563, %dma_wait3A_564] : memref<2x64x128xf32, #tpu.memory_space<vmem>> -> memref<1x40x128xf32, #tpu.memory_space<vmem>>
    %dma_wait3A_566 = tpu.memref_squeeze %dma_wait3A_565 : memref<1x40x128xf32, #tpu.memory_space<vmem>> -> memref<40x128xf32, #tpu.memory_space<vmem>>
    tpu.wait_dma2 semaphore(%arg16 : memref<!tpu.dma_semaphore, #tpu.memory_space<semaphore_mem>>) src(%dma_wait3A_566 : memref<40x128xf32, #tpu.memory_space<vmem>>) dst(%dma_wait3A_562 : memref<40x128xf32, #tpu.memory_space<vmem_shared>>)
    %dma_wait3A_567 = arith.constant 0 : i32
    %dma_wait3A_568 = arith.constant 0 : i32
    %dma_wait3A_569 = arith.constant 0 : i32
    %dma_wait3A_570 = tpu.memref_slice %arg11[%dma_wait3A_567, %dma_wait3A_568, %dma_wait3A_569] : memref<2x64x128xf32, #tpu.memory_space<vmem>> -> memref<1x40x128xf32, #tpu.memory_space<vmem>>
    %dma_wait3A_571 = tpu.memref_squeeze %dma_wait3A_570 : memref<1x40x128xf32, #tpu.memory_space<vmem>> -> memref<40x128xf32, #tpu.memory_space<vmem>>
    %dma_wait3A_572 = arith.constant 0 : i32
    %dma_wait3A_573 = tpu.memref_slice %arg7[%add3A_263, %dma_wait3A_572] : memref<10240x128xf32, #tpu.memory_space<vmem_shared>> -> memref<40x128xf32, #tpu.memory_space<vmem_shared>>
    %dma_wait3A_574 = arith.constant 0 : i32
    %dma_wait3A_575 = tpu.memref_slice %arg7[%add3A_263, %dma_wait3A_574] : memref<10240x128xf32, #tpu.memory_space<vmem_shared>> -> memref<40x128xf32, #tpu.memory_space<vmem_shared>>
    %dma_wait3A_576 = arith.constant 0 : i32
    %dma_wait3A_577 = arith.constant 0 : i32
    %dma_wait3A_578 = tpu.memref_slice %arg11[%dma_wait3A_567, %dma_wait3A_576, %dma_wait3A_577] : memref<2x64x128xf32, #tpu.memory_space<vmem>> -> memref<1x40x128xf32, #tpu.memory_space<vmem>>
    %dma_wait3A_579 = tpu.memref_squeeze %dma_wait3A_578 : memref<1x40x128xf32, #tpu.memory_space<vmem>> -> memref<40x128xf32, #tpu.memory_space<vmem>>
    tpu.wait_dma2 semaphore(%arg16 : memref<!tpu.dma_semaphore, #tpu.memory_space<semaphore_mem>>) src(%dma_wait3A_579 : memref<40x128xf32, #tpu.memory_space<vmem>>) dst(%dma_wait3A_575 : memref<40x128xf32, #tpu.memory_space<vmem_shared>>)
    %dma_wait3A_580 = arith.constant 0 : i32
    %dma_wait3A_581 = arith.constant 0 : i32
    %dma_wait3A_582 = arith.constant 0 : i32
    %dma_wait3A_583 = tpu.memref_slice %arg11[%dma_wait3A_580, %dma_wait3A_581, %dma_wait3A_582] : memref<2x64x128xf32, #tpu.memory_space<vmem>> -> memref<1x40x128xf32, #tpu.memory_space<vmem>>
    %dma_wait3A_584 = tpu.memref_squeeze %dma_wait3A_583 : memref<1x40x128xf32, #tpu.memory_space<vmem>> -> memref<40x128xf32, #tpu.memory_space<vmem>>
    %dma_wait3A_585 = arith.constant 0 : i32
    %dma_wait3A_586 = tpu.memref_slice %arg7[%add3A_288, %dma_wait3A_585] : memref<10240x128xf32, #tpu.memory_space<vmem_shared>> -> memref<40x128xf32, #tpu.memory_space<vmem_shared>>
    %dma_wait3A_587 = arith.constant 0 : i32
    %dma_wait3A_588 = tpu.memref_slice %arg7[%add3A_288, %dma_wait3A_587] : memref<10240x128xf32, #tpu.memory_space<vmem_shared>> -> memref<40x128xf32, #tpu.memory_space<vmem_shared>>
    %dma_wait3A_589 = arith.constant 0 : i32
    %dma_wait3A_590 = arith.constant 0 : i32
    %dma_wait3A_591 = tpu.memref_slice %arg11[%dma_wait3A_580, %dma_wait3A_589, %dma_wait3A_590] : memref<2x64x128xf32, #tpu.memory_space<vmem>> -> memref<1x40x128xf32, #tpu.memory_space<vmem>>
    %dma_wait3A_592 = tpu.memref_squeeze %dma_wait3A_591 : memref<1x40x128xf32, #tpu.memory_space<vmem>> -> memref<40x128xf32, #tpu.memory_space<vmem>>
    tpu.wait_dma2 semaphore(%arg16 : memref<!tpu.dma_semaphore, #tpu.memory_space<semaphore_mem>>) src(%dma_wait3A_592 : memref<40x128xf32, #tpu.memory_space<vmem>>) dst(%dma_wait3A_588 : memref<40x128xf32, #tpu.memory_space<vmem_shared>>)
    %dma_wait3A_593 = arith.constant 0 : i32
    %dma_wait3A_594 = arith.constant 0 : i32
    %dma_wait3A_595 = arith.constant 0 : i32
    %dma_wait3A_596 = tpu.memref_slice %arg11[%dma_wait3A_593, %dma_wait3A_594, %dma_wait3A_595] : memref<2x64x128xf32, #tpu.memory_space<vmem>> -> memref<1x40x128xf32, #tpu.memory_space<vmem>>
    %dma_wait3A_597 = tpu.memref_squeeze %dma_wait3A_596 : memref<1x40x128xf32, #tpu.memory_space<vmem>> -> memref<40x128xf32, #tpu.memory_space<vmem>>
    %dma_wait3A_598 = arith.constant 0 : i32
    %dma_wait3A_599 = tpu.memref_slice %arg7[%add3A_313, %dma_wait3A_598] : memref<10240x128xf32, #tpu.memory_space<vmem_shared>> -> memref<40x128xf32, #tpu.memory_space<vmem_shared>>
    %dma_wait3A_600 = arith.constant 0 : i32
    %dma_wait3A_601 = tpu.memref_slice %arg7[%add3A_313, %dma_wait3A_600] : memref<10240x128xf32, #tpu.memory_space<vmem_shared>> -> memref<40x128xf32, #tpu.memory_space<vmem_shared>>
    %dma_wait3A_602 = arith.constant 0 : i32
    %dma_wait3A_603 = arith.constant 0 : i32
    %dma_wait3A_604 = tpu.memref_slice %arg11[%dma_wait3A_593, %dma_wait3A_602, %dma_wait3A_603] : memref<2x64x128xf32, #tpu.memory_space<vmem>> -> memref<1x40x128xf32, #tpu.memory_space<vmem>>
    %dma_wait3A_605 = tpu.memref_squeeze %dma_wait3A_604 : memref<1x40x128xf32, #tpu.memory_space<vmem>> -> memref<40x128xf32, #tpu.memory_space<vmem>>
    tpu.wait_dma2 semaphore(%arg16 : memref<!tpu.dma_semaphore, #tpu.memory_space<semaphore_mem>>) src(%dma_wait3A_605 : memref<40x128xf32, #tpu.memory_space<vmem>>) dst(%dma_wait3A_601 : memref<40x128xf32, #tpu.memory_space<vmem_shared>>)
    %dma_wait3A_606 = arith.constant 0 : i32
    %dma_wait3A_607 = arith.constant 0 : i32
    %dma_wait3A_608 = arith.constant 0 : i32
    %dma_wait3A_609 = tpu.memref_slice %arg11[%dma_wait3A_606, %dma_wait3A_607, %dma_wait3A_608] : memref<2x64x128xf32, #tpu.memory_space<vmem>> -> memref<1x40x128xf32, #tpu.memory_space<vmem>>
    %dma_wait3A_610 = tpu.memref_squeeze %dma_wait3A_609 : memref<1x40x128xf32, #tpu.memory_space<vmem>> -> memref<40x128xf32, #tpu.memory_space<vmem>>
    %dma_wait3A_611 = arith.constant 0 : i32
    %dma_wait3A_612 = tpu.memref_slice %arg7[%add3A_338, %dma_wait3A_611] : memref<10240x128xf32, #tpu.memory_space<vmem_shared>> -> memref<40x128xf32, #tpu.memory_space<vmem_shared>>
    %dma_wait3A_613 = arith.constant 0 : i32
    %dma_wait3A_614 = tpu.memref_slice %arg7[%add3A_338, %dma_wait3A_613] : memref<10240x128xf32, #tpu.memory_space<vmem_shared>> -> memref<40x128xf32, #tpu.memory_space<vmem_shared>>
    %dma_wait3A_615 = arith.constant 0 : i32
    %dma_wait3A_616 = arith.constant 0 : i32
    %dma_wait3A_617 = tpu.memref_slice %arg11[%dma_wait3A_606, %dma_wait3A_615, %dma_wait3A_616] : memref<2x64x128xf32, #tpu.memory_space<vmem>> -> memref<1x40x128xf32, #tpu.memory_space<vmem>>
    %dma_wait3A_618 = tpu.memref_squeeze %dma_wait3A_617 : memref<1x40x128xf32, #tpu.memory_space<vmem>> -> memref<40x128xf32, #tpu.memory_space<vmem>>
    tpu.wait_dma2 semaphore(%arg16 : memref<!tpu.dma_semaphore, #tpu.memory_space<semaphore_mem>>) src(%dma_wait3A_618 : memref<40x128xf32, #tpu.memory_space<vmem>>) dst(%dma_wait3A_614 : memref<40x128xf32, #tpu.memory_space<vmem_shared>>)
    %dma_wait3A_619 = arith.constant 0 : i32
    %dma_wait3A_620 = arith.constant 0 : i32
    %dma_wait3A_621 = arith.constant 0 : i32
    %dma_wait3A_622 = tpu.memref_slice %arg11[%dma_wait3A_619, %dma_wait3A_620, %dma_wait3A_621] : memref<2x64x128xf32, #tpu.memory_space<vmem>> -> memref<1x40x128xf32, #tpu.memory_space<vmem>>
    %dma_wait3A_623 = tpu.memref_squeeze %dma_wait3A_622 : memref<1x40x128xf32, #tpu.memory_space<vmem>> -> memref<40x128xf32, #tpu.memory_space<vmem>>
    %dma_wait3A_624 = arith.constant 0 : i32
    %dma_wait3A_625 = tpu.memref_slice %arg7[%add3A_363, %dma_wait3A_624] : memref<10240x128xf32, #tpu.memory_space<vmem_shared>> -> memref<40x128xf32, #tpu.memory_space<vmem_shared>>
    %dma_wait3A_626 = arith.constant 0 : i32
    %dma_wait3A_627 = tpu.memref_slice %arg7[%add3A_363, %dma_wait3A_626] : memref<10240x128xf32, #tpu.memory_space<vmem_shared>> -> memref<40x128xf32, #tpu.memory_space<vmem_shared>>
    %dma_wait3A_628 = arith.constant 0 : i32
    %dma_wait3A_629 = arith.constant 0 : i32
    %dma_wait3A_630 = tpu.memref_slice %arg11[%dma_wait3A_619, %dma_wait3A_628, %dma_wait3A_629] : memref<2x64x128xf32, #tpu.memory_space<vmem>> -> memref<1x40x128xf32, #tpu.memory_space<vmem>>
    %dma_wait3A_631 = tpu.memref_squeeze %dma_wait3A_630 : memref<1x40x128xf32, #tpu.memory_space<vmem>> -> memref<40x128xf32, #tpu.memory_space<vmem>>
    tpu.wait_dma2 semaphore(%arg16 : memref<!tpu.dma_semaphore, #tpu.memory_space<semaphore_mem>>) src(%dma_wait3A_631 : memref<40x128xf32, #tpu.memory_space<vmem>>) dst(%dma_wait3A_627 : memref<40x128xf32, #tpu.memory_space<vmem_shared>>)
    %dma_wait3A_632 = arith.constant 0 : i32
    %dma_wait3A_633 = arith.constant 0 : i32
    %dma_wait3A_634 = arith.constant 0 : i32
    %dma_wait3A_635 = tpu.memref_slice %arg11[%dma_wait3A_632, %dma_wait3A_633, %dma_wait3A_634] : memref<2x64x128xf32, #tpu.memory_space<vmem>> -> memref<1x40x128xf32, #tpu.memory_space<vmem>>
    %dma_wait3A_636 = tpu.memref_squeeze %dma_wait3A_635 : memref<1x40x128xf32, #tpu.memory_space<vmem>> -> memref<40x128xf32, #tpu.memory_space<vmem>>
    %dma_wait3A_637 = arith.constant 0 : i32
    %dma_wait3A_638 = tpu.memref_slice %arg7[%add3A_388, %dma_wait3A_637] : memref<10240x128xf32, #tpu.memory_space<vmem_shared>> -> memref<40x128xf32, #tpu.memory_space<vmem_shared>>
    %dma_wait3A_639 = arith.constant 0 : i32
    %dma_wait3A_640 = tpu.memref_slice %arg7[%add3A_388, %dma_wait3A_639] : memref<10240x128xf32, #tpu.memory_space<vmem_shared>> -> memref<40x128xf32, #tpu.memory_space<vmem_shared>>
    %dma_wait3A_641 = arith.constant 0 : i32
    %dma_wait3A_642 = arith.constant 0 : i32
    %dma_wait3A_643 = tpu.memref_slice %arg11[%dma_wait3A_632, %dma_wait3A_641, %dma_wait3A_642] : memref<2x64x128xf32, #tpu.memory_space<vmem>> -> memref<1x40x128xf32, #tpu.memory_space<vmem>>
    %dma_wait3A_644 = tpu.memref_squeeze %dma_wait3A_643 : memref<1x40x128xf32, #tpu.memory_space<vmem>> -> memref<40x128xf32, #tpu.memory_space<vmem>>
    tpu.wait_dma2 semaphore(%arg16 : memref<!tpu.dma_semaphore, #tpu.memory_space<semaphore_mem>>) src(%dma_wait3A_644 : memref<40x128xf32, #tpu.memory_space<vmem>>) dst(%dma_wait3A_640 : memref<40x128xf32, #tpu.memory_space<vmem_shared>>)
    %dma_wait3A_645 = arith.constant 0 : i32
    %dma_wait3A_646 = arith.constant 0 : i32
    %dma_wait3A_647 = arith.constant 0 : i32
    %dma_wait3A_648 = tpu.memref_slice %arg11[%dma_wait3A_645, %dma_wait3A_646, %dma_wait3A_647] : memref<2x64x128xf32, #tpu.memory_space<vmem>> -> memref<1x40x128xf32, #tpu.memory_space<vmem>>
    %dma_wait3A_649 = tpu.memref_squeeze %dma_wait3A_648 : memref<1x40x128xf32, #tpu.memory_space<vmem>> -> memref<40x128xf32, #tpu.memory_space<vmem>>
    %dma_wait3A_650 = arith.constant 0 : i32
    %dma_wait3A_651 = tpu.memref_slice %arg7[%add3A_413, %dma_wait3A_650] : memref<10240x128xf32, #tpu.memory_space<vmem_shared>> -> memref<40x128xf32, #tpu.memory_space<vmem_shared>>
    %dma_wait3A_652 = arith.constant 0 : i32
    %dma_wait3A_653 = tpu.memref_slice %arg7[%add3A_413, %dma_wait3A_652] : memref<10240x128xf32, #tpu.memory_space<vmem_shared>> -> memref<40x128xf32, #tpu.memory_space<vmem_shared>>
    %dma_wait3A_654 = arith.constant 0 : i32
    %dma_wait3A_655 = arith.constant 0 : i32
    %dma_wait3A_656 = tpu.memref_slice %arg11[%dma_wait3A_645, %dma_wait3A_654, %dma_wait3A_655] : memref<2x64x128xf32, #tpu.memory_space<vmem>> -> memref<1x40x128xf32, #tpu.memory_space<vmem>>
    %dma_wait3A_657 = tpu.memref_squeeze %dma_wait3A_656 : memref<1x40x128xf32, #tpu.memory_space<vmem>> -> memref<40x128xf32, #tpu.memory_space<vmem>>
    tpu.wait_dma2 semaphore(%arg16 : memref<!tpu.dma_semaphore, #tpu.memory_space<semaphore_mem>>) src(%dma_wait3A_657 : memref<40x128xf32, #tpu.memory_space<vmem>>) dst(%dma_wait3A_653 : memref<40x128xf32, #tpu.memory_space<vmem_shared>>)
    %dma_wait3A_658 = arith.constant 0 : i32
    %dma_wait3A_659 = tpu.memref_slice %arg8[%add3A_55, %dma_wait3A_658] : memref<10240x16xf32, #tpu.memory_space<vmem_shared>> -> memref<40x16xf32, #tpu.memory_space<vmem_shared>>
    %dma_wait3A_660 = arith.constant 0 : i32
    %dma_wait3A_661 = tpu.memref_slice %arg8[%add3A_55, %dma_wait3A_660] : memref<10240x16xf32, #tpu.memory_space<vmem_shared>> -> memref<40x16xf32, #tpu.memory_space<vmem_shared>>
    tpu.wait_dma2 semaphore(%arg17 : memref<!tpu.dma_semaphore, #tpu.memory_space<semaphore_mem>>) src(%arg13 : memref<40x16xf32, #tpu.memory_space<vmem>>) dst(%dma_wait3A_661 : memref<40x16xf32, #tpu.memory_space<vmem_shared>>)
    %dma_wait3A_662 = arith.constant 0 : i32
    %dma_wait3A_663 = tpu.memref_slice %arg8[%add3A_80, %dma_wait3A_662] : memref<10240x16xf32, #tpu.memory_space<vmem_shared>> -> memref<40x16xf32, #tpu.memory_space<vmem_shared>>
    %dma_wait3A_664 = arith.constant 0 : i32
    %dma_wait3A_665 = tpu.memref_slice %arg8[%add3A_80, %dma_wait3A_664] : memref<10240x16xf32, #tpu.memory_space<vmem_shared>> -> memref<40x16xf32, #tpu.memory_space<vmem_shared>>
    tpu.wait_dma2 semaphore(%arg17 : memref<!tpu.dma_semaphore, #tpu.memory_space<semaphore_mem>>) src(%arg13 : memref<40x16xf32, #tpu.memory_space<vmem>>) dst(%dma_wait3A_665 : memref<40x16xf32, #tpu.memory_space<vmem_shared>>)
    %dma_wait3A_666 = arith.constant 0 : i32
    %dma_wait3A_667 = tpu.memref_slice %arg8[%add3A_105, %dma_wait3A_666] : memref<10240x16xf32, #tpu.memory_space<vmem_shared>> -> memref<40x16xf32, #tpu.memory_space<vmem_shared>>
    %dma_wait3A_668 = arith.constant 0 : i32
    %dma_wait3A_669 = tpu.memref_slice %arg8[%add3A_105, %dma_wait3A_668] : memref<10240x16xf32, #tpu.memory_space<vmem_shared>> -> memref<40x16xf32, #tpu.memory_space<vmem_shared>>
    tpu.wait_dma2 semaphore(%arg17 : memref<!tpu.dma_semaphore, #tpu.memory_space<semaphore_mem>>) src(%arg13 : memref<40x16xf32, #tpu.memory_space<vmem>>) dst(%dma_wait3A_669 : memref<40x16xf32, #tpu.memory_space<vmem_shared>>)
    %dma_wait3A_670 = arith.constant 0 : i32
    %dma_wait3A_671 = tpu.memref_slice %arg8[%add3A_130, %dma_wait3A_670] : memref<10240x16xf32, #tpu.memory_space<vmem_shared>> -> memref<40x16xf32, #tpu.memory_space<vmem_shared>>
    %dma_wait3A_672 = arith.constant 0 : i32
    %dma_wait3A_673 = tpu.memref_slice %arg8[%add3A_130, %dma_wait3A_672] : memref<10240x16xf32, #tpu.memory_space<vmem_shared>> -> memref<40x16xf32, #tpu.memory_space<vmem_shared>>
    tpu.wait_dma2 semaphore(%arg17 : memref<!tpu.dma_semaphore, #tpu.memory_space<semaphore_mem>>) src(%arg13 : memref<40x16xf32, #tpu.memory_space<vmem>>) dst(%dma_wait3A_673 : memref<40x16xf32, #tpu.memory_space<vmem_shared>>)
    %dma_wait3A_674 = arith.constant 0 : i32
    %dma_wait3A_675 = tpu.memref_slice %arg8[%add3A_155, %dma_wait3A_674] : memref<10240x16xf32, #tpu.memory_space<vmem_shared>> -> memref<40x16xf32, #tpu.memory_space<vmem_shared>>
    %dma_wait3A_676 = arith.constant 0 : i32
    %dma_wait3A_677 = tpu.memref_slice %arg8[%add3A_155, %dma_wait3A_676] : memref<10240x16xf32, #tpu.memory_space<vmem_shared>> -> memref<40x16xf32, #tpu.memory_space<vmem_shared>>
    tpu.wait_dma2 semaphore(%arg17 : memref<!tpu.dma_semaphore, #tpu.memory_space<semaphore_mem>>) src(%arg13 : memref<40x16xf32, #tpu.memory_space<vmem>>) dst(%dma_wait3A_677 : memref<40x16xf32, #tpu.memory_space<vmem_shared>>)
    %dma_wait3A_678 = arith.constant 0 : i32
    %dma_wait3A_679 = tpu.memref_slice %arg8[%add3A_180, %dma_wait3A_678] : memref<10240x16xf32, #tpu.memory_space<vmem_shared>> -> memref<40x16xf32, #tpu.memory_space<vmem_shared>>
    %dma_wait3A_680 = arith.constant 0 : i32
    %dma_wait3A_681 = tpu.memref_slice %arg8[%add3A_180, %dma_wait3A_680] : memref<10240x16xf32, #tpu.memory_space<vmem_shared>> -> memref<40x16xf32, #tpu.memory_space<vmem_shared>>
    tpu.wait_dma2 semaphore(%arg17 : memref<!tpu.dma_semaphore, #tpu.memory_space<semaphore_mem>>) src(%arg13 : memref<40x16xf32, #tpu.memory_space<vmem>>) dst(%dma_wait3A_681 : memref<40x16xf32, #tpu.memory_space<vmem_shared>>)
    %dma_wait3A_682 = arith.constant 0 : i32
    %dma_wait3A_683 = tpu.memref_slice %arg8[%add3A_205, %dma_wait3A_682] : memref<10240x16xf32, #tpu.memory_space<vmem_shared>> -> memref<40x16xf32, #tpu.memory_space<vmem_shared>>
    %dma_wait3A_684 = arith.constant 0 : i32
    %dma_wait3A_685 = tpu.memref_slice %arg8[%add3A_205, %dma_wait3A_684] : memref<10240x16xf32, #tpu.memory_space<vmem_shared>> -> memref<40x16xf32, #tpu.memory_space<vmem_shared>>
    tpu.wait_dma2 semaphore(%arg17 : memref<!tpu.dma_semaphore, #tpu.memory_space<semaphore_mem>>) src(%arg13 : memref<40x16xf32, #tpu.memory_space<vmem>>) dst(%dma_wait3A_685 : memref<40x16xf32, #tpu.memory_space<vmem_shared>>)
    %dma_wait3A_686 = arith.constant 0 : i32
    %dma_wait3A_687 = tpu.memref_slice %arg8[%add3A_230, %dma_wait3A_686] : memref<10240x16xf32, #tpu.memory_space<vmem_shared>> -> memref<40x16xf32, #tpu.memory_space<vmem_shared>>
    %dma_wait3A_688 = arith.constant 0 : i32
    %dma_wait3A_689 = tpu.memref_slice %arg8[%add3A_230, %dma_wait3A_688] : memref<10240x16xf32, #tpu.memory_space<vmem_shared>> -> memref<40x16xf32, #tpu.memory_space<vmem_shared>>
    tpu.wait_dma2 semaphore(%arg17 : memref<!tpu.dma_semaphore, #tpu.memory_space<semaphore_mem>>) src(%arg13 : memref<40x16xf32, #tpu.memory_space<vmem>>) dst(%dma_wait3A_689 : memref<40x16xf32, #tpu.memory_space<vmem_shared>>)
    %dma_wait3A_690 = arith.constant 0 : i32
    %dma_wait3A_691 = tpu.memref_slice %arg8[%add3A_255, %dma_wait3A_690] : memref<10240x16xf32, #tpu.memory_space<vmem_shared>> -> memref<40x16xf32, #tpu.memory_space<vmem_shared>>
    %dma_wait3A_692 = arith.constant 0 : i32
    %dma_wait3A_693 = tpu.memref_slice %arg8[%add3A_255, %dma_wait3A_692] : memref<10240x16xf32, #tpu.memory_space<vmem_shared>> -> memref<40x16xf32, #tpu.memory_space<vmem_shared>>
    tpu.wait_dma2 semaphore(%arg17 : memref<!tpu.dma_semaphore, #tpu.memory_space<semaphore_mem>>) src(%arg13 : memref<40x16xf32, #tpu.memory_space<vmem>>) dst(%dma_wait3A_693 : memref<40x16xf32, #tpu.memory_space<vmem_shared>>)
    %dma_wait3A_694 = arith.constant 0 : i32
    %dma_wait3A_695 = tpu.memref_slice %arg8[%add3A_280, %dma_wait3A_694] : memref<10240x16xf32, #tpu.memory_space<vmem_shared>> -> memref<40x16xf32, #tpu.memory_space<vmem_shared>>
    %dma_wait3A_696 = arith.constant 0 : i32
    %dma_wait3A_697 = tpu.memref_slice %arg8[%add3A_280, %dma_wait3A_696] : memref<10240x16xf32, #tpu.memory_space<vmem_shared>> -> memref<40x16xf32, #tpu.memory_space<vmem_shared>>
    tpu.wait_dma2 semaphore(%arg17 : memref<!tpu.dma_semaphore, #tpu.memory_space<semaphore_mem>>) src(%arg13 : memref<40x16xf32, #tpu.memory_space<vmem>>) dst(%dma_wait3A_697 : memref<40x16xf32, #tpu.memory_space<vmem_shared>>)
    %dma_wait3A_698 = arith.constant 0 : i32
    %dma_wait3A_699 = tpu.memref_slice %arg8[%add3A_305, %dma_wait3A_698] : memref<10240x16xf32, #tpu.memory_space<vmem_shared>> -> memref<40x16xf32, #tpu.memory_space<vmem_shared>>
    %dma_wait3A_700 = arith.constant 0 : i32
    %dma_wait3A_701 = tpu.memref_slice %arg8[%add3A_305, %dma_wait3A_700] : memref<10240x16xf32, #tpu.memory_space<vmem_shared>> -> memref<40x16xf32, #tpu.memory_space<vmem_shared>>
    tpu.wait_dma2 semaphore(%arg17 : memref<!tpu.dma_semaphore, #tpu.memory_space<semaphore_mem>>) src(%arg13 : memref<40x16xf32, #tpu.memory_space<vmem>>) dst(%dma_wait3A_701 : memref<40x16xf32, #tpu.memory_space<vmem_shared>>)
    %dma_wait3A_702 = arith.constant 0 : i32
    %dma_wait3A_703 = tpu.memref_slice %arg8[%add3A_330, %dma_wait3A_702] : memref<10240x16xf32, #tpu.memory_space<vmem_shared>> -> memref<40x16xf32, #tpu.memory_space<vmem_shared>>
    %dma_wait3A_704 = arith.constant 0 : i32
    %dma_wait3A_705 = tpu.memref_slice %arg8[%add3A_330, %dma_wait3A_704] : memref<10240x16xf32, #tpu.memory_space<vmem_shared>> -> memref<40x16xf32, #tpu.memory_space<vmem_shared>>
    tpu.wait_dma2 semaphore(%arg17 : memref<!tpu.dma_semaphore, #tpu.memory_space<semaphore_mem>>) src(%arg13 : memref<40x16xf32, #tpu.memory_space<vmem>>) dst(%dma_wait3A_705 : memref<40x16xf32, #tpu.memory_space<vmem_shared>>)
    %dma_wait3A_706 = arith.constant 0 : i32
    %dma_wait3A_707 = tpu.memref_slice %arg8[%add3A_355, %dma_wait3A_706] : memref<10240x16xf32, #tpu.memory_space<vmem_shared>> -> memref<40x16xf32, #tpu.memory_space<vmem_shared>>
    %dma_wait3A_708 = arith.constant 0 : i32
    %dma_wait3A_709 = tpu.memref_slice %arg8[%add3A_355, %dma_wait3A_708] : memref<10240x16xf32, #tpu.memory_space<vmem_shared>> -> memref<40x16xf32, #tpu.memory_space<vmem_shared>>
    tpu.wait_dma2 semaphore(%arg17 : memref<!tpu.dma_semaphore, #tpu.memory_space<semaphore_mem>>) src(%arg13 : memref<40x16xf32, #tpu.memory_space<vmem>>) dst(%dma_wait3A_709 : memref<40x16xf32, #tpu.memory_space<vmem_shared>>)
    %dma_wait3A_710 = arith.constant 0 : i32
    %dma_wait3A_711 = tpu.memref_slice %arg8[%add3A_380, %dma_wait3A_710] : memref<10240x16xf32, #tpu.memory_space<vmem_shared>> -> memref<40x16xf32, #tpu.memory_space<vmem_shared>>
    %dma_wait3A_712 = arith.constant 0 : i32
    %dma_wait3A_713 = tpu.memref_slice %arg8[%add3A_380, %dma_wait3A_712] : memref<10240x16xf32, #tpu.memory_space<vmem_shared>> -> memref<40x16xf32, #tpu.memory_space<vmem_shared>>
    tpu.wait_dma2 semaphore(%arg17 : memref<!tpu.dma_semaphore, #tpu.memory_space<semaphore_mem>>) src(%arg13 : memref<40x16xf32, #tpu.memory_space<vmem>>) dst(%dma_wait3A_713 : memref<40x16xf32, #tpu.memory_space<vmem_shared>>)
    %dma_wait3A_714 = arith.constant 0 : i32
    %dma_wait3A_715 = tpu.memref_slice %arg8[%add3A_405, %dma_wait3A_714] : memref<10240x16xf32, #tpu.memory_space<vmem_shared>> -> memref<40x16xf32, #tpu.memory_space<vmem_shared>>
    %dma_wait3A_716 = arith.constant 0 : i32
    %dma_wait3A_717 = tpu.memref_slice %arg8[%add3A_405, %dma_wait3A_716] : memref<10240x16xf32, #tpu.memory_space<vmem_shared>> -> memref<40x16xf32, #tpu.memory_space<vmem_shared>>
    tpu.wait_dma2 semaphore(%arg17 : memref<!tpu.dma_semaphore, #tpu.memory_space<semaphore_mem>>) src(%arg13 : memref<40x16xf32, #tpu.memory_space<vmem>>) dst(%dma_wait3A_717 : memref<40x16xf32, #tpu.memory_space<vmem_shared>>)
    %dma_wait3A_718 = arith.constant 0 : i32
    %dma_wait3A_719 = tpu.memref_slice %arg8[%add3A_430, %dma_wait3A_718] : memref<10240x16xf32, #tpu.memory_space<vmem_shared>> -> memref<40x16xf32, #tpu.memory_space<vmem_shared>>
    %dma_wait3A_720 = arith.constant 0 : i32
    %dma_wait3A_721 = tpu.memref_slice %arg8[%add3A_430, %dma_wait3A_720] : memref<10240x16xf32, #tpu.memory_space<vmem_shared>> -> memref<40x16xf32, #tpu.memory_space<vmem_shared>>
    tpu.wait_dma2 semaphore(%arg17 : memref<!tpu.dma_semaphore, #tpu.memory_space<semaphore_mem>>) src(%arg13 : memref<40x16xf32, #tpu.memory_space<vmem>>) dst(%dma_wait3A_721 : memref<40x16xf32, #tpu.memory_space<vmem_shared>>)
    %barrier3A = arith.constant 0 : index
    tpu.barrier barrier_id(%barrier3A)
    %dma_start3A_722 = arith.constant 0 : i32
    %dma_start3A_723 = arith.constant 0 : i32
    %dma_start3A_724 = arith.constant 0 : i32
    %dma_start3A_725 = arith.constant 0 : i32
    %dma_start3A_726 = tpu.memref_slice %arg11[%dma_start3A_723, %dma_start3A_724, %dma_start3A_725] : memref<2x64x128xf32, #tpu.memory_space<vmem>> -> memref<1x64x128xf32, #tpu.memory_space<vmem>>
    %dma_start3A_727 = tpu.memref_squeeze %dma_start3A_726 : memref<1x64x128xf32, #tpu.memory_space<vmem>> -> memref<64x128xf32, #tpu.memory_space<vmem>>
    %dma_start3A_728 = arith.constant 0 : i32
    %dma_start3A_729 = tpu.memref_slice %arg9[%dma_start3A_722, %dma_start3A_728] : memref<157x64xi32, #tpu.memory_space<vmem>> -> memref<1x64xi32, #tpu.memory_space<vmem>>
    %dma_start3A_730 = tpu.memref_squeeze %dma_start3A_729 : memref<1x64xi32, #tpu.memory_space<vmem>> -> memref<64xi32, #tpu.memory_space<vmem>>
    %dma_start3A_731 = arith.constant 0 : i32
    %dma_start3A_732 = arith.constant 0 : i32
    %dma_start3A_733 = tpu.memref_slice %arg2[%dma_start3A_731, %dma_start3A_732] : memref<10000x128xf32, #tpu.memory_space<hbm>> -> memref<10000x128xf32, #tpu.memory_space<hbm>>
    tpu.enqueue_indirect_dma source(%dma_start3A_733 : memref<10000x128xf32, #tpu.memory_space<hbm>>) target(%dma_start3A_727 : memref<64x128xf32, #tpu.memory_space<vmem>>) offsets(%dma_start3A_730 : memref<64xi32, #tpu.memory_space<vmem>>) semaphore(%arg14 : memref<!tpu.dma_semaphore, #tpu.memory_space<semaphore_mem>>)
    %dma_wait3A_734 = arith.constant 0 : i32
    %dma_wait3A_735 = arith.constant 0 : i32
    %dma_wait3A_736 = arith.constant 0 : i32
    %dma_wait3A_737 = arith.constant 0 : i32
    %dma_wait3A_738 = tpu.memref_slice %arg11[%dma_wait3A_735, %dma_wait3A_736, %dma_wait3A_737] : memref<2x64x128xf32, #tpu.memory_space<vmem>> -> memref<1x64x128xf32, #tpu.memory_space<vmem>>
    %dma_wait3A_739 = tpu.memref_squeeze %dma_wait3A_738 : memref<1x64x128xf32, #tpu.memory_space<vmem>> -> memref<64x128xf32, #tpu.memory_space<vmem>>
    %dma_wait3A_740 = arith.constant 0 : i32
    %dma_wait3A_741 = tpu.memref_slice %arg9[%dma_wait3A_734, %dma_wait3A_740] : memref<157x64xi32, #tpu.memory_space<vmem>> -> memref<1x64xi32, #tpu.memory_space<vmem>>
    %dma_wait3A_742 = tpu.memref_squeeze %dma_wait3A_741 : memref<1x64xi32, #tpu.memory_space<vmem>> -> memref<64xi32, #tpu.memory_space<vmem>>
    %dma_wait3A_743 = arith.constant 0 : i32
    %dma_wait3A_744 = arith.constant 0 : i32
    %dma_wait3A_745 = tpu.memref_slice %arg2[%dma_wait3A_743, %dma_wait3A_744] : memref<10000x128xf32, #tpu.memory_space<hbm>> -> memref<10000x128xf32, #tpu.memory_space<hbm>>
    tpu.wait_indirect_dma semaphore(%arg14 : memref<!tpu.dma_semaphore, #tpu.memory_space<semaphore_mem>>) src(%dma_wait3A_745 : memref<10000x128xf32, #tpu.memory_space<hbm>>) dst(%dma_wait3A_739 : memref<64x128xf32, #tpu.memory_space<vmem>>)
    %dma_start3A_746 = arith.constant 1 : i32
    %dma_start3A_747 = arith.constant 1 : i32
    %dma_start3A_748 = arith.constant 0 : i32
    %dma_start3A_749 = arith.constant 0 : i32
    %dma_start3A_750 = tpu.memref_slice %arg11[%dma_start3A_747, %dma_start3A_748, %dma_start3A_749] : memref<2x64x128xf32, #tpu.memory_space<vmem>> -> memref<1x64x128xf32, #tpu.memory_space<vmem>>
    %dma_start3A_751 = tpu.memref_squeeze %dma_start3A_750 : memref<1x64x128xf32, #tpu.memory_space<vmem>> -> memref<64x128xf32, #tpu.memory_space<vmem>>
    %dma_start3A_752 = arith.constant 0 : i32
    %dma_start3A_753 = tpu.memref_slice %arg9[%dma_start3A_746, %dma_start3A_752] : memref<157x64xi32, #tpu.memory_space<vmem>> -> memref<1x64xi32, #tpu.memory_space<vmem>>
    %dma_start3A_754 = tpu.memref_squeeze %dma_start3A_753 : memref<1x64xi32, #tpu.memory_space<vmem>> -> memref<64xi32, #tpu.memory_space<vmem>>
    %dma_start3A_755 = arith.constant 0 : i32
    %dma_start3A_756 = arith.constant 0 : i32
    %dma_start3A_757 = tpu.memref_slice %arg2[%dma_start3A_755, %dma_start3A_756] : memref<10000x128xf32, #tpu.memory_space<hbm>> -> memref<10000x128xf32, #tpu.memory_space<hbm>>
    tpu.enqueue_indirect_dma source(%dma_start3A_757 : memref<10000x128xf32, #tpu.memory_space<hbm>>) target(%dma_start3A_751 : memref<64x128xf32, #tpu.memory_space<vmem>>) offsets(%dma_start3A_754 : memref<64xi32, #tpu.memory_space<vmem>>) semaphore(%arg15 : memref<!tpu.dma_semaphore, #tpu.memory_space<semaphore_mem>>)
    %run_scoped3A = arith.constant 0 : i32
    %run_scoped3A_758 = arith.constant 0 : i32
    "tpu.region"() ({
      %run_scoped3A_817 = tpu.sem_alloc : memref<!tpu.dma_semaphore, #tpu.memory_space<semaphore_mem>>
      %dma_start3A_818 = arith.constant 0 : i32
      %dma_start3A_819 = arith.constant 0 : i32
      %dma_start3A_820 = tpu.memref_slice %arg11[%run_scoped3A, %dma_start3A_818, %dma_start3A_819] : memref<2x64x128xf32, #tpu.memory_space<vmem>> -> memref<1x64x128xf32, #tpu.memory_space<vmem>>
      %dma_start3A_821 = tpu.memref_squeeze %dma_start3A_820 : memref<1x64x128xf32, #tpu.memory_space<vmem>> -> memref<64x128xf32, #tpu.memory_space<vmem>>
      %dma_start3A_822 = arith.constant 0 : i32
      %dma_start3A_823 = tpu.memref_slice %arg10[%run_scoped3A_758, %dma_start3A_822] : memref<157x64xi32, #tpu.memory_space<vmem>> -> memref<1x64xi32, #tpu.memory_space<vmem>>
      %dma_start3A_824 = tpu.memref_squeeze %dma_start3A_823 : memref<1x64xi32, #tpu.memory_space<vmem>> -> memref<64xi32, #tpu.memory_space<vmem>>
      %dma_start3A_825 = arith.constant 0 : i32
      %dma_start3A_826 = arith.constant 0 : i32
      %dma_start3A_827 = tpu.memref_slice %arg7[%dma_start3A_825, %dma_start3A_826] : memref<10240x128xf32, #tpu.memory_space<vmem_shared>> -> memref<10240x128xf32, #tpu.memory_space<vmem_shared>>
      tpu.enqueue_indirect_dma source(%dma_start3A_821 : memref<64x128xf32, #tpu.memory_space<vmem>>) target(%dma_start3A_827 : memref<10240x128xf32, #tpu.memory_space<vmem_shared>>) offsets(%dma_start3A_824 : memref<64xi32, #tpu.memory_space<vmem>>) semaphore(%run_scoped3A_817 : memref<!tpu.dma_semaphore, #tpu.memory_space<semaphore_mem>>) {add = true}
      %dma_wait3A_828 = arith.constant 0 : i32
      %dma_wait3A_829 = arith.constant 0 : i32
      %dma_wait3A_830 = tpu.memref_slice %arg11[%run_scoped3A, %dma_wait3A_828, %dma_wait3A_829] : memref<2x64x128xf32, #tpu.memory_space<vmem>> -> memref<1x64x128xf32, #tpu.memory_space<vmem>>
      %dma_wait3A_831 = tpu.memref_squeeze %dma_wait3A_830 : memref<1x64x128xf32, #tpu.memory_space<vmem>> -> memref<64x128xf32, #tpu.memory_space<vmem>>
      %dma_wait3A_832 = arith.constant 0 : i32
      %dma_wait3A_833 = tpu.memref_slice %arg10[%run_scoped3A_758, %dma_wait3A_832] : memref<157x64xi32, #tpu.memory_space<vmem>> -> memref<1x64xi32, #tpu.memory_space<vmem>>
      %dma_wait3A_834 = tpu.memref_squeeze %dma_wait3A_833 : memref<1x64xi32, #tpu.memory_space<vmem>> -> memref<64xi32, #tpu.memory_space<vmem>>
      %dma_wait3A_835 = arith.constant 0 : i32
      %dma_wait3A_836 = arith.constant 0 : i32
      %dma_wait3A_837 = tpu.memref_slice %arg7[%dma_wait3A_835, %dma_wait3A_836] : memref<10240x128xf32, #tpu.memory_space<vmem_shared>> -> memref<10240x128xf32, #tpu.memory_space<vmem_shared>>
      tpu.wait_indirect_dma semaphore(%run_scoped3A_817 : memref<!tpu.dma_semaphore, #tpu.memory_space<semaphore_mem>>) src(%dma_wait3A_831 : memref<64x128xf32, #tpu.memory_space<vmem>>) dst(%dma_wait3A_837 : memref<10240x128xf32, #tpu.memory_space<vmem_shared>>)
      tpu.yield
    }) : () -> ()
    %run_scoped3A_759 = arith.constant 0 : i32
    "tpu.region"() ({
      %run_scoped3A_817 = tpu.sem_alloc : memref<!tpu.dma_semaphore, #tpu.memory_space<semaphore_mem>>
      %dma_start3A_818 = arith.constant 0 : i32
      %dma_start3A_819 = tpu.memref_slice %arg10[%run_scoped3A_759, %dma_start3A_818] : memref<157x64xi32, #tpu.memory_space<vmem>> -> memref<1x64xi32, #tpu.memory_space<vmem>>
      %dma_start3A_820 = tpu.memref_squeeze %dma_start3A_819 : memref<1x64xi32, #tpu.memory_space<vmem>> -> memref<64xi32, #tpu.memory_space<vmem>>
      %dma_start3A_821 = arith.constant 0 : i32
      %dma_start3A_822 = arith.constant 0 : i32
      %dma_start3A_823 = tpu.memref_slice %arg8[%dma_start3A_821, %dma_start3A_822] : memref<10240x16xf32, #tpu.memory_space<vmem_shared>> -> memref<10240x16xf32, #tpu.memory_space<vmem_shared>>
      tpu.enqueue_indirect_dma source(%arg12 : memref<64x16xf32, #tpu.memory_space<vmem>>) target(%dma_start3A_823 : memref<10240x16xf32, #tpu.memory_space<vmem_shared>>) offsets(%dma_start3A_820 : memref<64xi32, #tpu.memory_space<vmem>>) semaphore(%run_scoped3A_817 : memref<!tpu.dma_semaphore, #tpu.memory_space<semaphore_mem>>) {add = true}
      %dma_wait3A_824 = arith.constant 0 : i32
      %dma_wait3A_825 = tpu.memref_slice %arg10[%run_scoped3A_759, %dma_wait3A_824] : memref<157x64xi32, #tpu.memory_space<vmem>> -> memref<1x64xi32, #tpu.memory_space<vmem>>
      %dma_wait3A_826 = tpu.memref_squeeze %dma_wait3A_825 : memref<1x64xi32, #tpu.memory_space<vmem>> -> memref<64xi32, #tpu.memory_space<vmem>>
      %dma_wait3A_827 = arith.constant 0 : i32
      %dma_wait3A_828 = arith.constant 0 : i32
      %dma_wait3A_829 = tpu.memref_slice %arg8[%dma_wait3A_827, %dma_wait3A_828] : memref<10240x16xf32, #tpu.memory_space<vmem_shared>> -> memref<10240x16xf32, #tpu.memory_space<vmem_shared>>
      tpu.wait_indirect_dma semaphore(%run_scoped3A_817 : memref<!tpu.dma_semaphore, #tpu.memory_space<semaphore_mem>>) src(%arg12 : memref<64x16xf32, #tpu.memory_space<vmem>>) dst(%dma_wait3A_829 : memref<10240x16xf32, #tpu.memory_space<vmem_shared>>)
      tpu.yield
    }) : () -> ()
    %scan3A_760 = arith.constant 0 : i32
    %scan3A_761 = arith.constant 0 : i32
    %scan3A_762 = arith.constant 77 : i32
    %scan3A_763 = arith.addi %scan3A_761, %scan3A_762 : i32
    %scan3A_764 = arith.constant 1 : i32
    %scan3A_765 = scf.for %scan3A_817 = %scan3A_761 to %scan3A_763 step %scan3A_764 iter_args(%scan3A_818 = %scan3A_760) -> (i32)  : i32 {
      %mul3A_819 = arith.constant 2 : i32
      %mul3A_820 = arith.muli %mul3A_819, %scan3A_817 : i32
      %add3A_821 = arith.constant 1 : i32
      %add3A_822 = arith.addi %mul3A_820, %add3A_821 : i32
      %dma_wait3A_823 = arith.constant 1 : i32
      %dma_wait3A_824 = arith.constant 0 : i32
      %dma_wait3A_825 = arith.constant 0 : i32
      %dma_wait3A_826 = tpu.memref_slice %arg11[%dma_wait3A_823, %dma_wait3A_824, %dma_wait3A_825] : memref<2x64x128xf32, #tpu.memory_space<vmem>> -> memref<1x64x128xf32, #tpu.memory_space<vmem>>
      %dma_wait3A_827 = tpu.memref_squeeze %dma_wait3A_826 : memref<1x64x128xf32, #tpu.memory_space<vmem>> -> memref<64x128xf32, #tpu.memory_space<vmem>>
      %dma_wait3A_828 = arith.constant 0 : i32
      %dma_wait3A_829 = tpu.memref_slice %arg9[%add3A_822, %dma_wait3A_828] : memref<157x64xi32, #tpu.memory_space<vmem>> -> memref<1x64xi32, #tpu.memory_space<vmem>>
      %dma_wait3A_830 = tpu.memref_squeeze %dma_wait3A_829 : memref<1x64xi32, #tpu.memory_space<vmem>> -> memref<64xi32, #tpu.memory_space<vmem>>
      %dma_wait3A_831 = arith.constant 0 : i32
      %dma_wait3A_832 = arith.constant 0 : i32
      %dma_wait3A_833 = tpu.memref_slice %arg2[%dma_wait3A_831, %dma_wait3A_832] : memref<10000x128xf32, #tpu.memory_space<hbm>> -> memref<10000x128xf32, #tpu.memory_space<hbm>>
      tpu.wait_indirect_dma semaphore(%arg15 : memref<!tpu.dma_semaphore, #tpu.memory_space<semaphore_mem>>) src(%dma_wait3A_833 : memref<10000x128xf32, #tpu.memory_space<hbm>>) dst(%dma_wait3A_827 : memref<64x128xf32, #tpu.memory_space<vmem>>)
      %add3A_834 = arith.constant 1 : i32
      %add3A_835 = arith.addi %add3A_822, %add3A_834 : i32
      %dma_start3A_836 = arith.constant 0 : i32
      %dma_start3A_837 = arith.constant 0 : i32
      %dma_start3A_838 = arith.constant 0 : i32
      %dma_start3A_839 = tpu.memref_slice %arg11[%dma_start3A_836, %dma_start3A_837, %dma_start3A_838] : memref<2x64x128xf32, #tpu.memory_space<vmem>> -> memref<1x64x128xf32, #tpu.memory_space<vmem>>
      %dma_start3A_840 = tpu.memref_squeeze %dma_start3A_839 : memref<1x64x128xf32, #tpu.memory_space<vmem>> -> memref<64x128xf32, #tpu.memory_space<vmem>>
      %dma_start3A_841 = arith.constant 0 : i32
      %dma_start3A_842 = tpu.memref_slice %arg9[%add3A_835, %dma_start3A_841] : memref<157x64xi32, #tpu.memory_space<vmem>> -> memref<1x64xi32, #tpu.memory_space<vmem>>
      %dma_start3A_843 = tpu.memref_squeeze %dma_start3A_842 : memref<1x64xi32, #tpu.memory_space<vmem>> -> memref<64xi32, #tpu.memory_space<vmem>>
      %dma_start3A_844 = arith.constant 0 : i32
      %dma_start3A_845 = arith.constant 0 : i32
      %dma_start3A_846 = tpu.memref_slice %arg2[%dma_start3A_844, %dma_start3A_845] : memref<10000x128xf32, #tpu.memory_space<hbm>> -> memref<10000x128xf32, #tpu.memory_space<hbm>>
      tpu.enqueue_indirect_dma source(%dma_start3A_846 : memref<10000x128xf32, #tpu.memory_space<hbm>>) target(%dma_start3A_840 : memref<64x128xf32, #tpu.memory_space<vmem>>) offsets(%dma_start3A_843 : memref<64xi32, #tpu.memory_space<vmem>>) semaphore(%arg14 : memref<!tpu.dma_semaphore, #tpu.memory_space<semaphore_mem>>)
      %run_scoped3A_847 = arith.constant 1 : i32
      "tpu.region"() ({
        %run_scoped3A_876 = tpu.sem_alloc : memref<!tpu.dma_semaphore, #tpu.memory_space<semaphore_mem>>
        %dma_start3A_877 = arith.constant 0 : i32
        %dma_start3A_878 = arith.constant 0 : i32
        %dma_start3A_879 = tpu.memref_slice %arg11[%run_scoped3A_847, %dma_start3A_877, %dma_start3A_878] : memref<2x64x128xf32, #tpu.memory_space<vmem>> -> memref<1x64x128xf32, #tpu.memory_space<vmem>>
        %dma_start3A_880 = tpu.memref_squeeze %dma_start3A_879 : memref<1x64x128xf32, #tpu.memory_space<vmem>> -> memref<64x128xf32, #tpu.memory_space<vmem>>
        %dma_start3A_881 = arith.constant 0 : i32
        %dma_start3A_882 = tpu.memref_slice %arg10[%add3A_822, %dma_start3A_881] : memref<157x64xi32, #tpu.memory_space<vmem>> -> memref<1x64xi32, #tpu.memory_space<vmem>>
        %dma_start3A_883 = tpu.memref_squeeze %dma_start3A_882 : memref<1x64xi32, #tpu.memory_space<vmem>> -> memref<64xi32, #tpu.memory_space<vmem>>
        %dma_start3A_884 = arith.constant 0 : i32
        %dma_start3A_885 = arith.constant 0 : i32
        %dma_start3A_886 = tpu.memref_slice %arg7[%dma_start3A_884, %dma_start3A_885] : memref<10240x128xf32, #tpu.memory_space<vmem_shared>> -> memref<10240x128xf32, #tpu.memory_space<vmem_shared>>
        tpu.enqueue_indirect_dma source(%dma_start3A_880 : memref<64x128xf32, #tpu.memory_space<vmem>>) target(%dma_start3A_886 : memref<10240x128xf32, #tpu.memory_space<vmem_shared>>) offsets(%dma_start3A_883 : memref<64xi32, #tpu.memory_space<vmem>>) semaphore(%run_scoped3A_876 : memref<!tpu.dma_semaphore, #tpu.memory_space<semaphore_mem>>) {add = true}
        %dma_wait3A_887 = arith.constant 0 : i32
        %dma_wait3A_888 = arith.constant 0 : i32
        %dma_wait3A_889 = tpu.memref_slice %arg11[%run_scoped3A_847, %dma_wait3A_887, %dma_wait3A_888] : memref<2x64x128xf32, #tpu.memory_space<vmem>> -> memref<1x64x128xf32, #tpu.memory_space<vmem>>
        %dma_wait3A_890 = tpu.memref_squeeze %dma_wait3A_889 : memref<1x64x128xf32, #tpu.memory_space<vmem>> -> memref<64x128xf32, #tpu.memory_space<vmem>>
        %dma_wait3A_891 = arith.constant 0 : i32
        %dma_wait3A_892 = tpu.memref_slice %arg10[%add3A_822, %dma_wait3A_891] : memref<157x64xi32, #tpu.memory_space<vmem>> -> memref<1x64xi32, #tpu.memory_space<vmem>>
        %dma_wait3A_893 = tpu.memref_squeeze %dma_wait3A_892 : memref<1x64xi32, #tpu.memory_space<vmem>> -> memref<64xi32, #tpu.memory_space<vmem>>
        %dma_wait3A_894 = arith.constant 0 : i32
        %dma_wait3A_895 = arith.constant 0 : i32
        %dma_wait3A_896 = tpu.memref_slice %arg7[%dma_wait3A_894, %dma_wait3A_895] : memref<10240x128xf32, #tpu.memory_space<vmem_shared>> -> memref<10240x128xf32, #tpu.memory_space<vmem_shared>>
        tpu.wait_indirect_dma semaphore(%run_scoped3A_876 : memref<!tpu.dma_semaphore, #tpu.memory_space<semaphore_mem>>) src(%dma_wait3A_890 : memref<64x128xf32, #tpu.memory_space<vmem>>) dst(%dma_wait3A_896 : memref<10240x128xf32, #tpu.memory_space<vmem_shared>>)
        tpu.yield
      }) : () -> ()
      "tpu.region"() ({
        %run_scoped3A_876 = tpu.sem_alloc : memref<!tpu.dma_semaphore, #tpu.memory_space<semaphore_mem>>
        %dma_start3A_877 = arith.constant 0 : i32
        %dma_start3A_878 = tpu.memref_slice %arg10[%add3A_822, %dma_start3A_877] : memref<157x64xi32, #tpu.memory_space<vmem>> -> memref<1x64xi32, #tpu.memory_space<vmem>>
        %dma_start3A_879 = tpu.memref_squeeze %dma_start3A_878 : memref<1x64xi32, #tpu.memory_space<vmem>> -> memref<64xi32, #tpu.memory_space<vmem>>
        %dma_start3A_880 = arith.constant 0 : i32
        %dma_start3A_881 = arith.constant 0 : i32
        %dma_start3A_882 = tpu.memref_slice %arg8[%dma_start3A_880, %dma_start3A_881] : memref<10240x16xf32, #tpu.memory_space<vmem_shared>> -> memref<10240x16xf32, #tpu.memory_space<vmem_shared>>
        tpu.enqueue_indirect_dma source(%arg12 : memref<64x16xf32, #tpu.memory_space<vmem>>) target(%dma_start3A_882 : memref<10240x16xf32, #tpu.memory_space<vmem_shared>>) offsets(%dma_start3A_879 : memref<64xi32, #tpu.memory_space<vmem>>) semaphore(%run_scoped3A_876 : memref<!tpu.dma_semaphore, #tpu.memory_space<semaphore_mem>>) {add = true}
        %dma_wait3A_883 = arith.constant 0 : i32
        %dma_wait3A_884 = tpu.memref_slice %arg10[%add3A_822, %dma_wait3A_883] : memref<157x64xi32, #tpu.memory_space<vmem>> -> memref<1x64xi32, #tpu.memory_space<vmem>>
        %dma_wait3A_885 = tpu.memref_squeeze %dma_wait3A_884 : memref<1x64xi32, #tpu.memory_space<vmem>> -> memref<64xi32, #tpu.memory_space<vmem>>
        %dma_wait3A_886 = arith.constant 0 : i32
        %dma_wait3A_887 = arith.constant 0 : i32
        %dma_wait3A_888 = tpu.memref_slice %arg8[%dma_wait3A_886, %dma_wait3A_887] : memref<10240x16xf32, #tpu.memory_space<vmem_shared>> -> memref<10240x16xf32, #tpu.memory_space<vmem_shared>>
        tpu.wait_indirect_dma semaphore(%run_scoped3A_876 : memref<!tpu.dma_semaphore, #tpu.memory_space<semaphore_mem>>) src(%arg12 : memref<64x16xf32, #tpu.memory_space<vmem>>) dst(%dma_wait3A_888 : memref<10240x16xf32, #tpu.memory_space<vmem_shared>>)
        tpu.yield
      }) : () -> ()
      %add3A_848 = arith.constant 1 : i32
      %add3A_849 = arith.addi %add3A_822, %add3A_848 : i32
      %dma_wait3A_850 = arith.constant 0 : i32
      %dma_wait3A_851 = arith.constant 0 : i32
      %dma_wait3A_852 = arith.constant 0 : i32
      %dma_wait3A_853 = tpu.memref_slice %arg11[%dma_wait3A_850, %dma_wait3A_851, %dma_wait3A_852] : memref<2x64x128xf32, #tpu.memory_space<vmem>> -> memref<1x64x128xf32, #tpu.memory_space<vmem>>
      %dma_wait3A_854 = tpu.memref_squeeze %dma_wait3A_853 : memref<1x64x128xf32, #tpu.memory_space<vmem>> -> memref<64x128xf32, #tpu.memory_space<vmem>>
      %dma_wait3A_855 = arith.constant 0 : i32
      %dma_wait3A_856 = tpu.memref_slice %arg9[%add3A_849, %dma_wait3A_855] : memref<157x64xi32, #tpu.memory_space<vmem>> -> memref<1x64xi32, #tpu.memory_space<vmem>>
      %dma_wait3A_857 = tpu.memref_squeeze %dma_wait3A_856 : memref<1x64xi32, #tpu.memory_space<vmem>> -> memref<64xi32, #tpu.memory_space<vmem>>
      %dma_wait3A_858 = arith.constant 0 : i32
      %dma_wait3A_859 = arith.constant 0 : i32
      %dma_wait3A_860 = tpu.memref_slice %arg2[%dma_wait3A_858, %dma_wait3A_859] : memref<10000x128xf32, #tpu.memory_space<hbm>> -> memref<10000x128xf32, #tpu.memory_space<hbm>>
      tpu.wait_indirect_dma semaphore(%arg14 : memref<!tpu.dma_semaphore, #tpu.memory_space<semaphore_mem>>) src(%dma_wait3A_860 : memref<10000x128xf32, #tpu.memory_space<hbm>>) dst(%dma_wait3A_854 : memref<64x128xf32, #tpu.memory_space<vmem>>)
      %add3A_861 = arith.constant 1 : i32
      %add3A_862 = arith.addi %add3A_849, %add3A_861 : i32
      %dma_start3A_863 = arith.constant 1 : i32
      %dma_start3A_864 = arith.constant 0 : i32
      %dma_start3A_865 = arith.constant 0 : i32
      %dma_start3A_866 = tpu.memref_slice %arg11[%dma_start3A_863, %dma_start3A_864, %dma_start3A_865] : memref<2x64x128xf32, #tpu.memory_space<vmem>> -> memref<1x64x128xf32, #tpu.memory_space<vmem>>
      %dma_start3A_867 = tpu.memref_squeeze %dma_start3A_866 : memref<1x64x128xf32, #tpu.memory_space<vmem>> -> memref<64x128xf32, #tpu.memory_space<vmem>>
      %dma_start3A_868 = arith.constant 0 : i32
      %dma_start3A_869 = tpu.memref_slice %arg9[%add3A_862, %dma_start3A_868] : memref<157x64xi32, #tpu.memory_space<vmem>> -> memref<1x64xi32, #tpu.memory_space<vmem>>
      %dma_start3A_870 = tpu.memref_squeeze %dma_start3A_869 : memref<1x64xi32, #tpu.memory_space<vmem>> -> memref<64xi32, #tpu.memory_space<vmem>>
      %dma_start3A_871 = arith.constant 0 : i32
      %dma_start3A_872 = arith.constant 0 : i32
      %dma_start3A_873 = tpu.memref_slice %arg2[%dma_start3A_871, %dma_start3A_872] : memref<10000x128xf32, #tpu.memory_space<hbm>> -> memref<10000x128xf32, #tpu.memory_space<hbm>>
      tpu.enqueue_indirect_dma source(%dma_start3A_873 : memref<10000x128xf32, #tpu.memory_space<hbm>>) target(%dma_start3A_867 : memref<64x128xf32, #tpu.memory_space<vmem>>) offsets(%dma_start3A_870 : memref<64xi32, #tpu.memory_space<vmem>>) semaphore(%arg15 : memref<!tpu.dma_semaphore, #tpu.memory_space<semaphore_mem>>)
      %run_scoped3A_874 = arith.constant 0 : i32
      "tpu.region"() ({
        %run_scoped3A_876 = tpu.sem_alloc : memref<!tpu.dma_semaphore, #tpu.memory_space<semaphore_mem>>
        %dma_start3A_877 = arith.constant 0 : i32
        %dma_start3A_878 = arith.constant 0 : i32
        %dma_start3A_879 = tpu.memref_slice %arg11[%run_scoped3A_874, %dma_start3A_877, %dma_start3A_878] : memref<2x64x128xf32, #tpu.memory_space<vmem>> -> memref<1x64x128xf32, #tpu.memory_space<vmem>>
        %dma_start3A_880 = tpu.memref_squeeze %dma_start3A_879 : memref<1x64x128xf32, #tpu.memory_space<vmem>> -> memref<64x128xf32, #tpu.memory_space<vmem>>
        %dma_start3A_881 = arith.constant 0 : i32
        %dma_start3A_882 = tpu.memref_slice %arg10[%add3A_849, %dma_start3A_881] : memref<157x64xi32, #tpu.memory_space<vmem>> -> memref<1x64xi32, #tpu.memory_space<vmem>>
        %dma_start3A_883 = tpu.memref_squeeze %dma_start3A_882 : memref<1x64xi32, #tpu.memory_space<vmem>> -> memref<64xi32, #tpu.memory_space<vmem>>
        %dma_start3A_884 = arith.constant 0 : i32
        %dma_start3A_885 = arith.constant 0 : i32
        %dma_start3A_886 = tpu.memref_slice %arg7[%dma_start3A_884, %dma_start3A_885] : memref<10240x128xf32, #tpu.memory_space<vmem_shared>> -> memref<10240x128xf32, #tpu.memory_space<vmem_shared>>
        tpu.enqueue_indirect_dma source(%dma_start3A_880 : memref<64x128xf32, #tpu.memory_space<vmem>>) target(%dma_start3A_886 : memref<10240x128xf32, #tpu.memory_space<vmem_shared>>) offsets(%dma_start3A_883 : memref<64xi32, #tpu.memory_space<vmem>>) semaphore(%run_scoped3A_876 : memref<!tpu.dma_semaphore, #tpu.memory_space<semaphore_mem>>) {add = true}
        %dma_wait3A_887 = arith.constant 0 : i32
        %dma_wait3A_888 = arith.constant 0 : i32
        %dma_wait3A_889 = tpu.memref_slice %arg11[%run_scoped3A_874, %dma_wait3A_887, %dma_wait3A_888] : memref<2x64x128xf32, #tpu.memory_space<vmem>> -> memref<1x64x128xf32, #tpu.memory_space<vmem>>
        %dma_wait3A_890 = tpu.memref_squeeze %dma_wait3A_889 : memref<1x64x128xf32, #tpu.memory_space<vmem>> -> memref<64x128xf32, #tpu.memory_space<vmem>>
        %dma_wait3A_891 = arith.constant 0 : i32
        %dma_wait3A_892 = tpu.memref_slice %arg10[%add3A_849, %dma_wait3A_891] : memref<157x64xi32, #tpu.memory_space<vmem>> -> memref<1x64xi32, #tpu.memory_space<vmem>>
        %dma_wait3A_893 = tpu.memref_squeeze %dma_wait3A_892 : memref<1x64xi32, #tpu.memory_space<vmem>> -> memref<64xi32, #tpu.memory_space<vmem>>
        %dma_wait3A_894 = arith.constant 0 : i32
        %dma_wait3A_895 = arith.constant 0 : i32
        %dma_wait3A_896 = tpu.memref_slice %arg7[%dma_wait3A_894, %dma_wait3A_895] : memref<10240x128xf32, #tpu.memory_space<vmem_shared>> -> memref<10240x128xf32, #tpu.memory_space<vmem_shared>>
        tpu.wait_indirect_dma semaphore(%run_scoped3A_876 : memref<!tpu.dma_semaphore, #tpu.memory_space<semaphore_mem>>) src(%dma_wait3A_890 : memref<64x128xf32, #tpu.memory_space<vmem>>) dst(%dma_wait3A_896 : memref<10240x128xf32, #tpu.memory_space<vmem_shared>>)
        tpu.yield
      }) : () -> ()
      "tpu.region"() ({
        %run_scoped3A_876 = tpu.sem_alloc : memref<!tpu.dma_semaphore, #tpu.memory_space<semaphore_mem>>
        %dma_start3A_877 = arith.constant 0 : i32
        %dma_start3A_878 = tpu.memref_slice %arg10[%add3A_849, %dma_start3A_877] : memref<157x64xi32, #tpu.memory_space<vmem>> -> memref<1x64xi32, #tpu.memory_space<vmem>>
        %dma_start3A_879 = tpu.memref_squeeze %dma_start3A_878 : memref<1x64xi32, #tpu.memory_space<vmem>> -> memref<64xi32, #tpu.memory_space<vmem>>
        %dma_start3A_880 = arith.constant 0 : i32
        %dma_start3A_881 = arith.constant 0 : i32
        %dma_start3A_882 = tpu.memref_slice %arg8[%dma_start3A_880, %dma_start3A_881] : memref<10240x16xf32, #tpu.memory_space<vmem_shared>> -> memref<10240x16xf32, #tpu.memory_space<vmem_shared>>
        tpu.enqueue_indirect_dma source(%arg12 : memref<64x16xf32, #tpu.memory_space<vmem>>) target(%dma_start3A_882 : memref<10240x16xf32, #tpu.memory_space<vmem_shared>>) offsets(%dma_start3A_879 : memref<64xi32, #tpu.memory_space<vmem>>) semaphore(%run_scoped3A_876 : memref<!tpu.dma_semaphore, #tpu.memory_space<semaphore_mem>>) {add = true}
        %dma_wait3A_883 = arith.constant 0 : i32
        %dma_wait3A_884 = tpu.memref_slice %arg10[%add3A_849, %dma_wait3A_883] : memref<157x64xi32, #tpu.memory_space<vmem>> -> memref<1x64xi32, #tpu.memory_space<vmem>>
        %dma_wait3A_885 = tpu.memref_squeeze %dma_wait3A_884 : memref<1x64xi32, #tpu.memory_space<vmem>> -> memref<64xi32, #tpu.memory_space<vmem>>
        %dma_wait3A_886 = arith.constant 0 : i32
        %dma_wait3A_887 = arith.constant 0 : i32
        %dma_wait3A_888 = tpu.memref_slice %arg8[%dma_wait3A_886, %dma_wait3A_887] : memref<10240x16xf32, #tpu.memory_space<vmem_shared>> -> memref<10240x16xf32, #tpu.memory_space<vmem_shared>>
        tpu.wait_indirect_dma semaphore(%run_scoped3A_876 : memref<!tpu.dma_semaphore, #tpu.memory_space<semaphore_mem>>) src(%arg12 : memref<64x16xf32, #tpu.memory_space<vmem>>) dst(%dma_wait3A_888 : memref<10240x16xf32, #tpu.memory_space<vmem_shared>>)
        tpu.yield
      }) : () -> ()
      %scan3A_875 = arith.constant 0 : i32
      scf.yield %scan3A_875 : i32
    }
    %scan3A_766 = arith.constant 77 : i32
    %dma_wait3A_767 = arith.constant 155 : i32
    %dma_wait3A_768 = arith.constant 1 : i32
    %dma_wait3A_769 = arith.constant 0 : i32
    %dma_wait3A_770 = arith.constant 0 : i32
    %dma_wait3A_771 = tpu.memref_slice %arg11[%dma_wait3A_768, %dma_wait3A_769, %dma_wait3A_770] : memref<2x64x128xf32, #tpu.memory_space<vmem>> -> memref<1x64x128xf32, #tpu.memory_space<vmem>>
    %dma_wait3A_772 = tpu.memref_squeeze %dma_wait3A_771 : memref<1x64x128xf32, #tpu.memory_space<vmem>> -> memref<64x128xf32, #tpu.memory_space<vmem>>
    %dma_wait3A_773 = arith.constant 0 : i32
    %dma_wait3A_774 = tpu.memref_slice %arg9[%dma_wait3A_767, %dma_wait3A_773] : memref<157x64xi32, #tpu.memory_space<vmem>> -> memref<1x64xi32, #tpu.memory_space<vmem>>
    %dma_wait3A_775 = tpu.memref_squeeze %dma_wait3A_774 : memref<1x64xi32, #tpu.memory_space<vmem>> -> memref<64xi32, #tpu.memory_space<vmem>>
    %dma_wait3A_776 = arith.constant 0 : i32
    %dma_wait3A_777 = arith.constant 0 : i32
    %dma_wait3A_778 = tpu.memref_slice %arg2[%dma_wait3A_776, %dma_wait3A_777] : memref<10000x128xf32, #tpu.memory_space<hbm>> -> memref<10000x128xf32, #tpu.memory_space<hbm>>
    tpu.wait_indirect_dma semaphore(%arg15 : memref<!tpu.dma_semaphore, #tpu.memory_space<semaphore_mem>>) src(%dma_wait3A_778 : memref<10000x128xf32, #tpu.memory_space<hbm>>) dst(%dma_wait3A_772 : memref<64x128xf32, #tpu.memory_space<vmem>>)
    %dma_start3A_779 = arith.constant 156 : i32
    %dma_start3A_780 = arith.constant 0 : i32
    %dma_start3A_781 = arith.constant 0 : i32
    %dma_start3A_782 = arith.constant 0 : i32
    %dma_start3A_783 = tpu.memref_slice %arg11[%dma_start3A_780, %dma_start3A_781, %dma_start3A_782] : memref<2x64x128xf32, #tpu.memory_space<vmem>> -> memref<1x64x128xf32, #tpu.memory_space<vmem>>
    %dma_start3A_784 = tpu.memref_squeeze %dma_start3A_783 : memref<1x64x128xf32, #tpu.memory_space<vmem>> -> memref<64x128xf32, #tpu.memory_space<vmem>>
    %dma_start3A_785 = arith.constant 0 : i32
    %dma_start3A_786 = tpu.memref_slice %arg9[%dma_start3A_779, %dma_start3A_785] : memref<157x64xi32, #tpu.memory_space<vmem>> -> memref<1x64xi32, #tpu.memory_space<vmem>>
    %dma_start3A_787 = tpu.memref_squeeze %dma_start3A_786 : memref<1x64xi32, #tpu.memory_space<vmem>> -> memref<64xi32, #tpu.memory_space<vmem>>
    %dma_start3A_788 = arith.constant 0 : i32
    %dma_start3A_789 = arith.constant 0 : i32
    %dma_start3A_790 = tpu.memref_slice %arg2[%dma_start3A_788, %dma_start3A_789] : memref<10000x128xf32, #tpu.memory_space<hbm>> -> memref<10000x128xf32, #tpu.memory_space<hbm>>
    tpu.enqueue_indirect_dma source(%dma_start3A_790 : memref<10000x128xf32, #tpu.memory_space<hbm>>) target(%dma_start3A_784 : memref<64x128xf32, #tpu.memory_space<vmem>>) offsets(%dma_start3A_787 : memref<64xi32, #tpu.memory_space<vmem>>) semaphore(%arg14 : memref<!tpu.dma_semaphore, #tpu.memory_space<semaphore_mem>>)
    %run_scoped3A_791 = arith.constant 1 : i32
    %run_scoped3A_792 = arith.constant 155 : i32
    "tpu.region"() ({
      %run_scoped3A_817 = tpu.sem_alloc : memref<!tpu.dma_semaphore, #tpu.memory_space<semaphore_mem>>
      %dma_start3A_818 = arith.constant 0 : i32
      %dma_start3A_819 = arith.constant 0 : i32
      %dma_start3A_820 = tpu.memref_slice %arg11[%run_scoped3A_791, %dma_start3A_818, %dma_start3A_819] : memref<2x64x128xf32, #tpu.memory_space<vmem>> -> memref<1x64x128xf32, #tpu.memory_space<vmem>>
      %dma_start3A_821 = tpu.memref_squeeze %dma_start3A_820 : memref<1x64x128xf32, #tpu.memory_space<vmem>> -> memref<64x128xf32, #tpu.memory_space<vmem>>
      %dma_start3A_822 = arith.constant 0 : i32
      %dma_start3A_823 = tpu.memref_slice %arg10[%run_scoped3A_792, %dma_start3A_822] : memref<157x64xi32, #tpu.memory_space<vmem>> -> memref<1x64xi32, #tpu.memory_space<vmem>>
      %dma_start3A_824 = tpu.memref_squeeze %dma_start3A_823 : memref<1x64xi32, #tpu.memory_space<vmem>> -> memref<64xi32, #tpu.memory_space<vmem>>
      %dma_start3A_825 = arith.constant 0 : i32
      %dma_start3A_826 = arith.constant 0 : i32
      %dma_start3A_827 = tpu.memref_slice %arg7[%dma_start3A_825, %dma_start3A_826] : memref<10240x128xf32, #tpu.memory_space<vmem_shared>> -> memref<10240x128xf32, #tpu.memory_space<vmem_shared>>
      tpu.enqueue_indirect_dma source(%dma_start3A_821 : memref<64x128xf32, #tpu.memory_space<vmem>>) target(%dma_start3A_827 : memref<10240x128xf32, #tpu.memory_space<vmem_shared>>) offsets(%dma_start3A_824 : memref<64xi32, #tpu.memory_space<vmem>>) semaphore(%run_scoped3A_817 : memref<!tpu.dma_semaphore, #tpu.memory_space<semaphore_mem>>) {add = true}
      %dma_wait3A_828 = arith.constant 0 : i32
      %dma_wait3A_829 = arith.constant 0 : i32
      %dma_wait3A_830 = tpu.memref_slice %arg11[%run_scoped3A_791, %dma_wait3A_828, %dma_wait3A_829] : memref<2x64x128xf32, #tpu.memory_space<vmem>> -> memref<1x64x128xf32, #tpu.memory_space<vmem>>
      %dma_wait3A_831 = tpu.memref_squeeze %dma_wait3A_830 : memref<1x64x128xf32, #tpu.memory_space<vmem>> -> memref<64x128xf32, #tpu.memory_space<vmem>>
      %dma_wait3A_832 = arith.constant 0 : i32
      %dma_wait3A_833 = tpu.memref_slice %arg10[%run_scoped3A_792, %dma_wait3A_832] : memref<157x64xi32, #tpu.memory_space<vmem>> -> memref<1x64xi32, #tpu.memory_space<vmem>>
      %dma_wait3A_834 = tpu.memref_squeeze %dma_wait3A_833 : memref<1x64xi32, #tpu.memory_space<vmem>> -> memref<64xi32, #tpu.memory_space<vmem>>
      %dma_wait3A_835 = arith.constant 0 : i32
      %dma_wait3A_836 = arith.constant 0 : i32
      %dma_wait3A_837 = tpu.memref_slice %arg7[%dma_wait3A_835, %dma_wait3A_836] : memref<10240x128xf32, #tpu.memory_space<vmem_shared>> -> memref<10240x128xf32, #tpu.memory_space<vmem_shared>>
      tpu.wait_indirect_dma semaphore(%run_scoped3A_817 : memref<!tpu.dma_semaphore, #tpu.memory_space<semaphore_mem>>) src(%dma_wait3A_831 : memref<64x128xf32, #tpu.memory_space<vmem>>) dst(%dma_wait3A_837 : memref<10240x128xf32, #tpu.memory_space<vmem_shared>>)
      tpu.yield
    }) : () -> ()
    %run_scoped3A_793 = arith.constant 155 : i32
    "tpu.region"() ({
      %run_scoped3A_817 = tpu.sem_alloc : memref<!tpu.dma_semaphore, #tpu.memory_space<semaphore_mem>>
      %dma_start3A_818 = arith.constant 0 : i32
      %dma_start3A_819 = tpu.memref_slice %arg10[%run_scoped3A_793, %dma_start3A_818] : memref<157x64xi32, #tpu.memory_space<vmem>> -> memref<1x64xi32, #tpu.memory_space<vmem>>
      %dma_start3A_820 = tpu.memref_squeeze %dma_start3A_819 : memref<1x64xi32, #tpu.memory_space<vmem>> -> memref<64xi32, #tpu.memory_space<vmem>>
      %dma_start3A_821 = arith.constant 0 : i32
      %dma_start3A_822 = arith.constant 0 : i32
      %dma_start3A_823 = tpu.memref_slice %arg8[%dma_start3A_821, %dma_start3A_822] : memref<10240x16xf32, #tpu.memory_space<vmem_shared>> -> memref<10240x16xf32, #tpu.memory_space<vmem_shared>>
      tpu.enqueue_indirect_dma source(%arg12 : memref<64x16xf32, #tpu.memory_space<vmem>>) target(%dma_start3A_823 : memref<10240x16xf32, #tpu.memory_space<vmem_shared>>) offsets(%dma_start3A_820 : memref<64xi32, #tpu.memory_space<vmem>>) semaphore(%run_scoped3A_817 : memref<!tpu.dma_semaphore, #tpu.memory_space<semaphore_mem>>) {add = true}
      %dma_wait3A_824 = arith.constant 0 : i32
      %dma_wait3A_825 = tpu.memref_slice %arg10[%run_scoped3A_793, %dma_wait3A_824] : memref<157x64xi32, #tpu.memory_space<vmem>> -> memref<1x64xi32, #tpu.memory_space<vmem>>
      %dma_wait3A_826 = tpu.memref_squeeze %dma_wait3A_825 : memref<1x64xi32, #tpu.memory_space<vmem>> -> memref<64xi32, #tpu.memory_space<vmem>>
      %dma_wait3A_827 = arith.constant 0 : i32
      %dma_wait3A_828 = arith.constant 0 : i32
      %dma_wait3A_829 = tpu.memref_slice %arg8[%dma_wait3A_827, %dma_wait3A_828] : memref<10240x16xf32, #tpu.memory_space<vmem_shared>> -> memref<10240x16xf32, #tpu.memory_space<vmem_shared>>
      tpu.wait_indirect_dma semaphore(%run_scoped3A_817 : memref<!tpu.dma_semaphore, #tpu.memory_space<semaphore_mem>>) src(%arg12 : memref<64x16xf32, #tpu.memory_space<vmem>>) dst(%dma_wait3A_829 : memref<10240x16xf32, #tpu.memory_space<vmem_shared>>)
      tpu.yield
    }) : () -> ()
    %dma_wait3A_794 = arith.constant 156 : i32
    %dma_wait3A_795 = arith.constant 0 : i32
    %dma_wait3A_796 = arith.constant 0 : i32
    %dma_wait3A_797 = arith.constant 0 : i32
    %dma_wait3A_798 = tpu.memref_slice %arg11[%dma_wait3A_795, %dma_wait3A_796, %dma_wait3A_797] : memref<2x64x128xf32, #tpu.memory_space<vmem>> -> memref<1x64x128xf32, #tpu.memory_space<vmem>>
    %dma_wait3A_799 = tpu.memref_squeeze %dma_wait3A_798 : memref<1x64x128xf32, #tpu.memory_space<vmem>> -> memref<64x128xf32, #tpu.memory_space<vmem>>
    %dma_wait3A_800 = arith.constant 0 : i32
    %dma_wait3A_801 = tpu.memref_slice %arg9[%dma_wait3A_794, %dma_wait3A_800] : memref<157x64xi32, #tpu.memory_space<vmem>> -> memref<1x64xi32, #tpu.memory_space<vmem>>
    %dma_wait3A_802 = tpu.memref_squeeze %dma_wait3A_801 : memref<1x64xi32, #tpu.memory_space<vmem>> -> memref<64xi32, #tpu.memory_space<vmem>>
    %dma_wait3A_803 = arith.constant 0 : i32
    %dma_wait3A_804 = arith.constant 0 : i32
    %dma_wait3A_805 = tpu.memref_slice %arg2[%dma_wait3A_803, %dma_wait3A_804] : memref<10000x128xf32, #tpu.memory_space<hbm>> -> memref<10000x128xf32, #tpu.memory_space<hbm>>
    tpu.wait_indirect_dma semaphore(%arg14 : memref<!tpu.dma_semaphore, #tpu.memory_space<semaphore_mem>>) src(%dma_wait3A_805 : memref<10000x128xf32, #tpu.memory_space<hbm>>) dst(%dma_wait3A_799 : memref<64x128xf32, #tpu.memory_space<vmem>>)
    %run_scoped3A_806 = arith.constant 0 : i32
    %run_scoped3A_807 = arith.constant 156 : i32
    "tpu.region"() ({
      %run_scoped3A_817 = tpu.sem_alloc : memref<!tpu.dma_semaphore, #tpu.memory_space<semaphore_mem>>
      %dma_start3A_818 = arith.constant 0 : i32
      %dma_start3A_819 = arith.constant 0 : i32
      %dma_start3A_820 = tpu.memref_slice %arg11[%run_scoped3A_806, %dma_start3A_818, %dma_start3A_819] : memref<2x64x128xf32, #tpu.memory_space<vmem>> -> memref<1x64x128xf32, #tpu.memory_space<vmem>>
      %dma_start3A_821 = tpu.memref_squeeze %dma_start3A_820 : memref<1x64x128xf32, #tpu.memory_space<vmem>> -> memref<64x128xf32, #tpu.memory_space<vmem>>
      %dma_start3A_822 = arith.constant 0 : i32
      %dma_start3A_823 = tpu.memref_slice %arg10[%run_scoped3A_807, %dma_start3A_822] : memref<157x64xi32, #tpu.memory_space<vmem>> -> memref<1x64xi32, #tpu.memory_space<vmem>>
      %dma_start3A_824 = tpu.memref_squeeze %dma_start3A_823 : memref<1x64xi32, #tpu.memory_space<vmem>> -> memref<64xi32, #tpu.memory_space<vmem>>
      %dma_start3A_825 = arith.constant 0 : i32
      %dma_start3A_826 = arith.constant 0 : i32
      %dma_start3A_827 = tpu.memref_slice %arg7[%dma_start3A_825, %dma_start3A_826] : memref<10240x128xf32, #tpu.memory_space<vmem_shared>> -> memref<10240x128xf32, #tpu.memory_space<vmem_shared>>
      tpu.enqueue_indirect_dma source(%dma_start3A_821 : memref<64x128xf32, #tpu.memory_space<vmem>>) target(%dma_start3A_827 : memref<10240x128xf32, #tpu.memory_space<vmem_shared>>) offsets(%dma_start3A_824 : memref<64xi32, #tpu.memory_space<vmem>>) semaphore(%run_scoped3A_817 : memref<!tpu.dma_semaphore, #tpu.memory_space<semaphore_mem>>) {add = true}
      %dma_wait3A_828 = arith.constant 0 : i32
      %dma_wait3A_829 = arith.constant 0 : i32
      %dma_wait3A_830 = tpu.memref_slice %arg11[%run_scoped3A_806, %dma_wait3A_828, %dma_wait3A_829] : memref<2x64x128xf32, #tpu.memory_space<vmem>> -> memref<1x64x128xf32, #tpu.memory_space<vmem>>
      %dma_wait3A_831 = tpu.memref_squeeze %dma_wait3A_830 : memref<1x64x128xf32, #tpu.memory_space<vmem>> -> memref<64x128xf32, #tpu.memory_space<vmem>>
      %dma_wait3A_832 = arith.constant 0 : i32
      %dma_wait3A_833 = tpu.memref_slice %arg10[%run_scoped3A_807, %dma_wait3A_832] : memref<157x64xi32, #tpu.memory_space<vmem>> -> memref<1x64xi32, #tpu.memory_space<vmem>>
      %dma_wait3A_834 = tpu.memref_squeeze %dma_wait3A_833 : memref<1x64xi32, #tpu.memory_space<vmem>> -> memref<64xi32, #tpu.memory_space<vmem>>
      %dma_wait3A_835 = arith.constant 0 : i32
      %dma_wait3A_836 = arith.constant 0 : i32
      %dma_wait3A_837 = tpu.memref_slice %arg7[%dma_wait3A_835, %dma_wait3A_836] : memref<10240x128xf32, #tpu.memory_space<vmem_shared>> -> memref<10240x128xf32, #tpu.memory_space<vmem_shared>>
      tpu.wait_indirect_dma semaphore(%run_scoped3A_817 : memref<!tpu.dma_semaphore, #tpu.memory_space<semaphore_mem>>) src(%dma_wait3A_831 : memref<64x128xf32, #tpu.memory_space<vmem>>) dst(%dma_wait3A_837 : memref<10240x128xf32, #tpu.memory_space<vmem_shared>>)
      tpu.yield
    }) : () -> ()
    %run_scoped3A_808 = arith.constant 156 : i32
    "tpu.region"() ({
      %run_scoped3A_817 = tpu.sem_alloc : memref<!tpu.dma_semaphore, #tpu.memory_space<semaphore_mem>>
      %dma_start3A_818 = arith.constant 0 : i32
      %dma_start3A_819 = tpu.memref_slice %arg10[%run_scoped3A_808, %dma_start3A_818] : memref<157x64xi32, #tpu.memory_space<vmem>> -> memref<1x64xi32, #tpu.memory_space<vmem>>
      %dma_start3A_820 = tpu.memref_squeeze %dma_start3A_819 : memref<1x64xi32, #tpu.memory_space<vmem>> -> memref<64xi32, #tpu.memory_space<vmem>>
      %dma_start3A_821 = arith.constant 0 : i32
      %dma_start3A_822 = arith.constant 0 : i32
      %dma_start3A_823 = tpu.memref_slice %arg8[%dma_start3A_821, %dma_start3A_822] : memref<10240x16xf32, #tpu.memory_space<vmem_shared>> -> memref<10240x16xf32, #tpu.memory_space<vmem_shared>>
      tpu.enqueue_indirect_dma source(%arg12 : memref<64x16xf32, #tpu.memory_space<vmem>>) target(%dma_start3A_823 : memref<10240x16xf32, #tpu.memory_space<vmem_shared>>) offsets(%dma_start3A_820 : memref<64xi32, #tpu.memory_space<vmem>>) semaphore(%run_scoped3A_817 : memref<!tpu.dma_semaphore, #tpu.memory_space<semaphore_mem>>) {add = true}
      %dma_wait3A_824 = arith.constant 0 : i32
      %dma_wait3A_825 = tpu.memref_slice %arg10[%run_scoped3A_808, %dma_wait3A_824] : memref<157x64xi32, #tpu.memory_space<vmem>> -> memref<1x64xi32, #tpu.memory_space<vmem>>
      %dma_wait3A_826 = tpu.memref_squeeze %dma_wait3A_825 : memref<1x64xi32, #tpu.memory_space<vmem>> -> memref<64xi32, #tpu.memory_space<vmem>>
      %dma_wait3A_827 = arith.constant 0 : i32
      %dma_wait3A_828 = arith.constant 0 : i32
      %dma_wait3A_829 = tpu.memref_slice %arg8[%dma_wait3A_827, %dma_wait3A_828] : memref<10240x16xf32, #tpu.memory_space<vmem_shared>> -> memref<10240x16xf32, #tpu.memory_space<vmem_shared>>
      tpu.wait_indirect_dma semaphore(%run_scoped3A_817 : memref<!tpu.dma_semaphore, #tpu.memory_space<semaphore_mem>>) src(%arg12 : memref<64x16xf32, #tpu.memory_space<vmem>>) dst(%dma_wait3A_829 : memref<10240x16xf32, #tpu.memory_space<vmem_shared>>)
      tpu.yield
    }) : () -> ()
    %barrier3A_809 = arith.constant 0 : index
    tpu.barrier barrier_id(%barrier3A_809)
    %lt3A = arith.constant 15 : i32
    %lt3A_810 = arith.cmpi slt, %arg1, %lt3A : i32
    %convert_element_type3A = arith.extui %lt3A_810 : i1 to i32
    %cond3A = arith.constant 0 : i32
    %cond3A_811 = arith.cmpi ne, %convert_element_type3A, %cond3A : i32
    scf.if %cond3A_811 {
      %mul3A_817 = arith.constant 640 : i32
      %mul3A_818 = arith.muli %arg1, %mul3A_817 : i32
      %mul3A_819 = arith.constant 640 : i32
      %mul3A_820 = arith.muli %arg1, %mul3A_819 : i32
      %dma_start3A_821 = arith.constant 0 : i32
      %dma_start3A_822 = tpu.memref_slice %arg5[%arg0, %mul3A_820, %dma_start3A_821] : memref<2x10000x128xf32, #tpu.memory_space<hbm>> -> memref<1x640x128xf32, #tpu.memory_space<hbm>>
      %dma_start3A_823 = tpu.memref_squeeze %dma_start3A_822 : memref<1x640x128xf32, #tpu.memory_space<hbm>> -> memref<640x128xf32, #tpu.memory_space<hbm>>
      %dma_start3A_824 = arith.constant 0 : i32
      %dma_start3A_825 = tpu.memref_slice %arg7[%mul3A_818, %dma_start3A_824] : memref<10240x128xf32, #tpu.memory_space<vmem_shared>> -> memref<640x128xf32, #tpu.memory_space<vmem_shared>>
      tpu.enqueue_dma source(%dma_start3A_825 : memref<640x128xf32, #tpu.memory_space<vmem_shared>>) target(%dma_start3A_823 : memref<640x128xf32, #tpu.memory_space<hbm>>) target_semaphore(%arg14 : memref<!tpu.dma_semaphore, #tpu.memory_space<semaphore_mem>>)
      %mul3A_826 = arith.constant 640 : i32
      %mul3A_827 = arith.muli %arg1, %mul3A_826 : i32
      %mul3A_828 = arith.constant 640 : i32
      %mul3A_829 = arith.muli %arg1, %mul3A_828 : i32
      %dma_start3A_830 = arith.constant 0 : i32
      %dma_start3A_831 = tpu.memref_slice %arg6[%arg0, %mul3A_829, %dma_start3A_830] : memref<2x10000x16xf32, #tpu.memory_space<hbm>> -> memref<1x640x16xf32, #tpu.memory_space<hbm>>
      %dma_start3A_832 = tpu.memref_squeeze %dma_start3A_831 : memref<1x640x16xf32, #tpu.memory_space<hbm>> -> memref<640x16xf32, #tpu.memory_space<hbm>>
      %dma_start3A_833 = arith.constant 0 : i32
      %dma_start3A_834 = tpu.memref_slice %arg8[%mul3A_827, %dma_start3A_833] : memref<10240x16xf32, #tpu.memory_space<vmem_shared>> -> memref<640x16xf32, #tpu.memory_space<vmem_shared>>
      tpu.enqueue_dma source(%dma_start3A_834 : memref<640x16xf32, #tpu.memory_space<vmem_shared>>) target(%dma_start3A_832 : memref<640x16xf32, #tpu.memory_space<hbm>>) target_semaphore(%arg15 : memref<!tpu.dma_semaphore, #tpu.memory_space<semaphore_mem>>)
      %dma_wait3A_835 = arith.constant 0 : i32
      %dma_wait3A_836 = tpu.memref_slice %arg5[%arg0, %mul3A_820, %dma_wait3A_835] : memref<2x10000x128xf32, #tpu.memory_space<hbm>> -> memref<1x640x128xf32, #tpu.memory_space<hbm>>
      %dma_wait3A_837 = tpu.memref_squeeze %dma_wait3A_836 : memref<1x640x128xf32, #tpu.memory_space<hbm>> -> memref<640x128xf32, #tpu.memory_space<hbm>>
      %dma_wait3A_838 = arith.constant 0 : i32
      %dma_wait3A_839 = tpu.memref_slice %arg7[%mul3A_818, %dma_wait3A_838] : memref<10240x128xf32, #tpu.memory_space<vmem_shared>> -> memref<640x128xf32, #tpu.memory_space<vmem_shared>>
      tpu.wait_dma2 semaphore(%arg14 : memref<!tpu.dma_semaphore, #tpu.memory_space<semaphore_mem>>) src(%dma_wait3A_839 : memref<640x128xf32, #tpu.memory_space<vmem_shared>>) dst(%dma_wait3A_837 : memref<640x128xf32, #tpu.memory_space<hbm>>)
      %dma_wait3A_840 = arith.constant 0 : i32
      %dma_wait3A_841 = tpu.memref_slice %arg6[%arg0, %mul3A_829, %dma_wait3A_840] : memref<2x10000x16xf32, #tpu.memory_space<hbm>> -> memref<1x640x16xf32, #tpu.memory_space<hbm>>
      %dma_wait3A_842 = tpu.memref_squeeze %dma_wait3A_841 : memref<1x640x16xf32, #tpu.memory_space<hbm>> -> memref<640x16xf32, #tpu.memory_space<hbm>>
      %dma_wait3A_843 = arith.constant 0 : i32
      %dma_wait3A_844 = tpu.memref_slice %arg8[%mul3A_827, %dma_wait3A_843] : memref<10240x16xf32, #tpu.memory_space<vmem_shared>> -> memref<640x16xf32, #tpu.memory_space<vmem_shared>>
      tpu.wait_dma2 semaphore(%arg15 : memref<!tpu.dma_semaphore, #tpu.memory_space<semaphore_mem>>) src(%dma_wait3A_844 : memref<640x16xf32, #tpu.memory_space<vmem_shared>>) dst(%dma_wait3A_842 : memref<640x16xf32, #tpu.memory_space<hbm>>)
    } else {
    }
    %eq3A_812 = arith.constant 15 : i32
    %eq3A_813 = arith.cmpi eq, %arg1, %eq3A_812 : i32
    %convert_element_type3A_814 = arith.extui %eq3A_813 : i1 to i32
    %cond3A_815 = arith.constant 0 : i32
    %cond3A_816 = arith.cmpi ne, %convert_element_type3A_814, %cond3A_815 : i32
    scf.if %cond3A_816 {
      %dma_start3A_817 = arith.constant 9600 : i32
      %dma_start3A_818 = arith.constant 0 : i32
      %dma_start3A_819 = tpu.memref_slice %arg5[%arg0, %dma_start3A_817, %dma_start3A_818] : memref<2x10000x128xf32, #tpu.memory_space<hbm>> -> memref<1x400x128xf32, #tpu.memory_space<hbm>>
      %dma_start3A_820 = tpu.memref_squeeze %dma_start3A_819 : memref<1x400x128xf32, #tpu.memory_space<hbm>> -> memref<400x128xf32, #tpu.memory_space<hbm>>
      %dma_start3A_821 = arith.constant 9600 : i32
      %dma_start3A_822 = arith.constant 0 : i32
      %dma_start3A_823 = tpu.memref_slice %arg7[%dma_start3A_821, %dma_start3A_822] : memref<10240x128xf32, #tpu.memory_space<vmem_shared>> -> memref<400x128xf32, #tpu.memory_space<vmem_shared>>
      tpu.enqueue_dma source(%dma_start3A_823 : memref<400x128xf32, #tpu.memory_space<vmem_shared>>) target(%dma_start3A_820 : memref<400x128xf32, #tpu.memory_space<hbm>>) target_semaphore(%arg14 : memref<!tpu.dma_semaphore, #tpu.memory_space<semaphore_mem>>)
      %dma_start3A_824 = arith.constant 9600 : i32
      %dma_start3A_825 = arith.constant 0 : i32
      %dma_start3A_826 = tpu.memref_slice %arg6[%arg0, %dma_start3A_824, %dma_start3A_825] : memref<2x10000x16xf32, #tpu.memory_space<hbm>> -> memref<1x400x16xf32, #tpu.memory_space<hbm>>
      %dma_start3A_827 = tpu.memref_squeeze %dma_start3A_826 : memref<1x400x16xf32, #tpu.memory_space<hbm>> -> memref<400x16xf32, #tpu.memory_space<hbm>>
      %dma_start3A_828 = arith.constant 9600 : i32
      %dma_start3A_829 = arith.constant 0 : i32
      %dma_start3A_830 = tpu.memref_slice %arg8[%dma_start3A_828, %dma_start3A_829] : memref<10240x16xf32, #tpu.memory_space<vmem_shared>> -> memref<400x16xf32, #tpu.memory_space<vmem_shared>>
      tpu.enqueue_dma source(%dma_start3A_830 : memref<400x16xf32, #tpu.memory_space<vmem_shared>>) target(%dma_start3A_827 : memref<400x16xf32, #tpu.memory_space<hbm>>) target_semaphore(%arg15 : memref<!tpu.dma_semaphore, #tpu.memory_space<semaphore_mem>>)
      %dma_wait3A_831 = arith.constant 9600 : i32
      %dma_wait3A_832 = arith.constant 0 : i32
      %dma_wait3A_833 = tpu.memref_slice %arg5[%arg0, %dma_wait3A_831, %dma_wait3A_832] : memref<2x10000x128xf32, #tpu.memory_space<hbm>> -> memref<1x400x128xf32, #tpu.memory_space<hbm>>
      %dma_wait3A_834 = tpu.memref_squeeze %dma_wait3A_833 : memref<1x400x128xf32, #tpu.memory_space<hbm>> -> memref<400x128xf32, #tpu.memory_space<hbm>>
      %dma_wait3A_835 = arith.constant 9600 : i32
      %dma_wait3A_836 = arith.constant 0 : i32
      %dma_wait3A_837 = tpu.memref_slice %arg7[%dma_wait3A_835, %dma_wait3A_836] : memref<10240x128xf32, #tpu.memory_space<vmem_shared>> -> memref<400x128xf32, #tpu.memory_space<vmem_shared>>
      tpu.wait_dma2 semaphore(%arg14 : memref<!tpu.dma_semaphore, #tpu.memory_space<semaphore_mem>>) src(%dma_wait3A_837 : memref<400x128xf32, #tpu.memory_space<vmem_shared>>) dst(%dma_wait3A_834 : memref<400x128xf32, #tpu.memory_space<hbm>>)
      %dma_wait3A_838 = arith.constant 9600 : i32
      %dma_wait3A_839 = arith.constant 0 : i32
      %dma_wait3A_840 = tpu.memref_slice %arg6[%arg0, %dma_wait3A_838, %dma_wait3A_839] : memref<2x10000x16xf32, #tpu.memory_space<hbm>> -> memref<1x400x16xf32, #tpu.memory_space<hbm>>
      %dma_wait3A_841 = tpu.memref_squeeze %dma_wait3A_840 : memref<1x400x16xf32, #tpu.memory_space<hbm>> -> memref<400x16xf32, #tpu.memory_space<hbm>>
      %dma_wait3A_842 = arith.constant 9600 : i32
      %dma_wait3A_843 = arith.constant 0 : i32
      %dma_wait3A_844 = tpu.memref_slice %arg8[%dma_wait3A_842, %dma_wait3A_843] : memref<10240x16xf32, #tpu.memory_space<vmem_shared>> -> memref<400x16xf32, #tpu.memory_space<vmem_shared>>
      tpu.wait_dma2 semaphore(%arg15 : memref<!tpu.dma_semaphore, #tpu.memory_space<semaphore_mem>>) src(%dma_wait3A_844 : memref<400x16xf32, #tpu.memory_space<vmem_shared>>) dst(%dma_wait3A_841 : memref<400x16xf32, #tpu.memory_space<hbm>>)
    } else {
    }
    return
  }
}

#map = affine_map<(d0, d1) -> (0, 0)>
#map1 = affine_map<(d0, d1) -> (0, 0, 0)>
module attributes {stable_mosaic.version = 14 : i64} {
  func.func @_sc_agg_body(%arg0: i32, %arg1: i32, %arg2: memref<10000x128xf32, #tpu.memory_space<hbm>>, %arg3: memref<32x157x64xi32, #tpu.memory_space<hbm>>, %arg4: memref<32x157x64xi32, #tpu.memory_space<hbm>>, %arg5: memref<2x10000x128xf32, #tpu.memory_space<hbm>>, %arg6: memref<2x10000x16xf32, #tpu.memory_space<hbm>>, %arg7: memref<10240x128xf32, #tpu.memory_space<vmem_shared>>, %arg8: memref<10240x16xf32, #tpu.memory_space<vmem_shared>>, %arg9: memref<157x64xi32, #tpu.memory_space<vmem>>, %arg10: memref<157x64xi32, #tpu.memory_space<vmem>>, %arg11: memref<2x64x128xf32, #tpu.memory_space<vmem>>, %arg12: memref<64x16xf32, #tpu.memory_space<vmem>>, %arg13: memref<40x16xf32, #tpu.memory_space<vmem>>, %arg14: memref<!tpu.dma_semaphore, #tpu.memory_space<semaphore_mem>>, %arg15: memref<!tpu.dma_semaphore, #tpu.memory_space<semaphore_mem>>, %arg16: memref<!tpu.dma_semaphore, #tpu.memory_space<semaphore_mem>>, %arg17: memref<!tpu.dma_semaphore, #tpu.memory_space<semaphore_mem>>) attributes {dimension_semantics = [#tpu.dimension_semantics<core_parallel>, #tpu.dimension_semantics<subcore_parallel>], iteration_bounds = array<i64: 2, 16>, scalar_prefetch = 0 : i64, scratch_operands = 11 : i64, tpu.core_type = #tpu.core_type<sc_vector_subcore>, window_params = [{transform_indices = #map}, {transform_indices = #map1}, {transform_indices = #map1}, {transform_indices = #map1}, {transform_indices = #map1}]} {
    %mul3A = arith.constant 2 : i32
    %mul3A_0 = arith.muli %arg1, %mul3A : i32
    %add3A = arith.addi %mul3A_0, %arg0 : i32
    %broadcast_in_dim3A = arith.constant 0.000000e+00 : f32
    %broadcast_in_dim3A_1 = vector.broadcast %broadcast_in_dim3A : f32 to vector<16xf32>
    %iota3A = tpu.iota {dimensions = array<i32: 0>} : vector<16xi32>
    %eq3A = arith.constant 0 : i32
    %eq3A_2 = vector.broadcast %eq3A : i32 to vector<16xi32>
    %eq3A_3 = arith.cmpi eq, %iota3A, %eq3A_2 : vector<16xi32>
    %jit3A = arith.constant 1.000000e+00 : f32
    %jit3A_4 = arith.constant 0.000000e+00 : f32
    %broadcast_in_dim3A_5 = vector.broadcast %jit3A : f32 to vector<16xf32>
    %broadcast_in_dim3A_6 = vector.broadcast %jit3A_4 : f32 to vector<16xf32>
    %select_n3A = arith.select %eq3A_3, %broadcast_in_dim3A_5, %broadcast_in_dim3A_6 : vector<16xi1>, vector<16xf32>
    %scan3A = arith.constant 0 : i32
    %scan3A_7 = arith.constant 0 : i32
    %scan3A_8 = arith.constant 64 : i32
    %scan3A_9 = arith.addi %scan3A_7, %scan3A_8 : i32
    %scan3A_10 = arith.constant 1 : i32
    %scan3A_11 = scf.for %scan3A_817 = %scan3A_7 to %scan3A_9 step %scan3A_10 iter_args(%scan3A_818 = %scan3A) -> (i32)  : i32 {
      %swap3A = arith.constant 0 : i32
      %swap3A_819 = arith.index_cast %swap3A : i32 to index
      %swap3A_820 = arith.index_cast %scan3A_817 : i32 to index
      %swap3A_821 = arith.constant 0 : index
      %swap3A_822 = tpu.vector_load %arg11[%swap3A_819, %swap3A_820, %swap3A_821] {strides = array<i32>} : memref<2x64x128xf32, #tpu.memory_space<vmem>>, vector<1x1x16xf32>,
      %swap3A_823 = vector.shape_cast %swap3A_822 : vector<1x1x16xf32> to vector<16xf32>
      %swap3A_824 = vector.shape_cast %broadcast_in_dim3A_1 : vector<16xf32> to vector<1x1x16xf32>
      tpu.vector_store %arg11[%swap3A_819, %swap3A_820, %swap3A_821], %swap3A_824 {strides = array<i32>} : memref<2x64x128xf32, #tpu.memory_space<vmem>>, vector<1x1x16xf32>,
      %swap3A_825 = arith.constant 0 : i32
      %swap3A_826 = arith.index_cast %swap3A_825 : i32 to index
      %swap3A_827 = arith.index_cast %scan3A_817 : i32 to index
      %swap3A_828 = arith.constant 16 : index
      %swap3A_829 = tpu.vector_load %arg11[%swap3A_826, %swap3A_827, %swap3A_828] {strides = array<i32>} : memref<2x64x128xf32, #tpu.memory_space<vmem>>, vector<1x1x16xf32>,
      %swap3A_830 = vector.shape_cast %swap3A_829 : vector<1x1x16xf32> to vector<16xf32>
      %swap3A_831 = vector.shape_cast %broadcast_in_dim3A_1 : vector<16xf32> to vector<1x1x16xf32>
      tpu.vector_store %arg11[%swap3A_826, %swap3A_827, %swap3A_828], %swap3A_831 {strides = array<i32>} : memref<2x64x128xf32, #tpu.memory_space<vmem>>, vector<1x1x16xf32>,
      %swap3A_832 = arith.constant 0 : i32
      %swap3A_833 = arith.index_cast %swap3A_832 : i32 to index
      %swap3A_834 = arith.index_cast %scan3A_817 : i32 to index
      %swap3A_835 = arith.constant 32 : index
      %swap3A_836 = tpu.vector_load %arg11[%swap3A_833, %swap3A_834, %swap3A_835] {strides = array<i32>} : memref<2x64x128xf32, #tpu.memory_space<vmem>>, vector<1x1x16xf32>,
      %swap3A_837 = vector.shape_cast %swap3A_836 : vector<1x1x16xf32> to vector<16xf32>
      %swap3A_838 = vector.shape_cast %broadcast_in_dim3A_1 : vector<16xf32> to vector<1x1x16xf32>
      tpu.vector_store %arg11[%swap3A_833, %swap3A_834, %swap3A_835], %swap3A_838 {strides = array<i32>} : memref<2x64x128xf32, #tpu.memory_space<vmem>>, vector<1x1x16xf32>,
      %swap3A_839 = arith.constant 0 : i32
      %swap3A_840 = arith.index_cast %swap3A_839 : i32 to index
      %swap3A_841 = arith.index_cast %scan3A_817 : i32 to index
      %swap3A_842 = arith.constant 48 : index
      %swap3A_843 = tpu.vector_load %arg11[%swap3A_840, %swap3A_841, %swap3A_842] {strides = array<i32>} : memref<2x64x128xf32, #tpu.memory_space<vmem>>, vector<1x1x16xf32>,
      %swap3A_844 = vector.shape_cast %swap3A_843 : vector<1x1x16xf32> to vector<16xf32>
      %swap3A_845 = vector.shape_cast %broadcast_in_dim3A_1 : vector<16xf32> to vector<1x1x16xf32>
      tpu.vector_store %arg11[%swap3A_840, %swap3A_841, %swap3A_842], %swap3A_845 {strides = array<i32>} : memref<2x64x128xf32, #tpu.memory_space<vmem>>, vector<1x1x16xf32>,
      %swap3A_846 = arith.constant 0 : i32
      %swap3A_847 = arith.index_cast %swap3A_846 : i32 to index
      %swap3A_848 = arith.index_cast %scan3A_817 : i32 to index
      %swap3A_849 = arith.constant 64 : index
      %swap3A_850 = tpu.vector_load %arg11[%swap3A_847, %swap3A_848, %swap3A_849] {strides = array<i32>} : memref<2x64x128xf32, #tpu.memory_space<vmem>>, vector<1x1x16xf32>,
      %swap3A_851 = vector.shape_cast %swap3A_850 : vector<1x1x16xf32> to vector<16xf32>
      %swap3A_852 = vector.shape_cast %broadcast_in_dim3A_1 : vector<16xf32> to vector<1x1x16xf32>
      tpu.vector_store %arg11[%swap3A_847, %swap3A_848, %swap3A_849], %swap3A_852 {strides = array<i32>} : memref<2x64x128xf32, #tpu.memory_space<vmem>>, vector<1x1x16xf32>,
      %swap3A_853 = arith.constant 0 : i32
      %swap3A_854 = arith.index_cast %swap3A_853 : i32 to index
      %swap3A_855 = arith.index_cast %scan3A_817 : i32 to index
      %swap3A_856 = arith.constant 80 : index
      %swap3A_857 = tpu.vector_load %arg11[%swap3A_854, %swap3A_855, %swap3A_856] {strides = array<i32>} : memref<2x64x128xf32, #tpu.memory_space<vmem>>, vector<1x1x16xf32>,
      %swap3A_858 = vector.shape_cast %swap3A_857 : vector<1x1x16xf32> to vector<16xf32>
      %swap3A_859 = vector.shape_cast %broadcast_in_dim3A_1 : vector<16xf32> to vector<1x1x16xf32>
      tpu.vector_store %arg11[%swap3A_854, %swap3A_855, %swap3A_856], %swap3A_859 {strides = array<i32>} : memref<2x64x128xf32, #tpu.memory_space<vmem>>, vector<1x1x16xf32>,
      %swap3A_860 = arith.constant 0 : i32
      %swap3A_861 = arith.index_cast %swap3A_860 : i32 to index
      %swap3A_862 = arith.index_cast %scan3A_817 : i32 to index
      %swap3A_863 = arith.constant 96 : index
      %swap3A_864 = tpu.vector_load %arg11[%swap3A_861, %swap3A_862, %swap3A_863] {strides = array<i32>} : memref<2x64x128xf32, #tpu.memory_space<vmem>>, vector<1x1x16xf32>,
      %swap3A_865 = vector.shape_cast %swap3A_864 : vector<1x1x16xf32> to vector<16xf32>
      %swap3A_866 = vector.shape_cast %broadcast_in_dim3A_1 : vector<16xf32> to vector<1x1x16xf32>
      tpu.vector_store %arg11[%swap3A_861, %swap3A_862, %swap3A_863], %swap3A_866 {strides = array<i32>} : memref<2x64x128xf32, #tpu.memory_space<vmem>>, vector<1x1x16xf32>,
      %swap3A_867 = arith.constant 0 : i32
      %swap3A_868 = arith.index_cast %swap3A_867 : i32 to index
      %swap3A_869 = arith.index_cast %scan3A_817 : i32 to index
      %swap3A_870 = arith.constant 112 : index
      %swap3A_871 = tpu.vector_load %arg11[%swap3A_868, %swap3A_869, %swap3A_870] {strides = array<i32>} : memref<2x64x128xf32, #tpu.memory_space<vmem>>, vector<1x1x16xf32>,
      %swap3A_872 = vector.shape_cast %swap3A_871 : vector<1x1x16xf32> to vector<16xf32>
      %swap3A_873 = vector.shape_cast %broadcast_in_dim3A_1 : vector<16xf32> to vector<1x1x16xf32>
      tpu.vector_store %arg11[%swap3A_868, %swap3A_869, %swap3A_870], %swap3A_873 {strides = array<i32>} : memref<2x64x128xf32, #tpu.memory_space<vmem>>, vector<1x1x16xf32>,
      %swap3A_874 = arith.index_cast %scan3A_817 : i32 to index
      %swap3A_875 = arith.constant 0 : index
      %swap3A_876 = tpu.vector_load %arg12[%swap3A_874, %swap3A_875] {strides = array<i32>} : memref<64x16xf32, #tpu.memory_space<vmem>>, vector<1x16xf32>,
      %swap3A_877 = vector.shape_cast %swap3A_876 : vector<1x16xf32> to vector<16xf32>
      %swap3A_878 = vector.shape_cast %select_n3A : vector<16xf32> to vector<1x16xf32>
      tpu.vector_store %arg12[%swap3A_874, %swap3A_875], %swap3A_878 {strides = array<i32>} : memref<64x16xf32, #tpu.memory_space<vmem>>, vector<1x16xf32>,
      %scan3A_879 = arith.constant 0 : i32
      scf.yield %scan3A_879 : i32
    }
    %scan3A_12 = arith.constant 64 : i32
    %scan3A_13 = arith.constant 0 : i32
    %scan3A_14 = arith.constant 0 : i32
    %scan3A_15 = arith.constant 40 : i32
    %scan3A_16 = arith.addi %scan3A_14, %scan3A_15 : i32
    %scan3A_17 = arith.constant 1 : i32
    %scan3A_18 = scf.for %scan3A_817 = %scan3A_14 to %scan3A_16 step %scan3A_17 iter_args(%scan3A_818 = %scan3A_13) -> (i32)  : i32 {
      %swap3A = arith.index_cast %scan3A_817 : i32 to index
      %swap3A_819 = arith.constant 0 : index
      %swap3A_820 = tpu.vector_load %arg13[%swap3A, %swap3A_819] {strides = array<i32>} : memref<40x16xf32, #tpu.memory_space<vmem>>, vector<1x16xf32>,
      %swap3A_821 = vector.shape_cast %swap3A_820 : vector<1x16xf32> to vector<16xf32>
      %swap3A_822 = vector.shape_cast %broadcast_in_dim3A_1 : vector<16xf32> to vector<1x16xf32>
      tpu.vector_store %arg13[%swap3A, %swap3A_819], %swap3A_822 {strides = array<i32>} : memref<40x16xf32, #tpu.memory_space<vmem>>, vector<1x16xf32>,
      %scan3A_823 = arith.constant 0 : i32
      scf.yield %scan3A_823 : i32
    }
    %scan3A_19 = arith.constant 40 : i32
    %dma_start3A = arith.constant 0 : i32
    %dma_start3A_20 = arith.constant 0 : i32
    %dma_start3A_21 = tpu.memref_slice %arg3[%add3A, %dma_start3A, %dma_start3A_20] : memref<32x157x64xi32, #tpu.memory_space<hbm>> -> memref<1x157x64xi32, #tpu.memory_space<hbm>>
    %dma_start3A_22 = tpu.memref_squeeze %dma_start3A_21 : memref<1x157x64xi32, #tpu.memory_space<hbm>> -> memref<157x64xi32, #tpu.memory_space<hbm>>
    %dma_start3A_23 = arith.constant 0 : i32
    %dma_start3A_24 = arith.constant 0 : i32
    %dma_start3A_25 = tpu.memref_slice %arg3[%add3A, %dma_start3A_23, %dma_start3A_24] : memref<32x157x64xi32, #tpu.memory_space<hbm>> -> memref<1x157x64xi32, #tpu.memory_space<hbm>>
    %dma_start3A_26 = tpu.memref_squeeze %dma_start3A_25 : memref<1x157x64xi32, #tpu.memory_space<hbm>> -> memref<157x64xi32, #tpu.memory_space<hbm>>
    tpu.enqueue_dma source(%dma_start3A_26 : memref<157x64xi32, #tpu.memory_space<hbm>>) target(%arg9 : memref<157x64xi32, #tpu.memory_space<vmem>>) target_semaphore(%arg14 : memref<!tpu.dma_semaphore, #tpu.memory_space<semaphore_mem>>)
    %dma_start3A_27 = arith.constant 0 : i32
    %dma_start3A_28 = arith.constant 0 : i32
    %dma_start3A_29 = tpu.memref_slice %arg4[%add3A, %dma_start3A_27, %dma_start3A_28] : memref<32x157x64xi32, #tpu.memory_space<hbm>> -> memref<1x157x64xi32, #tpu.memory_space<hbm>>
    %dma_start3A_30 = tpu.memref_squeeze %dma_start3A_29 : memref<1x157x64xi32, #tpu.memory_space<hbm>> -> memref<157x64xi32, #tpu.memory_space<hbm>>
    %dma_start3A_31 = arith.constant 0 : i32
    %dma_start3A_32 = arith.constant 0 : i32
    %dma_start3A_33 = tpu.memref_slice %arg4[%add3A, %dma_start3A_31, %dma_start3A_32] : memref<32x157x64xi32, #tpu.memory_space<hbm>> -> memref<1x157x64xi32, #tpu.memory_space<hbm>>
    %dma_start3A_34 = tpu.memref_squeeze %dma_start3A_33 : memref<1x157x64xi32, #tpu.memory_space<hbm>> -> memref<157x64xi32, #tpu.memory_space<hbm>>
    tpu.enqueue_dma source(%dma_start3A_34 : memref<157x64xi32, #tpu.memory_space<hbm>>) target(%arg10 : memref<157x64xi32, #tpu.memory_space<vmem>>) target_semaphore(%arg15 : memref<!tpu.dma_semaphore, #tpu.memory_space<semaphore_mem>>)
    %mul3A_35 = arith.constant 640 : i32
    %mul3A_36 = arith.muli %arg1, %mul3A_35 : i32
    %add3A_37 = arith.constant 0 : i32
    %add3A_38 = arith.addi %mul3A_36, %add3A_37 : i32
    %dma_start3A_39 = arith.constant 0 : i32
    %dma_start3A_40 = arith.constant 0 : i32
    %dma_start3A_41 = arith.constant 0 : i32
    %dma_start3A_42 = tpu.memref_slice %arg11[%dma_start3A_39, %dma_start3A_40, %dma_start3A_41] : memref<2x64x128xf32, #tpu.memory_space<vmem>> -> memref<1x40x128xf32, #tpu.memory_space<vmem>>
    %dma_start3A_43 = tpu.memref_squeeze %dma_start3A_42 : memref<1x40x128xf32, #tpu.memory_space<vmem>> -> memref<40x128xf32, #tpu.memory_space<vmem>>
    %dma_start3A_44 = arith.constant 0 : i32
    %dma_start3A_45 = tpu.memref_slice %arg7[%add3A_38, %dma_start3A_44] : memref<10240x128xf32, #tpu.memory_space<vmem_shared>> -> memref<40x128xf32, #tpu.memory_space<vmem_shared>>
    %dma_start3A_46 = arith.constant 0 : i32
    %dma_start3A_47 = tpu.memref_slice %arg7[%add3A_38, %dma_start3A_46] : memref<10240x128xf32, #tpu.memory_space<vmem_shared>> -> memref<40x128xf32, #tpu.memory_space<vmem_shared>>
    %dma_start3A_48 = arith.constant 0 : i32
    %dma_start3A_49 = arith.constant 0 : i32
    %dma_start3A_50 = tpu.memref_slice %arg11[%dma_start3A_39, %dma_start3A_48, %dma_start3A_49] : memref<2x64x128xf32, #tpu.memory_space<vmem>> -> memref<1x40x128xf32, #tpu.memory_space<vmem>>
    %dma_start3A_51 = tpu.memref_squeeze %dma_start3A_50 : memref<1x40x128xf32, #tpu.memory_space<vmem>> -> memref<40x128xf32, #tpu.memory_space<vmem>>
    tpu.enqueue_dma source(%dma_start3A_51 : memref<40x128xf32, #tpu.memory_space<vmem>>) target(%dma_start3A_47 : memref<40x128xf32, #tpu.memory_space<vmem_shared>>) target_semaphore(%arg16 : memref<!tpu.dma_semaphore, #tpu.memory_space<semaphore_mem>>)
    %mul3A_52 = arith.constant 640 : i32
    %mul3A_53 = arith.muli %arg1, %mul3A_52 : i32
    %add3A_54 = arith.constant 0 : i32
    %add3A_55 = arith.addi %mul3A_53, %add3A_54 : i32
    %dma_start3A_56 = arith.constant 0 : i32
    %dma_start3A_57 = tpu.memref_slice %arg8[%add3A_55, %dma_start3A_56] : memref<10240x16xf32, #tpu.memory_space<vmem_shared>> -> memref<40x16xf32, #tpu.memory_space<vmem_shared>>
    %dma_start3A_58 = arith.constant 0 : i32
    %dma_start3A_59 = tpu.memref_slice %arg8[%add3A_55, %dma_start3A_58] : memref<10240x16xf32, #tpu.memory_space<vmem_shared>> -> memref<40x16xf32, #tpu.memory_space<vmem_shared>>
    tpu.enqueue_dma source(%arg13 : memref<40x16xf32, #tpu.memory_space<vmem>>) target(%dma_start3A_59 : memref<40x16xf32, #tpu.memory_space<vmem_shared>>) target_semaphore(%arg17 : memref<!tpu.dma_semaphore, #tpu.memory_space<semaphore_mem>>)
    %mul3A_60 = arith.constant 640 : i32
    %mul3A_61 = arith.muli %arg1, %mul3A_60 : i32
    %add3A_62 = arith.constant 40 : i32
    %add3A_63 = arith.addi %mul3A_61, %add3A_62 : i32
    %dma_start3A_64 = arith.constant 0 : i32
    %dma_start3A_65 = arith.constant 0 : i32
    %dma_start3A_66 = arith.constant 0 : i32
    %dma_start3A_67 = tpu.memref_slice %arg11[%dma_start3A_64, %dma_start3A_65, %dma_start3A_66] : memref<2x64x128xf32, #tpu.memory_space<vmem>> -> memref<1x40x128xf32, #tpu.memory_space<vmem>>
    %dma_start3A_68 = tpu.memref_squeeze %dma_start3A_67 : memref<1x40x128xf32, #tpu.memory_space<vmem>> -> memref<40x128xf32, #tpu.memory_space<vmem>>
    %dma_start3A_69 = arith.constant 0 : i32
    %dma_start3A_70 = tpu.memref_slice %arg7[%add3A_63, %dma_start3A_69] : memref<10240x128xf32, #tpu.memory_space<vmem_shared>> -> memref<40x128xf32, #tpu.memory_space<vmem_shared>>
    %dma_start3A_71 = arith.constant 0 : i32
    %dma_start3A_72 = tpu.memref_slice %arg7[%add3A_63, %dma_start3A_71] : memref<10240x128xf32, #tpu.memory_space<vmem_shared>> -> memref<40x128xf32, #tpu.memory_space<vmem_shared>>
    %dma_start3A_73 = arith.constant 0 : i32
    %dma_start3A_74 = arith.constant 0 : i32
    %dma_start3A_75 = tpu.memref_slice %arg11[%dma_start3A_64, %dma_start3A_73, %dma_start3A_74] : memref<2x64x128xf32, #tpu.memory_space<vmem>> -> memref<1x40x128xf32, #tpu.memory_space<vmem>>
    %dma_start3A_76 = tpu.memref_squeeze %dma_start3A_75 : memref<1x40x128xf32, #tpu.memory_space<vmem>> -> memref<40x128xf32, #tpu.memory_space<vmem>>
    tpu.enqueue_dma source(%dma_start3A_76 : memref<40x128xf32, #tpu.memory_space<vmem>>) target(%dma_start3A_72 : memref<40x128xf32, #tpu.memory_space<vmem_shared>>) target_semaphore(%arg16 : memref<!tpu.dma_semaphore, #tpu.memory_space<semaphore_mem>>)
    %mul3A_77 = arith.constant 640 : i32
    %mul3A_78 = arith.muli %arg1, %mul3A_77 : i32
    %add3A_79 = arith.constant 40 : i32
    %add3A_80 = arith.addi %mul3A_78, %add3A_79 : i32
    %dma_start3A_81 = arith.constant 0 : i32
    %dma_start3A_82 = tpu.memref_slice %arg8[%add3A_80, %dma_start3A_81] : memref<10240x16xf32, #tpu.memory_space<vmem_shared>> -> memref<40x16xf32, #tpu.memory_space<vmem_shared>>
    %dma_start3A_83 = arith.constant 0 : i32
    %dma_start3A_84 = tpu.memref_slice %arg8[%add3A_80, %dma_start3A_83] : memref<10240x16xf32, #tpu.memory_space<vmem_shared>> -> memref<40x16xf32, #tpu.memory_space<vmem_shared>>
    tpu.enqueue_dma source(%arg13 : memref<40x16xf32, #tpu.memory_space<vmem>>) target(%dma_start3A_84 : memref<40x16xf32, #tpu.memory_space<vmem_shared>>) target_semaphore(%arg17 : memref<!tpu.dma_semaphore, #tpu.memory_space<semaphore_mem>>)
    %mul3A_85 = arith.constant 640 : i32
    %mul3A_86 = arith.muli %arg1, %mul3A_85 : i32
    %add3A_87 = arith.constant 80 : i32
    %add3A_88 = arith.addi %mul3A_86, %add3A_87 : i32
    %dma_start3A_89 = arith.constant 0 : i32
    %dma_start3A_90 = arith.constant 0 : i32
    %dma_start3A_91 = arith.constant 0 : i32
    %dma_start3A_92 = tpu.memref_slice %arg11[%dma_start3A_89, %dma_start3A_90, %dma_start3A_91] : memref<2x64x128xf32, #tpu.memory_space<vmem>> -> memref<1x40x128xf32, #tpu.memory_space<vmem>>
    %dma_start3A_93 = tpu.memref_squeeze %dma_start3A_92 : memref<1x40x128xf32, #tpu.memory_space<vmem>> -> memref<40x128xf32, #tpu.memory_space<vmem>>
    %dma_start3A_94 = arith.constant 0 : i32
    %dma_start3A_95 = tpu.memref_slice %arg7[%add3A_88, %dma_start3A_94] : memref<10240x128xf32, #tpu.memory_space<vmem_shared>> -> memref<40x128xf32, #tpu.memory_space<vmem_shared>>
    %dma_start3A_96 = arith.constant 0 : i32
    %dma_start3A_97 = tpu.memref_slice %arg7[%add3A_88, %dma_start3A_96] : memref<10240x128xf32, #tpu.memory_space<vmem_shared>> -> memref<40x128xf32, #tpu.memory_space<vmem_shared>>
    %dma_start3A_98 = arith.constant 0 : i32
    %dma_start3A_99 = arith.constant 0 : i32
    %dma_start3A_100 = tpu.memref_slice %arg11[%dma_start3A_89, %dma_start3A_98, %dma_start3A_99] : memref<2x64x128xf32, #tpu.memory_space<vmem>> -> memref<1x40x128xf32, #tpu.memory_space<vmem>>
    %dma_start3A_101 = tpu.memref_squeeze %dma_start3A_100 : memref<1x40x128xf32, #tpu.memory_space<vmem>> -> memref<40x128xf32, #tpu.memory_space<vmem>>
    tpu.enqueue_dma source(%dma_start3A_101 : memref<40x128xf32, #tpu.memory_space<vmem>>) target(%dma_start3A_97 : memref<40x128xf32, #tpu.memory_space<vmem_shared>>) target_semaphore(%arg16 : memref<!tpu.dma_semaphore, #tpu.memory_space<semaphore_mem>>)
    %mul3A_102 = arith.constant 640 : i32
    %mul3A_103 = arith.muli %arg1, %mul3A_102 : i32
    %add3A_104 = arith.constant 80 : i32
    %add3A_105 = arith.addi %mul3A_103, %add3A_104 : i32
    %dma_start3A_106 = arith.constant 0 : i32
    %dma_start3A_107 = tpu.memref_slice %arg8[%add3A_105, %dma_start3A_106] : memref<10240x16xf32, #tpu.memory_space<vmem_shared>> -> memref<40x16xf32, #tpu.memory_space<vmem_shared>>
    %dma_start3A_108 = arith.constant 0 : i32
    %dma_start3A_109 = tpu.memref_slice %arg8[%add3A_105, %dma_start3A_108] : memref<10240x16xf32, #tpu.memory_space<vmem_shared>> -> memref<40x16xf32, #tpu.memory_space<vmem_shared>>
    tpu.enqueue_dma source(%arg13 : memref<40x16xf32, #tpu.memory_space<vmem>>) target(%dma_start3A_109 : memref<40x16xf32, #tpu.memory_space<vmem_shared>>) target_semaphore(%arg17 : memref<!tpu.dma_semaphore, #tpu.memory_space<semaphore_mem>>)
    %mul3A_110 = arith.constant 640 : i32
    %mul3A_111 = arith.muli %arg1, %mul3A_110 : i32
    %add3A_112 = arith.constant 120 : i32
    %add3A_113 = arith.addi %mul3A_111, %add3A_112 : i32
    %dma_start3A_114 = arith.constant 0 : i32
    %dma_start3A_115 = arith.constant 0 : i32
    %dma_start3A_116 = arith.constant 0 : i32
    %dma_start3A_117 = tpu.memref_slice %arg11[%dma_start3A_114, %dma_start3A_115, %dma_start3A_116] : memref<2x64x128xf32, #tpu.memory_space<vmem>> -> memref<1x40x128xf32, #tpu.memory_space<vmem>>
    %dma_start3A_118 = tpu.memref_squeeze %dma_start3A_117 : memref<1x40x128xf32, #tpu.memory_space<vmem>> -> memref<40x128xf32, #tpu.memory_space<vmem>>
    %dma_start3A_119 = arith.constant 0 : i32
    %dma_start3A_120 = tpu.memref_slice %arg7[%add3A_113, %dma_start3A_119] : memref<10240x128xf32, #tpu.memory_space<vmem_shared>> -> memref<40x128xf32, #tpu.memory_space<vmem_shared>>
    %dma_start3A_121 = arith.constant 0 : i32
    %dma_start3A_122 = tpu.memref_slice %arg7[%add3A_113, %dma_start3A_121] : memref<10240x128xf32, #tpu.memory_space<vmem_shared>> -> memref<40x128xf32, #tpu.memory_space<vmem_shared>>
    %dma_start3A_123 = arith.constant 0 : i32
    %dma_start3A_124 = arith.constant 0 : i32
    %dma_start3A_125 = tpu.memref_slice %arg11[%dma_start3A_114, %dma_start3A_123, %dma_start3A_124] : memref<2x64x128xf32, #tpu.memory_space<vmem>> -> memref<1x40x128xf32, #tpu.memory_space<vmem>>
    %dma_start3A_126 = tpu.memref_squeeze %dma_start3A_125 : memref<1x40x128xf32, #tpu.memory_space<vmem>> -> memref<40x128xf32, #tpu.memory_space<vmem>>
    tpu.enqueue_dma source(%dma_start3A_126 : memref<40x128xf32, #tpu.memory_space<vmem>>) target(%dma_start3A_122 : memref<40x128xf32, #tpu.memory_space<vmem_shared>>) target_semaphore(%arg16 : memref<!tpu.dma_semaphore, #tpu.memory_space<semaphore_mem>>)
    %mul3A_127 = arith.constant 640 : i32
    %mul3A_128 = arith.muli %arg1, %mul3A_127 : i32
    %add3A_129 = arith.constant 120 : i32
    %add3A_130 = arith.addi %mul3A_128, %add3A_129 : i32
    %dma_start3A_131 = arith.constant 0 : i32
    %dma_start3A_132 = tpu.memref_slice %arg8[%add3A_130, %dma_start3A_131] : memref<10240x16xf32, #tpu.memory_space<vmem_shared>> -> memref<40x16xf32, #tpu.memory_space<vmem_shared>>
    %dma_start3A_133 = arith.constant 0 : i32
    %dma_start3A_134 = tpu.memref_slice %arg8[%add3A_130, %dma_start3A_133] : memref<10240x16xf32, #tpu.memory_space<vmem_shared>> -> memref<40x16xf32, #tpu.memory_space<vmem_shared>>
    tpu.enqueue_dma source(%arg13 : memref<40x16xf32, #tpu.memory_space<vmem>>) target(%dma_start3A_134 : memref<40x16xf32, #tpu.memory_space<vmem_shared>>) target_semaphore(%arg17 : memref<!tpu.dma_semaphore, #tpu.memory_space<semaphore_mem>>)
    %mul3A_135 = arith.constant 640 : i32
    %mul3A_136 = arith.muli %arg1, %mul3A_135 : i32
    %add3A_137 = arith.constant 160 : i32
    %add3A_138 = arith.addi %mul3A_136, %add3A_137 : i32
    %dma_start3A_139 = arith.constant 0 : i32
    %dma_start3A_140 = arith.constant 0 : i32
    %dma_start3A_141 = arith.constant 0 : i32
    %dma_start3A_142 = tpu.memref_slice %arg11[%dma_start3A_139, %dma_start3A_140, %dma_start3A_141] : memref<2x64x128xf32, #tpu.memory_space<vmem>> -> memref<1x40x128xf32, #tpu.memory_space<vmem>>
    %dma_start3A_143 = tpu.memref_squeeze %dma_start3A_142 : memref<1x40x128xf32, #tpu.memory_space<vmem>> -> memref<40x128xf32, #tpu.memory_space<vmem>>
    %dma_start3A_144 = arith.constant 0 : i32
    %dma_start3A_145 = tpu.memref_slice %arg7[%add3A_138, %dma_start3A_144] : memref<10240x128xf32, #tpu.memory_space<vmem_shared>> -> memref<40x128xf32, #tpu.memory_space<vmem_shared>>
    %dma_start3A_146 = arith.constant 0 : i32
    %dma_start3A_147 = tpu.memref_slice %arg7[%add3A_138, %dma_start3A_146] : memref<10240x128xf32, #tpu.memory_space<vmem_shared>> -> memref<40x128xf32, #tpu.memory_space<vmem_shared>>
    %dma_start3A_148 = arith.constant 0 : i32
    %dma_start3A_149 = arith.constant 0 : i32
    %dma_start3A_150 = tpu.memref_slice %arg11[%dma_start3A_139, %dma_start3A_148, %dma_start3A_149] : memref<2x64x128xf32, #tpu.memory_space<vmem>> -> memref<1x40x128xf32, #tpu.memory_space<vmem>>
    %dma_start3A_151 = tpu.memref_squeeze %dma_start3A_150 : memref<1x40x128xf32, #tpu.memory_space<vmem>> -> memref<40x128xf32, #tpu.memory_space<vmem>>
    tpu.enqueue_dma source(%dma_start3A_151 : memref<40x128xf32, #tpu.memory_space<vmem>>) target(%dma_start3A_147 : memref<40x128xf32, #tpu.memory_space<vmem_shared>>) target_semaphore(%arg16 : memref<!tpu.dma_semaphore, #tpu.memory_space<semaphore_mem>>)
    %mul3A_152 = arith.constant 640 : i32
    %mul3A_153 = arith.muli %arg1, %mul3A_152 : i32
    %add3A_154 = arith.constant 160 : i32
    %add3A_155 = arith.addi %mul3A_153, %add3A_154 : i32
    %dma_start3A_156 = arith.constant 0 : i32
    %dma_start3A_157 = tpu.memref_slice %arg8[%add3A_155, %dma_start3A_156] : memref<10240x16xf32, #tpu.memory_space<vmem_shared>> -> memref<40x16xf32, #tpu.memory_space<vmem_shared>>
    %dma_start3A_158 = arith.constant 0 : i32
    %dma_start3A_159 = tpu.memref_slice %arg8[%add3A_155, %dma_start3A_158] : memref<10240x16xf32, #tpu.memory_space<vmem_shared>> -> memref<40x16xf32, #tpu.memory_space<vmem_shared>>
    tpu.enqueue_dma source(%arg13 : memref<40x16xf32, #tpu.memory_space<vmem>>) target(%dma_start3A_159 : memref<40x16xf32, #tpu.memory_space<vmem_shared>>) target_semaphore(%arg17 : memref<!tpu.dma_semaphore, #tpu.memory_space<semaphore_mem>>)
    %mul3A_160 = arith.constant 640 : i32
    %mul3A_161 = arith.muli %arg1, %mul3A_160 : i32
    %add3A_162 = arith.constant 200 : i32
    %add3A_163 = arith.addi %mul3A_161, %add3A_162 : i32
    %dma_start3A_164 = arith.constant 0 : i32
    %dma_start3A_165 = arith.constant 0 : i32
    %dma_start3A_166 = arith.constant 0 : i32
    %dma_start3A_167 = tpu.memref_slice %arg11[%dma_start3A_164, %dma_start3A_165, %dma_start3A_166] : memref<2x64x128xf32, #tpu.memory_space<vmem>> -> memref<1x40x128xf32, #tpu.memory_space<vmem>>
    %dma_start3A_168 = tpu.memref_squeeze %dma_start3A_167 : memref<1x40x128xf32, #tpu.memory_space<vmem>> -> memref<40x128xf32, #tpu.memory_space<vmem>>
    %dma_start3A_169 = arith.constant 0 : i32
    %dma_start3A_170 = tpu.memref_slice %arg7[%add3A_163, %dma_start3A_169] : memref<10240x128xf32, #tpu.memory_space<vmem_shared>> -> memref<40x128xf32, #tpu.memory_space<vmem_shared>>
    %dma_start3A_171 = arith.constant 0 : i32
    %dma_start3A_172 = tpu.memref_slice %arg7[%add3A_163, %dma_start3A_171] : memref<10240x128xf32, #tpu.memory_space<vmem_shared>> -> memref<40x128xf32, #tpu.memory_space<vmem_shared>>
    %dma_start3A_173 = arith.constant 0 : i32
    %dma_start3A_174 = arith.constant 0 : i32
    %dma_start3A_175 = tpu.memref_slice %arg11[%dma_start3A_164, %dma_start3A_173, %dma_start3A_174] : memref<2x64x128xf32, #tpu.memory_space<vmem>> -> memref<1x40x128xf32, #tpu.memory_space<vmem>>
    %dma_start3A_176 = tpu.memref_squeeze %dma_start3A_175 : memref<1x40x128xf32, #tpu.memory_space<vmem>> -> memref<40x128xf32, #tpu.memory_space<vmem>>
    tpu.enqueue_dma source(%dma_start3A_176 : memref<40x128xf32, #tpu.memory_space<vmem>>) target(%dma_start3A_172 : memref<40x128xf32, #tpu.memory_space<vmem_shared>>) target_semaphore(%arg16 : memref<!tpu.dma_semaphore, #tpu.memory_space<semaphore_mem>>)
    %mul3A_177 = arith.constant 640 : i32
    %mul3A_178 = arith.muli %arg1, %mul3A_177 : i32
    %add3A_179 = arith.constant 200 : i32
    %add3A_180 = arith.addi %mul3A_178, %add3A_179 : i32
    %dma_start3A_181 = arith.constant 0 : i32
    %dma_start3A_182 = tpu.memref_slice %arg8[%add3A_180, %dma_start3A_181] : memref<10240x16xf32, #tpu.memory_space<vmem_shared>> -> memref<40x16xf32, #tpu.memory_space<vmem_shared>>
    %dma_start3A_183 = arith.constant 0 : i32
    %dma_start3A_184 = tpu.memref_slice %arg8[%add3A_180, %dma_start3A_183] : memref<10240x16xf32, #tpu.memory_space<vmem_shared>> -> memref<40x16xf32, #tpu.memory_space<vmem_shared>>
    tpu.enqueue_dma source(%arg13 : memref<40x16xf32, #tpu.memory_space<vmem>>) target(%dma_start3A_184 : memref<40x16xf32, #tpu.memory_space<vmem_shared>>) target_semaphore(%arg17 : memref<!tpu.dma_semaphore, #tpu.memory_space<semaphore_mem>>)
    %mul3A_185 = arith.constant 640 : i32
    %mul3A_186 = arith.muli %arg1, %mul3A_185 : i32
    %add3A_187 = arith.constant 240 : i32
    %add3A_188 = arith.addi %mul3A_186, %add3A_187 : i32
    %dma_start3A_189 = arith.constant 0 : i32
    %dma_start3A_190 = arith.constant 0 : i32
    %dma_start3A_191 = arith.constant 0 : i32
    %dma_start3A_192 = tpu.memref_slice %arg11[%dma_start3A_189, %dma_start3A_190, %dma_start3A_191] : memref<2x64x128xf32, #tpu.memory_space<vmem>> -> memref<1x40x128xf32, #tpu.memory_space<vmem>>
    %dma_start3A_193 = tpu.memref_squeeze %dma_start3A_192 : memref<1x40x128xf32, #tpu.memory_space<vmem>> -> memref<40x128xf32, #tpu.memory_space<vmem>>
    %dma_start3A_194 = arith.constant 0 : i32
    %dma_start3A_195 = tpu.memref_slice %arg7[%add3A_188, %dma_start3A_194] : memref<10240x128xf32, #tpu.memory_space<vmem_shared>> -> memref<40x128xf32, #tpu.memory_space<vmem_shared>>
    %dma_start3A_196 = arith.constant 0 : i32
    %dma_start3A_197 = tpu.memref_slice %arg7[%add3A_188, %dma_start3A_196] : memref<10240x128xf32, #tpu.memory_space<vmem_shared>> -> memref<40x128xf32, #tpu.memory_space<vmem_shared>>
    %dma_start3A_198 = arith.constant 0 : i32
    %dma_start3A_199 = arith.constant 0 : i32
    %dma_start3A_200 = tpu.memref_slice %arg11[%dma_start3A_189, %dma_start3A_198, %dma_start3A_199] : memref<2x64x128xf32, #tpu.memory_space<vmem>> -> memref<1x40x128xf32, #tpu.memory_space<vmem>>
    %dma_start3A_201 = tpu.memref_squeeze %dma_start3A_200 : memref<1x40x128xf32, #tpu.memory_space<vmem>> -> memref<40x128xf32, #tpu.memory_space<vmem>>
    tpu.enqueue_dma source(%dma_start3A_201 : memref<40x128xf32, #tpu.memory_space<vmem>>) target(%dma_start3A_197 : memref<40x128xf32, #tpu.memory_space<vmem_shared>>) target_semaphore(%arg16 : memref<!tpu.dma_semaphore, #tpu.memory_space<semaphore_mem>>)
    %mul3A_202 = arith.constant 640 : i32
    %mul3A_203 = arith.muli %arg1, %mul3A_202 : i32
    %add3A_204 = arith.constant 240 : i32
    %add3A_205 = arith.addi %mul3A_203, %add3A_204 : i32
    %dma_start3A_206 = arith.constant 0 : i32
    %dma_start3A_207 = tpu.memref_slice %arg8[%add3A_205, %dma_start3A_206] : memref<10240x16xf32, #tpu.memory_space<vmem_shared>> -> memref<40x16xf32, #tpu.memory_space<vmem_shared>>
    %dma_start3A_208 = arith.constant 0 : i32
    %dma_start3A_209 = tpu.memref_slice %arg8[%add3A_205, %dma_start3A_208] : memref<10240x16xf32, #tpu.memory_space<vmem_shared>> -> memref<40x16xf32, #tpu.memory_space<vmem_shared>>
    tpu.enqueue_dma source(%arg13 : memref<40x16xf32, #tpu.memory_space<vmem>>) target(%dma_start3A_209 : memref<40x16xf32, #tpu.memory_space<vmem_shared>>) target_semaphore(%arg17 : memref<!tpu.dma_semaphore, #tpu.memory_space<semaphore_mem>>)
    %mul3A_210 = arith.constant 640 : i32
    %mul3A_211 = arith.muli %arg1, %mul3A_210 : i32
    %add3A_212 = arith.constant 280 : i32
    %add3A_213 = arith.addi %mul3A_211, %add3A_212 : i32
    %dma_start3A_214 = arith.constant 0 : i32
    %dma_start3A_215 = arith.constant 0 : i32
    %dma_start3A_216 = arith.constant 0 : i32
    %dma_start3A_217 = tpu.memref_slice %arg11[%dma_start3A_214, %dma_start3A_215, %dma_start3A_216] : memref<2x64x128xf32, #tpu.memory_space<vmem>> -> memref<1x40x128xf32, #tpu.memory_space<vmem>>
    %dma_start3A_218 = tpu.memref_squeeze %dma_start3A_217 : memref<1x40x128xf32, #tpu.memory_space<vmem>> -> memref<40x128xf32, #tpu.memory_space<vmem>>
    %dma_start3A_219 = arith.constant 0 : i32
    %dma_start3A_220 = tpu.memref_slice %arg7[%add3A_213, %dma_start3A_219] : memref<10240x128xf32, #tpu.memory_space<vmem_shared>> -> memref<40x128xf32, #tpu.memory_space<vmem_shared>>
    %dma_start3A_221 = arith.constant 0 : i32
    %dma_start3A_222 = tpu.memref_slice %arg7[%add3A_213, %dma_start3A_221] : memref<10240x128xf32, #tpu.memory_space<vmem_shared>> -> memref<40x128xf32, #tpu.memory_space<vmem_shared>>
    %dma_start3A_223 = arith.constant 0 : i32
    %dma_start3A_224 = arith.constant 0 : i32
    %dma_start3A_225 = tpu.memref_slice %arg11[%dma_start3A_214, %dma_start3A_223, %dma_start3A_224] : memref<2x64x128xf32, #tpu.memory_space<vmem>> -> memref<1x40x128xf32, #tpu.memory_space<vmem>>
    %dma_start3A_226 = tpu.memref_squeeze %dma_start3A_225 : memref<1x40x128xf32, #tpu.memory_space<vmem>> -> memref<40x128xf32, #tpu.memory_space<vmem>>
    tpu.enqueue_dma source(%dma_start3A_226 : memref<40x128xf32, #tpu.memory_space<vmem>>) target(%dma_start3A_222 : memref<40x128xf32, #tpu.memory_space<vmem_shared>>) target_semaphore(%arg16 : memref<!tpu.dma_semaphore, #tpu.memory_space<semaphore_mem>>)
    %mul3A_227 = arith.constant 640 : i32
    %mul3A_228 = arith.muli %arg1, %mul3A_227 : i32
    %add3A_229 = arith.constant 280 : i32
    %add3A_230 = arith.addi %mul3A_228, %add3A_229 : i32
    %dma_start3A_231 = arith.constant 0 : i32
    %dma_start3A_232 = tpu.memref_slice %arg8[%add3A_230, %dma_start3A_231] : memref<10240x16xf32, #tpu.memory_space<vmem_shared>> -> memref<40x16xf32, #tpu.memory_space<vmem_shared>>
    %dma_start3A_233 = arith.constant 0 : i32
    %dma_start3A_234 = tpu.memref_slice %arg8[%add3A_230, %dma_start3A_233] : memref<10240x16xf32, #tpu.memory_space<vmem_shared>> -> memref<40x16xf32, #tpu.memory_space<vmem_shared>>
    tpu.enqueue_dma source(%arg13 : memref<40x16xf32, #tpu.memory_space<vmem>>) target(%dma_start3A_234 : memref<40x16xf32, #tpu.memory_space<vmem_shared>>) target_semaphore(%arg17 : memref<!tpu.dma_semaphore, #tpu.memory_space<semaphore_mem>>)
    %mul3A_235 = arith.constant 640 : i32
    %mul3A_236 = arith.muli %arg1, %mul3A_235 : i32
    %add3A_237 = arith.constant 320 : i32
    %add3A_238 = arith.addi %mul3A_236, %add3A_237 : i32
    %dma_start3A_239 = arith.constant 0 : i32
    %dma_start3A_240 = arith.constant 0 : i32
    %dma_start3A_241 = arith.constant 0 : i32
    %dma_start3A_242 = tpu.memref_slice %arg11[%dma_start3A_239, %dma_start3A_240, %dma_start3A_241] : memref<2x64x128xf32, #tpu.memory_space<vmem>> -> memref<1x40x128xf32, #tpu.memory_space<vmem>>
    %dma_start3A_243 = tpu.memref_squeeze %dma_start3A_242 : memref<1x40x128xf32, #tpu.memory_space<vmem>> -> memref<40x128xf32, #tpu.memory_space<vmem>>
    %dma_start3A_244 = arith.constant 0 : i32
    %dma_start3A_245 = tpu.memref_slice %arg7[%add3A_238, %dma_start3A_244] : memref<10240x128xf32, #tpu.memory_space<vmem_shared>> -> memref<40x128xf32, #tpu.memory_space<vmem_shared>>
    %dma_start3A_246 = arith.constant 0 : i32
    %dma_start3A_247 = tpu.memref_slice %arg7[%add3A_238, %dma_start3A_246] : memref<10240x128xf32, #tpu.memory_space<vmem_shared>> -> memref<40x128xf32, #tpu.memory_space<vmem_shared>>
    %dma_start3A_248 = arith.constant 0 : i32
    %dma_start3A_249 = arith.constant 0 : i32
    %dma_start3A_250 = tpu.memref_slice %arg11[%dma_start3A_239, %dma_start3A_248, %dma_start3A_249] : memref<2x64x128xf32, #tpu.memory_space<vmem>> -> memref<1x40x128xf32, #tpu.memory_space<vmem>>
    %dma_start3A_251 = tpu.memref_squeeze %dma_start3A_250 : memref<1x40x128xf32, #tpu.memory_space<vmem>> -> memref<40x128xf32, #tpu.memory_space<vmem>>
    tpu.enqueue_dma source(%dma_start3A_251 : memref<40x128xf32, #tpu.memory_space<vmem>>) target(%dma_start3A_247 : memref<40x128xf32, #tpu.memory_space<vmem_shared>>) target_semaphore(%arg16 : memref<!tpu.dma_semaphore, #tpu.memory_space<semaphore_mem>>)
    %mul3A_252 = arith.constant 640 : i32
    %mul3A_253 = arith.muli %arg1, %mul3A_252 : i32
    %add3A_254 = arith.constant 320 : i32
    %add3A_255 = arith.addi %mul3A_253, %add3A_254 : i32
    %dma_start3A_256 = arith.constant 0 : i32
    %dma_start3A_257 = tpu.memref_slice %arg8[%add3A_255, %dma_start3A_256] : memref<10240x16xf32, #tpu.memory_space<vmem_shared>> -> memref<40x16xf32, #tpu.memory_space<vmem_shared>>
    %dma_start3A_258 = arith.constant 0 : i32
    %dma_start3A_259 = tpu.memref_slice %arg8[%add3A_255, %dma_start3A_258] : memref<10240x16xf32, #tpu.memory_space<vmem_shared>> -> memref<40x16xf32, #tpu.memory_space<vmem_shared>>
    tpu.enqueue_dma source(%arg13 : memref<40x16xf32, #tpu.memory_space<vmem>>) target(%dma_start3A_259 : memref<40x16xf32, #tpu.memory_space<vmem_shared>>) target_semaphore(%arg17 : memref<!tpu.dma_semaphore, #tpu.memory_space<semaphore_mem>>)
    %mul3A_260 = arith.constant 640 : i32
    %mul3A_261 = arith.muli %arg1, %mul3A_260 : i32
    %add3A_262 = arith.constant 360 : i32
    %add3A_263 = arith.addi %mul3A_261, %add3A_262 : i32
    %dma_start3A_264 = arith.constant 0 : i32
    %dma_start3A_265 = arith.constant 0 : i32
    %dma_start3A_266 = arith.constant 0 : i32
    %dma_start3A_267 = tpu.memref_slice %arg11[%dma_start3A_264, %dma_start3A_265, %dma_start3A_266] : memref<2x64x128xf32, #tpu.memory_space<vmem>> -> memref<1x40x128xf32, #tpu.memory_space<vmem>>
    %dma_start3A_268 = tpu.memref_squeeze %dma_start3A_267 : memref<1x40x128xf32, #tpu.memory_space<vmem>> -> memref<40x128xf32, #tpu.memory_space<vmem>>
    %dma_start3A_269 = arith.constant 0 : i32
    %dma_start3A_270 = tpu.memref_slice %arg7[%add3A_263, %dma_start3A_269] : memref<10240x128xf32, #tpu.memory_space<vmem_shared>> -> memref<40x128xf32, #tpu.memory_space<vmem_shared>>
    %dma_start3A_271 = arith.constant 0 : i32
    %dma_start3A_272 = tpu.memref_slice %arg7[%add3A_263, %dma_start3A_271] : memref<10240x128xf32, #tpu.memory_space<vmem_shared>> -> memref<40x128xf32, #tpu.memory_space<vmem_shared>>
    %dma_start3A_273 = arith.constant 0 : i32
    %dma_start3A_274 = arith.constant 0 : i32
    %dma_start3A_275 = tpu.memref_slice %arg11[%dma_start3A_264, %dma_start3A_273, %dma_start3A_274] : memref<2x64x128xf32, #tpu.memory_space<vmem>> -> memref<1x40x128xf32, #tpu.memory_space<vmem>>
    %dma_start3A_276 = tpu.memref_squeeze %dma_start3A_275 : memref<1x40x128xf32, #tpu.memory_space<vmem>> -> memref<40x128xf32, #tpu.memory_space<vmem>>
    tpu.enqueue_dma source(%dma_start3A_276 : memref<40x128xf32, #tpu.memory_space<vmem>>) target(%dma_start3A_272 : memref<40x128xf32, #tpu.memory_space<vmem_shared>>) target_semaphore(%arg16 : memref<!tpu.dma_semaphore, #tpu.memory_space<semaphore_mem>>)
    %mul3A_277 = arith.constant 640 : i32
    %mul3A_278 = arith.muli %arg1, %mul3A_277 : i32
    %add3A_279 = arith.constant 360 : i32
    %add3A_280 = arith.addi %mul3A_278, %add3A_279 : i32
    %dma_start3A_281 = arith.constant 0 : i32
    %dma_start3A_282 = tpu.memref_slice %arg8[%add3A_280, %dma_start3A_281] : memref<10240x16xf32, #tpu.memory_space<vmem_shared>> -> memref<40x16xf32, #tpu.memory_space<vmem_shared>>
    %dma_start3A_283 = arith.constant 0 : i32
    %dma_start3A_284 = tpu.memref_slice %arg8[%add3A_280, %dma_start3A_283] : memref<10240x16xf32, #tpu.memory_space<vmem_shared>> -> memref<40x16xf32, #tpu.memory_space<vmem_shared>>
    tpu.enqueue_dma source(%arg13 : memref<40x16xf32, #tpu.memory_space<vmem>>) target(%dma_start3A_284 : memref<40x16xf32, #tpu.memory_space<vmem_shared>>) target_semaphore(%arg17 : memref<!tpu.dma_semaphore, #tpu.memory_space<semaphore_mem>>)
    %mul3A_285 = arith.constant 640 : i32
    %mul3A_286 = arith.muli %arg1, %mul3A_285 : i32
    %add3A_287 = arith.constant 400 : i32
    %add3A_288 = arith.addi %mul3A_286, %add3A_287 : i32
    %dma_start3A_289 = arith.constant 0 : i32
    %dma_start3A_290 = arith.constant 0 : i32
    %dma_start3A_291 = arith.constant 0 : i32
    %dma_start3A_292 = tpu.memref_slice %arg11[%dma_start3A_289, %dma_start3A_290, %dma_start3A_291] : memref<2x64x128xf32, #tpu.memory_space<vmem>> -> memref<1x40x128xf32, #tpu.memory_space<vmem>>
    %dma_start3A_293 = tpu.memref_squeeze %dma_start3A_292 : memref<1x40x128xf32, #tpu.memory_space<vmem>> -> memref<40x128xf32, #tpu.memory_space<vmem>>
    %dma_start3A_294 = arith.constant 0 : i32
    %dma_start3A_295 = tpu.memref_slice %arg7[%add3A_288, %dma_start3A_294] : memref<10240x128xf32, #tpu.memory_space<vmem_shared>> -> memref<40x128xf32, #tpu.memory_space<vmem_shared>>
    %dma_start3A_296 = arith.constant 0 : i32
    %dma_start3A_297 = tpu.memref_slice %arg7[%add3A_288, %dma_start3A_296] : memref<10240x128xf32, #tpu.memory_space<vmem_shared>> -> memref<40x128xf32, #tpu.memory_space<vmem_shared>>
    %dma_start3A_298 = arith.constant 0 : i32
    %dma_start3A_299 = arith.constant 0 : i32
    %dma_start3A_300 = tpu.memref_slice %arg11[%dma_start3A_289, %dma_start3A_298, %dma_start3A_299] : memref<2x64x128xf32, #tpu.memory_space<vmem>> -> memref<1x40x128xf32, #tpu.memory_space<vmem>>
    %dma_start3A_301 = tpu.memref_squeeze %dma_start3A_300 : memref<1x40x128xf32, #tpu.memory_space<vmem>> -> memref<40x128xf32, #tpu.memory_space<vmem>>
    tpu.enqueue_dma source(%dma_start3A_301 : memref<40x128xf32, #tpu.memory_space<vmem>>) target(%dma_start3A_297 : memref<40x128xf32, #tpu.memory_space<vmem_shared>>) target_semaphore(%arg16 : memref<!tpu.dma_semaphore, #tpu.memory_space<semaphore_mem>>)
    %mul3A_302 = arith.constant 640 : i32
    %mul3A_303 = arith.muli %arg1, %mul3A_302 : i32
    %add3A_304 = arith.constant 400 : i32
    %add3A_305 = arith.addi %mul3A_303, %add3A_304 : i32
    %dma_start3A_306 = arith.constant 0 : i32
    %dma_start3A_307 = tpu.memref_slice %arg8[%add3A_305, %dma_start3A_306] : memref<10240x16xf32, #tpu.memory_space<vmem_shared>> -> memref<40x16xf32, #tpu.memory_space<vmem_shared>>
    %dma_start3A_308 = arith.constant 0 : i32
    %dma_start3A_309 = tpu.memref_slice %arg8[%add3A_305, %dma_start3A_308] : memref<10240x16xf32, #tpu.memory_space<vmem_shared>> -> memref<40x16xf32, #tpu.memory_space<vmem_shared>>
    tpu.enqueue_dma source(%arg13 : memref<40x16xf32, #tpu.memory_space<vmem>>) target(%dma_start3A_309 : memref<40x16xf32, #tpu.memory_space<vmem_shared>>) target_semaphore(%arg17 : memref<!tpu.dma_semaphore, #tpu.memory_space<semaphore_mem>>)
    %mul3A_310 = arith.constant 640 : i32
    %mul3A_311 = arith.muli %arg1, %mul3A_310 : i32
    %add3A_312 = arith.constant 440 : i32
    %add3A_313 = arith.addi %mul3A_311, %add3A_312 : i32
    %dma_start3A_314 = arith.constant 0 : i32
    %dma_start3A_315 = arith.constant 0 : i32
    %dma_start3A_316 = arith.constant 0 : i32
    %dma_start3A_317 = tpu.memref_slice %arg11[%dma_start3A_314, %dma_start3A_315, %dma_start3A_316] : memref<2x64x128xf32, #tpu.memory_space<vmem>> -> memref<1x40x128xf32, #tpu.memory_space<vmem>>
    %dma_start3A_318 = tpu.memref_squeeze %dma_start3A_317 : memref<1x40x128xf32, #tpu.memory_space<vmem>> -> memref<40x128xf32, #tpu.memory_space<vmem>>
    %dma_start3A_319 = arith.constant 0 : i32
    %dma_start3A_320 = tpu.memref_slice %arg7[%add3A_313, %dma_start3A_319] : memref<10240x128xf32, #tpu.memory_space<vmem_shared>> -> memref<40x128xf32, #tpu.memory_space<vmem_shared>>
    %dma_start3A_321 = arith.constant 0 : i32
    %dma_start3A_322 = tpu.memref_slice %arg7[%add3A_313, %dma_start3A_321] : memref<10240x128xf32, #tpu.memory_space<vmem_shared>> -> memref<40x128xf32, #tpu.memory_space<vmem_shared>>
    %dma_start3A_323 = arith.constant 0 : i32
    %dma_start3A_324 = arith.constant 0 : i32
    %dma_start3A_325 = tpu.memref_slice %arg11[%dma_start3A_314, %dma_start3A_323, %dma_start3A_324] : memref<2x64x128xf32, #tpu.memory_space<vmem>> -> memref<1x40x128xf32, #tpu.memory_space<vmem>>
    %dma_start3A_326 = tpu.memref_squeeze %dma_start3A_325 : memref<1x40x128xf32, #tpu.memory_space<vmem>> -> memref<40x128xf32, #tpu.memory_space<vmem>>
    tpu.enqueue_dma source(%dma_start3A_326 : memref<40x128xf32, #tpu.memory_space<vmem>>) target(%dma_start3A_322 : memref<40x128xf32, #tpu.memory_space<vmem_shared>>) target_semaphore(%arg16 : memref<!tpu.dma_semaphore, #tpu.memory_space<semaphore_mem>>)
    %mul3A_327 = arith.constant 640 : i32
    %mul3A_328 = arith.muli %arg1, %mul3A_327 : i32
    %add3A_329 = arith.constant 440 : i32
    %add3A_330 = arith.addi %mul3A_328, %add3A_329 : i32
    %dma_start3A_331 = arith.constant 0 : i32
    %dma_start3A_332 = tpu.memref_slice %arg8[%add3A_330, %dma_start3A_331] : memref<10240x16xf32, #tpu.memory_space<vmem_shared>> -> memref<40x16xf32, #tpu.memory_space<vmem_shared>>
    %dma_start3A_333 = arith.constant 0 : i32
    %dma_start3A_334 = tpu.memref_slice %arg8[%add3A_330, %dma_start3A_333] : memref<10240x16xf32, #tpu.memory_space<vmem_shared>> -> memref<40x16xf32, #tpu.memory_space<vmem_shared>>
    tpu.enqueue_dma source(%arg13 : memref<40x16xf32, #tpu.memory_space<vmem>>) target(%dma_start3A_334 : memref<40x16xf32, #tpu.memory_space<vmem_shared>>) target_semaphore(%arg17 : memref<!tpu.dma_semaphore, #tpu.memory_space<semaphore_mem>>)
    %mul3A_335 = arith.constant 640 : i32
    %mul3A_336 = arith.muli %arg1, %mul3A_335 : i32
    %add3A_337 = arith.constant 480 : i32
    %add3A_338 = arith.addi %mul3A_336, %add3A_337 : i32
    %dma_start3A_339 = arith.constant 0 : i32
    %dma_start3A_340 = arith.constant 0 : i32
    %dma_start3A_341 = arith.constant 0 : i32
    %dma_start3A_342 = tpu.memref_slice %arg11[%dma_start3A_339, %dma_start3A_340, %dma_start3A_341] : memref<2x64x128xf32, #tpu.memory_space<vmem>> -> memref<1x40x128xf32, #tpu.memory_space<vmem>>
    %dma_start3A_343 = tpu.memref_squeeze %dma_start3A_342 : memref<1x40x128xf32, #tpu.memory_space<vmem>> -> memref<40x128xf32, #tpu.memory_space<vmem>>
    %dma_start3A_344 = arith.constant 0 : i32
    %dma_start3A_345 = tpu.memref_slice %arg7[%add3A_338, %dma_start3A_344] : memref<10240x128xf32, #tpu.memory_space<vmem_shared>> -> memref<40x128xf32, #tpu.memory_space<vmem_shared>>
    %dma_start3A_346 = arith.constant 0 : i32
    %dma_start3A_347 = tpu.memref_slice %arg7[%add3A_338, %dma_start3A_346] : memref<10240x128xf32, #tpu.memory_space<vmem_shared>> -> memref<40x128xf32, #tpu.memory_space<vmem_shared>>
    %dma_start3A_348 = arith.constant 0 : i32
    %dma_start3A_349 = arith.constant 0 : i32
    %dma_start3A_350 = tpu.memref_slice %arg11[%dma_start3A_339, %dma_start3A_348, %dma_start3A_349] : memref<2x64x128xf32, #tpu.memory_space<vmem>> -> memref<1x40x128xf32, #tpu.memory_space<vmem>>
    %dma_start3A_351 = tpu.memref_squeeze %dma_start3A_350 : memref<1x40x128xf32, #tpu.memory_space<vmem>> -> memref<40x128xf32, #tpu.memory_space<vmem>>
    tpu.enqueue_dma source(%dma_start3A_351 : memref<40x128xf32, #tpu.memory_space<vmem>>) target(%dma_start3A_347 : memref<40x128xf32, #tpu.memory_space<vmem_shared>>) target_semaphore(%arg16 : memref<!tpu.dma_semaphore, #tpu.memory_space<semaphore_mem>>)
    %mul3A_352 = arith.constant 640 : i32
    %mul3A_353 = arith.muli %arg1, %mul3A_352 : i32
    %add3A_354 = arith.constant 480 : i32
    %add3A_355 = arith.addi %mul3A_353, %add3A_354 : i32
    %dma_start3A_356 = arith.constant 0 : i32
    %dma_start3A_357 = tpu.memref_slice %arg8[%add3A_355, %dma_start3A_356] : memref<10240x16xf32, #tpu.memory_space<vmem_shared>> -> memref<40x16xf32, #tpu.memory_space<vmem_shared>>
    %dma_start3A_358 = arith.constant 0 : i32
    %dma_start3A_359 = tpu.memref_slice %arg8[%add3A_355, %dma_start3A_358] : memref<10240x16xf32, #tpu.memory_space<vmem_shared>> -> memref<40x16xf32, #tpu.memory_space<vmem_shared>>
    tpu.enqueue_dma source(%arg13 : memref<40x16xf32, #tpu.memory_space<vmem>>) target(%dma_start3A_359 : memref<40x16xf32, #tpu.memory_space<vmem_shared>>) target_semaphore(%arg17 : memref<!tpu.dma_semaphore, #tpu.memory_space<semaphore_mem>>)
    %mul3A_360 = arith.constant 640 : i32
    %mul3A_361 = arith.muli %arg1, %mul3A_360 : i32
    %add3A_362 = arith.constant 520 : i32
    %add3A_363 = arith.addi %mul3A_361, %add3A_362 : i32
    %dma_start3A_364 = arith.constant 0 : i32
    %dma_start3A_365 = arith.constant 0 : i32
    %dma_start3A_366 = arith.constant 0 : i32
    %dma_start3A_367 = tpu.memref_slice %arg11[%dma_start3A_364, %dma_start3A_365, %dma_start3A_366] : memref<2x64x128xf32, #tpu.memory_space<vmem>> -> memref<1x40x128xf32, #tpu.memory_space<vmem>>
    %dma_start3A_368 = tpu.memref_squeeze %dma_start3A_367 : memref<1x40x128xf32, #tpu.memory_space<vmem>> -> memref<40x128xf32, #tpu.memory_space<vmem>>
    %dma_start3A_369 = arith.constant 0 : i32
    %dma_start3A_370 = tpu.memref_slice %arg7[%add3A_363, %dma_start3A_369] : memref<10240x128xf32, #tpu.memory_space<vmem_shared>> -> memref<40x128xf32, #tpu.memory_space<vmem_shared>>
    %dma_start3A_371 = arith.constant 0 : i32
    %dma_start3A_372 = tpu.memref_slice %arg7[%add3A_363, %dma_start3A_371] : memref<10240x128xf32, #tpu.memory_space<vmem_shared>> -> memref<40x128xf32, #tpu.memory_space<vmem_shared>>
    %dma_start3A_373 = arith.constant 0 : i32
    %dma_start3A_374 = arith.constant 0 : i32
    %dma_start3A_375 = tpu.memref_slice %arg11[%dma_start3A_364, %dma_start3A_373, %dma_start3A_374] : memref<2x64x128xf32, #tpu.memory_space<vmem>> -> memref<1x40x128xf32, #tpu.memory_space<vmem>>
    %dma_start3A_376 = tpu.memref_squeeze %dma_start3A_375 : memref<1x40x128xf32, #tpu.memory_space<vmem>> -> memref<40x128xf32, #tpu.memory_space<vmem>>
    tpu.enqueue_dma source(%dma_start3A_376 : memref<40x128xf32, #tpu.memory_space<vmem>>) target(%dma_start3A_372 : memref<40x128xf32, #tpu.memory_space<vmem_shared>>) target_semaphore(%arg16 : memref<!tpu.dma_semaphore, #tpu.memory_space<semaphore_mem>>)
    %mul3A_377 = arith.constant 640 : i32
    %mul3A_378 = arith.muli %arg1, %mul3A_377 : i32
    %add3A_379 = arith.constant 520 : i32
    %add3A_380 = arith.addi %mul3A_378, %add3A_379 : i32
    %dma_start3A_381 = arith.constant 0 : i32
    %dma_start3A_382 = tpu.memref_slice %arg8[%add3A_380, %dma_start3A_381] : memref<10240x16xf32, #tpu.memory_space<vmem_shared>> -> memref<40x16xf32, #tpu.memory_space<vmem_shared>>
    %dma_start3A_383 = arith.constant 0 : i32
    %dma_start3A_384 = tpu.memref_slice %arg8[%add3A_380, %dma_start3A_383] : memref<10240x16xf32, #tpu.memory_space<vmem_shared>> -> memref<40x16xf32, #tpu.memory_space<vmem_shared>>
    tpu.enqueue_dma source(%arg13 : memref<40x16xf32, #tpu.memory_space<vmem>>) target(%dma_start3A_384 : memref<40x16xf32, #tpu.memory_space<vmem_shared>>) target_semaphore(%arg17 : memref<!tpu.dma_semaphore, #tpu.memory_space<semaphore_mem>>)
    %mul3A_385 = arith.constant 640 : i32
    %mul3A_386 = arith.muli %arg1, %mul3A_385 : i32
    %add3A_387 = arith.constant 560 : i32
    %add3A_388 = arith.addi %mul3A_386, %add3A_387 : i32
    %dma_start3A_389 = arith.constant 0 : i32
    %dma_start3A_390 = arith.constant 0 : i32
    %dma_start3A_391 = arith.constant 0 : i32
    %dma_start3A_392 = tpu.memref_slice %arg11[%dma_start3A_389, %dma_start3A_390, %dma_start3A_391] : memref<2x64x128xf32, #tpu.memory_space<vmem>> -> memref<1x40x128xf32, #tpu.memory_space<vmem>>
    %dma_start3A_393 = tpu.memref_squeeze %dma_start3A_392 : memref<1x40x128xf32, #tpu.memory_space<vmem>> -> memref<40x128xf32, #tpu.memory_space<vmem>>
    %dma_start3A_394 = arith.constant 0 : i32
    %dma_start3A_395 = tpu.memref_slice %arg7[%add3A_388, %dma_start3A_394] : memref<10240x128xf32, #tpu.memory_space<vmem_shared>> -> memref<40x128xf32, #tpu.memory_space<vmem_shared>>
    %dma_start3A_396 = arith.constant 0 : i32
    %dma_start3A_397 = tpu.memref_slice %arg7[%add3A_388, %dma_start3A_396] : memref<10240x128xf32, #tpu.memory_space<vmem_shared>> -> memref<40x128xf32, #tpu.memory_space<vmem_shared>>
    %dma_start3A_398 = arith.constant 0 : i32
    %dma_start3A_399 = arith.constant 0 : i32
    %dma_start3A_400 = tpu.memref_slice %arg11[%dma_start3A_389, %dma_start3A_398, %dma_start3A_399] : memref<2x64x128xf32, #tpu.memory_space<vmem>> -> memref<1x40x128xf32, #tpu.memory_space<vmem>>
    %dma_start3A_401 = tpu.memref_squeeze %dma_start3A_400 : memref<1x40x128xf32, #tpu.memory_space<vmem>> -> memref<40x128xf32, #tpu.memory_space<vmem>>
    tpu.enqueue_dma source(%dma_start3A_401 : memref<40x128xf32, #tpu.memory_space<vmem>>) target(%dma_start3A_397 : memref<40x128xf32, #tpu.memory_space<vmem_shared>>) target_semaphore(%arg16 : memref<!tpu.dma_semaphore, #tpu.memory_space<semaphore_mem>>)
    %mul3A_402 = arith.constant 640 : i32
    %mul3A_403 = arith.muli %arg1, %mul3A_402 : i32
    %add3A_404 = arith.constant 560 : i32
    %add3A_405 = arith.addi %mul3A_403, %add3A_404 : i32
    %dma_start3A_406 = arith.constant 0 : i32
    %dma_start3A_407 = tpu.memref_slice %arg8[%add3A_405, %dma_start3A_406] : memref<10240x16xf32, #tpu.memory_space<vmem_shared>> -> memref<40x16xf32, #tpu.memory_space<vmem_shared>>
    %dma_start3A_408 = arith.constant 0 : i32
    %dma_start3A_409 = tpu.memref_slice %arg8[%add3A_405, %dma_start3A_408] : memref<10240x16xf32, #tpu.memory_space<vmem_shared>> -> memref<40x16xf32, #tpu.memory_space<vmem_shared>>
    tpu.enqueue_dma source(%arg13 : memref<40x16xf32, #tpu.memory_space<vmem>>) target(%dma_start3A_409 : memref<40x16xf32, #tpu.memory_space<vmem_shared>>) target_semaphore(%arg17 : memref<!tpu.dma_semaphore, #tpu.memory_space<semaphore_mem>>)
    %mul3A_410 = arith.constant 640 : i32
    %mul3A_411 = arith.muli %arg1, %mul3A_410 : i32
    %add3A_412 = arith.constant 600 : i32
    %add3A_413 = arith.addi %mul3A_411, %add3A_412 : i32
    %dma_start3A_414 = arith.constant 0 : i32
    %dma_start3A_415 = arith.constant 0 : i32
    %dma_start3A_416 = arith.constant 0 : i32
    %dma_start3A_417 = tpu.memref_slice %arg11[%dma_start3A_414, %dma_start3A_415, %dma_start3A_416] : memref<2x64x128xf32, #tpu.memory_space<vmem>> -> memref<1x40x128xf32, #tpu.memory_space<vmem>>
    %dma_start3A_418 = tpu.memref_squeeze %dma_start3A_417 : memref<1x40x128xf32, #tpu.memory_space<vmem>> -> memref<40x128xf32, #tpu.memory_space<vmem>>
    %dma_start3A_419 = arith.constant 0 : i32
    %dma_start3A_420 = tpu.memref_slice %arg7[%add3A_413, %dma_start3A_419] : memref<10240x128xf32, #tpu.memory_space<vmem_shared>> -> memref<40x128xf32, #tpu.memory_space<vmem_shared>>
    %dma_start3A_421 = arith.constant 0 : i32
    %dma_start3A_422 = tpu.memref_slice %arg7[%add3A_413, %dma_start3A_421] : memref<10240x128xf32, #tpu.memory_space<vmem_shared>> -> memref<40x128xf32, #tpu.memory_space<vmem_shared>>
    %dma_start3A_423 = arith.constant 0 : i32
    %dma_start3A_424 = arith.constant 0 : i32
    %dma_start3A_425 = tpu.memref_slice %arg11[%dma_start3A_414, %dma_start3A_423, %dma_start3A_424] : memref<2x64x128xf32, #tpu.memory_space<vmem>> -> memref<1x40x128xf32, #tpu.memory_space<vmem>>
    %dma_start3A_426 = tpu.memref_squeeze %dma_start3A_425 : memref<1x40x128xf32, #tpu.memory_space<vmem>> -> memref<40x128xf32, #tpu.memory_space<vmem>>
    tpu.enqueue_dma source(%dma_start3A_426 : memref<40x128xf32, #tpu.memory_space<vmem>>) target(%dma_start3A_422 : memref<40x128xf32, #tpu.memory_space<vmem_shared>>) target_semaphore(%arg16 : memref<!tpu.dma_semaphore, #tpu.memory_space<semaphore_mem>>)
    %mul3A_427 = arith.constant 640 : i32
    %mul3A_428 = arith.muli %arg1, %mul3A_427 : i32
    %add3A_429 = arith.constant 600 : i32
    %add3A_430 = arith.addi %mul3A_428, %add3A_429 : i32
    %dma_start3A_431 = arith.constant 0 : i32
    %dma_start3A_432 = tpu.memref_slice %arg8[%add3A_430, %dma_start3A_431] : memref<10240x16xf32, #tpu.memory_space<vmem_shared>> -> memref<40x16xf32, #tpu.memory_space<vmem_shared>>
    %dma_start3A_433 = arith.constant 0 : i32
    %dma_start3A_434 = tpu.memref_slice %arg8[%add3A_430, %dma_start3A_433] : memref<10240x16xf32, #tpu.memory_space<vmem_shared>> -> memref<40x16xf32, #tpu.memory_space<vmem_shared>>
    tpu.enqueue_dma source(%arg13 : memref<40x16xf32, #tpu.memory_space<vmem>>) target(%dma_start3A_434 : memref<40x16xf32, #tpu.memory_space<vmem_shared>>) target_semaphore(%arg17 : memref<!tpu.dma_semaphore, #tpu.memory_space<semaphore_mem>>)
    %dma_wait3A = arith.constant 0 : i32
    %dma_wait3A_435 = arith.constant 0 : i32
    %dma_wait3A_436 = tpu.memref_slice %arg3[%add3A, %dma_wait3A, %dma_wait3A_435] : memref<32x157x64xi32, #tpu.memory_space<hbm>> -> memref<1x157x64xi32, #tpu.memory_space<hbm>>
    %dma_wait3A_437 = tpu.memref_squeeze %dma_wait3A_436 : memref<1x157x64xi32, #tpu.memory_space<hbm>> -> memref<157x64xi32, #tpu.memory_space<hbm>>
    %dma_wait3A_438 = arith.constant 0 : i32
    %dma_wait3A_439 = arith.constant 0 : i32
    %dma_wait3A_440 = tpu.memref_slice %arg3[%add3A, %dma_wait3A_438, %dma_wait3A_439] : memref<32x157x64xi32, #tpu.memory_space<hbm>> -> memref<1x157x64xi32, #tpu.memory_space<hbm>>
    %dma_wait3A_441 = tpu.memref_squeeze %dma_wait3A_440 : memref<1x157x64xi32, #tpu.memory_space<hbm>> -> memref<157x64xi32, #tpu.memory_space<hbm>>
    tpu.wait_dma2 semaphore(%arg14 : memref<!tpu.dma_semaphore, #tpu.memory_space<semaphore_mem>>) src(%dma_wait3A_441 : memref<157x64xi32, #tpu.memory_space<hbm>>) dst(%arg9 : memref<157x64xi32, #tpu.memory_space<vmem>>)
    %dma_wait3A_442 = arith.constant 0 : i32
    %dma_wait3A_443 = arith.constant 0 : i32
    %dma_wait3A_444 = tpu.memref_slice %arg4[%add3A, %dma_wait3A_442, %dma_wait3A_443] : memref<32x157x64xi32, #tpu.memory_space<hbm>> -> memref<1x157x64xi32, #tpu.memory_space<hbm>>
    %dma_wait3A_445 = tpu.memref_squeeze %dma_wait3A_444 : memref<1x157x64xi32, #tpu.memory_space<hbm>> -> memref<157x64xi32, #tpu.memory_space<hbm>>
    %dma_wait3A_446 = arith.constant 0 : i32
    %dma_wait3A_447 = arith.constant 0 : i32
    %dma_wait3A_448 = tpu.memref_slice %arg4[%add3A, %dma_wait3A_446, %dma_wait3A_447] : memref<32x157x64xi32, #tpu.memory_space<hbm>> -> memref<1x157x64xi32, #tpu.memory_space<hbm>>
    %dma_wait3A_449 = tpu.memref_squeeze %dma_wait3A_448 : memref<1x157x64xi32, #tpu.memory_space<hbm>> -> memref<157x64xi32, #tpu.memory_space<hbm>>
    tpu.wait_dma2 semaphore(%arg15 : memref<!tpu.dma_semaphore, #tpu.memory_space<semaphore_mem>>) src(%dma_wait3A_449 : memref<157x64xi32, #tpu.memory_space<hbm>>) dst(%arg10 : memref<157x64xi32, #tpu.memory_space<vmem>>)
    %dma_wait3A_450 = arith.constant 0 : i32
    %dma_wait3A_451 = arith.constant 0 : i32
    %dma_wait3A_452 = arith.constant 0 : i32
    %dma_wait3A_453 = tpu.memref_slice %arg11[%dma_wait3A_450, %dma_wait3A_451, %dma_wait3A_452] : memref<2x64x128xf32, #tpu.memory_space<vmem>> -> memref<1x40x128xf32, #tpu.memory_space<vmem>>
    %dma_wait3A_454 = tpu.memref_squeeze %dma_wait3A_453 : memref<1x40x128xf32, #tpu.memory_space<vmem>> -> memref<40x128xf32, #tpu.memory_space<vmem>>
    %dma_wait3A_455 = arith.constant 0 : i32
    %dma_wait3A_456 = tpu.memref_slice %arg7[%add3A_38, %dma_wait3A_455] : memref<10240x128xf32, #tpu.memory_space<vmem_shared>> -> memref<40x128xf32, #tpu.memory_space<vmem_shared>>
    %dma_wait3A_457 = arith.constant 0 : i32
    %dma_wait3A_458 = tpu.memref_slice %arg7[%add3A_38, %dma_wait3A_457] : memref<10240x128xf32, #tpu.memory_space<vmem_shared>> -> memref<40x128xf32, #tpu.memory_space<vmem_shared>>
    %dma_wait3A_459 = arith.constant 0 : i32
    %dma_wait3A_460 = arith.constant 0 : i32
    %dma_wait3A_461 = tpu.memref_slice %arg11[%dma_wait3A_450, %dma_wait3A_459, %dma_wait3A_460] : memref<2x64x128xf32, #tpu.memory_space<vmem>> -> memref<1x40x128xf32, #tpu.memory_space<vmem>>
    %dma_wait3A_462 = tpu.memref_squeeze %dma_wait3A_461 : memref<1x40x128xf32, #tpu.memory_space<vmem>> -> memref<40x128xf32, #tpu.memory_space<vmem>>
    tpu.wait_dma2 semaphore(%arg16 : memref<!tpu.dma_semaphore, #tpu.memory_space<semaphore_mem>>) src(%dma_wait3A_462 : memref<40x128xf32, #tpu.memory_space<vmem>>) dst(%dma_wait3A_458 : memref<40x128xf32, #tpu.memory_space<vmem_shared>>)
    %dma_wait3A_463 = arith.constant 0 : i32
    %dma_wait3A_464 = arith.constant 0 : i32
    %dma_wait3A_465 = arith.constant 0 : i32
    %dma_wait3A_466 = tpu.memref_slice %arg11[%dma_wait3A_463, %dma_wait3A_464, %dma_wait3A_465] : memref<2x64x128xf32, #tpu.memory_space<vmem>> -> memref<1x40x128xf32, #tpu.memory_space<vmem>>
    %dma_wait3A_467 = tpu.memref_squeeze %dma_wait3A_466 : memref<1x40x128xf32, #tpu.memory_space<vmem>> -> memref<40x128xf32, #tpu.memory_space<vmem>>
    %dma_wait3A_468 = arith.constant 0 : i32
    %dma_wait3A_469 = tpu.memref_slice %arg7[%add3A_63, %dma_wait3A_468] : memref<10240x128xf32, #tpu.memory_space<vmem_shared>> -> memref<40x128xf32, #tpu.memory_space<vmem_shared>>
    %dma_wait3A_470 = arith.constant 0 : i32
    %dma_wait3A_471 = tpu.memref_slice %arg7[%add3A_63, %dma_wait3A_470] : memref<10240x128xf32, #tpu.memory_space<vmem_shared>> -> memref<40x128xf32, #tpu.memory_space<vmem_shared>>
    %dma_wait3A_472 = arith.constant 0 : i32
    %dma_wait3A_473 = arith.constant 0 : i32
    %dma_wait3A_474 = tpu.memref_slice %arg11[%dma_wait3A_463, %dma_wait3A_472, %dma_wait3A_473] : memref<2x64x128xf32, #tpu.memory_space<vmem>> -> memref<1x40x128xf32, #tpu.memory_space<vmem>>
    %dma_wait3A_475 = tpu.memref_squeeze %dma_wait3A_474 : memref<1x40x128xf32, #tpu.memory_space<vmem>> -> memref<40x128xf32, #tpu.memory_space<vmem>>
    tpu.wait_dma2 semaphore(%arg16 : memref<!tpu.dma_semaphore, #tpu.memory_space<semaphore_mem>>) src(%dma_wait3A_475 : memref<40x128xf32, #tpu.memory_space<vmem>>) dst(%dma_wait3A_471 : memref<40x128xf32, #tpu.memory_space<vmem_shared>>)
    %dma_wait3A_476 = arith.constant 0 : i32
    %dma_wait3A_477 = arith.constant 0 : i32
    %dma_wait3A_478 = arith.constant 0 : i32
    %dma_wait3A_479 = tpu.memref_slice %arg11[%dma_wait3A_476, %dma_wait3A_477, %dma_wait3A_478] : memref<2x64x128xf32, #tpu.memory_space<vmem>> -> memref<1x40x128xf32, #tpu.memory_space<vmem>>
    %dma_wait3A_480 = tpu.memref_squeeze %dma_wait3A_479 : memref<1x40x128xf32, #tpu.memory_space<vmem>> -> memref<40x128xf32, #tpu.memory_space<vmem>>
    %dma_wait3A_481 = arith.constant 0 : i32
    %dma_wait3A_482 = tpu.memref_slice %arg7[%add3A_88, %dma_wait3A_481] : memref<10240x128xf32, #tpu.memory_space<vmem_shared>> -> memref<40x128xf32, #tpu.memory_space<vmem_shared>>
    %dma_wait3A_483 = arith.constant 0 : i32
    %dma_wait3A_484 = tpu.memref_slice %arg7[%add3A_88, %dma_wait3A_483] : memref<10240x128xf32, #tpu.memory_space<vmem_shared>> -> memref<40x128xf32, #tpu.memory_space<vmem_shared>>
    %dma_wait3A_485 = arith.constant 0 : i32
    %dma_wait3A_486 = arith.constant 0 : i32
    %dma_wait3A_487 = tpu.memref_slice %arg11[%dma_wait3A_476, %dma_wait3A_485, %dma_wait3A_486] : memref<2x64x128xf32, #tpu.memory_space<vmem>> -> memref<1x40x128xf32, #tpu.memory_space<vmem>>
    %dma_wait3A_488 = tpu.memref_squeeze %dma_wait3A_487 : memref<1x40x128xf32, #tpu.memory_space<vmem>> -> memref<40x128xf32, #tpu.memory_space<vmem>>
    tpu.wait_dma2 semaphore(%arg16 : memref<!tpu.dma_semaphore, #tpu.memory_space<semaphore_mem>>) src(%dma_wait3A_488 : memref<40x128xf32, #tpu.memory_space<vmem>>) dst(%dma_wait3A_484 : memref<40x128xf32, #tpu.memory_space<vmem_shared>>)
    %dma_wait3A_489 = arith.constant 0 : i32
    %dma_wait3A_490 = arith.constant 0 : i32
    %dma_wait3A_491 = arith.constant 0 : i32
    %dma_wait3A_492 = tpu.memref_slice %arg11[%dma_wait3A_489, %dma_wait3A_490, %dma_wait3A_491] : memref<2x64x128xf32, #tpu.memory_space<vmem>> -> memref<1x40x128xf32, #tpu.memory_space<vmem>>
    %dma_wait3A_493 = tpu.memref_squeeze %dma_wait3A_492 : memref<1x40x128xf32, #tpu.memory_space<vmem>> -> memref<40x128xf32, #tpu.memory_space<vmem>>
    %dma_wait3A_494 = arith.constant 0 : i32
    %dma_wait3A_495 = tpu.memref_slice %arg7[%add3A_113, %dma_wait3A_494] : memref<10240x128xf32, #tpu.memory_space<vmem_shared>> -> memref<40x128xf32, #tpu.memory_space<vmem_shared>>
    %dma_wait3A_496 = arith.constant 0 : i32
    %dma_wait3A_497 = tpu.memref_slice %arg7[%add3A_113, %dma_wait3A_496] : memref<10240x128xf32, #tpu.memory_space<vmem_shared>> -> memref<40x128xf32, #tpu.memory_space<vmem_shared>>
    %dma_wait3A_498 = arith.constant 0 : i32
    %dma_wait3A_499 = arith.constant 0 : i32
    %dma_wait3A_500 = tpu.memref_slice %arg11[%dma_wait3A_489, %dma_wait3A_498, %dma_wait3A_499] : memref<2x64x128xf32, #tpu.memory_space<vmem>> -> memref<1x40x128xf32, #tpu.memory_space<vmem>>
    %dma_wait3A_501 = tpu.memref_squeeze %dma_wait3A_500 : memref<1x40x128xf32, #tpu.memory_space<vmem>> -> memref<40x128xf32, #tpu.memory_space<vmem>>
    tpu.wait_dma2 semaphore(%arg16 : memref<!tpu.dma_semaphore, #tpu.memory_space<semaphore_mem>>) src(%dma_wait3A_501 : memref<40x128xf32, #tpu.memory_space<vmem>>) dst(%dma_wait3A_497 : memref<40x128xf32, #tpu.memory_space<vmem_shared>>)
    %dma_wait3A_502 = arith.constant 0 : i32
    %dma_wait3A_503 = arith.constant 0 : i32
    %dma_wait3A_504 = arith.constant 0 : i32
    %dma_wait3A_505 = tpu.memref_slice %arg11[%dma_wait3A_502, %dma_wait3A_503, %dma_wait3A_504] : memref<2x64x128xf32, #tpu.memory_space<vmem>> -> memref<1x40x128xf32, #tpu.memory_space<vmem>>
    %dma_wait3A_506 = tpu.memref_squeeze %dma_wait3A_505 : memref<1x40x128xf32, #tpu.memory_space<vmem>> -> memref<40x128xf32, #tpu.memory_space<vmem>>
    %dma_wait3A_507 = arith.constant 0 : i32
    %dma_wait3A_508 = tpu.memref_slice %arg7[%add3A_138, %dma_wait3A_507] : memref<10240x128xf32, #tpu.memory_space<vmem_shared>> -> memref<40x128xf32, #tpu.memory_space<vmem_shared>>
    %dma_wait3A_509 = arith.constant 0 : i32
    %dma_wait3A_510 = tpu.memref_slice %arg7[%add3A_138, %dma_wait3A_509] : memref<10240x128xf32, #tpu.memory_space<vmem_shared>> -> memref<40x128xf32, #tpu.memory_space<vmem_shared>>
    %dma_wait3A_511 = arith.constant 0 : i32
    %dma_wait3A_512 = arith.constant 0 : i32
    %dma_wait3A_513 = tpu.memref_slice %arg11[%dma_wait3A_502, %dma_wait3A_511, %dma_wait3A_512] : memref<2x64x128xf32, #tpu.memory_space<vmem>> -> memref<1x40x128xf32, #tpu.memory_space<vmem>>
    %dma_wait3A_514 = tpu.memref_squeeze %dma_wait3A_513 : memref<1x40x128xf32, #tpu.memory_space<vmem>> -> memref<40x128xf32, #tpu.memory_space<vmem>>
    tpu.wait_dma2 semaphore(%arg16 : memref<!tpu.dma_semaphore, #tpu.memory_space<semaphore_mem>>) src(%dma_wait3A_514 : memref<40x128xf32, #tpu.memory_space<vmem>>) dst(%dma_wait3A_510 : memref<40x128xf32, #tpu.memory_space<vmem_shared>>)
    %dma_wait3A_515 = arith.constant 0 : i32
    %dma_wait3A_516 = arith.constant 0 : i32
    %dma_wait3A_517 = arith.constant 0 : i32
    %dma_wait3A_518 = tpu.memref_slice %arg11[%dma_wait3A_515, %dma_wait3A_516, %dma_wait3A_517] : memref<2x64x128xf32, #tpu.memory_space<vmem>> -> memref<1x40x128xf32, #tpu.memory_space<vmem>>
    %dma_wait3A_519 = tpu.memref_squeeze %dma_wait3A_518 : memref<1x40x128xf32, #tpu.memory_space<vmem>> -> memref<40x128xf32, #tpu.memory_space<vmem>>
    %dma_wait3A_520 = arith.constant 0 : i32
    %dma_wait3A_521 = tpu.memref_slice %arg7[%add3A_163, %dma_wait3A_520] : memref<10240x128xf32, #tpu.memory_space<vmem_shared>> -> memref<40x128xf32, #tpu.memory_space<vmem_shared>>
    %dma_wait3A_522 = arith.constant 0 : i32
    %dma_wait3A_523 = tpu.memref_slice %arg7[%add3A_163, %dma_wait3A_522] : memref<10240x128xf32, #tpu.memory_space<vmem_shared>> -> memref<40x128xf32, #tpu.memory_space<vmem_shared>>
    %dma_wait3A_524 = arith.constant 0 : i32
    %dma_wait3A_525 = arith.constant 0 : i32
    %dma_wait3A_526 = tpu.memref_slice %arg11[%dma_wait3A_515, %dma_wait3A_524, %dma_wait3A_525] : memref<2x64x128xf32, #tpu.memory_space<vmem>> -> memref<1x40x128xf32, #tpu.memory_space<vmem>>
    %dma_wait3A_527 = tpu.memref_squeeze %dma_wait3A_526 : memref<1x40x128xf32, #tpu.memory_space<vmem>> -> memref<40x128xf32, #tpu.memory_space<vmem>>
    tpu.wait_dma2 semaphore(%arg16 : memref<!tpu.dma_semaphore, #tpu.memory_space<semaphore_mem>>) src(%dma_wait3A_527 : memref<40x128xf32, #tpu.memory_space<vmem>>) dst(%dma_wait3A_523 : memref<40x128xf32, #tpu.memory_space<vmem_shared>>)
    %dma_wait3A_528 = arith.constant 0 : i32
    %dma_wait3A_529 = arith.constant 0 : i32
    %dma_wait3A_530 = arith.constant 0 : i32
    %dma_wait3A_531 = tpu.memref_slice %arg11[%dma_wait3A_528, %dma_wait3A_529, %dma_wait3A_530] : memref<2x64x128xf32, #tpu.memory_space<vmem>> -> memref<1x40x128xf32, #tpu.memory_space<vmem>>
    %dma_wait3A_532 = tpu.memref_squeeze %dma_wait3A_531 : memref<1x40x128xf32, #tpu.memory_space<vmem>> -> memref<40x128xf32, #tpu.memory_space<vmem>>
    %dma_wait3A_533 = arith.constant 0 : i32
    %dma_wait3A_534 = tpu.memref_slice %arg7[%add3A_188, %dma_wait3A_533] : memref<10240x128xf32, #tpu.memory_space<vmem_shared>> -> memref<40x128xf32, #tpu.memory_space<vmem_shared>>
    %dma_wait3A_535 = arith.constant 0 : i32
    %dma_wait3A_536 = tpu.memref_slice %arg7[%add3A_188, %dma_wait3A_535] : memref<10240x128xf32, #tpu.memory_space<vmem_shared>> -> memref<40x128xf32, #tpu.memory_space<vmem_shared>>
    %dma_wait3A_537 = arith.constant 0 : i32
    %dma_wait3A_538 = arith.constant 0 : i32
    %dma_wait3A_539 = tpu.memref_slice %arg11[%dma_wait3A_528, %dma_wait3A_537, %dma_wait3A_538] : memref<2x64x128xf32, #tpu.memory_space<vmem>> -> memref<1x40x128xf32, #tpu.memory_space<vmem>>
    %dma_wait3A_540 = tpu.memref_squeeze %dma_wait3A_539 : memref<1x40x128xf32, #tpu.memory_space<vmem>> -> memref<40x128xf32, #tpu.memory_space<vmem>>
    tpu.wait_dma2 semaphore(%arg16 : memref<!tpu.dma_semaphore, #tpu.memory_space<semaphore_mem>>) src(%dma_wait3A_540 : memref<40x128xf32, #tpu.memory_space<vmem>>) dst(%dma_wait3A_536 : memref<40x128xf32, #tpu.memory_space<vmem_shared>>)
    %dma_wait3A_541 = arith.constant 0 : i32
    %dma_wait3A_542 = arith.constant 0 : i32
    %dma_wait3A_543 = arith.constant 0 : i32
    %dma_wait3A_544 = tpu.memref_slice %arg11[%dma_wait3A_541, %dma_wait3A_542, %dma_wait3A_543] : memref<2x64x128xf32, #tpu.memory_space<vmem>> -> memref<1x40x128xf32, #tpu.memory_space<vmem>>
    %dma_wait3A_545 = tpu.memref_squeeze %dma_wait3A_544 : memref<1x40x128xf32, #tpu.memory_space<vmem>> -> memref<40x128xf32, #tpu.memory_space<vmem>>
    %dma_wait3A_546 = arith.constant 0 : i32
    %dma_wait3A_547 = tpu.memref_slice %arg7[%add3A_213, %dma_wait3A_546] : memref<10240x128xf32, #tpu.memory_space<vmem_shared>> -> memref<40x128xf32, #tpu.memory_space<vmem_shared>>
    %dma_wait3A_548 = arith.constant 0 : i32
    %dma_wait3A_549 = tpu.memref_slice %arg7[%add3A_213, %dma_wait3A_548] : memref<10240x128xf32, #tpu.memory_space<vmem_shared>> -> memref<40x128xf32, #tpu.memory_space<vmem_shared>>
    %dma_wait3A_550 = arith.constant 0 : i32
    %dma_wait3A_551 = arith.constant 0 : i32
    %dma_wait3A_552 = tpu.memref_slice %arg11[%dma_wait3A_541, %dma_wait3A_550, %dma_wait3A_551] : memref<2x64x128xf32, #tpu.memory_space<vmem>> -> memref<1x40x128xf32, #tpu.memory_space<vmem>>
    %dma_wait3A_553 = tpu.memref_squeeze %dma_wait3A_552 : memref<1x40x128xf32, #tpu.memory_space<vmem>> -> memref<40x128xf32, #tpu.memory_space<vmem>>
    tpu.wait_dma2 semaphore(%arg16 : memref<!tpu.dma_semaphore, #tpu.memory_space<semaphore_mem>>) src(%dma_wait3A_553 : memref<40x128xf32, #tpu.memory_space<vmem>>) dst(%dma_wait3A_549 : memref<40x128xf32, #tpu.memory_space<vmem_shared>>)
    %dma_wait3A_554 = arith.constant 0 : i32
    %dma_wait3A_555 = arith.constant 0 : i32
    %dma_wait3A_556 = arith.constant 0 : i32
    %dma_wait3A_557 = tpu.memref_slice %arg11[%dma_wait3A_554, %dma_wait3A_555, %dma_wait3A_556] : memref<2x64x128xf32, #tpu.memory_space<vmem>> -> memref<1x40x128xf32, #tpu.memory_space<vmem>>
    %dma_wait3A_558 = tpu.memref_squeeze %dma_wait3A_557 : memref<1x40x128xf32, #tpu.memory_space<vmem>> -> memref<40x128xf32, #tpu.memory_space<vmem>>
    %dma_wait3A_559 = arith.constant 0 : i32
    %dma_wait3A_560 = tpu.memref_slice %arg7[%add3A_238, %dma_wait3A_559] : memref<10240x128xf32, #tpu.memory_space<vmem_shared>> -> memref<40x128xf32, #tpu.memory_space<vmem_shared>>
    %dma_wait3A_561 = arith.constant 0 : i32
    %dma_wait3A_562 = tpu.memref_slice %arg7[%add3A_238, %dma_wait3A_561] : memref<10240x128xf32, #tpu.memory_space<vmem_shared>> -> memref<40x128xf32, #tpu.memory_space<vmem_shared>>
    %dma_wait3A_563 = arith.constant 0 : i32
    %dma_wait3A_564 = arith.constant 0 : i32
    %dma_wait3A_565 = tpu.memref_slice %arg11[%dma_wait3A_554, %dma_wait3A_563, %dma_wait3A_564] : memref<2x64x128xf32, #tpu.memory_space<vmem>> -> memref<1x40x128xf32, #tpu.memory_space<vmem>>
    %dma_wait3A_566 = tpu.memref_squeeze %dma_wait3A_565 : memref<1x40x128xf32, #tpu.memory_space<vmem>> -> memref<40x128xf32, #tpu.memory_space<vmem>>
    tpu.wait_dma2 semaphore(%arg16 : memref<!tpu.dma_semaphore, #tpu.memory_space<semaphore_mem>>) src(%dma_wait3A_566 : memref<40x128xf32, #tpu.memory_space<vmem>>) dst(%dma_wait3A_562 : memref<40x128xf32, #tpu.memory_space<vmem_shared>>)
    %dma_wait3A_567 = arith.constant 0 : i32
    %dma_wait3A_568 = arith.constant 0 : i32
    %dma_wait3A_569 = arith.constant 0 : i32
    %dma_wait3A_570 = tpu.memref_slice %arg11[%dma_wait3A_567, %dma_wait3A_568, %dma_wait3A_569] : memref<2x64x128xf32, #tpu.memory_space<vmem>> -> memref<1x40x128xf32, #tpu.memory_space<vmem>>
    %dma_wait3A_571 = tpu.memref_squeeze %dma_wait3A_570 : memref<1x40x128xf32, #tpu.memory_space<vmem>> -> memref<40x128xf32, #tpu.memory_space<vmem>>
    %dma_wait3A_572 = arith.constant 0 : i32
    %dma_wait3A_573 = tpu.memref_slice %arg7[%add3A_263, %dma_wait3A_572] : memref<10240x128xf32, #tpu.memory_space<vmem_shared>> -> memref<40x128xf32, #tpu.memory_space<vmem_shared>>
    %dma_wait3A_574 = arith.constant 0 : i32
    %dma_wait3A_575 = tpu.memref_slice %arg7[%add3A_263, %dma_wait3A_574] : memref<10240x128xf32, #tpu.memory_space<vmem_shared>> -> memref<40x128xf32, #tpu.memory_space<vmem_shared>>
    %dma_wait3A_576 = arith.constant 0 : i32
    %dma_wait3A_577 = arith.constant 0 : i32
    %dma_wait3A_578 = tpu.memref_slice %arg11[%dma_wait3A_567, %dma_wait3A_576, %dma_wait3A_577] : memref<2x64x128xf32, #tpu.memory_space<vmem>> -> memref<1x40x128xf32, #tpu.memory_space<vmem>>
    %dma_wait3A_579 = tpu.memref_squeeze %dma_wait3A_578 : memref<1x40x128xf32, #tpu.memory_space<vmem>> -> memref<40x128xf32, #tpu.memory_space<vmem>>
    tpu.wait_dma2 semaphore(%arg16 : memref<!tpu.dma_semaphore, #tpu.memory_space<semaphore_mem>>) src(%dma_wait3A_579 : memref<40x128xf32, #tpu.memory_space<vmem>>) dst(%dma_wait3A_575 : memref<40x128xf32, #tpu.memory_space<vmem_shared>>)
    %dma_wait3A_580 = arith.constant 0 : i32
    %dma_wait3A_581 = arith.constant 0 : i32
    %dma_wait3A_582 = arith.constant 0 : i32
    %dma_wait3A_583 = tpu.memref_slice %arg11[%dma_wait3A_580, %dma_wait3A_581, %dma_wait3A_582] : memref<2x64x128xf32, #tpu.memory_space<vmem>> -> memref<1x40x128xf32, #tpu.memory_space<vmem>>
    %dma_wait3A_584 = tpu.memref_squeeze %dma_wait3A_583 : memref<1x40x128xf32, #tpu.memory_space<vmem>> -> memref<40x128xf32, #tpu.memory_space<vmem>>
    %dma_wait3A_585 = arith.constant 0 : i32
    %dma_wait3A_586 = tpu.memref_slice %arg7[%add3A_288, %dma_wait3A_585] : memref<10240x128xf32, #tpu.memory_space<vmem_shared>> -> memref<40x128xf32, #tpu.memory_space<vmem_shared>>
    %dma_wait3A_587 = arith.constant 0 : i32
    %dma_wait3A_588 = tpu.memref_slice %arg7[%add3A_288, %dma_wait3A_587] : memref<10240x128xf32, #tpu.memory_space<vmem_shared>> -> memref<40x128xf32, #tpu.memory_space<vmem_shared>>
    %dma_wait3A_589 = arith.constant 0 : i32
    %dma_wait3A_590 = arith.constant 0 : i32
    %dma_wait3A_591 = tpu.memref_slice %arg11[%dma_wait3A_580, %dma_wait3A_589, %dma_wait3A_590] : memref<2x64x128xf32, #tpu.memory_space<vmem>> -> memref<1x40x128xf32, #tpu.memory_space<vmem>>
    %dma_wait3A_592 = tpu.memref_squeeze %dma_wait3A_591 : memref<1x40x128xf32, #tpu.memory_space<vmem>> -> memref<40x128xf32, #tpu.memory_space<vmem>>
    tpu.wait_dma2 semaphore(%arg16 : memref<!tpu.dma_semaphore, #tpu.memory_space<semaphore_mem>>) src(%dma_wait3A_592 : memref<40x128xf32, #tpu.memory_space<vmem>>) dst(%dma_wait3A_588 : memref<40x128xf32, #tpu.memory_space<vmem_shared>>)
    %dma_wait3A_593 = arith.constant 0 : i32
    %dma_wait3A_594 = arith.constant 0 : i32
    %dma_wait3A_595 = arith.constant 0 : i32
    %dma_wait3A_596 = tpu.memref_slice %arg11[%dma_wait3A_593, %dma_wait3A_594, %dma_wait3A_595] : memref<2x64x128xf32, #tpu.memory_space<vmem>> -> memref<1x40x128xf32, #tpu.memory_space<vmem>>
    %dma_wait3A_597 = tpu.memref_squeeze %dma_wait3A_596 : memref<1x40x128xf32, #tpu.memory_space<vmem>> -> memref<40x128xf32, #tpu.memory_space<vmem>>
    %dma_wait3A_598 = arith.constant 0 : i32
    %dma_wait3A_599 = tpu.memref_slice %arg7[%add3A_313, %dma_wait3A_598] : memref<10240x128xf32, #tpu.memory_space<vmem_shared>> -> memref<40x128xf32, #tpu.memory_space<vmem_shared>>
    %dma_wait3A_600 = arith.constant 0 : i32
    %dma_wait3A_601 = tpu.memref_slice %arg7[%add3A_313, %dma_wait3A_600] : memref<10240x128xf32, #tpu.memory_space<vmem_shared>> -> memref<40x128xf32, #tpu.memory_space<vmem_shared>>
    %dma_wait3A_602 = arith.constant 0 : i32
    %dma_wait3A_603 = arith.constant 0 : i32
    %dma_wait3A_604 = tpu.memref_slice %arg11[%dma_wait3A_593, %dma_wait3A_602, %dma_wait3A_603] : memref<2x64x128xf32, #tpu.memory_space<vmem>> -> memref<1x40x128xf32, #tpu.memory_space<vmem>>
    %dma_wait3A_605 = tpu.memref_squeeze %dma_wait3A_604 : memref<1x40x128xf32, #tpu.memory_space<vmem>> -> memref<40x128xf32, #tpu.memory_space<vmem>>
    tpu.wait_dma2 semaphore(%arg16 : memref<!tpu.dma_semaphore, #tpu.memory_space<semaphore_mem>>) src(%dma_wait3A_605 : memref<40x128xf32, #tpu.memory_space<vmem>>) dst(%dma_wait3A_601 : memref<40x128xf32, #tpu.memory_space<vmem_shared>>)
    %dma_wait3A_606 = arith.constant 0 : i32
    %dma_wait3A_607 = arith.constant 0 : i32
    %dma_wait3A_608 = arith.constant 0 : i32
    %dma_wait3A_609 = tpu.memref_slice %arg11[%dma_wait3A_606, %dma_wait3A_607, %dma_wait3A_608] : memref<2x64x128xf32, #tpu.memory_space<vmem>> -> memref<1x40x128xf32, #tpu.memory_space<vmem>>
    %dma_wait3A_610 = tpu.memref_squeeze %dma_wait3A_609 : memref<1x40x128xf32, #tpu.memory_space<vmem>> -> memref<40x128xf32, #tpu.memory_space<vmem>>
    %dma_wait3A_611 = arith.constant 0 : i32
    %dma_wait3A_612 = tpu.memref_slice %arg7[%add3A_338, %dma_wait3A_611] : memref<10240x128xf32, #tpu.memory_space<vmem_shared>> -> memref<40x128xf32, #tpu.memory_space<vmem_shared>>
    %dma_wait3A_613 = arith.constant 0 : i32
    %dma_wait3A_614 = tpu.memref_slice %arg7[%add3A_338, %dma_wait3A_613] : memref<10240x128xf32, #tpu.memory_space<vmem_shared>> -> memref<40x128xf32, #tpu.memory_space<vmem_shared>>
    %dma_wait3A_615 = arith.constant 0 : i32
    %dma_wait3A_616 = arith.constant 0 : i32
    %dma_wait3A_617 = tpu.memref_slice %arg11[%dma_wait3A_606, %dma_wait3A_615, %dma_wait3A_616] : memref<2x64x128xf32, #tpu.memory_space<vmem>> -> memref<1x40x128xf32, #tpu.memory_space<vmem>>
    %dma_wait3A_618 = tpu.memref_squeeze %dma_wait3A_617 : memref<1x40x128xf32, #tpu.memory_space<vmem>> -> memref<40x128xf32, #tpu.memory_space<vmem>>
    tpu.wait_dma2 semaphore(%arg16 : memref<!tpu.dma_semaphore, #tpu.memory_space<semaphore_mem>>) src(%dma_wait3A_618 : memref<40x128xf32, #tpu.memory_space<vmem>>) dst(%dma_wait3A_614 : memref<40x128xf32, #tpu.memory_space<vmem_shared>>)
    %dma_wait3A_619 = arith.constant 0 : i32
    %dma_wait3A_620 = arith.constant 0 : i32
    %dma_wait3A_621 = arith.constant 0 : i32
    %dma_wait3A_622 = tpu.memref_slice %arg11[%dma_wait3A_619, %dma_wait3A_620, %dma_wait3A_621] : memref<2x64x128xf32, #tpu.memory_space<vmem>> -> memref<1x40x128xf32, #tpu.memory_space<vmem>>
    %dma_wait3A_623 = tpu.memref_squeeze %dma_wait3A_622 : memref<1x40x128xf32, #tpu.memory_space<vmem>> -> memref<40x128xf32, #tpu.memory_space<vmem>>
    %dma_wait3A_624 = arith.constant 0 : i32
    %dma_wait3A_625 = tpu.memref_slice %arg7[%add3A_363, %dma_wait3A_624] : memref<10240x128xf32, #tpu.memory_space<vmem_shared>> -> memref<40x128xf32, #tpu.memory_space<vmem_shared>>
    %dma_wait3A_626 = arith.constant 0 : i32
    %dma_wait3A_627 = tpu.memref_slice %arg7[%add3A_363, %dma_wait3A_626] : memref<10240x128xf32, #tpu.memory_space<vmem_shared>> -> memref<40x128xf32, #tpu.memory_space<vmem_shared>>
    %dma_wait3A_628 = arith.constant 0 : i32
    %dma_wait3A_629 = arith.constant 0 : i32
    %dma_wait3A_630 = tpu.memref_slice %arg11[%dma_wait3A_619, %dma_wait3A_628, %dma_wait3A_629] : memref<2x64x128xf32, #tpu.memory_space<vmem>> -> memref<1x40x128xf32, #tpu.memory_space<vmem>>
    %dma_wait3A_631 = tpu.memref_squeeze %dma_wait3A_630 : memref<1x40x128xf32, #tpu.memory_space<vmem>> -> memref<40x128xf32, #tpu.memory_space<vmem>>
    tpu.wait_dma2 semaphore(%arg16 : memref<!tpu.dma_semaphore, #tpu.memory_space<semaphore_mem>>) src(%dma_wait3A_631 : memref<40x128xf32, #tpu.memory_space<vmem>>) dst(%dma_wait3A_627 : memref<40x128xf32, #tpu.memory_space<vmem_shared>>)
    %dma_wait3A_632 = arith.constant 0 : i32
    %dma_wait3A_633 = arith.constant 0 : i32
    %dma_wait3A_634 = arith.constant 0 : i32
    %dma_wait3A_635 = tpu.memref_slice %arg11[%dma_wait3A_632, %dma_wait3A_633, %dma_wait3A_634] : memref<2x64x128xf32, #tpu.memory_space<vmem>> -> memref<1x40x128xf32, #tpu.memory_space<vmem>>
    %dma_wait3A_636 = tpu.memref_squeeze %dma_wait3A_635 : memref<1x40x128xf32, #tpu.memory_space<vmem>> -> memref<40x128xf32, #tpu.memory_space<vmem>>
    %dma_wait3A_637 = arith.constant 0 : i32
    %dma_wait3A_638 = tpu.memref_slice %arg7[%add3A_388, %dma_wait3A_637] : memref<10240x128xf32, #tpu.memory_space<vmem_shared>> -> memref<40x128xf32, #tpu.memory_space<vmem_shared>>
    %dma_wait3A_639 = arith.constant 0 : i32
    %dma_wait3A_640 = tpu.memref_slice %arg7[%add3A_388, %dma_wait3A_639] : memref<10240x128xf32, #tpu.memory_space<vmem_shared>> -> memref<40x128xf32, #tpu.memory_space<vmem_shared>>
    %dma_wait3A_641 = arith.constant 0 : i32
    %dma_wait3A_642 = arith.constant 0 : i32
    %dma_wait3A_643 = tpu.memref_slice %arg11[%dma_wait3A_632, %dma_wait3A_641, %dma_wait3A_642] : memref<2x64x128xf32, #tpu.memory_space<vmem>> -> memref<1x40x128xf32, #tpu.memory_space<vmem>>
    %dma_wait3A_644 = tpu.memref_squeeze %dma_wait3A_643 : memref<1x40x128xf32, #tpu.memory_space<vmem>> -> memref<40x128xf32, #tpu.memory_space<vmem>>
    tpu.wait_dma2 semaphore(%arg16 : memref<!tpu.dma_semaphore, #tpu.memory_space<semaphore_mem>>) src(%dma_wait3A_644 : memref<40x128xf32, #tpu.memory_space<vmem>>) dst(%dma_wait3A_640 : memref<40x128xf32, #tpu.memory_space<vmem_shared>>)
    %dma_wait3A_645 = arith.constant 0 : i32
    %dma_wait3A_646 = arith.constant 0 : i32
    %dma_wait3A_647 = arith.constant 0 : i32
    %dma_wait3A_648 = tpu.memref_slice %arg11[%dma_wait3A_645, %dma_wait3A_646, %dma_wait3A_647] : memref<2x64x128xf32, #tpu.memory_space<vmem>> -> memref<1x40x128xf32, #tpu.memory_space<vmem>>
    %dma_wait3A_649 = tpu.memref_squeeze %dma_wait3A_648 : memref<1x40x128xf32, #tpu.memory_space<vmem>> -> memref<40x128xf32, #tpu.memory_space<vmem>>
    %dma_wait3A_650 = arith.constant 0 : i32
    %dma_wait3A_651 = tpu.memref_slice %arg7[%add3A_413, %dma_wait3A_650] : memref<10240x128xf32, #tpu.memory_space<vmem_shared>> -> memref<40x128xf32, #tpu.memory_space<vmem_shared>>
    %dma_wait3A_652 = arith.constant 0 : i32
    %dma_wait3A_653 = tpu.memref_slice %arg7[%add3A_413, %dma_wait3A_652] : memref<10240x128xf32, #tpu.memory_space<vmem_shared>> -> memref<40x128xf32, #tpu.memory_space<vmem_shared>>
    %dma_wait3A_654 = arith.constant 0 : i32
    %dma_wait3A_655 = arith.constant 0 : i32
    %dma_wait3A_656 = tpu.memref_slice %arg11[%dma_wait3A_645, %dma_wait3A_654, %dma_wait3A_655] : memref<2x64x128xf32, #tpu.memory_space<vmem>> -> memref<1x40x128xf32, #tpu.memory_space<vmem>>
    %dma_wait3A_657 = tpu.memref_squeeze %dma_wait3A_656 : memref<1x40x128xf32, #tpu.memory_space<vmem>> -> memref<40x128xf32, #tpu.memory_space<vmem>>
    tpu.wait_dma2 semaphore(%arg16 : memref<!tpu.dma_semaphore, #tpu.memory_space<semaphore_mem>>) src(%dma_wait3A_657 : memref<40x128xf32, #tpu.memory_space<vmem>>) dst(%dma_wait3A_653 : memref<40x128xf32, #tpu.memory_space<vmem_shared>>)
    %dma_wait3A_658 = arith.constant 0 : i32
    %dma_wait3A_659 = tpu.memref_slice %arg8[%add3A_55, %dma_wait3A_658] : memref<10240x16xf32, #tpu.memory_space<vmem_shared>> -> memref<40x16xf32, #tpu.memory_space<vmem_shared>>
    %dma_wait3A_660 = arith.constant 0 : i32
    %dma_wait3A_661 = tpu.memref_slice %arg8[%add3A_55, %dma_wait3A_660] : memref<10240x16xf32, #tpu.memory_space<vmem_shared>> -> memref<40x16xf32, #tpu.memory_space<vmem_shared>>
    tpu.wait_dma2 semaphore(%arg17 : memref<!tpu.dma_semaphore, #tpu.memory_space<semaphore_mem>>) src(%arg13 : memref<40x16xf32, #tpu.memory_space<vmem>>) dst(%dma_wait3A_661 : memref<40x16xf32, #tpu.memory_space<vmem_shared>>)
    %dma_wait3A_662 = arith.constant 0 : i32
    %dma_wait3A_663 = tpu.memref_slice %arg8[%add3A_80, %dma_wait3A_662] : memref<10240x16xf32, #tpu.memory_space<vmem_shared>> -> memref<40x16xf32, #tpu.memory_space<vmem_shared>>
    %dma_wait3A_664 = arith.constant 0 : i32
    %dma_wait3A_665 = tpu.memref_slice %arg8[%add3A_80, %dma_wait3A_664] : memref<10240x16xf32, #tpu.memory_space<vmem_shared>> -> memref<40x16xf32, #tpu.memory_space<vmem_shared>>
    tpu.wait_dma2 semaphore(%arg17 : memref<!tpu.dma_semaphore, #tpu.memory_space<semaphore_mem>>) src(%arg13 : memref<40x16xf32, #tpu.memory_space<vmem>>) dst(%dma_wait3A_665 : memref<40x16xf32, #tpu.memory_space<vmem_shared>>)
    %dma_wait3A_666 = arith.constant 0 : i32
    %dma_wait3A_667 = tpu.memref_slice %arg8[%add3A_105, %dma_wait3A_666] : memref<10240x16xf32, #tpu.memory_space<vmem_shared>> -> memref<40x16xf32, #tpu.memory_space<vmem_shared>>
    %dma_wait3A_668 = arith.constant 0 : i32
    %dma_wait3A_669 = tpu.memref_slice %arg8[%add3A_105, %dma_wait3A_668] : memref<10240x16xf32, #tpu.memory_space<vmem_shared>> -> memref<40x16xf32, #tpu.memory_space<vmem_shared>>
    tpu.wait_dma2 semaphore(%arg17 : memref<!tpu.dma_semaphore, #tpu.memory_space<semaphore_mem>>) src(%arg13 : memref<40x16xf32, #tpu.memory_space<vmem>>) dst(%dma_wait3A_669 : memref<40x16xf32, #tpu.memory_space<vmem_shared>>)
    %dma_wait3A_670 = arith.constant 0 : i32
    %dma_wait3A_671 = tpu.memref_slice %arg8[%add3A_130, %dma_wait3A_670] : memref<10240x16xf32, #tpu.memory_space<vmem_shared>> -> memref<40x16xf32, #tpu.memory_space<vmem_shared>>
    %dma_wait3A_672 = arith.constant 0 : i32
    %dma_wait3A_673 = tpu.memref_slice %arg8[%add3A_130, %dma_wait3A_672] : memref<10240x16xf32, #tpu.memory_space<vmem_shared>> -> memref<40x16xf32, #tpu.memory_space<vmem_shared>>
    tpu.wait_dma2 semaphore(%arg17 : memref<!tpu.dma_semaphore, #tpu.memory_space<semaphore_mem>>) src(%arg13 : memref<40x16xf32, #tpu.memory_space<vmem>>) dst(%dma_wait3A_673 : memref<40x16xf32, #tpu.memory_space<vmem_shared>>)
    %dma_wait3A_674 = arith.constant 0 : i32
    %dma_wait3A_675 = tpu.memref_slice %arg8[%add3A_155, %dma_wait3A_674] : memref<10240x16xf32, #tpu.memory_space<vmem_shared>> -> memref<40x16xf32, #tpu.memory_space<vmem_shared>>
    %dma_wait3A_676 = arith.constant 0 : i32
    %dma_wait3A_677 = tpu.memref_slice %arg8[%add3A_155, %dma_wait3A_676] : memref<10240x16xf32, #tpu.memory_space<vmem_shared>> -> memref<40x16xf32, #tpu.memory_space<vmem_shared>>
    tpu.wait_dma2 semaphore(%arg17 : memref<!tpu.dma_semaphore, #tpu.memory_space<semaphore_mem>>) src(%arg13 : memref<40x16xf32, #tpu.memory_space<vmem>>) dst(%dma_wait3A_677 : memref<40x16xf32, #tpu.memory_space<vmem_shared>>)
    %dma_wait3A_678 = arith.constant 0 : i32
    %dma_wait3A_679 = tpu.memref_slice %arg8[%add3A_180, %dma_wait3A_678] : memref<10240x16xf32, #tpu.memory_space<vmem_shared>> -> memref<40x16xf32, #tpu.memory_space<vmem_shared>>
    %dma_wait3A_680 = arith.constant 0 : i32
    %dma_wait3A_681 = tpu.memref_slice %arg8[%add3A_180, %dma_wait3A_680] : memref<10240x16xf32, #tpu.memory_space<vmem_shared>> -> memref<40x16xf32, #tpu.memory_space<vmem_shared>>
    tpu.wait_dma2 semaphore(%arg17 : memref<!tpu.dma_semaphore, #tpu.memory_space<semaphore_mem>>) src(%arg13 : memref<40x16xf32, #tpu.memory_space<vmem>>) dst(%dma_wait3A_681 : memref<40x16xf32, #tpu.memory_space<vmem_shared>>)
    %dma_wait3A_682 = arith.constant 0 : i32
    %dma_wait3A_683 = tpu.memref_slice %arg8[%add3A_205, %dma_wait3A_682] : memref<10240x16xf32, #tpu.memory_space<vmem_shared>> -> memref<40x16xf32, #tpu.memory_space<vmem_shared>>
    %dma_wait3A_684 = arith.constant 0 : i32
    %dma_wait3A_685 = tpu.memref_slice %arg8[%add3A_205, %dma_wait3A_684] : memref<10240x16xf32, #tpu.memory_space<vmem_shared>> -> memref<40x16xf32, #tpu.memory_space<vmem_shared>>
    tpu.wait_dma2 semaphore(%arg17 : memref<!tpu.dma_semaphore, #tpu.memory_space<semaphore_mem>>) src(%arg13 : memref<40x16xf32, #tpu.memory_space<vmem>>) dst(%dma_wait3A_685 : memref<40x16xf32, #tpu.memory_space<vmem_shared>>)
    %dma_wait3A_686 = arith.constant 0 : i32
    %dma_wait3A_687 = tpu.memref_slice %arg8[%add3A_230, %dma_wait3A_686] : memref<10240x16xf32, #tpu.memory_space<vmem_shared>> -> memref<40x16xf32, #tpu.memory_space<vmem_shared>>
    %dma_wait3A_688 = arith.constant 0 : i32
    %dma_wait3A_689 = tpu.memref_slice %arg8[%add3A_230, %dma_wait3A_688] : memref<10240x16xf32, #tpu.memory_space<vmem_shared>> -> memref<40x16xf32, #tpu.memory_space<vmem_shared>>
    tpu.wait_dma2 semaphore(%arg17 : memref<!tpu.dma_semaphore, #tpu.memory_space<semaphore_mem>>) src(%arg13 : memref<40x16xf32, #tpu.memory_space<vmem>>) dst(%dma_wait3A_689 : memref<40x16xf32, #tpu.memory_space<vmem_shared>>)
    %dma_wait3A_690 = arith.constant 0 : i32
    %dma_wait3A_691 = tpu.memref_slice %arg8[%add3A_255, %dma_wait3A_690] : memref<10240x16xf32, #tpu.memory_space<vmem_shared>> -> memref<40x16xf32, #tpu.memory_space<vmem_shared>>
    %dma_wait3A_692 = arith.constant 0 : i32
    %dma_wait3A_693 = tpu.memref_slice %arg8[%add3A_255, %dma_wait3A_692] : memref<10240x16xf32, #tpu.memory_space<vmem_shared>> -> memref<40x16xf32, #tpu.memory_space<vmem_shared>>
    tpu.wait_dma2 semaphore(%arg17 : memref<!tpu.dma_semaphore, #tpu.memory_space<semaphore_mem>>) src(%arg13 : memref<40x16xf32, #tpu.memory_space<vmem>>) dst(%dma_wait3A_693 : memref<40x16xf32, #tpu.memory_space<vmem_shared>>)
    %dma_wait3A_694 = arith.constant 0 : i32
    %dma_wait3A_695 = tpu.memref_slice %arg8[%add3A_280, %dma_wait3A_694] : memref<10240x16xf32, #tpu.memory_space<vmem_shared>> -> memref<40x16xf32, #tpu.memory_space<vmem_shared>>
    %dma_wait3A_696 = arith.constant 0 : i32
    %dma_wait3A_697 = tpu.memref_slice %arg8[%add3A_280, %dma_wait3A_696] : memref<10240x16xf32, #tpu.memory_space<vmem_shared>> -> memref<40x16xf32, #tpu.memory_space<vmem_shared>>
    tpu.wait_dma2 semaphore(%arg17 : memref<!tpu.dma_semaphore, #tpu.memory_space<semaphore_mem>>) src(%arg13 : memref<40x16xf32, #tpu.memory_space<vmem>>) dst(%dma_wait3A_697 : memref<40x16xf32, #tpu.memory_space<vmem_shared>>)
    %dma_wait3A_698 = arith.constant 0 : i32
    %dma_wait3A_699 = tpu.memref_slice %arg8[%add3A_305, %dma_wait3A_698] : memref<10240x16xf32, #tpu.memory_space<vmem_shared>> -> memref<40x16xf32, #tpu.memory_space<vmem_shared>>
    %dma_wait3A_700 = arith.constant 0 : i32
    %dma_wait3A_701 = tpu.memref_slice %arg8[%add3A_305, %dma_wait3A_700] : memref<10240x16xf32, #tpu.memory_space<vmem_shared>> -> memref<40x16xf32, #tpu.memory_space<vmem_shared>>
    tpu.wait_dma2 semaphore(%arg17 : memref<!tpu.dma_semaphore, #tpu.memory_space<semaphore_mem>>) src(%arg13 : memref<40x16xf32, #tpu.memory_space<vmem>>) dst(%dma_wait3A_701 : memref<40x16xf32, #tpu.memory_space<vmem_shared>>)
    %dma_wait3A_702 = arith.constant 0 : i32
    %dma_wait3A_703 = tpu.memref_slice %arg8[%add3A_330, %dma_wait3A_702] : memref<10240x16xf32, #tpu.memory_space<vmem_shared>> -> memref<40x16xf32, #tpu.memory_space<vmem_shared>>
    %dma_wait3A_704 = arith.constant 0 : i32
    %dma_wait3A_705 = tpu.memref_slice %arg8[%add3A_330, %dma_wait3A_704] : memref<10240x16xf32, #tpu.memory_space<vmem_shared>> -> memref<40x16xf32, #tpu.memory_space<vmem_shared>>
    tpu.wait_dma2 semaphore(%arg17 : memref<!tpu.dma_semaphore, #tpu.memory_space<semaphore_mem>>) src(%arg13 : memref<40x16xf32, #tpu.memory_space<vmem>>) dst(%dma_wait3A_705 : memref<40x16xf32, #tpu.memory_space<vmem_shared>>)
    %dma_wait3A_706 = arith.constant 0 : i32
    %dma_wait3A_707 = tpu.memref_slice %arg8[%add3A_355, %dma_wait3A_706] : memref<10240x16xf32, #tpu.memory_space<vmem_shared>> -> memref<40x16xf32, #tpu.memory_space<vmem_shared>>
    %dma_wait3A_708 = arith.constant 0 : i32
    %dma_wait3A_709 = tpu.memref_slice %arg8[%add3A_355, %dma_wait3A_708] : memref<10240x16xf32, #tpu.memory_space<vmem_shared>> -> memref<40x16xf32, #tpu.memory_space<vmem_shared>>
    tpu.wait_dma2 semaphore(%arg17 : memref<!tpu.dma_semaphore, #tpu.memory_space<semaphore_mem>>) src(%arg13 : memref<40x16xf32, #tpu.memory_space<vmem>>) dst(%dma_wait3A_709 : memref<40x16xf32, #tpu.memory_space<vmem_shared>>)
    %dma_wait3A_710 = arith.constant 0 : i32
    %dma_wait3A_711 = tpu.memref_slice %arg8[%add3A_380, %dma_wait3A_710] : memref<10240x16xf32, #tpu.memory_space<vmem_shared>> -> memref<40x16xf32, #tpu.memory_space<vmem_shared>>
    %dma_wait3A_712 = arith.constant 0 : i32
    %dma_wait3A_713 = tpu.memref_slice %arg8[%add3A_380, %dma_wait3A_712] : memref<10240x16xf32, #tpu.memory_space<vmem_shared>> -> memref<40x16xf32, #tpu.memory_space<vmem_shared>>
    tpu.wait_dma2 semaphore(%arg17 : memref<!tpu.dma_semaphore, #tpu.memory_space<semaphore_mem>>) src(%arg13 : memref<40x16xf32, #tpu.memory_space<vmem>>) dst(%dma_wait3A_713 : memref<40x16xf32, #tpu.memory_space<vmem_shared>>)
    %dma_wait3A_714 = arith.constant 0 : i32
    %dma_wait3A_715 = tpu.memref_slice %arg8[%add3A_405, %dma_wait3A_714] : memref<10240x16xf32, #tpu.memory_space<vmem_shared>> -> memref<40x16xf32, #tpu.memory_space<vmem_shared>>
    %dma_wait3A_716 = arith.constant 0 : i32
    %dma_wait3A_717 = tpu.memref_slice %arg8[%add3A_405, %dma_wait3A_716] : memref<10240x16xf32, #tpu.memory_space<vmem_shared>> -> memref<40x16xf32, #tpu.memory_space<vmem_shared>>
    tpu.wait_dma2 semaphore(%arg17 : memref<!tpu.dma_semaphore, #tpu.memory_space<semaphore_mem>>) src(%arg13 : memref<40x16xf32, #tpu.memory_space<vmem>>) dst(%dma_wait3A_717 : memref<40x16xf32, #tpu.memory_space<vmem_shared>>)
    %dma_wait3A_718 = arith.constant 0 : i32
    %dma_wait3A_719 = tpu.memref_slice %arg8[%add3A_430, %dma_wait3A_718] : memref<10240x16xf32, #tpu.memory_space<vmem_shared>> -> memref<40x16xf32, #tpu.memory_space<vmem_shared>>
    %dma_wait3A_720 = arith.constant 0 : i32
    %dma_wait3A_721 = tpu.memref_slice %arg8[%add3A_430, %dma_wait3A_720] : memref<10240x16xf32, #tpu.memory_space<vmem_shared>> -> memref<40x16xf32, #tpu.memory_space<vmem_shared>>
    tpu.wait_dma2 semaphore(%arg17 : memref<!tpu.dma_semaphore, #tpu.memory_space<semaphore_mem>>) src(%arg13 : memref<40x16xf32, #tpu.memory_space<vmem>>) dst(%dma_wait3A_721 : memref<40x16xf32, #tpu.memory_space<vmem_shared>>)
    %barrier3A = arith.constant 0 : index
    tpu.barrier barrier_id(%barrier3A)
    %dma_start3A_722 = arith.constant 0 : i32
    %dma_start3A_723 = arith.constant 0 : i32
    %dma_start3A_724 = arith.constant 0 : i32
    %dma_start3A_725 = arith.constant 0 : i32
    %dma_start3A_726 = tpu.memref_slice %arg11[%dma_start3A_723, %dma_start3A_724, %dma_start3A_725] : memref<2x64x128xf32, #tpu.memory_space<vmem>> -> memref<1x64x128xf32, #tpu.memory_space<vmem>>
    %dma_start3A_727 = tpu.memref_squeeze %dma_start3A_726 : memref<1x64x128xf32, #tpu.memory_space<vmem>> -> memref<64x128xf32, #tpu.memory_space<vmem>>
    %dma_start3A_728 = arith.constant 0 : i32
    %dma_start3A_729 = tpu.memref_slice %arg9[%dma_start3A_722, %dma_start3A_728] : memref<157x64xi32, #tpu.memory_space<vmem>> -> memref<1x64xi32, #tpu.memory_space<vmem>>
    %dma_start3A_730 = tpu.memref_squeeze %dma_start3A_729 : memref<1x64xi32, #tpu.memory_space<vmem>> -> memref<64xi32, #tpu.memory_space<vmem>>
    %dma_start3A_731 = arith.constant 0 : i32
    %dma_start3A_732 = arith.constant 0 : i32
    %dma_start3A_733 = tpu.memref_slice %arg2[%dma_start3A_731, %dma_start3A_732] : memref<10000x128xf32, #tpu.memory_space<hbm>> -> memref<10000x128xf32, #tpu.memory_space<hbm>>
    tpu.enqueue_indirect_dma source(%dma_start3A_733 : memref<10000x128xf32, #tpu.memory_space<hbm>>) target(%dma_start3A_727 : memref<64x128xf32, #tpu.memory_space<vmem>>) offsets(%dma_start3A_730 : memref<64xi32, #tpu.memory_space<vmem>>) semaphore(%arg14 : memref<!tpu.dma_semaphore, #tpu.memory_space<semaphore_mem>>)
    %dma_wait3A_734 = arith.constant 0 : i32
    %dma_wait3A_735 = arith.constant 0 : i32
    %dma_wait3A_736 = arith.constant 0 : i32
    %dma_wait3A_737 = arith.constant 0 : i32
    %dma_wait3A_738 = tpu.memref_slice %arg11[%dma_wait3A_735, %dma_wait3A_736, %dma_wait3A_737] : memref<2x64x128xf32, #tpu.memory_space<vmem>> -> memref<1x64x128xf32, #tpu.memory_space<vmem>>
    %dma_wait3A_739 = tpu.memref_squeeze %dma_wait3A_738 : memref<1x64x128xf32, #tpu.memory_space<vmem>> -> memref<64x128xf32, #tpu.memory_space<vmem>>
    %dma_wait3A_740 = arith.constant 0 : i32
    %dma_wait3A_741 = tpu.memref_slice %arg9[%dma_wait3A_734, %dma_wait3A_740] : memref<157x64xi32, #tpu.memory_space<vmem>> -> memref<1x64xi32, #tpu.memory_space<vmem>>
    %dma_wait3A_742 = tpu.memref_squeeze %dma_wait3A_741 : memref<1x64xi32, #tpu.memory_space<vmem>> -> memref<64xi32, #tpu.memory_space<vmem>>
    %dma_wait3A_743 = arith.constant 0 : i32
    %dma_wait3A_744 = arith.constant 0 : i32
    %dma_wait3A_745 = tpu.memref_slice %arg2[%dma_wait3A_743, %dma_wait3A_744] : memref<10000x128xf32, #tpu.memory_space<hbm>> -> memref<10000x128xf32, #tpu.memory_space<hbm>>
    tpu.wait_indirect_dma semaphore(%arg14 : memref<!tpu.dma_semaphore, #tpu.memory_space<semaphore_mem>>) src(%dma_wait3A_745 : memref<10000x128xf32, #tpu.memory_space<hbm>>) dst(%dma_wait3A_739 : memref<64x128xf32, #tpu.memory_space<vmem>>)
    %dma_start3A_746 = arith.constant 1 : i32
    %dma_start3A_747 = arith.constant 1 : i32
    %dma_start3A_748 = arith.constant 0 : i32
    %dma_start3A_749 = arith.constant 0 : i32
    %dma_start3A_750 = tpu.memref_slice %arg11[%dma_start3A_747, %dma_start3A_748, %dma_start3A_749] : memref<2x64x128xf32, #tpu.memory_space<vmem>> -> memref<1x64x128xf32, #tpu.memory_space<vmem>>
    %dma_start3A_751 = tpu.memref_squeeze %dma_start3A_750 : memref<1x64x128xf32, #tpu.memory_space<vmem>> -> memref<64x128xf32, #tpu.memory_space<vmem>>
    %dma_start3A_752 = arith.constant 0 : i32
    %dma_start3A_753 = tpu.memref_slice %arg9[%dma_start3A_746, %dma_start3A_752] : memref<157x64xi32, #tpu.memory_space<vmem>> -> memref<1x64xi32, #tpu.memory_space<vmem>>
    %dma_start3A_754 = tpu.memref_squeeze %dma_start3A_753 : memref<1x64xi32, #tpu.memory_space<vmem>> -> memref<64xi32, #tpu.memory_space<vmem>>
    %dma_start3A_755 = arith.constant 0 : i32
    %dma_start3A_756 = arith.constant 0 : i32
    %dma_start3A_757 = tpu.memref_slice %arg2[%dma_start3A_755, %dma_start3A_756] : memref<10000x128xf32, #tpu.memory_space<hbm>> -> memref<10000x128xf32, #tpu.memory_space<hbm>>
    tpu.enqueue_indirect_dma source(%dma_start3A_757 : memref<10000x128xf32, #tpu.memory_space<hbm>>) target(%dma_start3A_751 : memref<64x128xf32, #tpu.memory_space<vmem>>) offsets(%dma_start3A_754 : memref<64xi32, #tpu.memory_space<vmem>>) semaphore(%arg15 : memref<!tpu.dma_semaphore, #tpu.memory_space<semaphore_mem>>)
    %run_scoped3A = arith.constant 0 : i32
    %run_scoped3A_758 = arith.constant 0 : i32
    "tpu.region"() ({
      %run_scoped3A_817 = tpu.sem_alloc : memref<!tpu.dma_semaphore, #tpu.memory_space<semaphore_mem>>
      %dma_start3A_818 = arith.constant 0 : i32
      %dma_start3A_819 = arith.constant 0 : i32
      %dma_start3A_820 = tpu.memref_slice %arg11[%run_scoped3A, %dma_start3A_818, %dma_start3A_819] : memref<2x64x128xf32, #tpu.memory_space<vmem>> -> memref<1x64x128xf32, #tpu.memory_space<vmem>>
      %dma_start3A_821 = tpu.memref_squeeze %dma_start3A_820 : memref<1x64x128xf32, #tpu.memory_space<vmem>> -> memref<64x128xf32, #tpu.memory_space<vmem>>
      %dma_start3A_822 = arith.constant 0 : i32
      %dma_start3A_823 = tpu.memref_slice %arg10[%run_scoped3A_758, %dma_start3A_822] : memref<157x64xi32, #tpu.memory_space<vmem>> -> memref<1x64xi32, #tpu.memory_space<vmem>>
      %dma_start3A_824 = tpu.memref_squeeze %dma_start3A_823 : memref<1x64xi32, #tpu.memory_space<vmem>> -> memref<64xi32, #tpu.memory_space<vmem>>
      %dma_start3A_825 = arith.constant 0 : i32
      %dma_start3A_826 = arith.constant 0 : i32
      %dma_start3A_827 = tpu.memref_slice %arg7[%dma_start3A_825, %dma_start3A_826] : memref<10240x128xf32, #tpu.memory_space<vmem_shared>> -> memref<10240x128xf32, #tpu.memory_space<vmem_shared>>
      tpu.enqueue_indirect_dma source(%dma_start3A_821 : memref<64x128xf32, #tpu.memory_space<vmem>>) target(%dma_start3A_827 : memref<10240x128xf32, #tpu.memory_space<vmem_shared>>) offsets(%dma_start3A_824 : memref<64xi32, #tpu.memory_space<vmem>>) semaphore(%run_scoped3A_817 : memref<!tpu.dma_semaphore, #tpu.memory_space<semaphore_mem>>) {add = true}
      %dma_wait3A_828 = arith.constant 0 : i32
      %dma_wait3A_829 = arith.constant 0 : i32
      %dma_wait3A_830 = tpu.memref_slice %arg11[%run_scoped3A, %dma_wait3A_828, %dma_wait3A_829] : memref<2x64x128xf32, #tpu.memory_space<vmem>> -> memref<1x64x128xf32, #tpu.memory_space<vmem>>
      %dma_wait3A_831 = tpu.memref_squeeze %dma_wait3A_830 : memref<1x64x128xf32, #tpu.memory_space<vmem>> -> memref<64x128xf32, #tpu.memory_space<vmem>>
      %dma_wait3A_832 = arith.constant 0 : i32
      %dma_wait3A_833 = tpu.memref_slice %arg10[%run_scoped3A_758, %dma_wait3A_832] : memref<157x64xi32, #tpu.memory_space<vmem>> -> memref<1x64xi32, #tpu.memory_space<vmem>>
      %dma_wait3A_834 = tpu.memref_squeeze %dma_wait3A_833 : memref<1x64xi32, #tpu.memory_space<vmem>> -> memref<64xi32, #tpu.memory_space<vmem>>
      %dma_wait3A_835 = arith.constant 0 : i32
      %dma_wait3A_836 = arith.constant 0 : i32
      %dma_wait3A_837 = tpu.memref_slice %arg7[%dma_wait3A_835, %dma_wait3A_836] : memref<10240x128xf32, #tpu.memory_space<vmem_shared>> -> memref<10240x128xf32, #tpu.memory_space<vmem_shared>>
      tpu.wait_indirect_dma semaphore(%run_scoped3A_817 : memref<!tpu.dma_semaphore, #tpu.memory_space<semaphore_mem>>) src(%dma_wait3A_831 : memref<64x128xf32, #tpu.memory_space<vmem>>) dst(%dma_wait3A_837 : memref<10240x128xf32, #tpu.memory_space<vmem_shared>>)
      tpu.yield
    }) : () -> ()
    %run_scoped3A_759 = arith.constant 0 : i32
    "tpu.region"() ({
      %run_scoped3A_817 = tpu.sem_alloc : memref<!tpu.dma_semaphore, #tpu.memory_space<semaphore_mem>>
      %dma_start3A_818 = arith.constant 0 : i32
      %dma_start3A_819 = tpu.memref_slice %arg10[%run_scoped3A_759, %dma_start3A_818] : memref<157x64xi32, #tpu.memory_space<vmem>> -> memref<1x64xi32, #tpu.memory_space<vmem>>
      %dma_start3A_820 = tpu.memref_squeeze %dma_start3A_819 : memref<1x64xi32, #tpu.memory_space<vmem>> -> memref<64xi32, #tpu.memory_space<vmem>>
      %dma_start3A_821 = arith.constant 0 : i32
      %dma_start3A_822 = arith.constant 0 : i32
      %dma_start3A_823 = tpu.memref_slice %arg8[%dma_start3A_821, %dma_start3A_822] : memref<10240x16xf32, #tpu.memory_space<vmem_shared>> -> memref<10240x16xf32, #tpu.memory_space<vmem_shared>>
      tpu.enqueue_indirect_dma source(%arg12 : memref<64x16xf32, #tpu.memory_space<vmem>>) target(%dma_start3A_823 : memref<10240x16xf32, #tpu.memory_space<vmem_shared>>) offsets(%dma_start3A_820 : memref<64xi32, #tpu.memory_space<vmem>>) semaphore(%run_scoped3A_817 : memref<!tpu.dma_semaphore, #tpu.memory_space<semaphore_mem>>) {add = true}
      %dma_wait3A_824 = arith.constant 0 : i32
      %dma_wait3A_825 = tpu.memref_slice %arg10[%run_scoped3A_759, %dma_wait3A_824] : memref<157x64xi32, #tpu.memory_space<vmem>> -> memref<1x64xi32, #tpu.memory_space<vmem>>
      %dma_wait3A_826 = tpu.memref_squeeze %dma_wait3A_825 : memref<1x64xi32, #tpu.memory_space<vmem>> -> memref<64xi32, #tpu.memory_space<vmem>>
      %dma_wait3A_827 = arith.constant 0 : i32
      %dma_wait3A_828 = arith.constant 0 : i32
      %dma_wait3A_829 = tpu.memref_slice %arg8[%dma_wait3A_827, %dma_wait3A_828] : memref<10240x16xf32, #tpu.memory_space<vmem_shared>> -> memref<10240x16xf32, #tpu.memory_space<vmem_shared>>
      tpu.wait_indirect_dma semaphore(%run_scoped3A_817 : memref<!tpu.dma_semaphore, #tpu.memory_space<semaphore_mem>>) src(%arg12 : memref<64x16xf32, #tpu.memory_space<vmem>>) dst(%dma_wait3A_829 : memref<10240x16xf32, #tpu.memory_space<vmem_shared>>)
      tpu.yield
    }) : () -> ()
    %scan3A_760 = arith.constant 0 : i32
    %scan3A_761 = arith.constant 0 : i32
    %scan3A_762 = arith.constant 77 : i32
    %scan3A_763 = arith.addi %scan3A_761, %scan3A_762 : i32
    %scan3A_764 = arith.constant 1 : i32
    %scan3A_765 = scf.for %scan3A_817 = %scan3A_761 to %scan3A_763 step %scan3A_764 iter_args(%scan3A_818 = %scan3A_760) -> (i32)  : i32 {
      %mul3A_819 = arith.constant 2 : i32
      %mul3A_820 = arith.muli %mul3A_819, %scan3A_817 : i32
      %add3A_821 = arith.constant 1 : i32
      %add3A_822 = arith.addi %mul3A_820, %add3A_821 : i32
      %dma_wait3A_823 = arith.constant 1 : i32
      %dma_wait3A_824 = arith.constant 0 : i32
      %dma_wait3A_825 = arith.constant 0 : i32
      %dma_wait3A_826 = tpu.memref_slice %arg11[%dma_wait3A_823, %dma_wait3A_824, %dma_wait3A_825] : memref<2x64x128xf32, #tpu.memory_space<vmem>> -> memref<1x64x128xf32, #tpu.memory_space<vmem>>
      %dma_wait3A_827 = tpu.memref_squeeze %dma_wait3A_826 : memref<1x64x128xf32, #tpu.memory_space<vmem>> -> memref<64x128xf32, #tpu.memory_space<vmem>>
      %dma_wait3A_828 = arith.constant 0 : i32
      %dma_wait3A_829 = tpu.memref_slice %arg9[%add3A_822, %dma_wait3A_828] : memref<157x64xi32, #tpu.memory_space<vmem>> -> memref<1x64xi32, #tpu.memory_space<vmem>>
      %dma_wait3A_830 = tpu.memref_squeeze %dma_wait3A_829 : memref<1x64xi32, #tpu.memory_space<vmem>> -> memref<64xi32, #tpu.memory_space<vmem>>
      %dma_wait3A_831 = arith.constant 0 : i32
      %dma_wait3A_832 = arith.constant 0 : i32
      %dma_wait3A_833 = tpu.memref_slice %arg2[%dma_wait3A_831, %dma_wait3A_832] : memref<10000x128xf32, #tpu.memory_space<hbm>> -> memref<10000x128xf32, #tpu.memory_space<hbm>>
      tpu.wait_indirect_dma semaphore(%arg15 : memref<!tpu.dma_semaphore, #tpu.memory_space<semaphore_mem>>) src(%dma_wait3A_833 : memref<10000x128xf32, #tpu.memory_space<hbm>>) dst(%dma_wait3A_827 : memref<64x128xf32, #tpu.memory_space<vmem>>)
      %add3A_834 = arith.constant 1 : i32
      %add3A_835 = arith.addi %add3A_822, %add3A_834 : i32
      %dma_start3A_836 = arith.constant 0 : i32
      %dma_start3A_837 = arith.constant 0 : i32
      %dma_start3A_838 = arith.constant 0 : i32
      %dma_start3A_839 = tpu.memref_slice %arg11[%dma_start3A_836, %dma_start3A_837, %dma_start3A_838] : memref<2x64x128xf32, #tpu.memory_space<vmem>> -> memref<1x64x128xf32, #tpu.memory_space<vmem>>
      %dma_start3A_840 = tpu.memref_squeeze %dma_start3A_839 : memref<1x64x128xf32, #tpu.memory_space<vmem>> -> memref<64x128xf32, #tpu.memory_space<vmem>>
      %dma_start3A_841 = arith.constant 0 : i32
      %dma_start3A_842 = tpu.memref_slice %arg9[%add3A_835, %dma_start3A_841] : memref<157x64xi32, #tpu.memory_space<vmem>> -> memref<1x64xi32, #tpu.memory_space<vmem>>
      %dma_start3A_843 = tpu.memref_squeeze %dma_start3A_842 : memref<1x64xi32, #tpu.memory_space<vmem>> -> memref<64xi32, #tpu.memory_space<vmem>>
      %dma_start3A_844 = arith.constant 0 : i32
      %dma_start3A_845 = arith.constant 0 : i32
      %dma_start3A_846 = tpu.memref_slice %arg2[%dma_start3A_844, %dma_start3A_845] : memref<10000x128xf32, #tpu.memory_space<hbm>> -> memref<10000x128xf32, #tpu.memory_space<hbm>>
      tpu.enqueue_indirect_dma source(%dma_start3A_846 : memref<10000x128xf32, #tpu.memory_space<hbm>>) target(%dma_start3A_840 : memref<64x128xf32, #tpu.memory_space<vmem>>) offsets(%dma_start3A_843 : memref<64xi32, #tpu.memory_space<vmem>>) semaphore(%arg14 : memref<!tpu.dma_semaphore, #tpu.memory_space<semaphore_mem>>)
      %run_scoped3A_847 = arith.constant 1 : i32
      "tpu.region"() ({
        %run_scoped3A_876 = tpu.sem_alloc : memref<!tpu.dma_semaphore, #tpu.memory_space<semaphore_mem>>
        %dma_start3A_877 = arith.constant 0 : i32
        %dma_start3A_878 = arith.constant 0 : i32
        %dma_start3A_879 = tpu.memref_slice %arg11[%run_scoped3A_847, %dma_start3A_877, %dma_start3A_878] : memref<2x64x128xf32, #tpu.memory_space<vmem>> -> memref<1x64x128xf32, #tpu.memory_space<vmem>>
        %dma_start3A_880 = tpu.memref_squeeze %dma_start3A_879 : memref<1x64x128xf32, #tpu.memory_space<vmem>> -> memref<64x128xf32, #tpu.memory_space<vmem>>
        %dma_start3A_881 = arith.constant 0 : i32
        %dma_start3A_882 = tpu.memref_slice %arg10[%add3A_822, %dma_start3A_881] : memref<157x64xi32, #tpu.memory_space<vmem>> -> memref<1x64xi32, #tpu.memory_space<vmem>>
        %dma_start3A_883 = tpu.memref_squeeze %dma_start3A_882 : memref<1x64xi32, #tpu.memory_space<vmem>> -> memref<64xi32, #tpu.memory_space<vmem>>
        %dma_start3A_884 = arith.constant 0 : i32
        %dma_start3A_885 = arith.constant 0 : i32
        %dma_start3A_886 = tpu.memref_slice %arg7[%dma_start3A_884, %dma_start3A_885] : memref<10240x128xf32, #tpu.memory_space<vmem_shared>> -> memref<10240x128xf32, #tpu.memory_space<vmem_shared>>
        tpu.enqueue_indirect_dma source(%dma_start3A_880 : memref<64x128xf32, #tpu.memory_space<vmem>>) target(%dma_start3A_886 : memref<10240x128xf32, #tpu.memory_space<vmem_shared>>) offsets(%dma_start3A_883 : memref<64xi32, #tpu.memory_space<vmem>>) semaphore(%run_scoped3A_876 : memref<!tpu.dma_semaphore, #tpu.memory_space<semaphore_mem>>) {add = true}
        %dma_wait3A_887 = arith.constant 0 : i32
        %dma_wait3A_888 = arith.constant 0 : i32
        %dma_wait3A_889 = tpu.memref_slice %arg11[%run_scoped3A_847, %dma_wait3A_887, %dma_wait3A_888] : memref<2x64x128xf32, #tpu.memory_space<vmem>> -> memref<1x64x128xf32, #tpu.memory_space<vmem>>
        %dma_wait3A_890 = tpu.memref_squeeze %dma_wait3A_889 : memref<1x64x128xf32, #tpu.memory_space<vmem>> -> memref<64x128xf32, #tpu.memory_space<vmem>>
        %dma_wait3A_891 = arith.constant 0 : i32
        %dma_wait3A_892 = tpu.memref_slice %arg10[%add3A_822, %dma_wait3A_891] : memref<157x64xi32, #tpu.memory_space<vmem>> -> memref<1x64xi32, #tpu.memory_space<vmem>>
        %dma_wait3A_893 = tpu.memref_squeeze %dma_wait3A_892 : memref<1x64xi32, #tpu.memory_space<vmem>> -> memref<64xi32, #tpu.memory_space<vmem>>
        %dma_wait3A_894 = arith.constant 0 : i32
        %dma_wait3A_895 = arith.constant 0 : i32
        %dma_wait3A_896 = tpu.memref_slice %arg7[%dma_wait3A_894, %dma_wait3A_895] : memref<10240x128xf32, #tpu.memory_space<vmem_shared>> -> memref<10240x128xf32, #tpu.memory_space<vmem_shared>>
        tpu.wait_indirect_dma semaphore(%run_scoped3A_876 : memref<!tpu.dma_semaphore, #tpu.memory_space<semaphore_mem>>) src(%dma_wait3A_890 : memref<64x128xf32, #tpu.memory_space<vmem>>) dst(%dma_wait3A_896 : memref<10240x128xf32, #tpu.memory_space<vmem_shared>>)
        tpu.yield
      }) : () -> ()
      "tpu.region"() ({
        %run_scoped3A_876 = tpu.sem_alloc : memref<!tpu.dma_semaphore, #tpu.memory_space<semaphore_mem>>
        %dma_start3A_877 = arith.constant 0 : i32
        %dma_start3A_878 = tpu.memref_slice %arg10[%add3A_822, %dma_start3A_877] : memref<157x64xi32, #tpu.memory_space<vmem>> -> memref<1x64xi32, #tpu.memory_space<vmem>>
        %dma_start3A_879 = tpu.memref_squeeze %dma_start3A_878 : memref<1x64xi32, #tpu.memory_space<vmem>> -> memref<64xi32, #tpu.memory_space<vmem>>
        %dma_start3A_880 = arith.constant 0 : i32
        %dma_start3A_881 = arith.constant 0 : i32
        %dma_start3A_882 = tpu.memref_slice %arg8[%dma_start3A_880, %dma_start3A_881] : memref<10240x16xf32, #tpu.memory_space<vmem_shared>> -> memref<10240x16xf32, #tpu.memory_space<vmem_shared>>
        tpu.enqueue_indirect_dma source(%arg12 : memref<64x16xf32, #tpu.memory_space<vmem>>) target(%dma_start3A_882 : memref<10240x16xf32, #tpu.memory_space<vmem_shared>>) offsets(%dma_start3A_879 : memref<64xi32, #tpu.memory_space<vmem>>) semaphore(%run_scoped3A_876 : memref<!tpu.dma_semaphore, #tpu.memory_space<semaphore_mem>>) {add = true}
        %dma_wait3A_883 = arith.constant 0 : i32
        %dma_wait3A_884 = tpu.memref_slice %arg10[%add3A_822, %dma_wait3A_883] : memref<157x64xi32, #tpu.memory_space<vmem>> -> memref<1x64xi32, #tpu.memory_space<vmem>>
        %dma_wait3A_885 = tpu.memref_squeeze %dma_wait3A_884 : memref<1x64xi32, #tpu.memory_space<vmem>> -> memref<64xi32, #tpu.memory_space<vmem>>
        %dma_wait3A_886 = arith.constant 0 : i32
        %dma_wait3A_887 = arith.constant 0 : i32
        %dma_wait3A_888 = tpu.memref_slice %arg8[%dma_wait3A_886, %dma_wait3A_887] : memref<10240x16xf32, #tpu.memory_space<vmem_shared>> -> memref<10240x16xf32, #tpu.memory_space<vmem_shared>>
        tpu.wait_indirect_dma semaphore(%run_scoped3A_876 : memref<!tpu.dma_semaphore, #tpu.memory_space<semaphore_mem>>) src(%arg12 : memref<64x16xf32, #tpu.memory_space<vmem>>) dst(%dma_wait3A_888 : memref<10240x16xf32, #tpu.memory_space<vmem_shared>>)
        tpu.yield
      }) : () -> ()
      %add3A_848 = arith.constant 1 : i32
      %add3A_849 = arith.addi %add3A_822, %add3A_848 : i32
      %dma_wait3A_850 = arith.constant 0 : i32
      %dma_wait3A_851 = arith.constant 0 : i32
      %dma_wait3A_852 = arith.constant 0 : i32
      %dma_wait3A_853 = tpu.memref_slice %arg11[%dma_wait3A_850, %dma_wait3A_851, %dma_wait3A_852] : memref<2x64x128xf32, #tpu.memory_space<vmem>> -> memref<1x64x128xf32, #tpu.memory_space<vmem>>
      %dma_wait3A_854 = tpu.memref_squeeze %dma_wait3A_853 : memref<1x64x128xf32, #tpu.memory_space<vmem>> -> memref<64x128xf32, #tpu.memory_space<vmem>>
      %dma_wait3A_855 = arith.constant 0 : i32
      %dma_wait3A_856 = tpu.memref_slice %arg9[%add3A_849, %dma_wait3A_855] : memref<157x64xi32, #tpu.memory_space<vmem>> -> memref<1x64xi32, #tpu.memory_space<vmem>>
      %dma_wait3A_857 = tpu.memref_squeeze %dma_wait3A_856 : memref<1x64xi32, #tpu.memory_space<vmem>> -> memref<64xi32, #tpu.memory_space<vmem>>
      %dma_wait3A_858 = arith.constant 0 : i32
      %dma_wait3A_859 = arith.constant 0 : i32
      %dma_wait3A_860 = tpu.memref_slice %arg2[%dma_wait3A_858, %dma_wait3A_859] : memref<10000x128xf32, #tpu.memory_space<hbm>> -> memref<10000x128xf32, #tpu.memory_space<hbm>>
      tpu.wait_indirect_dma semaphore(%arg14 : memref<!tpu.dma_semaphore, #tpu.memory_space<semaphore_mem>>) src(%dma_wait3A_860 : memref<10000x128xf32, #tpu.memory_space<hbm>>) dst(%dma_wait3A_854 : memref<64x128xf32, #tpu.memory_space<vmem>>)
      %add3A_861 = arith.constant 1 : i32
      %add3A_862 = arith.addi %add3A_849, %add3A_861 : i32
      %dma_start3A_863 = arith.constant 1 : i32
      %dma_start3A_864 = arith.constant 0 : i32
      %dma_start3A_865 = arith.constant 0 : i32
      %dma_start3A_866 = tpu.memref_slice %arg11[%dma_start3A_863, %dma_start3A_864, %dma_start3A_865] : memref<2x64x128xf32, #tpu.memory_space<vmem>> -> memref<1x64x128xf32, #tpu.memory_space<vmem>>
      %dma_start3A_867 = tpu.memref_squeeze %dma_start3A_866 : memref<1x64x128xf32, #tpu.memory_space<vmem>> -> memref<64x128xf32, #tpu.memory_space<vmem>>
      %dma_start3A_868 = arith.constant 0 : i32
      %dma_start3A_869 = tpu.memref_slice %arg9[%add3A_862, %dma_start3A_868] : memref<157x64xi32, #tpu.memory_space<vmem>> -> memref<1x64xi32, #tpu.memory_space<vmem>>
      %dma_start3A_870 = tpu.memref_squeeze %dma_start3A_869 : memref<1x64xi32, #tpu.memory_space<vmem>> -> memref<64xi32, #tpu.memory_space<vmem>>
      %dma_start3A_871 = arith.constant 0 : i32
      %dma_start3A_872 = arith.constant 0 : i32
      %dma_start3A_873 = tpu.memref_slice %arg2[%dma_start3A_871, %dma_start3A_872] : memref<10000x128xf32, #tpu.memory_space<hbm>> -> memref<10000x128xf32, #tpu.memory_space<hbm>>
      tpu.enqueue_indirect_dma source(%dma_start3A_873 : memref<10000x128xf32, #tpu.memory_space<hbm>>) target(%dma_start3A_867 : memref<64x128xf32, #tpu.memory_space<vmem>>) offsets(%dma_start3A_870 : memref<64xi32, #tpu.memory_space<vmem>>) semaphore(%arg15 : memref<!tpu.dma_semaphore, #tpu.memory_space<semaphore_mem>>)
      %run_scoped3A_874 = arith.constant 0 : i32
      "tpu.region"() ({
        %run_scoped3A_876 = tpu.sem_alloc : memref<!tpu.dma_semaphore, #tpu.memory_space<semaphore_mem>>
        %dma_start3A_877 = arith.constant 0 : i32
        %dma_start3A_878 = arith.constant 0 : i32
        %dma_start3A_879 = tpu.memref_slice %arg11[%run_scoped3A_874, %dma_start3A_877, %dma_start3A_878] : memref<2x64x128xf32, #tpu.memory_space<vmem>> -> memref<1x64x128xf32, #tpu.memory_space<vmem>>
        %dma_start3A_880 = tpu.memref_squeeze %dma_start3A_879 : memref<1x64x128xf32, #tpu.memory_space<vmem>> -> memref<64x128xf32, #tpu.memory_space<vmem>>
        %dma_start3A_881 = arith.constant 0 : i32
        %dma_start3A_882 = tpu.memref_slice %arg10[%add3A_849, %dma_start3A_881] : memref<157x64xi32, #tpu.memory_space<vmem>> -> memref<1x64xi32, #tpu.memory_space<vmem>>
        %dma_start3A_883 = tpu.memref_squeeze %dma_start3A_882 : memref<1x64xi32, #tpu.memory_space<vmem>> -> memref<64xi32, #tpu.memory_space<vmem>>
        %dma_start3A_884 = arith.constant 0 : i32
        %dma_start3A_885 = arith.constant 0 : i32
        %dma_start3A_886 = tpu.memref_slice %arg7[%dma_start3A_884, %dma_start3A_885] : memref<10240x128xf32, #tpu.memory_space<vmem_shared>> -> memref<10240x128xf32, #tpu.memory_space<vmem_shared>>
        tpu.enqueue_indirect_dma source(%dma_start3A_880 : memref<64x128xf32, #tpu.memory_space<vmem>>) target(%dma_start3A_886 : memref<10240x128xf32, #tpu.memory_space<vmem_shared>>) offsets(%dma_start3A_883 : memref<64xi32, #tpu.memory_space<vmem>>) semaphore(%run_scoped3A_876 : memref<!tpu.dma_semaphore, #tpu.memory_space<semaphore_mem>>) {add = true}
        %dma_wait3A_887 = arith.constant 0 : i32
        %dma_wait3A_888 = arith.constant 0 : i32
        %dma_wait3A_889 = tpu.memref_slice %arg11[%run_scoped3A_874, %dma_wait3A_887, %dma_wait3A_888] : memref<2x64x128xf32, #tpu.memory_space<vmem>> -> memref<1x64x128xf32, #tpu.memory_space<vmem>>
        %dma_wait3A_890 = tpu.memref_squeeze %dma_wait3A_889 : memref<1x64x128xf32, #tpu.memory_space<vmem>> -> memref<64x128xf32, #tpu.memory_space<vmem>>
        %dma_wait3A_891 = arith.constant 0 : i32
        %dma_wait3A_892 = tpu.memref_slice %arg10[%add3A_849, %dma_wait3A_891] : memref<157x64xi32, #tpu.memory_space<vmem>> -> memref<1x64xi32, #tpu.memory_space<vmem>>
        %dma_wait3A_893 = tpu.memref_squeeze %dma_wait3A_892 : memref<1x64xi32, #tpu.memory_space<vmem>> -> memref<64xi32, #tpu.memory_space<vmem>>
        %dma_wait3A_894 = arith.constant 0 : i32
        %dma_wait3A_895 = arith.constant 0 : i32
        %dma_wait3A_896 = tpu.memref_slice %arg7[%dma_wait3A_894, %dma_wait3A_895] : memref<10240x128xf32, #tpu.memory_space<vmem_shared>> -> memref<10240x128xf32, #tpu.memory_space<vmem_shared>>
        tpu.wait_indirect_dma semaphore(%run_scoped3A_876 : memref<!tpu.dma_semaphore, #tpu.memory_space<semaphore_mem>>) src(%dma_wait3A_890 : memref<64x128xf32, #tpu.memory_space<vmem>>) dst(%dma_wait3A_896 : memref<10240x128xf32, #tpu.memory_space<vmem_shared>>)
        tpu.yield
      }) : () -> ()
      "tpu.region"() ({
        %run_scoped3A_876 = tpu.sem_alloc : memref<!tpu.dma_semaphore, #tpu.memory_space<semaphore_mem>>
        %dma_start3A_877 = arith.constant 0 : i32
        %dma_start3A_878 = tpu.memref_slice %arg10[%add3A_849, %dma_start3A_877] : memref<157x64xi32, #tpu.memory_space<vmem>> -> memref<1x64xi32, #tpu.memory_space<vmem>>
        %dma_start3A_879 = tpu.memref_squeeze %dma_start3A_878 : memref<1x64xi32, #tpu.memory_space<vmem>> -> memref<64xi32, #tpu.memory_space<vmem>>
        %dma_start3A_880 = arith.constant 0 : i32
        %dma_start3A_881 = arith.constant 0 : i32
        %dma_start3A_882 = tpu.memref_slice %arg8[%dma_start3A_880, %dma_start3A_881] : memref<10240x16xf32, #tpu.memory_space<vmem_shared>> -> memref<10240x16xf32, #tpu.memory_space<vmem_shared>>
        tpu.enqueue_indirect_dma source(%arg12 : memref<64x16xf32, #tpu.memory_space<vmem>>) target(%dma_start3A_882 : memref<10240x16xf32, #tpu.memory_space<vmem_shared>>) offsets(%dma_start3A_879 : memref<64xi32, #tpu.memory_space<vmem>>) semaphore(%run_scoped3A_876 : memref<!tpu.dma_semaphore, #tpu.memory_space<semaphore_mem>>) {add = true}
        %dma_wait3A_883 = arith.constant 0 : i32
        %dma_wait3A_884 = tpu.memref_slice %arg10[%add3A_849, %dma_wait3A_883] : memref<157x64xi32, #tpu.memory_space<vmem>> -> memref<1x64xi32, #tpu.memory_space<vmem>>
        %dma_wait3A_885 = tpu.memref_squeeze %dma_wait3A_884 : memref<1x64xi32, #tpu.memory_space<vmem>> -> memref<64xi32, #tpu.memory_space<vmem>>
        %dma_wait3A_886 = arith.constant 0 : i32
        %dma_wait3A_887 = arith.constant 0 : i32
        %dma_wait3A_888 = tpu.memref_slice %arg8[%dma_wait3A_886, %dma_wait3A_887] : memref<10240x16xf32, #tpu.memory_space<vmem_shared>> -> memref<10240x16xf32, #tpu.memory_space<vmem_shared>>
        tpu.wait_indirect_dma semaphore(%run_scoped3A_876 : memref<!tpu.dma_semaphore, #tpu.memory_space<semaphore_mem>>) src(%arg12 : memref<64x16xf32, #tpu.memory_space<vmem>>) dst(%dma_wait3A_888 : memref<10240x16xf32, #tpu.memory_space<vmem_shared>>)
        tpu.yield
      }) : () -> ()
      %scan3A_875 = arith.constant 0 : i32
      scf.yield %scan3A_875 : i32
    }
    %scan3A_766 = arith.constant 77 : i32
    %dma_wait3A_767 = arith.constant 155 : i32
    %dma_wait3A_768 = arith.constant 1 : i32
    %dma_wait3A_769 = arith.constant 0 : i32
    %dma_wait3A_770 = arith.constant 0 : i32
    %dma_wait3A_771 = tpu.memref_slice %arg11[%dma_wait3A_768, %dma_wait3A_769, %dma_wait3A_770] : memref<2x64x128xf32, #tpu.memory_space<vmem>> -> memref<1x64x128xf32, #tpu.memory_space<vmem>>
    %dma_wait3A_772 = tpu.memref_squeeze %dma_wait3A_771 : memref<1x64x128xf32, #tpu.memory_space<vmem>> -> memref<64x128xf32, #tpu.memory_space<vmem>>
    %dma_wait3A_773 = arith.constant 0 : i32
    %dma_wait3A_774 = tpu.memref_slice %arg9[%dma_wait3A_767, %dma_wait3A_773] : memref<157x64xi32, #tpu.memory_space<vmem>> -> memref<1x64xi32, #tpu.memory_space<vmem>>
    %dma_wait3A_775 = tpu.memref_squeeze %dma_wait3A_774 : memref<1x64xi32, #tpu.memory_space<vmem>> -> memref<64xi32, #tpu.memory_space<vmem>>
    %dma_wait3A_776 = arith.constant 0 : i32
    %dma_wait3A_777 = arith.constant 0 : i32
    %dma_wait3A_778 = tpu.memref_slice %arg2[%dma_wait3A_776, %dma_wait3A_777] : memref<10000x128xf32, #tpu.memory_space<hbm>> -> memref<10000x128xf32, #tpu.memory_space<hbm>>
    tpu.wait_indirect_dma semaphore(%arg15 : memref<!tpu.dma_semaphore, #tpu.memory_space<semaphore_mem>>) src(%dma_wait3A_778 : memref<10000x128xf32, #tpu.memory_space<hbm>>) dst(%dma_wait3A_772 : memref<64x128xf32, #tpu.memory_space<vmem>>)
    %dma_start3A_779 = arith.constant 156 : i32
    %dma_start3A_780 = arith.constant 0 : i32
    %dma_start3A_781 = arith.constant 0 : i32
    %dma_start3A_782 = arith.constant 0 : i32
    %dma_start3A_783 = tpu.memref_slice %arg11[%dma_start3A_780, %dma_start3A_781, %dma_start3A_782] : memref<2x64x128xf32, #tpu.memory_space<vmem>> -> memref<1x64x128xf32, #tpu.memory_space<vmem>>
    %dma_start3A_784 = tpu.memref_squeeze %dma_start3A_783 : memref<1x64x128xf32, #tpu.memory_space<vmem>> -> memref<64x128xf32, #tpu.memory_space<vmem>>
    %dma_start3A_785 = arith.constant 0 : i32
    %dma_start3A_786 = tpu.memref_slice %arg9[%dma_start3A_779, %dma_start3A_785] : memref<157x64xi32, #tpu.memory_space<vmem>> -> memref<1x64xi32, #tpu.memory_space<vmem>>
    %dma_start3A_787 = tpu.memref_squeeze %dma_start3A_786 : memref<1x64xi32, #tpu.memory_space<vmem>> -> memref<64xi32, #tpu.memory_space<vmem>>
    %dma_start3A_788 = arith.constant 0 : i32
    %dma_start3A_789 = arith.constant 0 : i32
    %dma_start3A_790 = tpu.memref_slice %arg2[%dma_start3A_788, %dma_start3A_789] : memref<10000x128xf32, #tpu.memory_space<hbm>> -> memref<10000x128xf32, #tpu.memory_space<hbm>>
    tpu.enqueue_indirect_dma source(%dma_start3A_790 : memref<10000x128xf32, #tpu.memory_space<hbm>>) target(%dma_start3A_784 : memref<64x128xf32, #tpu.memory_space<vmem>>) offsets(%dma_start3A_787 : memref<64xi32, #tpu.memory_space<vmem>>) semaphore(%arg14 : memref<!tpu.dma_semaphore, #tpu.memory_space<semaphore_mem>>)
    %run_scoped3A_791 = arith.constant 1 : i32
    %run_scoped3A_792 = arith.constant 155 : i32
    "tpu.region"() ({
      %run_scoped3A_817 = tpu.sem_alloc : memref<!tpu.dma_semaphore, #tpu.memory_space<semaphore_mem>>
      %dma_start3A_818 = arith.constant 0 : i32
      %dma_start3A_819 = arith.constant 0 : i32
      %dma_start3A_820 = tpu.memref_slice %arg11[%run_scoped3A_791, %dma_start3A_818, %dma_start3A_819] : memref<2x64x128xf32, #tpu.memory_space<vmem>> -> memref<1x64x128xf32, #tpu.memory_space<vmem>>
      %dma_start3A_821 = tpu.memref_squeeze %dma_start3A_820 : memref<1x64x128xf32, #tpu.memory_space<vmem>> -> memref<64x128xf32, #tpu.memory_space<vmem>>
      %dma_start3A_822 = arith.constant 0 : i32
      %dma_start3A_823 = tpu.memref_slice %arg10[%run_scoped3A_792, %dma_start3A_822] : memref<157x64xi32, #tpu.memory_space<vmem>> -> memref<1x64xi32, #tpu.memory_space<vmem>>
      %dma_start3A_824 = tpu.memref_squeeze %dma_start3A_823 : memref<1x64xi32, #tpu.memory_space<vmem>> -> memref<64xi32, #tpu.memory_space<vmem>>
      %dma_start3A_825 = arith.constant 0 : i32
      %dma_start3A_826 = arith.constant 0 : i32
      %dma_start3A_827 = tpu.memref_slice %arg7[%dma_start3A_825, %dma_start3A_826] : memref<10240x128xf32, #tpu.memory_space<vmem_shared>> -> memref<10240x128xf32, #tpu.memory_space<vmem_shared>>
      tpu.enqueue_indirect_dma source(%dma_start3A_821 : memref<64x128xf32, #tpu.memory_space<vmem>>) target(%dma_start3A_827 : memref<10240x128xf32, #tpu.memory_space<vmem_shared>>) offsets(%dma_start3A_824 : memref<64xi32, #tpu.memory_space<vmem>>) semaphore(%run_scoped3A_817 : memref<!tpu.dma_semaphore, #tpu.memory_space<semaphore_mem>>) {add = true}
      %dma_wait3A_828 = arith.constant 0 : i32
      %dma_wait3A_829 = arith.constant 0 : i32
      %dma_wait3A_830 = tpu.memref_slice %arg11[%run_scoped3A_791, %dma_wait3A_828, %dma_wait3A_829] : memref<2x64x128xf32, #tpu.memory_space<vmem>> -> memref<1x64x128xf32, #tpu.memory_space<vmem>>
      %dma_wait3A_831 = tpu.memref_squeeze %dma_wait3A_830 : memref<1x64x128xf32, #tpu.memory_space<vmem>> -> memref<64x128xf32, #tpu.memory_space<vmem>>
      %dma_wait3A_832 = arith.constant 0 : i32
      %dma_wait3A_833 = tpu.memref_slice %arg10[%run_scoped3A_792, %dma_wait3A_832] : memref<157x64xi32, #tpu.memory_space<vmem>> -> memref<1x64xi32, #tpu.memory_space<vmem>>
      %dma_wait3A_834 = tpu.memref_squeeze %dma_wait3A_833 : memref<1x64xi32, #tpu.memory_space<vmem>> -> memref<64xi32, #tpu.memory_space<vmem>>
      %dma_wait3A_835 = arith.constant 0 : i32
      %dma_wait3A_836 = arith.constant 0 : i32
      %dma_wait3A_837 = tpu.memref_slice %arg7[%dma_wait3A_835, %dma_wait3A_836] : memref<10240x128xf32, #tpu.memory_space<vmem_shared>> -> memref<10240x128xf32, #tpu.memory_space<vmem_shared>>
      tpu.wait_indirect_dma semaphore(%run_scoped3A_817 : memref<!tpu.dma_semaphore, #tpu.memory_space<semaphore_mem>>) src(%dma_wait3A_831 : memref<64x128xf32, #tpu.memory_space<vmem>>) dst(%dma_wait3A_837 : memref<10240x128xf32, #tpu.memory_space<vmem_shared>>)
      tpu.yield
    }) : () -> ()
    %run_scoped3A_793 = arith.constant 155 : i32
    "tpu.region"() ({
      %run_scoped3A_817 = tpu.sem_alloc : memref<!tpu.dma_semaphore, #tpu.memory_space<semaphore_mem>>
      %dma_start3A_818 = arith.constant 0 : i32
      %dma_start3A_819 = tpu.memref_slice %arg10[%run_scoped3A_793, %dma_start3A_818] : memref<157x64xi32, #tpu.memory_space<vmem>> -> memref<1x64xi32, #tpu.memory_space<vmem>>
      %dma_start3A_820 = tpu.memref_squeeze %dma_start3A_819 : memref<1x64xi32, #tpu.memory_space<vmem>> -> memref<64xi32, #tpu.memory_space<vmem>>
      %dma_start3A_821 = arith.constant 0 : i32
      %dma_start3A_822 = arith.constant 0 : i32
      %dma_start3A_823 = tpu.memref_slice %arg8[%dma_start3A_821, %dma_start3A_822] : memref<10240x16xf32, #tpu.memory_space<vmem_shared>> -> memref<10240x16xf32, #tpu.memory_space<vmem_shared>>
      tpu.enqueue_indirect_dma source(%arg12 : memref<64x16xf32, #tpu.memory_space<vmem>>) target(%dma_start3A_823 : memref<10240x16xf32, #tpu.memory_space<vmem_shared>>) offsets(%dma_start3A_820 : memref<64xi32, #tpu.memory_space<vmem>>) semaphore(%run_scoped3A_817 : memref<!tpu.dma_semaphore, #tpu.memory_space<semaphore_mem>>) {add = true}
      %dma_wait3A_824 = arith.constant 0 : i32
      %dma_wait3A_825 = tpu.memref_slice %arg10[%run_scoped3A_793, %dma_wait3A_824] : memref<157x64xi32, #tpu.memory_space<vmem>> -> memref<1x64xi32, #tpu.memory_space<vmem>>
      %dma_wait3A_826 = tpu.memref_squeeze %dma_wait3A_825 : memref<1x64xi32, #tpu.memory_space<vmem>> -> memref<64xi32, #tpu.memory_space<vmem>>
      %dma_wait3A_827 = arith.constant 0 : i32
      %dma_wait3A_828 = arith.constant 0 : i32
      %dma_wait3A_829 = tpu.memref_slice %arg8[%dma_wait3A_827, %dma_wait3A_828] : memref<10240x16xf32, #tpu.memory_space<vmem_shared>> -> memref<10240x16xf32, #tpu.memory_space<vmem_shared>>
      tpu.wait_indirect_dma semaphore(%run_scoped3A_817 : memref<!tpu.dma_semaphore, #tpu.memory_space<semaphore_mem>>) src(%arg12 : memref<64x16xf32, #tpu.memory_space<vmem>>) dst(%dma_wait3A_829 : memref<10240x16xf32, #tpu.memory_space<vmem_shared>>)
      tpu.yield
    }) : () -> ()
    %dma_wait3A_794 = arith.constant 156 : i32
    %dma_wait3A_795 = arith.constant 0 : i32
    %dma_wait3A_796 = arith.constant 0 : i32
    %dma_wait3A_797 = arith.constant 0 : i32
    %dma_wait3A_798 = tpu.memref_slice %arg11[%dma_wait3A_795, %dma_wait3A_796, %dma_wait3A_797] : memref<2x64x128xf32, #tpu.memory_space<vmem>> -> memref<1x64x128xf32, #tpu.memory_space<vmem>>
    %dma_wait3A_799 = tpu.memref_squeeze %dma_wait3A_798 : memref<1x64x128xf32, #tpu.memory_space<vmem>> -> memref<64x128xf32, #tpu.memory_space<vmem>>
    %dma_wait3A_800 = arith.constant 0 : i32
    %dma_wait3A_801 = tpu.memref_slice %arg9[%dma_wait3A_794, %dma_wait3A_800] : memref<157x64xi32, #tpu.memory_space<vmem>> -> memref<1x64xi32, #tpu.memory_space<vmem>>
    %dma_wait3A_802 = tpu.memref_squeeze %dma_wait3A_801 : memref<1x64xi32, #tpu.memory_space<vmem>> -> memref<64xi32, #tpu.memory_space<vmem>>
    %dma_wait3A_803 = arith.constant 0 : i32
    %dma_wait3A_804 = arith.constant 0 : i32
    %dma_wait3A_805 = tpu.memref_slice %arg2[%dma_wait3A_803, %dma_wait3A_804] : memref<10000x128xf32, #tpu.memory_space<hbm>> -> memref<10000x128xf32, #tpu.memory_space<hbm>>
    tpu.wait_indirect_dma semaphore(%arg14 : memref<!tpu.dma_semaphore, #tpu.memory_space<semaphore_mem>>) src(%dma_wait3A_805 : memref<10000x128xf32, #tpu.memory_space<hbm>>) dst(%dma_wait3A_799 : memref<64x128xf32, #tpu.memory_space<vmem>>)
    %run_scoped3A_806 = arith.constant 0 : i32
    %run_scoped3A_807 = arith.constant 156 : i32
    "tpu.region"() ({
      %run_scoped3A_817 = tpu.sem_alloc : memref<!tpu.dma_semaphore, #tpu.memory_space<semaphore_mem>>
      %dma_start3A_818 = arith.constant 0 : i32
      %dma_start3A_819 = arith.constant 0 : i32
      %dma_start3A_820 = tpu.memref_slice %arg11[%run_scoped3A_806, %dma_start3A_818, %dma_start3A_819] : memref<2x64x128xf32, #tpu.memory_space<vmem>> -> memref<1x64x128xf32, #tpu.memory_space<vmem>>
      %dma_start3A_821 = tpu.memref_squeeze %dma_start3A_820 : memref<1x64x128xf32, #tpu.memory_space<vmem>> -> memref<64x128xf32, #tpu.memory_space<vmem>>
      %dma_start3A_822 = arith.constant 0 : i32
      %dma_start3A_823 = tpu.memref_slice %arg10[%run_scoped3A_807, %dma_start3A_822] : memref<157x64xi32, #tpu.memory_space<vmem>> -> memref<1x64xi32, #tpu.memory_space<vmem>>
      %dma_start3A_824 = tpu.memref_squeeze %dma_start3A_823 : memref<1x64xi32, #tpu.memory_space<vmem>> -> memref<64xi32, #tpu.memory_space<vmem>>
      %dma_start3A_825 = arith.constant 0 : i32
      %dma_start3A_826 = arith.constant 0 : i32
      %dma_start3A_827 = tpu.memref_slice %arg7[%dma_start3A_825, %dma_start3A_826] : memref<10240x128xf32, #tpu.memory_space<vmem_shared>> -> memref<10240x128xf32, #tpu.memory_space<vmem_shared>>
      tpu.enqueue_indirect_dma source(%dma_start3A_821 : memref<64x128xf32, #tpu.memory_space<vmem>>) target(%dma_start3A_827 : memref<10240x128xf32, #tpu.memory_space<vmem_shared>>) offsets(%dma_start3A_824 : memref<64xi32, #tpu.memory_space<vmem>>) semaphore(%run_scoped3A_817 : memref<!tpu.dma_semaphore, #tpu.memory_space<semaphore_mem>>) {add = true}
      %dma_wait3A_828 = arith.constant 0 : i32
      %dma_wait3A_829 = arith.constant 0 : i32
      %dma_wait3A_830 = tpu.memref_slice %arg11[%run_scoped3A_806, %dma_wait3A_828, %dma_wait3A_829] : memref<2x64x128xf32, #tpu.memory_space<vmem>> -> memref<1x64x128xf32, #tpu.memory_space<vmem>>
      %dma_wait3A_831 = tpu.memref_squeeze %dma_wait3A_830 : memref<1x64x128xf32, #tpu.memory_space<vmem>> -> memref<64x128xf32, #tpu.memory_space<vmem>>
      %dma_wait3A_832 = arith.constant 0 : i32
      %dma_wait3A_833 = tpu.memref_slice %arg10[%run_scoped3A_807, %dma_wait3A_832] : memref<157x64xi32, #tpu.memory_space<vmem>> -> memref<1x64xi32, #tpu.memory_space<vmem>>
      %dma_wait3A_834 = tpu.memref_squeeze %dma_wait3A_833 : memref<1x64xi32, #tpu.memory_space<vmem>> -> memref<64xi32, #tpu.memory_space<vmem>>
      %dma_wait3A_835 = arith.constant 0 : i32
      %dma_wait3A_836 = arith.constant 0 : i32
      %dma_wait3A_837 = tpu.memref_slice %arg7[%dma_wait3A_835, %dma_wait3A_836] : memref<10240x128xf32, #tpu.memory_space<vmem_shared>> -> memref<10240x128xf32, #tpu.memory_space<vmem_shared>>
      tpu.wait_indirect_dma semaphore(%run_scoped3A_817 : memref<!tpu.dma_semaphore, #tpu.memory_space<semaphore_mem>>) src(%dma_wait3A_831 : memref<64x128xf32, #tpu.memory_space<vmem>>) dst(%dma_wait3A_837 : memref<10240x128xf32, #tpu.memory_space<vmem_shared>>)
      tpu.yield
    }) : () -> ()
    %run_scoped3A_808 = arith.constant 156 : i32
    "tpu.region"() ({
      %run_scoped3A_817 = tpu.sem_alloc : memref<!tpu.dma_semaphore, #tpu.memory_space<semaphore_mem>>
      %dma_start3A_818 = arith.constant 0 : i32
      %dma_start3A_819 = tpu.memref_slice %arg10[%run_scoped3A_808, %dma_start3A_818] : memref<157x64xi32, #tpu.memory_space<vmem>> -> memref<1x64xi32, #tpu.memory_space<vmem>>
      %dma_start3A_820 = tpu.memref_squeeze %dma_start3A_819 : memref<1x64xi32, #tpu.memory_space<vmem>> -> memref<64xi32, #tpu.memory_space<vmem>>
      %dma_start3A_821 = arith.constant 0 : i32
      %dma_start3A_822 = arith.constant 0 : i32
      %dma_start3A_823 = tpu.memref_slice %arg8[%dma_start3A_821, %dma_start3A_822] : memref<10240x16xf32, #tpu.memory_space<vmem_shared>> -> memref<10240x16xf32, #tpu.memory_space<vmem_shared>>
      tpu.enqueue_indirect_dma source(%arg12 : memref<64x16xf32, #tpu.memory_space<vmem>>) target(%dma_start3A_823 : memref<10240x16xf32, #tpu.memory_space<vmem_shared>>) offsets(%dma_start3A_820 : memref<64xi32, #tpu.memory_space<vmem>>) semaphore(%run_scoped3A_817 : memref<!tpu.dma_semaphore, #tpu.memory_space<semaphore_mem>>) {add = true}
      %dma_wait3A_824 = arith.constant 0 : i32
      %dma_wait3A_825 = tpu.memref_slice %arg10[%run_scoped3A_808, %dma_wait3A_824] : memref<157x64xi32, #tpu.memory_space<vmem>> -> memref<1x64xi32, #tpu.memory_space<vmem>>
      %dma_wait3A_826 = tpu.memref_squeeze %dma_wait3A_825 : memref<1x64xi32, #tpu.memory_space<vmem>> -> memref<64xi32, #tpu.memory_space<vmem>>
      %dma_wait3A_827 = arith.constant 0 : i32
      %dma_wait3A_828 = arith.constant 0 : i32
      %dma_wait3A_829 = tpu.memref_slice %arg8[%dma_wait3A_827, %dma_wait3A_828] : memref<10240x16xf32, #tpu.memory_space<vmem_shared>> -> memref<10240x16xf32, #tpu.memory_space<vmem_shared>>
      tpu.wait_indirect_dma semaphore(%run_scoped3A_817 : memref<!tpu.dma_semaphore, #tpu.memory_space<semaphore_mem>>) src(%arg12 : memref<64x16xf32, #tpu.memory_space<vmem>>) dst(%dma_wait3A_829 : memref<10240x16xf32, #tpu.memory_space<vmem_shared>>)
      tpu.yield
    }) : () -> ()
    %barrier3A_809 = arith.constant 0 : index
    tpu.barrier barrier_id(%barrier3A_809)
    %lt3A = arith.constant 15 : i32
    %lt3A_810 = arith.cmpi slt, %arg1, %lt3A : i32
    %convert_element_type3A = arith.extui %lt3A_810 : i1 to i32
    %cond3A = arith.constant 0 : i32
    %cond3A_811 = arith.cmpi ne, %convert_element_type3A, %cond3A : i32
    scf.if %cond3A_811 {
      %mul3A_817 = arith.constant 640 : i32
      %mul3A_818 = arith.muli %arg1, %mul3A_817 : i32
      %mul3A_819 = arith.constant 640 : i32
      %mul3A_820 = arith.muli %arg1, %mul3A_819 : i32
      %dma_start3A_821 = arith.constant 0 : i32
      %dma_start3A_822 = tpu.memref_slice %arg5[%arg0, %mul3A_820, %dma_start3A_821] : memref<2x10000x128xf32, #tpu.memory_space<hbm>> -> memref<1x640x128xf32, #tpu.memory_space<hbm>>
      %dma_start3A_823 = tpu.memref_squeeze %dma_start3A_822 : memref<1x640x128xf32, #tpu.memory_space<hbm>> -> memref<640x128xf32, #tpu.memory_space<hbm>>
      %dma_start3A_824 = arith.constant 0 : i32
      %dma_start3A_825 = tpu.memref_slice %arg7[%mul3A_818, %dma_start3A_824] : memref<10240x128xf32, #tpu.memory_space<vmem_shared>> -> memref<640x128xf32, #tpu.memory_space<vmem_shared>>
      tpu.enqueue_dma source(%dma_start3A_825 : memref<640x128xf32, #tpu.memory_space<vmem_shared>>) target(%dma_start3A_823 : memref<640x128xf32, #tpu.memory_space<hbm>>) target_semaphore(%arg14 : memref<!tpu.dma_semaphore, #tpu.memory_space<semaphore_mem>>)
      %mul3A_826 = arith.constant 640 : i32
      %mul3A_827 = arith.muli %arg1, %mul3A_826 : i32
      %mul3A_828 = arith.constant 640 : i32
      %mul3A_829 = arith.muli %arg1, %mul3A_828 : i32
      %dma_start3A_830 = arith.constant 0 : i32
      %dma_start3A_831 = tpu.memref_slice %arg6[%arg0, %mul3A_829, %dma_start3A_830] : memref<2x10000x16xf32, #tpu.memory_space<hbm>> -> memref<1x640x16xf32, #tpu.memory_space<hbm>>
      %dma_start3A_832 = tpu.memref_squeeze %dma_start3A_831 : memref<1x640x16xf32, #tpu.memory_space<hbm>> -> memref<640x16xf32, #tpu.memory_space<hbm>>
      %dma_start3A_833 = arith.constant 0 : i32
      %dma_start3A_834 = tpu.memref_slice %arg8[%mul3A_827, %dma_start3A_833] : memref<10240x16xf32, #tpu.memory_space<vmem_shared>> -> memref<640x16xf32, #tpu.memory_space<vmem_shared>>
      tpu.enqueue_dma source(%dma_start3A_834 : memref<640x16xf32, #tpu.memory_space<vmem_shared>>) target(%dma_start3A_832 : memref<640x16xf32, #tpu.memory_space<hbm>>) target_semaphore(%arg15 : memref<!tpu.dma_semaphore, #tpu.memory_space<semaphore_mem>>)
      %dma_wait3A_835 = arith.constant 0 : i32
      %dma_wait3A_836 = tpu.memref_slice %arg5[%arg0, %mul3A_820, %dma_wait3A_835] : memref<2x10000x128xf32, #tpu.memory_space<hbm>> -> memref<1x640x128xf32, #tpu.memory_space<hbm>>
      %dma_wait3A_837 = tpu.memref_squeeze %dma_wait3A_836 : memref<1x640x128xf32, #tpu.memory_space<hbm>> -> memref<640x128xf32, #tpu.memory_space<hbm>>
      %dma_wait3A_838 = arith.constant 0 : i32
      %dma_wait3A_839 = tpu.memref_slice %arg7[%mul3A_818, %dma_wait3A_838] : memref<10240x128xf32, #tpu.memory_space<vmem_shared>> -> memref<640x128xf32, #tpu.memory_space<vmem_shared>>
      tpu.wait_dma2 semaphore(%arg14 : memref<!tpu.dma_semaphore, #tpu.memory_space<semaphore_mem>>) src(%dma_wait3A_839 : memref<640x128xf32, #tpu.memory_space<vmem_shared>>) dst(%dma_wait3A_837 : memref<640x128xf32, #tpu.memory_space<hbm>>)
      %dma_wait3A_840 = arith.constant 0 : i32
      %dma_wait3A_841 = tpu.memref_slice %arg6[%arg0, %mul3A_829, %dma_wait3A_840] : memref<2x10000x16xf32, #tpu.memory_space<hbm>> -> memref<1x640x16xf32, #tpu.memory_space<hbm>>
      %dma_wait3A_842 = tpu.memref_squeeze %dma_wait3A_841 : memref<1x640x16xf32, #tpu.memory_space<hbm>> -> memref<640x16xf32, #tpu.memory_space<hbm>>
      %dma_wait3A_843 = arith.constant 0 : i32
      %dma_wait3A_844 = tpu.memref_slice %arg8[%mul3A_827, %dma_wait3A_843] : memref<10240x16xf32, #tpu.memory_space<vmem_shared>> -> memref<640x16xf32, #tpu.memory_space<vmem_shared>>
      tpu.wait_dma2 semaphore(%arg15 : memref<!tpu.dma_semaphore, #tpu.memory_space<semaphore_mem>>) src(%dma_wait3A_844 : memref<640x16xf32, #tpu.memory_space<vmem_shared>>) dst(%dma_wait3A_842 : memref<640x16xf32, #tpu.memory_space<hbm>>)
    } else {
    }
    %eq3A_812 = arith.constant 15 : i32
    %eq3A_813 = arith.cmpi eq, %arg1, %eq3A_812 : i32
    %convert_element_type3A_814 = arith.extui %eq3A_813 : i1 to i32
    %cond3A_815 = arith.constant 0 : i32
    %cond3A_816 = arith.cmpi ne, %convert_element_type3A_814, %cond3A_815 : i32
    scf.if %cond3A_816 {
      %dma_start3A_817 = arith.constant 9600 : i32
      %dma_start3A_818 = arith.constant 0 : i32
      %dma_start3A_819 = tpu.memref_slice %arg5[%arg0, %dma_start3A_817, %dma_start3A_818] : memref<2x10000x128xf32, #tpu.memory_space<hbm>> -> memref<1x400x128xf32, #tpu.memory_space<hbm>>
      %dma_start3A_820 = tpu.memref_squeeze %dma_start3A_819 : memref<1x400x128xf32, #tpu.memory_space<hbm>> -> memref<400x128xf32, #tpu.memory_space<hbm>>
      %dma_start3A_821 = arith.constant 9600 : i32
      %dma_start3A_822 = arith.constant 0 : i32
      %dma_start3A_823 = tpu.memref_slice %arg7[%dma_start3A_821, %dma_start3A_822] : memref<10240x128xf32, #tpu.memory_space<vmem_shared>> -> memref<400x128xf32, #tpu.memory_space<vmem_shared>>
      tpu.enqueue_dma source(%dma_start3A_823 : memref<400x128xf32, #tpu.memory_space<vmem_shared>>) target(%dma_start3A_820 : memref<400x128xf32, #tpu.memory_space<hbm>>) target_semaphore(%arg14 : memref<!tpu.dma_semaphore, #tpu.memory_space<semaphore_mem>>)
      %dma_start3A_824 = arith.constant 9600 : i32
      %dma_start3A_825 = arith.constant 0 : i32
      %dma_start3A_826 = tpu.memref_slice %arg6[%arg0, %dma_start3A_824, %dma_start3A_825] : memref<2x10000x16xf32, #tpu.memory_space<hbm>> -> memref<1x400x16xf32, #tpu.memory_space<hbm>>
      %dma_start3A_827 = tpu.memref_squeeze %dma_start3A_826 : memref<1x400x16xf32, #tpu.memory_space<hbm>> -> memref<400x16xf32, #tpu.memory_space<hbm>>
      %dma_start3A_828 = arith.constant 9600 : i32
      %dma_start3A_829 = arith.constant 0 : i32
      %dma_start3A_830 = tpu.memref_slice %arg8[%dma_start3A_828, %dma_start3A_829] : memref<10240x16xf32, #tpu.memory_space<vmem_shared>> -> memref<400x16xf32, #tpu.memory_space<vmem_shared>>
      tpu.enqueue_dma source(%dma_start3A_830 : memref<400x16xf32, #tpu.memory_space<vmem_shared>>) target(%dma_start3A_827 : memref<400x16xf32, #tpu.memory_space<hbm>>) target_semaphore(%arg15 : memref<!tpu.dma_semaphore, #tpu.memory_space<semaphore_mem>>)
      %dma_wait3A_831 = arith.constant 9600 : i32
      %dma_wait3A_832 = arith.constant 0 : i32
      %dma_wait3A_833 = tpu.memref_slice %arg5[%arg0, %dma_wait3A_831, %dma_wait3A_832] : memref<2x10000x128xf32, #tpu.memory_space<hbm>> -> memref<1x400x128xf32, #tpu.memory_space<hbm>>
      %dma_wait3A_834 = tpu.memref_squeeze %dma_wait3A_833 : memref<1x400x128xf32, #tpu.memory_space<hbm>> -> memref<400x128xf32, #tpu.memory_space<hbm>>
      %dma_wait3A_835 = arith.constant 9600 : i32
      %dma_wait3A_836 = arith.constant 0 : i32
      %dma_wait3A_837 = tpu.memref_slice %arg7[%dma_wait3A_835, %dma_wait3A_836] : memref<10240x128xf32, #tpu.memory_space<vmem_shared>> -> memref<400x128xf32, #tpu.memory_space<vmem_shared>>
      tpu.wait_dma2 semaphore(%arg14 : memref<!tpu.dma_semaphore, #tpu.memory_space<semaphore_mem>>) src(%dma_wait3A_837 : memref<400x128xf32, #tpu.memory_space<vmem_shared>>) dst(%dma_wait3A_834 : memref<400x128xf32, #tpu.memory_space<hbm>>)
      %dma_wait3A_838 = arith.constant 9600 : i32
      %dma_wait3A_839 = arith.constant 0 : i32
      %dma_wait3A_840 = tpu.memref_slice %arg6[%arg0, %dma_wait3A_838, %dma_wait3A_839] : memref<2x10000x16xf32, #tpu.memory_space<hbm>> -> memref<1x400x16xf32, #tpu.memory_space<hbm>>
      %dma_wait3A_841 = tpu.memref_squeeze %dma_wait3A_840 : memref<1x400x16xf32, #tpu.memory_space<hbm>> -> memref<400x16xf32, #tpu.memory_space<hbm>>
      %dma_wait3A_842 = arith.constant 9600 : i32
      %dma_wait3A_843 = arith.constant 0 : i32
      %dma_wait3A_844 = tpu.memref_slice %arg8[%dma_wait3A_842, %dma_wait3A_843] : memref<10240x16xf32, #tpu.memory_space<vmem_shared>> -> memref<400x16xf32, #tpu.memory_space<vmem_shared>>
      tpu.wait_dma2 semaphore(%arg15 : memref<!tpu.dma_semaphore, #tpu.memory_space<semaphore_mem>>) src(%dma_wait3A_844 : memref<400x16xf32, #tpu.memory_space<vmem_shared>>) dst(%dma_wait3A_841 : memref<400x16xf32, #tpu.memory_space<hbm>>)
    } else {
    }
    return
  }
}

module attributes {stable_mosaic.version = 14 : i64} {
  func.func @_tc_layer_body(%arg0: i32, %arg1: memref<2x1000x128xf32, #tpu.memory_space<vmem>>, %arg2: memref<2x1000x16xf32, #tpu.memory_space<vmem>>, %arg3: memref<1000x128xf32, #tpu.memory_space<vmem>>, %arg4: memref<128x128xf32, #tpu.memory_space<vmem>>, %arg5: memref<128x128xf32, #tpu.memory_space<vmem>>, %arg6: memref<1x128xf32, #tpu.memory_space<vmem>>, %arg7: memref<1x128xf32, #tpu.memory_space<vmem>>, %arg8: memref<1000x128xf32, #tpu.memory_space<vmem>>) attributes {dimension_semantics = [#tpu.dimension_semantics<arbitrary>], iteration_bounds = array<i64: 10>, scalar_prefetch = 0 : i64, scratch_operands = 0 : i64, tpu.core_type = #tpu.core_type<tc>, window_params = [{transform_indices = @transform_0, window_bounds = array<i64: 2, 1000, 128>}, {transform_indices = @transform_1, window_bounds = array<i64: 2, 1000, 16>}, {transform_indices = @transform_2, window_bounds = array<i64: 1000, 128>}, {pipeline_mode = #tpu.pipeline_mode<synchronous>, transform_indices = @transform_3, window_bounds = array<i64: 128, 128>}, {pipeline_mode = #tpu.pipeline_mode<synchronous>, transform_indices = @transform_4, window_bounds = array<i64: 128, 128>}, {pipeline_mode = #tpu.pipeline_mode<synchronous>, transform_indices = @transform_5, window_bounds = array<i64: 1, 128>}, {pipeline_mode = #tpu.pipeline_mode<synchronous>, transform_indices = @transform_6, window_bounds = array<i64: 1, 128>}, {transform_indices = @transform_7, window_bounds = array<i64: 1000, 128>}]} {
    %get3A = arith.constant 0 : index
    %get3A_0 = arith.constant 0 : index
    %get3A_1 = arith.constant 0 : index
    %get3A_2 = vector.load %arg1[%get3A, %get3A_0, %get3A_1] : memref<2x1000x128xf32, #tpu.memory_space<vmem>>, vector<1x1000x128xf32>
    %get3A_3 = vector.shape_cast %get3A_2 : vector<1x1000x128xf32> to vector<1000x128xf32>
    %get3A_4 = arith.constant 1 : index
    %get3A_5 = arith.constant 0 : index
    %get3A_6 = arith.constant 0 : index
    %get3A_7 = vector.load %arg1[%get3A_4, %get3A_5, %get3A_6] : memref<2x1000x128xf32, #tpu.memory_space<vmem>>, vector<1x1000x128xf32>
    %get3A_8 = vector.shape_cast %get3A_7 : vector<1x1000x128xf32> to vector<1000x128xf32>
    %add3A = arith.addf %get3A_3, %get3A_8 : vector<1000x128xf32>
    %get3A_9 = arith.constant 0 : index
    %get3A_10 = arith.constant 0 : index
    %get3A_11 = arith.constant 0 : index
    %get3A_12 = vector.load %arg2[%get3A_9, %get3A_10, %get3A_11] : memref<2x1000x16xf32, #tpu.memory_space<vmem>>, vector<1x1000x1xf32>
    %get3A_13 = vector.shape_cast %get3A_12 : vector<1x1000x1xf32> to vector<1000x1xf32>
    %get3A_14 = arith.constant 1 : index
    %get3A_15 = arith.constant 0 : index
    %get3A_16 = arith.constant 0 : index
    %get3A_17 = vector.load %arg2[%get3A_14, %get3A_15, %get3A_16] : memref<2x1000x16xf32, #tpu.memory_space<vmem>>, vector<1x1000x1xf32>
    %get3A_18 = vector.shape_cast %get3A_17 : vector<1x1000x1xf32> to vector<1000x1xf32>
    %add3A_19 = arith.addf %get3A_13, %get3A_18 : vector<1000x1xf32>
    %max3A = arith.constant 1.000000e+00 : f32
    %max3A_20 = vector.broadcast %max3A : f32 to vector<1000x1xf32>
    %max3A_21 = arith.maximumf %add3A_19, %max3A_20 : vector<1000x1xf32>
    %div3A = arith.constant 1.000000e+00 : f32
    %div3A_22 = vector.broadcast %div3A : f32 to vector<1000x1xf32>
    %div3A_23 = arith.divf %div3A_22, %max3A_21 : vector<1000x1xf32>
    %mul3A = vector.broadcast %div3A_23 : vector<1000x1xf32> to vector<1000x128xf32>
    %mul3A_24 = arith.mulf %add3A, %mul3A : vector<1000x128xf32>
    %get3A_25 = arith.constant 0 : index
    %get3A_26 = arith.constant 0 : index
    %get3A_27 = vector.load %arg4[%get3A_25, %get3A_26] : memref<128x128xf32, #tpu.memory_space<vmem>>, vector<128x128xf32>
    %dot_general3A = arith.constant dense<0.000000e+00> : vector<1000x128xf32>
    %dot_general3A_28 = tpu.matmul %mul3A_24, %get3A_27, %dot_general3A {dimension_numbers = #tpu.dot_dimension_numbers<[1], [0], [0], [1], [0, 0, 1, 1], [], []>, transpose_lhs_hint = false} : vector<1000x128xf32>, vector<128x128xf32>, vector<1000x128xf32> -> vector<1000x128xf32>
    %get3A_29 = arith.constant 0 : index
    %get3A_30 = arith.constant 0 : index
    %get3A_31 = vector.load %arg3[%get3A_29, %get3A_30] : memref<1000x128xf32, #tpu.memory_space<vmem>>, vector<1000x128xf32>
    %get3A_32 = arith.constant 0 : index
    %get3A_33 = arith.constant 0 : index
    %get3A_34 = vector.load %arg5[%get3A_32, %get3A_33] : memref<128x128xf32, #tpu.memory_space<vmem>>, vector<128x128xf32>
    %dot_general3A_35 = arith.constant dense<0.000000e+00> : vector<1000x128xf32>
    %dot_general3A_36 = tpu.matmul %get3A_31, %get3A_34, %dot_general3A_35 {dimension_numbers = #tpu.dot_dimension_numbers<[1], [0], [0], [1], [0, 0, 1, 1], [], []>, transpose_lhs_hint = false} : vector<1000x128xf32>, vector<128x128xf32>, vector<1000x128xf32> -> vector<1000x128xf32>
    %add3A_37 = arith.addf %dot_general3A_28, %dot_general3A_36 : vector<1000x128xf32>
    %get3A_38 = arith.constant 0 : index
    %get3A_39 = arith.constant 0 : index
    %get3A_40 = vector.load %arg6[%get3A_38, %get3A_39] : memref<1x128xf32, #tpu.memory_space<vmem>>, vector<1x128xf32>
    %add3A_41 = vector.broadcast %get3A_40 : vector<1x128xf32> to vector<1000x128xf32>
    %add3A_42 = arith.addf %add3A_37, %add3A_41 : vector<1000x128xf32>
    %gt3A = arith.constant 0.000000e+00 : f32
    %gt3A_43 = vector.broadcast %gt3A : f32 to vector<1000x128xf32>
    %gt3A_44 = arith.cmpf ogt, %add3A_42, %gt3A_43 : vector<1000x128xf32>
    %get3A_45 = arith.constant 0 : index
    %get3A_46 = arith.constant 0 : index
    %get3A_47 = vector.load %arg7[%get3A_45, %get3A_46] : memref<1x128xf32, #tpu.memory_space<vmem>>, vector<1x128xf32>
    %mul3A_48 = vector.broadcast %get3A_47 : vector<1x128xf32> to vector<1000x128xf32>
    %mul3A_49 = arith.mulf %mul3A_48, %add3A_42 : vector<1000x128xf32>
    %select_n3A = arith.select %gt3A_44, %add3A_42, %mul3A_49 : vector<1000x128xi1>, vector<1000x128xf32>
    %swap3A = arith.constant 0 : index
    %swap3A_50 = arith.constant 0 : index
    %swap3A_51 = vector.load %arg8[%swap3A, %swap3A_50] : memref<1000x128xf32, #tpu.memory_space<vmem>>, vector<1000x128xf32>
    tpu.vector_store %arg8[%swap3A, %swap3A_50], %select_n3A {strides = array<i32>} : memref<1000x128xf32, #tpu.memory_space<vmem>>, vector<1000x128xf32>,
    return
  }
  func.func @transform_0(%arg0: i32) -> (i32, i32, i32) {
    %c0_i32 = arith.constant 0 : i32
    %c0_i32_0 = arith.constant 0 : i32
    %c0_i32_1 = arith.constant 0 : i32
    return %c0_i32, %arg0, %c0_i32_0 : i32, i32, i32
  }
  func.func @transform_1(%arg0: i32) -> (i32, i32, i32) {
    %c0_i32 = arith.constant 0 : i32
    %c0_i32_0 = arith.constant 0 : i32
    %c0_i32_1 = arith.constant 0 : i32
    return %c0_i32, %arg0, %c0_i32_0 : i32, i32, i32
  }
  func.func @transform_2(%arg0: i32) -> (i32, i32) {
    %c0_i32 = arith.constant 0 : i32
    %c0_i32_0 = arith.constant 0 : i32
    return %arg0, %c0_i32 : i32, i32
  }
  func.func @transform_3(%arg0: i32) -> (i32, i32) {
    %c0_i32 = arith.constant 0 : i32
    %c0_i32_0 = arith.constant 0 : i32
    %c0_i32_1 = arith.constant 0 : i32
    return %c0_i32, %c0_i32_0 : i32, i32
  }
  func.func @transform_4(%arg0: i32) -> (i32, i32) {
    %c0_i32 = arith.constant 0 : i32
    %c0_i32_0 = arith.constant 0 : i32
    %c0_i32_1 = arith.constant 0 : i32
    return %c0_i32, %c0_i32_0 : i32, i32
  }
  func.func @transform_5(%arg0: i32) -> (i32, i32) {
    %c0_i32 = arith.constant 0 : i32
    %c0_i32_0 = arith.constant 0 : i32
    %c0_i32_1 = arith.constant 0 : i32
    return %c0_i32, %c0_i32_0 : i32, i32
  }
  func.func @transform_6(%arg0: i32) -> (i32, i32) {
    %c0_i32 = arith.constant 0 : i32
    %c0_i32_0 = arith.constant 0 : i32
    %c0_i32_1 = arith.constant 0 : i32
    return %c0_i32, %c0_i32_0 : i32, i32
  }
  func.func @transform_7(%arg0: i32) -> (i32, i32) {
    %c0_i32 = arith.constant 0 : i32
    %c0_i32_0 = arith.constant 0 : i32
    return %arg0, %c0_i32 : i32, i32
  }
}

module attributes {stable_mosaic.version = 14 : i64} {
  func.func @_tc_layer_body(%arg0: i32, %arg1: memref<2x1000x128xf32, #tpu.memory_space<vmem>>, %arg2: memref<2x1000x16xf32, #tpu.memory_space<vmem>>, %arg3: memref<1000x128xf32, #tpu.memory_space<vmem>>, %arg4: memref<128x128xf32, #tpu.memory_space<vmem>>, %arg5: memref<128x128xf32, #tpu.memory_space<vmem>>, %arg6: memref<1x128xf32, #tpu.memory_space<vmem>>, %arg7: memref<1x128xf32, #tpu.memory_space<vmem>>, %arg8: memref<1000x128xf32, #tpu.memory_space<vmem>>) attributes {dimension_semantics = [#tpu.dimension_semantics<arbitrary>], iteration_bounds = array<i64: 10>, scalar_prefetch = 0 : i64, scratch_operands = 0 : i64, tpu.core_type = #tpu.core_type<tc>, window_params = [{transform_indices = @transform_0, window_bounds = array<i64: 2, 1000, 128>}, {transform_indices = @transform_1, window_bounds = array<i64: 2, 1000, 16>}, {transform_indices = @transform_2, window_bounds = array<i64: 1000, 128>}, {pipeline_mode = #tpu.pipeline_mode<synchronous>, transform_indices = @transform_3, window_bounds = array<i64: 128, 128>}, {pipeline_mode = #tpu.pipeline_mode<synchronous>, transform_indices = @transform_4, window_bounds = array<i64: 128, 128>}, {pipeline_mode = #tpu.pipeline_mode<synchronous>, transform_indices = @transform_5, window_bounds = array<i64: 1, 128>}, {pipeline_mode = #tpu.pipeline_mode<synchronous>, transform_indices = @transform_6, window_bounds = array<i64: 1, 128>}, {transform_indices = @transform_7, window_bounds = array<i64: 1000, 128>}]} {
    %get3A = arith.constant 0 : index
    %get3A_0 = arith.constant 0 : index
    %get3A_1 = arith.constant 0 : index
    %get3A_2 = vector.load %arg1[%get3A, %get3A_0, %get3A_1] : memref<2x1000x128xf32, #tpu.memory_space<vmem>>, vector<1x1000x128xf32>
    %get3A_3 = vector.shape_cast %get3A_2 : vector<1x1000x128xf32> to vector<1000x128xf32>
    %get3A_4 = arith.constant 1 : index
    %get3A_5 = arith.constant 0 : index
    %get3A_6 = arith.constant 0 : index
    %get3A_7 = vector.load %arg1[%get3A_4, %get3A_5, %get3A_6] : memref<2x1000x128xf32, #tpu.memory_space<vmem>>, vector<1x1000x128xf32>
    %get3A_8 = vector.shape_cast %get3A_7 : vector<1x1000x128xf32> to vector<1000x128xf32>
    %add3A = arith.addf %get3A_3, %get3A_8 : vector<1000x128xf32>
    %get3A_9 = arith.constant 0 : index
    %get3A_10 = arith.constant 0 : index
    %get3A_11 = arith.constant 0 : index
    %get3A_12 = vector.load %arg2[%get3A_9, %get3A_10, %get3A_11] : memref<2x1000x16xf32, #tpu.memory_space<vmem>>, vector<1x1000x1xf32>
    %get3A_13 = vector.shape_cast %get3A_12 : vector<1x1000x1xf32> to vector<1000x1xf32>
    %get3A_14 = arith.constant 1 : index
    %get3A_15 = arith.constant 0 : index
    %get3A_16 = arith.constant 0 : index
    %get3A_17 = vector.load %arg2[%get3A_14, %get3A_15, %get3A_16] : memref<2x1000x16xf32, #tpu.memory_space<vmem>>, vector<1x1000x1xf32>
    %get3A_18 = vector.shape_cast %get3A_17 : vector<1x1000x1xf32> to vector<1000x1xf32>
    %add3A_19 = arith.addf %get3A_13, %get3A_18 : vector<1000x1xf32>
    %max3A = arith.constant 1.000000e+00 : f32
    %max3A_20 = vector.broadcast %max3A : f32 to vector<1000x1xf32>
    %max3A_21 = arith.maximumf %add3A_19, %max3A_20 : vector<1000x1xf32>
    %div3A = arith.constant 1.000000e+00 : f32
    %div3A_22 = vector.broadcast %div3A : f32 to vector<1000x1xf32>
    %div3A_23 = arith.divf %div3A_22, %max3A_21 : vector<1000x1xf32>
    %mul3A = vector.broadcast %div3A_23 : vector<1000x1xf32> to vector<1000x128xf32>
    %mul3A_24 = arith.mulf %add3A, %mul3A : vector<1000x128xf32>
    %get3A_25 = arith.constant 0 : index
    %get3A_26 = arith.constant 0 : index
    %get3A_27 = vector.load %arg4[%get3A_25, %get3A_26] : memref<128x128xf32, #tpu.memory_space<vmem>>, vector<128x128xf32>
    %dot_general3A = arith.constant dense<0.000000e+00> : vector<1000x128xf32>
    %dot_general3A_28 = tpu.matmul %mul3A_24, %get3A_27, %dot_general3A {dimension_numbers = #tpu.dot_dimension_numbers<[1], [0], [0], [1], [0, 0, 1, 1], [], []>, transpose_lhs_hint = false} : vector<1000x128xf32>, vector<128x128xf32>, vector<1000x128xf32> -> vector<1000x128xf32>
    %get3A_29 = arith.constant 0 : index
    %get3A_30 = arith.constant 0 : index
    %get3A_31 = vector.load %arg3[%get3A_29, %get3A_30] : memref<1000x128xf32, #tpu.memory_space<vmem>>, vector<1000x128xf32>
    %get3A_32 = arith.constant 0 : index
    %get3A_33 = arith.constant 0 : index
    %get3A_34 = vector.load %arg5[%get3A_32, %get3A_33] : memref<128x128xf32, #tpu.memory_space<vmem>>, vector<128x128xf32>
    %dot_general3A_35 = arith.constant dense<0.000000e+00> : vector<1000x128xf32>
    %dot_general3A_36 = tpu.matmul %get3A_31, %get3A_34, %dot_general3A_35 {dimension_numbers = #tpu.dot_dimension_numbers<[1], [0], [0], [1], [0, 0, 1, 1], [], []>, transpose_lhs_hint = false} : vector<1000x128xf32>, vector<128x128xf32>, vector<1000x128xf32> -> vector<1000x128xf32>
    %add3A_37 = arith.addf %dot_general3A_28, %dot_general3A_36 : vector<1000x128xf32>
    %get3A_38 = arith.constant 0 : index
    %get3A_39 = arith.constant 0 : index
    %get3A_40 = vector.load %arg6[%get3A_38, %get3A_39] : memref<1x128xf32, #tpu.memory_space<vmem>>, vector<1x128xf32>
    %add3A_41 = vector.broadcast %get3A_40 : vector<1x128xf32> to vector<1000x128xf32>
    %add3A_42 = arith.addf %add3A_37, %add3A_41 : vector<1000x128xf32>
    %gt3A = arith.constant 0.000000e+00 : f32
    %gt3A_43 = vector.broadcast %gt3A : f32 to vector<1000x128xf32>
    %gt3A_44 = arith.cmpf ogt, %add3A_42, %gt3A_43 : vector<1000x128xf32>
    %get3A_45 = arith.constant 0 : index
    %get3A_46 = arith.constant 0 : index
    %get3A_47 = vector.load %arg7[%get3A_45, %get3A_46] : memref<1x128xf32, #tpu.memory_space<vmem>>, vector<1x128xf32>
    %mul3A_48 = vector.broadcast %get3A_47 : vector<1x128xf32> to vector<1000x128xf32>
    %mul3A_49 = arith.mulf %mul3A_48, %add3A_42 : vector<1000x128xf32>
    %select_n3A = arith.select %gt3A_44, %add3A_42, %mul3A_49 : vector<1000x128xi1>, vector<1000x128xf32>
    %swap3A = arith.constant 0 : index
    %swap3A_50 = arith.constant 0 : index
    %swap3A_51 = vector.load %arg8[%swap3A, %swap3A_50] : memref<1000x128xf32, #tpu.memory_space<vmem>>, vector<1000x128xf32>
    tpu.vector_store %arg8[%swap3A, %swap3A_50], %select_n3A {strides = array<i32>} : memref<1000x128xf32, #tpu.memory_space<vmem>>, vector<1000x128xf32>,
    return
  }
  func.func @transform_0(%arg0: i32) -> (i32, i32, i32) {
    %c0_i32 = arith.constant 0 : i32
    %c0_i32_0 = arith.constant 0 : i32
    %c0_i32_1 = arith.constant 0 : i32
    return %c0_i32, %arg0, %c0_i32_0 : i32, i32, i32
  }
  func.func @transform_1(%arg0: i32) -> (i32, i32, i32) {
    %c0_i32 = arith.constant 0 : i32
    %c0_i32_0 = arith.constant 0 : i32
    %c0_i32_1 = arith.constant 0 : i32
    return %c0_i32, %arg0, %c0_i32_0 : i32, i32, i32
  }
  func.func @transform_2(%arg0: i32) -> (i32, i32) {
    %c0_i32 = arith.constant 0 : i32
    %c0_i32_0 = arith.constant 0 : i32
    return %arg0, %c0_i32 : i32, i32
  }
  func.func @transform_3(%arg0: i32) -> (i32, i32) {
    %c0_i32 = arith.constant 0 : i32
    %c0_i32_0 = arith.constant 0 : i32
    %c0_i32_1 = arith.constant 0 : i32
    return %c0_i32, %c0_i32_0 : i32, i32
  }
  func.func @transform_4(%arg0: i32) -> (i32, i32) {
    %c0_i32 = arith.constant 0 : i32
    %c0_i32_0 = arith.constant 0 : i32
    %c0_i32_1 = arith.constant 0 : i32
    return %c0_i32, %c0_i32_0 : i32, i32
  }
  func.func @transform_5(%arg0: i32) -> (i32, i32) {
    %c0_i32 = arith.constant 0 : i32
    %c0_i32_0 = arith.constant 0 : i32
    %c0_i32_1 = arith.constant 0 : i32
    return %c0_i32, %c0_i32_0 : i32, i32
  }
  func.func @transform_6(%arg0: i32) -> (i32, i32) {
    %c0_i32 = arith.constant 0 : i32
    %c0_i32_0 = arith.constant 0 : i32
    %c0_i32_1 = arith.constant 0 : i32
    return %c0_i32, %c0_i32_0 : i32, i32
  }
  func.func @transform_7(%arg0: i32) -> (i32, i32) {
    %c0_i32 = arith.constant 0 : i32
    %c0_i32_0 = arith.constant 0 : i32
    return %arg0, %c0_i32 : i32, i32
  }
}

</mosaic_0001>

<sc_bundles>
// kernel: kernel.6.cloned.1.call-start
scs
__scs_entry_jumppad:
0x0: {  	(pc) =	sbr.rel $0x88, $3  }
0x1: {  	(tag) =	ssettag $0x0;
	lr =	simm.s32 $0x1  }
0x2: {  	[smem:$0x3F97] =	sst lr;
	_ =	strace $0xD0000000  }
0x3: {  	_ = 	snop  }
0x4: {  	_ = 	snop  }
0x5: {  	_ = 	snop  }
0x6: {  	_ = 	snop  }
0x7: {  	_ = 	snop  }
__scs_overlays_trampoline_lowered:
0x8: {  	[smem:$0x3FA6] =	sst s0  }
0x9: {  	[smem:$0x3FA7] =	sst s1  }
0xa: {  	[smem:$0x3FA8] =	sst s2  }
0xb: {  	[smem:$0x3FA9] =	sst s3  }
0xc: {  	[smem:$0x3FAA] =	sst s4  }
0xd: {  	[smem:$0x3FAB] =	sst s5  }
0xe: {  	[smem:$0x3FAC] =	sst s6  }
0xf: {  	[smem:$0x3FAD] =	sst s7  }
0x10: {  	[smem:$0x3FAE] =	sst s8  }
0x11: {  	[smem:$0x3FAF] =	sst s9;
	s0 =	simm.s32 @!p0 $0x0  }
0x12: {  	s1 =	sld [smem:$0x3F95];
	s0 =	simm.s32 @p0 $0x1  }
0x13: {  	[smem:$0x3FB0] =	sst s0;
	s0 =	simm.s32 @!p1 $0x0  }
0x14: {  	s2 =	sld [smem:$0x3F94];
	s0 =	simm.s32 @p1 $0x1  }
0x15: {  	[smem:$0x3FB1] =	sst s0;
	s0 =	simm.s32 @!p2 $0x0  }
0x16: {  	s3 =	sld [smem:$0x3FDB];
	s0 =	simm.s32 @p2 $0x1  }
0x17: {  	s4 =	simm.s32 $0x1BF5;
	[smem:$0x3FB3] =	sst s0  }
0x18: {  	s0 =	sld [smem:$0x3F96];
	_ =	swait.ge [sflag:s4], $0x0  }
0x19: {  	s7 =	sld [smem:$0x3F97]  }
0x1a: {  	s8 =	sadd.s32 $0xFFFFE003, lr  }
0x1b: {  	s9 =	sadd.s32 $0xFFFFFEF7, lr;
	s5 =	simm.s32 $0xFFFFFFFF;
	p2 =	slt.u32 s8, $0xFFFFF086  }
0x1c: {  	p1 =	slt.u32 s9, $0xF7A;
	s5 =	simm.s32 @!p2 $0x0  }
0x1d: {  	s5 =	simm.s32 @p1 $0x1;
	p0 =	seq.s32 s7, s2  }
0x1e: {  	s7 =	smul.u32 @!p0 $0xF7A, s2;
	p2 =	seq.s32 @!p0 s5, $0x0  }
0x1f: {  	s9 =	smul.u32 $0xF7A, s1;
	s8 =	simm.s32 @!p0 $0x1BF5;
	p2 =	por !p2, p0  }
0x20: {  	[sflag:s8] =	ssyncset.s32 @!p0 $0xFFFFF086;
	s6 =	sadd.s32 @!p0 s3, s7;
	s7 =	simm.s32 @!p0 $0x108  }
0x21: {  	s3 =	sadd.s32 s3, s9;
	s6 =	sadd.s32 @!p0 $0x88, s6;
	s7 =	simm.s32 @p2 $0x1082  }
0x22: {  	[simem:s7], [sflag:s8] =	dma.local @!p0 [hbm:s6], $0xF7A  }
0x23: {  	s9 =	sor.u32 $0xD0000000, s2;
	s6 =	simm.s32 $0x108;
	_ =	swait.ge @!p0 [sflag:s8], $0x0  }
0x24: {  	s3 =	sadd.s32 $0x88, s3;
	s6 =	simm.s32 @!p1 $0x1082;
	[sflag:s4] =	ssyncset.s32 $0xFFFFF086  }
0x25: {  	[simem:s6], [sflag:s4] =	dma.local [hbm:s3], $0xF7A  }
0x26: {  	[smem:$0x3F97] =	sst s1;
	(tag) =	ssettag s2;
	_ =	strace s9  }
0x27: {  	s1 =	sld [smem:$0x3FA7]  }
0x28: {  	s2 =	sld [smem:$0x3FA8]  }
0x29: {  	s4 =	sld [smem:$0x3FAA]  }
0x2a: {  	p0 =	seq.s32 s5, $0x0;
	s5 =	sld [smem:$0x3FAB]  }
0x2b: {  	s6 =	sld [smem:$0x3FAC]  }
0x2c: {  	s7 =	sld [smem:$0x3FAD]  }
0x2d: {  	s3 =	simm.s32 $0x108;
	s8 =	sld [smem:$0x3FAE]  }
0x2e: {  	s3 =	simm.s32 @!p0 $0x1082;
	s9 =	sld [smem:$0x3FAF]  }
0x2f: {  	lr =	sadd.s32 s0, s3;
	s0 =	sld [smem:$0x3FA6]  }
0x30: {  	s3 =	sld [smem:$0x3FA9]  }
0x31: {  	[smem:$0x3FB2] =	sst s10  }
0x32: {  	s10 =	sld [smem:$0x3FB0];
	_ =	sdelay $0x3  }
0x33: {  	p0 =	seq.s32 s10, $0x1;
	s10 =	sld [smem:$0x3FB2];
	_ =	sdelay $0x3  }
0x34: {  	[smem:$0x3FB2] =	sst s10  }
0x35: {  	s10 =	sld [smem:$0x3FB1];
	_ =	sdelay $0x3  }
0x36: {  	p1 =	seq.s32 s10, $0x1;
	s10 =	sld [smem:$0x3FB2];
	_ =	sdelay $0x3  }
0x37: {  	[smem:$0x3FB2] =	sst s10  }
0x38: {  	s10 =	sld [smem:$0x3FB3]  }
0x39: {  	_ = 	snop;
	(pc) =	sbr.ind lr, $3  }
0x3a: {  	_ = 	snop  }
0x3b: {  	_ = 	snop  }
0x3c: {  	p2 =	seq.s32 s10, $0x1;
	s10 =	sld [smem:$0x3FB2]  }
0x3d: {  	_ =	shalt  }
0x3e: {  	_ =	shalt  }
0x3f: {  	_ =	shalt  }
0x40: {  	_ =	shalt  }
0x41: {  	_ =	shalt  }
0x42: {  	_ =	shalt  }
0x43: {  	_ =	shalt  }
0x44: {  	_ =	shalt  }
0x45: {  	_ =	shalt  }
0x46: {  	_ =	shalt  }
0x47: {  	_ =	shalt  }
0x48: {  	_ =	shalt  }
0x49: {  	_ =	shalt  }
0x4a: {  	_ =	shalt  }
0x4b: {  	_ =	shalt  }
0x4c: {  	_ =	shalt  }
0x4d: {  	_ =	shalt  }
0x4e: {  	_ =	shalt  }
0x4f: {  	_ =	shalt  }
0x50: {  	_ =	shalt  }
0x51: {  	_ =	shalt  }
0x52: {  	_ =	shalt  }
0x53: {  	_ =	shalt  }
0x54: {  	_ =	shalt  }
0x55: {  	_ =	shalt  }
0x56: {  	_ =	shalt  }
0x57: {  	_ =	shalt  }
0x58: {  	_ =	shalt  }
0x59: {  	_ =	shalt  }
0x5a: {  	_ =	shalt  }
0x5b: {  	_ =	shalt  }
0x5c: {  	_ =	shalt  }
0x5d: {  	_ =	shalt  }
0x5e: {  	_ =	shalt  }
0x5f: {  	_ =	shalt  }
0x60: {  	_ =	shalt  }
0x61: {  	_ =	shalt  }
0x62: {  	_ =	shalt  }
0x63: {  	_ =	shalt  }
0x64: {  	_ =	shalt  }
0x65: {  	_ =	shalt  }
0x66: {  	_ =	shalt  }
0x67: {  	_ =	shalt  }
0x68: {  	_ =	shalt  }
0x69: {  	_ =	shalt  }
0x6a: {  	_ =	shalt  }
0x6b: {  	_ =	shalt  }
0x6c: {  	_ =	shalt  }
0x6d: {  	_ =	shalt  }
0x6e: {  	_ =	shalt  }
0x6f: {  	_ =	shalt  }
0x70: {  	_ =	shalt  }
0x71: {  	_ =	shalt  }
0x72: {  	_ =	shalt  }
0x73: {  	_ =	shalt  }
0x74: {  	_ =	shalt  }
0x75: {  	_ =	shalt  }
0x76: {  	_ =	shalt  }
0x77: {  	_ =	shalt  }
0x78: {  	_ =	shalt  }
0x79: {  	_ =	shalt  }
0x7a: {  	_ =	shalt  }
0x7b: {  	_ =	shalt  }
0x7c: {  	_ =	shalt  }
0x7d: {  	_ =	shalt  }
0x7e: {  	_ =	shalt  }
0x7f: {  	_ =	shalt  }
0x80: {  	_ =	shalt  }
0x81: {  	_ =	shalt  }
0x82: {  	_ =	shalt  }
0x83: {  	_ =	shalt  }
0x84: {  	_ =	shalt  }
0x85: {  	_ =	shalt  }
0x86: {  	_ =	shalt  }
0x87: {  	_ =	shalt  }
.Lfunc_end0:
.L_simem_size_0:
called_computation_lowered:
.L_overlay_start_0:
0x88: {  	s2 =	sld [smem:$0x3FD9]  }
0x89: {  	s3 =	sld [smem:$0x3FFE];
	_ =	sdelay $0x1  }
0x8a: {  	s1 =	srdreg.scid  }
0x8b: {  	s0 =	sand.u32 $0x1, s1  }
0x8c: {  	s17 =	sshll.u32 s0, $0xA;
	s2 =	sadd.s32 s3, s2  }
0x8d: {  	s2 =	sadd.s32 s2, s17  }
0x8e: {  	[smem:$0x3FBE] =	sst s2  }
0x8f: {  	_ = 	snop  }
0x90: {  	s2 =	sld [smem:$0x3FC9]  }
0x91: {  	s18 =	sld [smem:$0x3FD0];
	(tm) =	ssettm $0x1  }
0x92: {  	s4 =	sld [smem:$0x3FFB];
	_ =	sdelay $0x3  }
0x93: {  	_ =	strace s4  }
0x94: {  	s4 =	sld [smem:$0x3FFC];
	_ =	sdelay $0x3  }
0x95: {  	_ =	strace s4  }
0x96: {  	s4 =	sld [smem:$0x3FFD];
	_ =	sdelay $0x3  }
0x97: {  	_ =	strace s4  }
0x98: {  	_ =	strace $0x8FFFFFFF  }
0x99: {  	s19 =	sld [smem:$0x3FDB];
	_ =	sdelay $0x1  }
0x9a: {  	s5 =	simm.s32 $_scs_section_size  }
0x9b: {  	s6 =	simm.s32 $_size__tile_overlayer_lowered;
	s7 =	simm.s32 $_tile_overlayer_lowered  }
0x9c: {  	s22 =	simm.s32 $0x1BFF;
	s21 =	sshll.u32 s7, $0x1;
	s4 =	sadd.s32 s5, s19  }
0x9d: {  	s8 =	simm.s32 $0x0;
	s20 =	sshll.u32 s6, $0x1;
	s6 =	sadd.s32 s21, s4  }
0x9e: {  	[timem:s8], [sflag:s22] =	dma.local [hbm:s6], s20  }
0x9f: {  	_ =	swait.ge [sflag:s22], s20  }
0xa0: {  	s5 =	ssub.s32 $0x0, s20;
	[sflag:s22] =	ssyncset.done $0x0  }
0xa1: {  	[sflag:s22] =	ssyncadd.s32 s5;
	_ =	sdelay $0x1  }
0xa2: {  	s23 =	simm.s32 $0x1B8B  }
0xa3: {  	_ =	swait.ge [sflag:s23], $0x1  }
0xa4: {  	[sflag:s23] =	ssyncset.done $0x0  }
0xa5: {  	s25 =	simm.s32 $0x1B8E;
	s24 =	sld [smem:$0x3FFE];
	[sflag:s23] =	ssyncadd.s32 $0xFFFFFFFF  }
0xa6: {  	s26 =	simm.s32 $execute0_lowered;
	[smem:$0x3FD2] =	sst s25  }
0xa7: {  	s6 =	sshll.u32 s26, $0x1;
	_ =	strace $0x80000046;
	[dreg:$0x1] =	wrdreg $0xFFFFFFFF  }
0xa8: {  	s28 =	simm.s32 $_size_execute0_lowered;
	s4 =	sadd.s32 s4, s6;
	[dreg:$0x0] =	wrdreg $0x0  }
0xa9: {  	s6 =	sshll.u32 s28, $0x1;
	[dreg:$0x2] =	wrdreg s4  }
0xaa: {  	[dreg:$0x3] =	wrdreg s6  }
0xab: {  	[dreg:$0x4] =	wrdreg $0xC0  }
0xac: {  	_ =	task [dreg:s8], $0x5FFFF  }
0xad: {  	[dreg:$0x1] =	wrdreg $0xFFFFFFFF  }
0xae: {  	[dreg:$0x0] =	wrdreg $0x60  }
0xaf: {  	[dreg:$0x2] =	wrdreg s2  }
0xb0: {  	[dreg:$0x3] =	wrdreg s24  }
0xb1: {  	[dreg:$0x4] =	wrdreg s18  }
0xb2: {  	[dreg:$0x5] =	wrdreg $0x0  }
0xb3: {  	[dreg:$0x6] =	wrdreg $0x140000  }
0xb4: {  	[dreg:$0x7] =	wrdreg $0x9  }
0xb5: {  	_ =	task.clear_ibuf [dreg:s8], $0x8FFFF;
	_ =	strace $0x90000046  }
0xb6: {  	s29 =	simm.s32 $0x9;
	_ =	strace $0x80000048  }
0xb7: {  	_ =	swait.ge [sflag:s29], $0x1  }
0xb8: {  	[sflag:s29] =	ssyncadd.s32 $0xFFFFFFFF  }
0xb9: {  	_ =	strace $0x90000048  }
0xba: {  	_ =	sfence  }
0xbb: {  	s30 =	sld [smem:$0x0];
	_ =	sdelay $0x2  }
0xbc: {  	s31 =	sshll.u32 s1, $0xD;
	s1 =	sshrl.u32 s1, $0x2  }
0xbd: {  	s3 =	sand.u32 $0x4000, s31;
	s1 =	sadd.s32 s1, s30  }
0xbe: {  	s0 =	sor.u32 s3, s0;
	s1 =	sshll.u32 s1, $0x11  }
0xbf: {  	s0 =	sor.u32 s1, s0  }
0xc0: {  	s0 =	sadd.s32 $0x8F2B, s0  }
0xc1: {  	[sflag:s0] =	ssyncadd.remote.s32 $0x1  }
0xc2: {  	_ =	sfence.sel $0xFFFF  }
0xc3: {  	[dreg:$0x0] =	wrdreg $0xFFFFFFFF;
	(pc) =	sbr.abs _section_cstart, $3  }
0xc4: {  	[dreg:$0x1] =	wrdreg $0xFFFFFFFF  }
0xc5: {  	_ =	task.clear_ibuf [dreg:s8], $0x2FFFF;
	_ =	strace $0x9FFFFFFF  }
0xc6: {  	(tm) =	ssettm $0x7FFFFFFF  }
0xc7: {  	_ =	shalt  }
tec
execute0_lowered:
.L_overlay_start_1:
0x0: {  	(tag) =	ssettag $0x1  }
0x1: {  	s0 =	rddreg [dreg:$0x0]  }
0x2: {  	s1 =	rddreg [dreg:$0x1]  }
0x3: {  	s5 =	rddreg [dreg:$0x2]  }
0x4: {  	s3 =	rddreg [dreg:$0x3]  }
0x5: {  	s2 =	srdreg.scid;
	s18 =	stileid.u32  }
0x6: {  	s4 =	rddreg [dreg:$0x4];
	s7 =	simm.s32 $0x0;
	s28 =	simm.s32 $0x3  }
0x7: {  	s29 =	simm.s32 $0x4;
	s30 =	simm.s32 $0x40;
	s31 =	simm.s32 $0x1D680  }
0x8: {  	s6 =	sand.u32 $0x1, s2;
	s11 =	sshll.u32 s18, $0x1;
	[smem:$0x7FF] =	sst s7  }
0x9: {  	s10 =	smul.u32 $0x14000, s18;
	p0 =	seq.s32 s18, $0xF;
	s2 =	sor.u32 s6, s11  }
0xa: {  	_ =	strace $0x80000047;
	s8 =	ssub.s32 $0x2, s6;
	s12 =	smul.u32 $0x4E8, s2  }
0xb: {  	s11 =	sadd.s32 $0x16C00, s1;
	s2 =	smul.u32 $0x280, s18;
	s13 =	sshrl.u32 s8, $0x1  }
0xc: {  	s7 =	sadd.s32 s12, s1;
	s12 =	smul.u32 $0x2800, s18;
	s1 =	ssub.s32 s8, s13  }
0xd: {  	s8 =	sadd.s32 s10, s3;
	s15 =	sor.u32 $0x28, s2;
	s19 =	sor.u32 $0x78, s2  }
0xe: {  	s21 =	sadd.s32 $0xA0, s2;
	s14 =	sadd.s32 $0x3000, s7;
	s7 =	sadd.s32 $0xCE00, s7  }
0xf: {  	s13 =	sshll.u32 s15, $0x7;
	s20 =	sshll.u32 s19, $0x7;
	s24 =	sshll.u32 s21, $0x4  }
0x10: {  	s18 =	smax.u32 s1, $0x1;
	s1 =	sadd.s32 $0x25800, s4;
	[dreg:$0x6] =	wrdreg s14  }
0x11: {  	[dreg:$0x7] =	wrdreg s7;
	s9 =	sadd.s32 s12, s4;
	s7 =	sshll.u32 s15, $0x4  }
0x12: {  	s14 =	sor.u32 $0x50, s2;
	s13 =	sadd.s32 s13, s3;
	s15 =	sshll.u32 s21, $0x7  }
0x13: {  	[dreg:$0x8] =	wrdreg s13;
	s7 =	sadd.s32 s7, s4;
	s16 =	sshll.u32 s14, $0x7  }
0x14: {  	s17 =	sshll.u32 s14, $0x4;
	s13 =	sshll.u32 s19, $0x4;
	s23 =	sadd.s32 s15, s3  }
0x15: {  	[dreg:$0x9] =	wrdreg s7;
	s7 =	sadd.s32 s16, s3;
	s16 =	smul.u32 $0x138800, s6  }
0x16: {  	s22 =	sadd.s32 s13, s4;
	[dreg:$0xe] =	wrdreg s23;
	s6 =	smul.u32 $0x27100, s6  }
0x17: {  	s13 =	sadd.s32 $0xC8, s2;
	[dreg:$0xa] =	wrdreg s7;
	s7 =	sadd.s32 s17, s4  }
0x18: {  	[dreg:$0xd] =	wrdreg s22;
	s14 =	sshll.u32 s13, $0x7;
	s15 =	sshll.u32 s13, $0x4  }
0x19: {  	s22 =	sadd.s32 $0x140, s2;
	[dreg:$0xb] =	wrdreg s7;
	s7 =	sadd.s32 s20, s3  }
0x1a: {  	s10 =	sadd.s32 s10, s16;
	s26 =	sshrl.u32 s16, $0x3;
	s12 =	sadd.s32 s12, s6  }
0x1b: {  	s6 =	sshrl.u32 s6, $0x3;
	s16 =	sadd.s32 $0xF0, s2;
	s20 =	sadd.s32 $0x118, s2  }
0x1c: {  	s23 =	sshll.u32 s22, $0x7;
	[dreg:$0xc] =	wrdreg s7;
	s7 =	sadd.s32 s24, s4  }
0x1d: {  	s25 =	sshrl.u32 s10, $0x3;
	s10 =	sadd.s32 s11, s26;
	s17 =	sshll.u32 s16, $0x7  }
0x1e: {  	s21 =	sshll.u32 s20, $0x7;
	[dreg:$0xf] =	wrdreg s7;
	s7 =	sadd.s32 s11, s25  }
0x1f: {  	s24 =	sshll.u32 s22, $0x4;
	s25 =	sadd.s32 $0x168, s2;
	[dreg:$0x10] =	wrdreg s7  }
0x20: {  	s7 =	sshrl.u32 s12, $0x3;
	s26 =	sshll.u32 s25, $0x7;
	s12 =	sadd.s32 $0x190, s2  }
0x21: {  	s7 =	sadd.s32 s5, s7;
	s5 =	sadd.s32 s5, s6;
	s6 =	sadd.s32 s14, s3  }
0x22: {  	s13 =	sshll.u32 s12, $0x7;
	s14 =	sadd.s32 $0x1B8, s2;
	[dreg:$0x11] =	wrdreg s7  }
0x23: {  	[dreg:$0x12] =	wrdreg s6;
	s6 =	sadd.s32 s15, s4;
	s7 =	sshll.u32 s16, $0x4  }
0x24: {  	s15 =	sshll.u32 s14, $0x7;
	[dreg:$0x13] =	wrdreg s6;
	s6 =	sadd.s32 s17, s3  }
0x25: {  	s16 =	sshll.u32 s14, $0x4;
	s19 =	sadd.s32 s7, s4;
	[dreg:$0x14] =	wrdreg s6  }
0x26: {  	s7 =	sadd.s32 s21, s3;
	s17 =	sadd.s32 $0x1E0, s2;
	[dreg:$0x15] =	wrdreg s19  }
0x27: {  	s21 =	sadd.s32 $0x208, s2;
	s6 =	sshll.u32 s20, $0x4;
	[dreg:$0x16] =	wrdreg s7  }
0x28: {  	s7 =	sshll.u32 s25, $0x4;
	s19 =	sshll.u32 s17, $0x7;
	s6 =	sadd.s32 s6, s4  }
0x29: {  	s22 =	sshll.u32 s21, $0x7;
	s11 =	sadd.s32 s7, s4;
	[dreg:$0x17] =	wrdreg s6  }
0x2a: {  	s7 =	sadd.s32 s13, s3;
	s6 =	sadd.s32 s23, s3;
	[dreg:$0x1b] =	wrdreg s11  }
0x2b: {  	[dreg:$0x1c] =	wrdreg s7;
	s7 =	sshll.u32 s17, $0x4;
	s23 =	sadd.s32 $0x230, s2  }
0x2c: {  	s2 =	sadd.s32 $0x258, s2;
	s17 =	sadd.s32 $0x4B00, s5;
	s5 =	simm.s32 $0x1B600  }
0x2d: {  	[dreg:$0x18] =	wrdreg s6;
	s6 =	sadd.s32 s24, s4;
	s20 =	sadd.s32 s7, s4  }
0x2e: {  	s7 =	sadd.s32 s22, s3;
	s24 =	sshll.u32 s23, $0x7;
	[dreg:$0x19] =	wrdreg s6  }
0x2f: {  	s25 =	sshll.u32 s23, $0x4;
	s22 =	simm.s32 $0x18F40;
	[smem:$0x7F9] =	sst s20  }
0x30: {  	s23 =	simm.s32 $0x1B680;
	s6 =	sadd.s32 s26, s3;
	[smem:$0x7FA] =	sst s7  }
0x31: {  	s26 =	sshll.u32 s2, $0x7;
	s2 =	sshll.u32 s2, $0x4;
	s20 =	sshrl.u32 @p0 s1, $0x3  }
0x32: {  	s1 =	simm.s32 $0x1F680;
	[dreg:$0x1a] =	wrdreg s6;
	s6 =	sshll.u32 s12, $0x4  }
0x33: {  	s7 =	simm.s32 $0x0;
	s14 =	sadd.s32 s26, s3;
	s6 =	sadd.s32 s6, s4  }
0x34: {  	s26 =	simm.s32 $0x2;
	[dreg:$0x1d] =	wrdreg s6;
	s6 =	sadd.s32 s15, s3  }
0x35: {  	s15 =	sadd.s32 s2, s4;
	[dreg:$0x1e] =	wrdreg s6;
	s6 =	sadd.s32 s16, s4  }
0x36: {  	s2 =	sadd.s32 $0x12C000, s3;
	[dreg:$0x1f] =	wrdreg s6;
	s6 =	sadd.s32 s19, s3  }
0x37: {  	s16 =	sadd.s32 $0x25800, s10;
	[smem:$0x7F8] =	sst s6;
	s6 =	sshll.u32 s21, $0x4  }
0x38: {  	s19 =	sshrl.u32 @p0 s2, $0x3;
	s2 =	simm.s32 $0x5;
	s6 =	sadd.s32 s6, s4  }
0x39: {  	s21 =	simm.s32 $0x16800;
	[smem:$0x7FB] =	sst s6;
	s6 =	sadd.s32 s24, s3  }
0x3a: {  	v0 =	vimm.f32 $0.0e+00;
	vm0 =	vcmask $0x300;
	s24 =	simm.s32 $0x1FA80;
	[smem:$0x7FC] =	sst s6;
	s6 =	sadd.s32 s25, s4  }
0x3b: {  	v1 =	vsel vm0, $0x3F800000, v0;
	s25 =	simm.s32 $0x1;
	[smem:$0x7FD] =	sst s6;
	s6 =	simm.s32 $0x1B640  }
.LBB2_1:
0x3c: {  	s10 =	simm.s32 $0x1B6C0  }
0x3d: {  	[tilespmem:s10+$0xFFFFFFD0] =	vst v0  }
0x3e: {  	[tilespmem:s10+$0xFFFFFFE0] =	vst v0  }
0x3f: {  	[tilespmem:s10+$0xFFFFFFF0] =	vst v0  }
0x40: {  	[tilespmem:s10+$0x0] =	vst v0  }
0x41: {  	[tilespmem:s10+$0x10] =	vst v0  }
0x42: {  	[tilespmem:s10+$0x20] =	vst v0  }
0x43: {  	[tilespmem:s10+$0x30] =	vst v0  }
0x44: {  	s12 =	simm.s32 $0x0;
	s11 =	simm.s32 $0x40;
	[tilespmem:s10+$0xFFFFFFC0] =	vst v0  }
.LBB2_2:
0x45: {  	p1 =	sne.s32 s11, $0xFC0;
	[tilespmem:s12+$0x1F680] =	vst v1;
	s10 =	sadd.s32 $0x80, s10  }
0x46: {  	[tilespmem:s10+$0xFFFFFFD0] =	vst v0  }
0x47: {  	[tilespmem:s10+$0xFFFFFFE0] =	vst v0  }
0x48: {  	[tilespmem:s10+$0xFFFFFFF0] =	vst v0  }
.Ltmp0:
0x49: {  	[tilespmem:s10+$0x0] =	vst v0;
	(pc) =	sbr.rel @p1 .LBB2_2-.Ltmp0, $4  }
0x4a: {  	[tilespmem:s10+$0x10] =	vst v0  }
0x4b: {  	[tilespmem:s10+$0x20] =	vst v0  }
0x4c: {  	[tilespmem:s10+$0x30] =	vst v0  }
0x4d: {  	s12 =	sshra.s32 s11, $0x2;
	s11 =	sadd.s32 $0x40, s11;
	[tilespmem:s10+$0xFFFFFFC0] =	vst v0  }
0x4e: {  	[tilespmem:s12+$0x1F680] =	vst v1  }
0x4f: {  	[tilespmem:$0x1FA80] =	vst v0  }
0x50: {  	[tilespmem:$0x1FA90] =	vst v0  }
0x51: {  	[tilespmem:$0x1FAA0] =	vst v0  }
0x52: {  	[tilespmem:$0x1FAB0] =	vst v0  }
0x53: {  	[tilespmem:$0x1FAC0] =	vst v0  }
0x54: {  	[tilespmem:$0x1FAD0] =	vst v0  }
0x55: {  	[tilespmem:$0x1FAE0] =	vst v0  }
0x56: {  	[tilespmem:$0x1FAF0] =	vst v0  }
0x57: {  	[tilespmem:$0x1FB00] =	vst v0  }
0x58: {  	[tilespmem:$0x1FB10] =	vst v0  }
0x59: {  	[tilespmem:$0x1FB20] =	vst v0  }
0x5a: {  	[tilespmem:$0x1FB30] =	vst v0  }
0x5b: {  	[tilespmem:$0x1FB40] =	vst v0  }
0x5c: {  	[tilespmem:$0x1FB50] =	vst v0  }
0x5d: {  	[tilespmem:$0x1FB60] =	vst v0  }
0x5e: {  	[tilespmem:$0x1FB70] =	vst v0  }
0x5f: {  	[tilespmem:$0x1FB80] =	vst v0  }
0x60: {  	[tilespmem:$0x1FB90] =	vst v0  }
0x61: {  	[tilespmem:$0x1FBA0] =	vst v0  }
0x62: {  	[tilespmem:$0x1FBB0] =	vst v0  }
0x63: {  	[tilespmem:$0x1FBC0] =	vst v0  }
0x64: {  	[tilespmem:$0x1FBD0] =	vst v0  }
0x65: {  	[tilespmem:$0x1FBE0] =	vst v0  }
0x66: {  	[tilespmem:$0x1FBF0] =	vst v0  }
0x67: {  	[tilespmem:$0x1FC00] =	vst v0  }
0x68: {  	[tilespmem:$0x1FC10] =	vst v0  }
0x69: {  	[tilespmem:$0x1FC20] =	vst v0  }
0x6a: {  	[tilespmem:$0x1FC30] =	vst v0  }
0x6b: {  	[tilespmem:$0x1FC40] =	vst v0  }
0x6c: {  	[tilespmem:$0x1FC50] =	vst v0  }
0x6d: {  	[tilespmem:$0x1FC60] =	vst v0  }
0x6e: {  	[tilespmem:$0x1FC70] =	vst v0  }
0x6f: {  	[tilespmem:$0x1FC80] =	vst v0  }
0x70: {  	[tilespmem:$0x1FC90] =	vst v0  }
0x71: {  	[tilespmem:$0x1FCA0] =	vst v0  }
0x72: {  	[tilespmem:$0x1FCB0] =	vst v0  }
0x73: {  	[tilespmem:$0x1FCC0] =	vst v0  }
0x74: {  	[tilespmem:$0x1FCD0] =	vst v0  }
0x75: {  	[tilespmem:$0x1FCE0] =	vst v0  }
0x76: {  	s10 =	simm.s32 $0x0;
	s11 =	rddreg [dreg:$0x6];
	[tilespmem:$0x1FCF0] =	vst v0  }
0x77: {  	[tilespmem:s21], [sflag:$0x1] =	stream.linear.gather [hbm4b:s11+s10], $0x2740, $0x38;
	[tilespmem:$0x1FD00] =	vst v63  }
0x78: {  	s13 =	rddreg [dreg:$0x7]  }
0x79: {  	[tilespmem:s22], [sflag:$0x2] =	stream.linear.gather [hbm4b:s13+s10], $0x2740, $0x38;
	[tilespmem:$0x1FD00] =	vst v63  }
0x7a: {  	_ = 	snop  }
0x7b: {  	[spmem:s8] =	stream.linear.scatter [tilespmem:s23], [sflag:$0x3], $0x1400, $0x38;
	[tilespmem:$0x1FD00] =	vst v63  }
0x7c: {  	s12 =	rddreg [dreg:$0x9]  }
0x7d: {  	[spmem:s9] =	stream.linear.scatter [tilespmem:s24], [sflag:$0x4], $0x280, $0x38;
	[tilespmem:$0x1FD00] =	vst v63  }
0x7e: {  	s11 =	rddreg [dreg:$0x8]  }
0x7f: {  	[spmem:s11] =	stream.linear.scatter [tilespmem:s23], [sflag:$0x3], $0x1400, $0x38;
	[tilespmem:$0x1FD00] =	vst v63  }
0x80: {  	s13 =	rddreg [dreg:$0xa]  }
0x81: {  	[spmem:s12] =	stream.linear.scatter [tilespmem:s24], [sflag:$0x4], $0x280, $0x38;
	[tilespmem:$0x1FD00] =	vst v63  }
0x82: {  	s11 =	rddreg [dreg:$0xb]  }
0x83: {  	[spmem:s13] =	stream.linear.scatter [tilespmem:s23], [sflag:$0x3], $0x1400, $0x38;
	[tilespmem:$0x1FD00] =	vst v63  }
0x84: {  	s12 =	rddreg [dreg:$0xc]  }
0x85: {  	[spmem:s11] =	stream.linear.scatter [tilespmem:s24], [sflag:$0x4], $0x280, $0x38;
	[tilespmem:$0x1FD00] =	vst v63  }
0x86: {  	s13 =	rddreg [dreg:$0xd]  }
0x87: {  	[spmem:s12] =	stream.linear.scatter [tilespmem:s23], [sflag:$0x3], $0x1400, $0x38;
	[tilespmem:$0x1FD00] =	vst v63  }
0x88: {  	s11 =	rddreg [dreg:$0xe]  }
0x89: {  	[spmem:s13] =	stream.linear.scatter [tilespmem:s24], [sflag:$0x4], $0x280, $0x38;
	[tilespmem:$0x1FD00] =	vst v63  }
0x8a: {  	s12 =	rddreg [dreg:$0xf]  }
0x8b: {  	[spmem:s11] =	stream.linear.scatter [tilespmem:s23], [sflag:$0x3], $0x1400, $0x38;
	[tilespmem:$0x1FD00] =	vst v63  }
0x8c: {  	s13 =	rddreg [dreg:$0x12]  }
0x8d: {  	[spmem:s12] =	stream.linear.scatter [tilespmem:s24], [sflag:$0x4], $0x280, $0x38;
	[tilespmem:$0x1FD00] =	vst v63  }
0x8e: {  	s11 =	rddreg [dreg:$0x13]  }
0x8f: {  	[spmem:s13] =	stream.linear.scatter [tilespmem:s23], [sflag:$0x3], $0x1400, $0x38;
	[tilespmem:$0x1FD00] =	vst v63  }
0x90: {  	s12 =	rddreg [dreg:$0x14]  }
0x91: {  	[spmem:s11] =	stream.linear.scatter [tilespmem:s24], [sflag:$0x4], $0x280, $0x38;
	[tilespmem:$0x1FD00] =	vst v63  }
0x92: {  	s13 =	rddreg [dreg:$0x15]  }
0x93: {  	[spmem:s12] =	stream.linear.scatter [tilespmem:s23], [sflag:$0x3], $0x1400, $0x38;
	[tilespmem:$0x1FD00] =	vst v63  }
0x94: {  	s11 =	rddreg [dreg:$0x16]  }
0x95: {  	[spmem:s13] =	stream.linear.scatter [tilespmem:s24], [sflag:$0x4], $0x280, $0x38;
	[tilespmem:$0x1FD00] =	vst v63  }
0x96: {  	s12 =	rddreg [dreg:$0x17]  }
0x97: {  	[spmem:s11] =	stream.linear.scatter [tilespmem:s23], [sflag:$0x3], $0x1400, $0x38;
	[tilespmem:$0x1FD00] =	vst v63  }
0x98: {  	s13 =	rddreg [dreg:$0x18]  }
0x99: {  	[spmem:s12] =	stream.linear.scatter [tilespmem:s24], [sflag:$0x4], $0x280, $0x38;
	[tilespmem:$0x1FD00] =	vst v63  }
0x9a: {  	s11 =	rddreg [dreg:$0x19]  }
0x9b: {  	[spmem:s13] =	stream.linear.scatter [tilespmem:s23], [sflag:$0x3], $0x1400, $0x38;
	[tilespmem:$0x1FD00] =	vst v63  }
0x9c: {  	s12 =	rddreg [dreg:$0x1a]  }
0x9d: {  	[spmem:s11] =	stream.linear.scatter [tilespmem:s24], [sflag:$0x4], $0x280, $0x38;
	[tilespmem:$0x1FD00] =	vst v63  }
0x9e: {  	s13 =	rddreg [dreg:$0x1b]  }
0x9f: {  	[spmem:s12] =	stream.linear.scatter [tilespmem:s23], [sflag:$0x3], $0x1400, $0x38;
	[tilespmem:$0x1FD00] =	vst v63  }
0xa0: {  	s11 =	rddreg [dreg:$0x1c]  }
0xa1: {  	[spmem:s13] =	stream.linear.scatter [tilespmem:s24], [sflag:$0x4], $0x280, $0x38;
	[tilespmem:$0x1FD00] =	vst v63  }
0xa2: {  	s12 =	rddreg [dreg:$0x1d]  }
0xa3: {  	[spmem:s11] =	stream.linear.scatter [tilespmem:s23], [sflag:$0x3], $0x1400, $0x38;
	[tilespmem:$0x1FD00] =	vst v63  }
0xa4: {  	s13 =	rddreg [dreg:$0x1e]  }
0xa5: {  	[spmem:s12] =	stream.linear.scatter [tilespmem:s24], [sflag:$0x4], $0x280, $0x38;
	[tilespmem:$0x1FD00] =	vst v63  }
0xa6: {  	s11 =	rddreg [dreg:$0x1f]  }
0xa7: {  	[spmem:s13] =	stream.linear.scatter [tilespmem:s23], [sflag:$0x3], $0x1400, $0x38;
	[tilespmem:$0x1FD00] =	vst v63  }
0xa8: {  	s12 =	sld [smem:$0x7F8]  }
0xa9: {  	[spmem:s11] =	stream.linear.scatter [tilespmem:s24], [sflag:$0x4], $0x280, $0x38;
	[tilespmem:$0x1FD00] =	vst v63  }
0xaa: {  	s13 =	sld [smem:$0x7F9]  }
0xab: {  	[spmem:s12] =	stream.linear.scatter [tilespmem:s23], [sflag:$0x3], $0x1400, $0x38;
	[tilespmem:$0x1FD00] =	vst v63  }
0xac: {  	s11 =	sld [smem:$0x7FA]  }
0xad: {  	[spmem:s13] =	stream.linear.scatter [tilespmem:s24], [sflag:$0x4], $0x280, $0x38;
	[tilespmem:$0x1FD00] =	vst v63  }
0xae: {  	s12 =	sld [smem:$0x7FB]  }
0xaf: {  	[spmem:s11] =	stream.linear.scatter [tilespmem:s23], [sflag:$0x3], $0x1400, $0x38;
	[tilespmem:$0x1FD00] =	vst v63  }
0xb0: {  	s13 =	sld [smem:$0x7FC]  }
0xb1: {  	[spmem:s12] =	stream.linear.scatter [tilespmem:s24], [sflag:$0x4], $0x280, $0x38;
	[tilespmem:$0x1FD00] =	vst v63  }
0xb2: {  	s11 =	sld [smem:$0x7FD]  }
0xb3: {  	[spmem:s13] =	stream.linear.scatter [tilespmem:s23], [sflag:$0x3], $0x1400, $0x38;
	[tilespmem:$0x1FD00] =	vst v63  }
0xb4: {  	_ = 	snop  }
0xb5: {  	[spmem:s11] =	stream.linear.scatter [tilespmem:s24], [sflag:$0x4], $0x280, $0x38;
	[tilespmem:$0x1FD00] =	vst v63  }
0xb6: {  	_ = 	snop  }
0xb7: {  	[spmem:s14] =	stream.linear.scatter [tilespmem:s23], [sflag:$0x3], $0x1400, $0x38;
	[tilespmem:$0x1FD00] =	vst v63  }
0xb8: {  	_ = 	snop  }
0xb9: {  	[spmem:s15] =	stream.linear.scatter [tilespmem:s24], [sflag:$0x4], $0x280, $0x38;
	[tilespmem:$0x1FD00] =	vst v63  }
0xba: {  	_ =	swait.ge [sflag:s25], $0x2740  }
0xbb: {  	[sflag:s25] =	ssyncset.done $0x0  }
0xbc: {  	[sflag:s25] =	ssyncadd.s32 $0xFFFFD8C0  }
0xbd: {  	_ =	swait.ge [sflag:s26], $0x2740  }
0xbe: {  	[sflag:s26] =	ssyncset.done $0x0  }
0xbf: {  	[sflag:s26] =	ssyncadd.s32 $0xFFFFD8C0  }
0xc0: {  	_ =	swait.ge [sflag:s28], $0x1400  }
0xc1: {  	[sflag:s28] =	ssyncset.done $0x0  }
0xc2: {  	[sflag:s28] =	ssyncadd.s32 $0xFFFFEC00  }
0xc3: {  	_ =	swait.ge [sflag:s28], $0x1400  }
0xc4: {  	[sflag:s28] =	ssyncset.done $0x0  }
0xc5: {  	[sflag:s28] =	ssyncadd.s32 $0xFFFFEC00  }
0xc6: {  	_ =	swait.ge [sflag:s28], $0x1400  }
0xc7: {  	[sflag:s28] =	ssyncset.done $0x0  }
0xc8: {  	[sflag:s28] =	ssyncadd.s32 $0xFFFFEC00  }
0xc9: {  	_ =	swait.ge [sflag:s28], $0x1400  }
0xca: {  	[sflag:s28] =	ssyncset.done $0x0  }
0xcb: {  	[sflag:s28] =	ssyncadd.s32 $0xFFFFEC00  }
0xcc: {  	_ =	swait.ge [sflag:s28], $0x1400  }
0xcd: {  	[sflag:s28] =	ssyncset.done $0x0  }
0xce: {  	[sflag:s28] =	ssyncadd.s32 $0xFFFFEC00  }
0xcf: {  	_ =	swait.ge [sflag:s28], $0x1400  }
0xd0: {  	[sflag:s28] =	ssyncset.done $0x0  }
0xd1: {  	[sflag:s28] =	ssyncadd.s32 $0xFFFFEC00  }
0xd2: {  	_ =	swait.ge [sflag:s28], $0x1400  }
0xd3: {  	[sflag:s28] =	ssyncset.done $0x0  }
0xd4: {  	[sflag:s28] =	ssyncadd.s32 $0xFFFFEC00  }
0xd5: {  	_ =	swait.ge [sflag:s28], $0x1400  }
0xd6: {  	[sflag:s28] =	ssyncset.done $0x0  }
0xd7: {  	[sflag:s28] =	ssyncadd.s32 $0xFFFFEC00  }
0xd8: {  	_ =	swait.ge [sflag:s28], $0x1400  }
0xd9: {  	[sflag:s28] =	ssyncset.done $0x0  }
0xda: {  	[sflag:s28] =	ssyncadd.s32 $0xFFFFEC00  }
0xdb: {  	_ =	swait.ge [sflag:s28], $0x1400  }
0xdc: {  	[sflag:s28] =	ssyncset.done $0x0  }
0xdd: {  	[sflag:s28] =	ssyncadd.s32 $0xFFFFEC00  }
0xde: {  	_ =	swait.ge [sflag:s28], $0x1400  }
0xdf: {  	[sflag:s28] =	ssyncset.done $0x0  }
0xe0: {  	[sflag:s28] =	ssyncadd.s32 $0xFFFFEC00  }
0xe1: {  	_ =	swait.ge [sflag:s28], $0x1400  }
0xe2: {  	[sflag:s28] =	ssyncset.done $0x0  }
0xe3: {  	[sflag:s28] =	ssyncadd.s32 $0xFFFFEC00  }
0xe4: {  	_ =	swait.ge [sflag:s28], $0x1400  }
0xe5: {  	[sflag:s28] =	ssyncset.done $0x0  }
0xe6: {  	[sflag:s28] =	ssyncadd.s32 $0xFFFFEC00  }
0xe7: {  	_ =	swait.ge [sflag:s28], $0x1400  }
0xe8: {  	[sflag:s28] =	ssyncset.done $0x0  }
0xe9: {  	[sflag:s28] =	ssyncadd.s32 $0xFFFFEC00  }
0xea: {  	_ =	swait.ge [sflag:s28], $0x1400  }
0xeb: {  	[sflag:s28] =	ssyncset.done $0x0  }
0xec: {  	[sflag:s28] =	ssyncadd.s32 $0xFFFFEC00  }
0xed: {  	_ =	swait.ge [sflag:s28], $0x1400  }
0xee: {  	[sflag:s28] =	ssyncset.done $0x0  }
0xef: {  	[sflag:s28] =	ssyncadd.s32 $0xFFFFEC00  }
0xf0: {  	_ =	swait.ge [sflag:s29], $0x280  }
0xf1: {  	[sflag:s29] =	ssyncset.done $0x0  }
0xf2: {  	[sflag:s29] =	ssyncadd.s32 $0xFFFFFD80  }
0xf3: {  	_ =	swait.ge [sflag:s29], $0x280  }
0xf4: {  	[sflag:s29] =	ssyncset.done $0x0  }
0xf5: {  	[sflag:s29] =	ssyncadd.s32 $0xFFFFFD80  }
0xf6: {  	_ =	swait.ge [sflag:s29], $0x280  }
0xf7: {  	[sflag:s29] =	ssyncset.done $0x0  }
0xf8: {  	[sflag:s29] =	ssyncadd.s32 $0xFFFFFD80  }
0xf9: {  	_ =	swait.ge [sflag:s29], $0x280  }
0xfa: {  	[sflag:s29] =	ssyncset.done $0x0  }
0xfb: {  	[sflag:s29] =	ssyncadd.s32 $0xFFFFFD80  }
0xfc: {  	_ =	swait.ge [sflag:s29], $0x280  }
0xfd: {  	[sflag:s29] =	ssyncset.done $0x0  }
0xfe: {  	[sflag:s29] =	ssyncadd.s32 $0xFFFFFD80  }
0xff: {  	_ =	swait.ge [sflag:s29], $0x280  }
0x100: {  	[sflag:s29] =	ssyncset.done $0x0  }
0x101: {  	[sflag:s29] =	ssyncadd.s32 $0xFFFFFD80  }
0x102: {  	_ =	swait.ge [sflag:s29], $0x280  }
0x103: {  	[sflag:s29] =	ssyncset.done $0x0  }
0x104: {  	[sflag:s29] =	ssyncadd.s32 $0xFFFFFD80  }
0x105: {  	_ =	swait.ge [sflag:s29], $0x280  }
0x106: {  	[sflag:s29] =	ssyncset.done $0x0  }
0x107: {  	[sflag:s29] =	ssyncadd.s32 $0xFFFFFD80  }
0x108: {  	_ =	swait.ge [sflag:s29], $0x280  }
0x109: {  	[sflag:s29] =	ssyncset.done $0x0  }
0x10a: {  	[sflag:s29] =	ssyncadd.s32 $0xFFFFFD80  }
0x10b: {  	_ =	swait.ge [sflag:s29], $0x280  }
0x10c: {  	[sflag:s29] =	ssyncset.done $0x0  }
0x10d: {  	[sflag:s29] =	ssyncadd.s32 $0xFFFFFD80  }
0x10e: {  	_ =	swait.ge [sflag:s29], $0x280  }
0x10f: {  	[sflag:s29] =	ssyncset.done $0x0  }
0x110: {  	[sflag:s29] =	ssyncadd.s32 $0xFFFFFD80  }
0x111: {  	_ =	swait.ge [sflag:s29], $0x280  }
0x112: {  	[sflag:s29] =	ssyncset.done $0x0  }
0x113: {  	[sflag:s29] =	ssyncadd.s32 $0xFFFFFD80  }
0x114: {  	_ =	swait.ge [sflag:s29], $0x280  }
0x115: {  	[sflag:s29] =	ssyncset.done $0x0  }
0x116: {  	[sflag:s29] =	ssyncadd.s32 $0xFFFFFD80  }
0x117: {  	_ =	swait.ge [sflag:s29], $0x280  }
0x118: {  	[sflag:s29] =	ssyncset.done $0x0  }
0x119: {  	[sflag:s29] =	ssyncadd.s32 $0xFFFFFD80  }
0x11a: {  	_ =	swait.ge [sflag:s29], $0x280  }
0x11b: {  	[sflag:s29] =	ssyncset.done $0x0  }
0x11c: {  	[sflag:s29] =	ssyncadd.s32 $0xFFFFFD80  }
0x11d: {  	_ =	swait.ge [sflag:s29], $0x280  }
0x11e: {  	[sflag:s29] =	ssyncset.done $0x0  }
0x11f: {  	[sflag:s29] =	ssyncadd.s32 $0xFFFFFD80  }
0x120: {  	[bflag:$0x0] =	sbarrier.arrive $0xFFFF  }
0x121: {  	[tilespmem:s23], [sflag:$0x1] =	stream.indirect.gather [hbm4b:s0+s30], $0x80, s21, s30, $0xb8;
	[tilespmem:$0x1FD00] =	vst v63  }
0x122: {  	_ =	swait.ge [sflag:s25], $0x2000  }
0x123: {  	[sflag:s25] =	ssyncset.done $0x0  }
0x124: {  	s12 =	simm.s32 $0x16840;
	[sflag:s25] =	ssyncadd.s32 $0xFFFFE000  }
0x125: {  	[tilespmem:s31], [sflag:$0x2] =	stream.indirect.gather [hbm4b:s0+s30], $0x80, s12, s30, $0xb8;
	[tilespmem:$0x1FD00] =	vst v63  }
0x126: {  	_ = 	snop  }
0x127: {  	[spmem:s3] =	stream.indirect.scatter.add.f32 [tilespmem:s23], [sflag:$0x5], $0x80, s22, s30, $0xb8;
	[tilespmem:$0x1FD00] =	vst v63  }
0x128: {  	_ =	swait.ge [sflag:s2], $0x2000  }
0x129: {  	[sflag:s2] =	ssyncset.done $0x0  }
0x12a: {  	[sflag:s2] =	ssyncadd.s32 $0xFFFFE000  }
0x12b: {  	[spmem:s4] =	stream.indirect.scatter.add.f32 [tilespmem:s1], [sflag:$0x5], $0x10, s22, s30, $0xb8;
	[tilespmem:$0x1FD00] =	vst v63  }
0x12c: {  	_ =	swait.ge [sflag:s2], $0x400  }
0x12d: {  	[sflag:s2] =	ssyncset.done $0x0  }
0x12e: {  	[sflag:s2] =	ssyncadd.s32 $0xFFFFFC00  }
0x12f: {  	_ =	swait.ge [sflag:s26], $0x2000  }
0x130: {  	[sflag:s26] =	ssyncset.done $0x0  }
0x131: {  	s13 =	simm.s32 $0x16880;
	[sflag:s26] =	ssyncadd.s32 $0xFFFFE000  }
0x132: {  	[tilespmem:s23], [sflag:$0x1] =	stream.indirect.gather [hbm4b:s0+s30], $0x80, s13, s30, $0xb8;
	[tilespmem:$0x1FD00] =	vst v63  }
0x133: {  	s11 =	simm.s32 $0x18F80  }
0x134: {  	[spmem:s3] =	stream.indirect.scatter.add.f32 [tilespmem:s31], [sflag:$0x5], $0x80, s11, s30, $0xb8;
	[tilespmem:$0x1FD00] =	vst v63  }
0x135: {  	_ =	swait.ge [sflag:s2], $0x2000  }
0x136: {  	[sflag:s2] =	ssyncset.done $0x0  }
0x137: {  	[sflag:s2] =	ssyncadd.s32 $0xFFFFE000  }
0x138: {  	[spmem:s4] =	stream.indirect.scatter.add.f32 [tilespmem:s1], [sflag:$0x5], $0x10, s11, s30, $0xb8;
	[tilespmem:$0x1FD00] =	vst v63  }
0x139: {  	_ =	swait.ge [sflag:s2], $0x400  }
0x13a: {  	[sflag:s2] =	ssyncset.done $0x0  }
0x13b: {  	[sflag:s2] =	ssyncadd.s32 $0xFFFFFC00  }
0x13c: {  	_ =	swait.ge [sflag:s25], $0x2000  }
0x13d: {  	[sflag:s25] =	ssyncset.done $0x0  }
0x13e: {  	s12 =	simm.s32 $0x168C0;
	[sflag:s25] =	ssyncadd.s32 $0xFFFFE000  }
0x13f: {  	[tilespmem:s31], [sflag:$0x2] =	stream.indirect.gather [hbm4b:s0+s30], $0x80, s12, s30, $0xb8;
	[tilespmem:$0x1FD00] =	vst v63  }
0x140: {  	s13 =	simm.s32 $0x18FC0  }
0x141: {  	[spmem:s3] =	stream.indirect.scatter.add.f32 [tilespmem:s23], [sflag:$0x5], $0x80, s13, s30, $0xb8;
	[tilespmem:$0x1FD00] =	vst v63  }
0x142: {  	_ =	swait.ge [sflag:s2], $0x2000  }
0x143: {  	[sflag:s2] =	ssyncset.done $0x0  }
0x144: {  	[sflag:s2] =	ssyncadd.s32 $0xFFFFE000  }
0x145: {  	[spmem:s4] =	stream.indirect.scatter.add.f32 [tilespmem:s1], [sflag:$0x5], $0x10, s13, s30, $0xb8;
	[tilespmem:$0x1FD00] =	vst v63  }
0x146: {  	_ =	swait.ge [sflag:s2], $0x400  }
0x147: {  	s10 =	simm.s32 $0xFFFF6800;
	[sflag:s2] =	ssyncset.done $0x0  }
.LBB2_4:
0x148: {  	p1 =	sne.s32 s10, $0xFFFFFE00  }
0x149: {  	[sflag:s2] =	ssyncadd.s32 $0xFFFFFC00;
	s11 =	smov.u32 s10;
	s10 =	sadd.s32 $0x200, s10  }
0x14a: {  	_ =	swait.ge [sflag:s26], $0x2000  }
0x14b: {  	s11 =	sshra.s32 s11, $0x2;
	[sflag:s26] =	ssyncset.done $0x0  }
0x14c: {  	s12 =	sadd.s32 $0x18F00, s11;
	[sflag:s26] =	ssyncadd.s32 $0xFFFFE000  }
0x14d: {  	[tilespmem:s23], [sflag:$0x1] =	stream.indirect.gather [hbm4b:s0+s30], $0x80, s12, s30, $0xb8;
	[tilespmem:$0x1FD00] =	vst v63  }
0x14e: {  	s12 =	sadd.s32 $0x1B600, s11  }
0x14f: {  	[spmem:s3] =	stream.indirect.scatter.add.f32 [tilespmem:s31], [sflag:$0x5], $0x80, s12, s30, $0xb8;
	[tilespmem:$0x1FD00] =	vst v63  }
0x150: {  	_ =	swait.ge [sflag:s2], $0x2000  }
0x151: {  	[sflag:s2] =	ssyncset.done $0x0  }
0x152: {  	[sflag:s2] =	ssyncadd.s32 $0xFFFFE000  }
0x153: {  	[spmem:s4] =	stream.indirect.scatter.add.f32 [tilespmem:s1], [sflag:$0x5], $0x10, s12, s30, $0xb8;
	[tilespmem:$0x1FD00] =	vst v63  }
0x154: {  	_ =	swait.ge [sflag:s2], $0x400  }
0x155: {  	[sflag:s2] =	ssyncset.done $0x0  }
0x156: {  	[sflag:s2] =	ssyncadd.s32 $0xFFFFFC00  }
0x157: {  	_ =	swait.ge [sflag:s25], $0x2000  }
0x158: {  	[sflag:s25] =	ssyncset.done $0x0  }
0x159: {  	s12 =	sadd.s32 $0x18F40, s11;
	[sflag:s25] =	ssyncadd.s32 $0xFFFFE000  }
0x15a: {  	[tilespmem:s31], [sflag:$0x2] =	stream.indirect.gather [hbm4b:s0+s30], $0x80, s12, s30, $0xb8;
	[tilespmem:$0x1FD00] =	vst v63  }
0x15b: {  	s11 =	sadd.s32 $0x1B640, s11  }
0x15c: {  	[spmem:s3] =	stream.indirect.scatter.add.f32 [tilespmem:s23], [sflag:$0x5], $0x80, s11, s30, $0xb8;
	[tilespmem:$0x1FD00] =	vst v63  }
0x15d: {  	_ =	swait.ge [sflag:s2], $0x2000  }
.Ltmp1:
0x15e: {  	[sflag:s2] =	ssyncset.done $0x0;
	(pc) =	sbr.rel @p1 .LBB2_4-.Ltmp1, $4  }
0x15f: {  	[sflag:s2] =	ssyncadd.s32 $0xFFFFE000  }
0x160: {  	[spmem:s4] =	stream.indirect.scatter.add.f32 [tilespmem:s1], [sflag:$0x5], $0x10, s11, s30, $0xb8;
	[tilespmem:$0x1FD00] =	vst v63  }
0x161: {  	_ =	swait.ge [sflag:s2], $0x400  }
0x162: {  	[sflag:s2] =	ssyncset.done $0x0  }
0x163: {  	[sflag:s2] =	ssyncadd.s32 $0xFFFFFC00  }
0x164: {  	_ =	swait.ge [sflag:s26], $0x2000  }
0x165: {  	[sflag:s26] =	ssyncset.done $0x0  }
0x166: {  	s10 =	simm.s32 $0x18F00;
	[sflag:s26] =	ssyncadd.s32 $0xFFFFE000  }
0x167: {  	[tilespmem:s23], [sflag:$0x1] =	stream.indirect.gather [hbm4b:s0+s30], $0x80, s10, s30, $0xb8;
	[tilespmem:$0x1FD00] =	vst v63  }
0x168: {  	_ = 	snop  }
0x169: {  	[spmem:s3] =	stream.indirect.scatter.add.f32 [tilespmem:s31], [sflag:$0x5], $0x80, s5, s30, $0xb8;
	[tilespmem:$0x1FD00] =	vst v63  }
0x16a: {  	_ =	swait.ge [sflag:s2], $0x2000  }
0x16b: {  	[sflag:s2] =	ssyncset.done $0x0  }
0x16c: {  	[sflag:s2] =	ssyncadd.s32 $0xFFFFE000  }
0x16d: {  	[spmem:s4] =	stream.indirect.scatter.add.f32 [tilespmem:s1], [sflag:$0x5], $0x10, s5, s30, $0xb8;
	[tilespmem:$0x1FD00] =	vst v63  }
0x16e: {  	_ =	swait.ge [sflag:s2], $0x400  }
0x16f: {  	[sflag:s2] =	ssyncset.done $0x0  }
0x170: {  	[sflag:s2] =	ssyncadd.s32 $0xFFFFFC00  }
0x171: {  	_ =	swait.ge [sflag:s25], $0x2000  }
0x172: {  	[sflag:s25] =	ssyncset.done $0x0  }
0x173: {  	[sflag:s25] =	ssyncadd.s32 $0xFFFFE000  }
0x174: {  	[spmem:s3] =	stream.indirect.scatter.add.f32 [tilespmem:s23], [sflag:$0x5], $0x80, s6, s30, $0xb8;
	[tilespmem:$0x1FD00] =	vst v63  }
0x175: {  	_ =	swait.ge [sflag:s2], $0x2000  }
0x176: {  	[sflag:s2] =	ssyncset.done $0x0  }
0x177: {  	[sflag:s2] =	ssyncadd.s32 $0xFFFFE000  }
0x178: {  	[spmem:s4] =	stream.indirect.scatter.add.f32 [tilespmem:s1], [sflag:$0x5], $0x10, s6, s30, $0xb8;
	[tilespmem:$0x1FD00] =	vst v63  }
0x179: {  	_ =	swait.ge [sflag:s2], $0x400  }
0x17a: {  	[sflag:s2] =	ssyncset.done $0x0  }
0x17b: {  	[sflag:s2] =	ssyncadd.s32 $0xFFFFFC00  }
0x17c: {  	s10 =	simm.s32 @p0 $0x1FC1;
	[bflag:$0x0] =	sbarrier.arrive $0xFFFF  }
0x17d: {  	[hbm:s16], [sflag:s10] =	dma.local @p0 [spmem:s19], $0x1900  }
0x17e: {  	s10 =	simm.s32 @p0 $0x1FC2  }
0x17f: {  	[hbm:s17], [sflag:s10] =	dma.local @p0 [spmem:s20], $0x320  }
0x180: {  	s10 =	simm.s32 @p0 $0x1  }
0x181: {  	_ =	swait.ge @p0 [sflag:s10], $0x1900  }
0x182: {  	[sflag:s10] =	ssyncset.done @p0 $0x0  }
0x183: {  	[sflag:s10] =	ssyncadd.s32 @p0 $0xFFFFE700;
	s10 =	simm.s32 @p0 $0x2  }
0x184: {  	s11 =	stileid.u32;
	_ =	swait.ge @p0 [sflag:s10], $0x320  }
0x185: {  	s12 =	sshrl.u32 @!p0 s8, $0x3;
	s11 =	sshll.u32 @!p0 s11, $0x6;
	[sflag:s10] =	ssyncset.done @p0 $0x0  }
0x186: {  	s13 =	rddreg [dreg:$0x10];
	[sflag:s10] =	ssyncadd.s32 @p0 $0xFFFFFCE0;
	s10 =	sor.u32 @!p0 $0x1C01, s11  }
0x187: {  	[hbm:s13], [sflag:s10] =	dma.local @!p0 [spmem:s12], $0x2800  }
0x188: {  	s10 =	sor.u32 @!p0 $0x1C02, s11;
	s11 =	sshrl.u32 @!p0 s9, $0x3;
	s12 =	rddreg [dreg:$0x11]  }
0x189: {  	[hbm:s12], [sflag:s10] =	dma.local @!p0 [spmem:s11], $0x500  }
0x18a: {  	s7 =	sadd.s32 $0x1, s7;
	s10 =	simm.s32 @!p0 $0x1  }
0x18b: {  	p1 =	sne.s32 s7, s18;
	_ =	swait.ge @!p0 [sflag:s10], $0x2800  }
.Ltmp2:
0x18c: {  	[sflag:s10] =	ssyncset.done @!p0 $0x0;
	(pc) =	sbr.rel @p1 .LBB2_1-.Ltmp2, $4  }
0x18d: {  	[sflag:s10] =	ssyncadd.s32 @!p0 $0xFFFFD800;
	s10 =	simm.s32 @!p0 $0x2  }
0x18e: {  	_ =	swait.ge @!p0 [sflag:s10], $0x500  }
0x18f: {  	[sflag:s10] =	ssyncset.done @!p0 $0x0  }
0x190: {  	[sflag:s10] =	ssyncadd.s32 @!p0 $0xFFFFFB00  }
0x191: {  	_ =	sfence.sel $0x180000  }
0x192: {  	[bflag:$0x0] =	sbarrier.arrive $0xFFFF  }
0x193: {  	_ =	strace $0x90000047  }
0x194: {  	s0 =	stileid.u32;
	[bflag:$0x2] =	sbarrier.arrive $0xFFFF  }
0x195: {  	p0 =	sne.s32 s0, $0x0;
	s0 =	rddreg [dreg:$0x5]  }
0x196: {  	s0 =	sadd.s32 @!p0 $0x100000, s0  }
0x197: {  	[sflag:s0] =	ssyncadd.tile.s32 @!p0 $0x1;
	_ =	shalt  }
.Lfunc_end2:
_tile_overlayer_lowered:
.L_overlay_start_2:
0x198: {  	(tag) =	ssettag $0x2  }
0x199: {  	s0 =	rddreg [dreg:$0x0];
	s2 =	stileid.u32  }
0x19a: {  	s1 =	rddreg [dreg:$0x1];
	p0 =	sne.s32 s2, $0x0  }
0x19b: {  	s3 =	rddreg [dreg:$0x2];
	[bflag:$0x3] =	sbarrier.arrive $0xFFFF;
	s2 =	simm.s32 @!p0 $0x1C05  }
0x19c: {  	[timem:s3], [sflag:s2] =	dma.local @!p0 [hbm:s0], s1  }
0x19d: {  	s0 =	simm.s32 @!p0 $0x5  }
0x19e: {  	_ =	swait.ge @!p0 [sflag:s0], s1  }
0x19f: {  	s1 =	ssub.s32 @!p0 $0x0, s1;
	[sflag:s0] =	ssyncset.done @!p0 $0x0  }
0x1a0: {  	[sflag:s0] =	ssyncadd.s32 @!p0 s1  }
0x1a1: {  	[bflag:$0x3] =	sbarrier.arrive $0xFFFF  }
0x1a2: {  	_ =	shalt  }

// kernel: kernel.9.cloned.1.call-start
scs
__scs_entry_jumppad:
0x0: {  	(pc) =	sbr.rel $0x88, $3  }
0x1: {  	(tag) =	ssettag $0x0;
	lr =	simm.s32 $0x1  }
0x2: {  	[smem:$0x3F97] =	sst lr;
	_ =	strace $0xD0000000  }
0x3: {  	_ = 	snop  }
0x4: {  	_ = 	snop  }
0x5: {  	_ = 	snop  }
0x6: {  	_ = 	snop  }
0x7: {  	_ = 	snop  }
__scs_overlays_trampoline_lowered:
0x8: {  	[smem:$0x3FA6] =	sst s0  }
0x9: {  	[smem:$0x3FA7] =	sst s1  }
0xa: {  	[smem:$0x3FA8] =	sst s2  }
0xb: {  	[smem:$0x3FA9] =	sst s3  }
0xc: {  	[smem:$0x3FAA] =	sst s4  }
0xd: {  	[smem:$0x3FAB] =	sst s5  }
0xe: {  	[smem:$0x3FAC] =	sst s6  }
0xf: {  	[smem:$0x3FAD] =	sst s7  }
0x10: {  	[smem:$0x3FAE] =	sst s8  }
0x11: {  	[smem:$0x3FAF] =	sst s9;
	s0 =	simm.s32 @!p0 $0x0  }
0x12: {  	s1 =	sld [smem:$0x3F95];
	s0 =	simm.s32 @p0 $0x1  }
0x13: {  	[smem:$0x3FB0] =	sst s0;
	s0 =	simm.s32 @!p1 $0x0  }
0x14: {  	s2 =	sld [smem:$0x3F94];
	s0 =	simm.s32 @p1 $0x1  }
0x15: {  	[smem:$0x3FB1] =	sst s0;
	s0 =	simm.s32 @!p2 $0x0  }
0x16: {  	s3 =	sld [smem:$0x3FDB];
	s0 =	simm.s32 @p2 $0x1  }
0x17: {  	s4 =	simm.s32 $0x1BF5;
	[smem:$0x3FB3] =	sst s0  }
0x18: {  	s0 =	sld [smem:$0x3F96];
	_ =	swait.ge [sflag:s4], $0x0  }
0x19: {  	s7 =	sld [smem:$0x3F97]  }
0x1a: {  	s8 =	sadd.s32 $0xFFFFE003, lr  }
0x1b: {  	s9 =	sadd.s32 $0xFFFFFEF7, lr;
	s5 =	simm.s32 $0xFFFFFFFF;
	p2 =	slt.u32 s8, $0xFFFFF086  }
0x1c: {  	p1 =	slt.u32 s9, $0xF7A;
	s5 =	simm.s32 @!p2 $0x0  }
0x1d: {  	s5 =	simm.s32 @p1 $0x1;
	p0 =	seq.s32 s7, s2  }
0x1e: {  	s7 =	smul.u32 @!p0 $0xF7A, s2;
	p2 =	seq.s32 @!p0 s5, $0x0  }
0x1f: {  	s9 =	smul.u32 $0xF7A, s1;
	s8 =	simm.s32 @!p0 $0x1BF5;
	p2 =	por !p2, p0  }
0x20: {  	[sflag:s8] =	ssyncset.s32 @!p0 $0xFFFFF086;
	s6 =	sadd.s32 @!p0 s3, s7;
	s7 =	simm.s32 @!p0 $0x108  }
0x21: {  	s3 =	sadd.s32 s3, s9;
	s6 =	sadd.s32 @!p0 $0x88, s6;
	s7 =	simm.s32 @p2 $0x1082  }
0x22: {  	[simem:s7], [sflag:s8] =	dma.local @!p0 [hbm:s6], $0xF7A  }
0x23: {  	s9 =	sor.u32 $0xD0000000, s2;
	s6 =	simm.s32 $0x108;
	_ =	swait.ge @!p0 [sflag:s8], $0x0  }
0x24: {  	s3 =	sadd.s32 $0x88, s3;
	s6 =	simm.s32 @!p1 $0x1082;
	[sflag:s4] =	ssyncset.s32 $0xFFFFF086  }
0x25: {  	[simem:s6], [sflag:s4] =	dma.local [hbm:s3], $0xF7A  }
0x26: {  	[smem:$0x3F97] =	sst s1;
	(tag) =	ssettag s2;
	_ =	strace s9  }
0x27: {  	s1 =	sld [smem:$0x3FA7]  }
0x28: {  	s2 =	sld [smem:$0x3FA8]  }
0x29: {  	s4 =	sld [smem:$0x3FAA]  }
0x2a: {  	p0 =	seq.s32 s5, $0x0;
	s5 =	sld [smem:$0x3FAB]  }
0x2b: {  	s6 =	sld [smem:$0x3FAC]  }
0x2c: {  	s7 =	sld [smem:$0x3FAD]  }
0x2d: {  	s3 =	simm.s32 $0x108;
	s8 =	sld [smem:$0x3FAE]  }
0x2e: {  	s3 =	simm.s32 @!p0 $0x1082;
	s9 =	sld [smem:$0x3FAF]  }
0x2f: {  	lr =	sadd.s32 s0, s3;
	s0 =	sld [smem:$0x3FA6]  }
0x30: {  	s3 =	sld [smem:$0x3FA9]  }
0x31: {  	[smem:$0x3FB2] =	sst s10  }
0x32: {  	s10 =	sld [smem:$0x3FB0];
	_ =	sdelay $0x3  }
0x33: {  	p0 =	seq.s32 s10, $0x1;
	s10 =	sld [smem:$0x3FB2];
	_ =	sdelay $0x3  }
0x34: {  	[smem:$0x3FB2] =	sst s10  }
0x35: {  	s10 =	sld [smem:$0x3FB1];
	_ =	sdelay $0x3  }
0x36: {  	p1 =	seq.s32 s10, $0x1;
	s10 =	sld [smem:$0x3FB2];
	_ =	sdelay $0x3  }
0x37: {  	[smem:$0x3FB2] =	sst s10  }
0x38: {  	s10 =	sld [smem:$0x3FB3]  }
0x39: {  	_ = 	snop;
	(pc) =	sbr.ind lr, $3  }
0x3a: {  	_ = 	snop  }
0x3b: {  	_ = 	snop  }
0x3c: {  	p2 =	seq.s32 s10, $0x1;
	s10 =	sld [smem:$0x3FB2]  }
0x3d: {  	_ =	shalt  }
0x3e: {  	_ =	shalt  }
0x3f: {  	_ =	shalt  }
0x40: {  	_ =	shalt  }
0x41: {  	_ =	shalt  }
0x42: {  	_ =	shalt  }
0x43: {  	_ =	shalt  }
0x44: {  	_ =	shalt  }
0x45: {  	_ =	shalt  }
0x46: {  	_ =	shalt  }
0x47: {  	_ =	shalt  }
0x48: {  	_ =	shalt  }
0x49: {  	_ =	shalt  }
0x4a: {  	_ =	shalt  }
0x4b: {  	_ =	shalt  }
0x4c: {  	_ =	shalt  }
0x4d: {  	_ =	shalt  }
0x4e: {  	_ =	shalt  }
0x4f: {  	_ =	shalt  }
0x50: {  	_ =	shalt  }
0x51: {  	_ =	shalt  }
0x52: {  	_ =	shalt  }
0x53: {  	_ =	shalt  }
0x54: {  	_ =	shalt  }
0x55: {  	_ =	shalt  }
0x56: {  	_ =	shalt  }
0x57: {  	_ =	shalt  }
0x58: {  	_ =	shalt  }
0x59: {  	_ =	shalt  }
0x5a: {  	_ =	shalt  }
0x5b: {  	_ =	shalt  }
0x5c: {  	_ =	shalt  }
0x5d: {  	_ =	shalt  }
0x5e: {  	_ =	shalt  }
0x5f: {  	_ =	shalt  }
0x60: {  	_ =	shalt  }
0x61: {  	_ =	shalt  }
0x62: {  	_ =	shalt  }
0x63: {  	_ =	shalt  }
0x64: {  	_ =	shalt  }
0x65: {  	_ =	shalt  }
0x66: {  	_ =	shalt  }
0x67: {  	_ =	shalt  }
0x68: {  	_ =	shalt  }
0x69: {  	_ =	shalt  }
0x6a: {  	_ =	shalt  }
0x6b: {  	_ =	shalt  }
0x6c: {  	_ =	shalt  }
0x6d: {  	_ =	shalt  }
0x6e: {  	_ =	shalt  }
0x6f: {  	_ =	shalt  }
0x70: {  	_ =	shalt  }
0x71: {  	_ =	shalt  }
0x72: {  	_ =	shalt  }
0x73: {  	_ =	shalt  }
0x74: {  	_ =	shalt  }
0x75: {  	_ =	shalt  }
0x76: {  	_ =	shalt  }
0x77: {  	_ =	shalt  }
0x78: {  	_ =	shalt  }
0x79: {  	_ =	shalt  }
0x7a: {  	_ =	shalt  }
0x7b: {  	_ =	shalt  }
0x7c: {  	_ =	shalt  }
0x7d: {  	_ =	shalt  }
0x7e: {  	_ =	shalt  }
0x7f: {  	_ =	shalt  }
0x80: {  	_ =	shalt  }
0x81: {  	_ =	shalt  }
0x82: {  	_ =	shalt  }
0x83: {  	_ =	shalt  }
0x84: {  	_ =	shalt  }
0x85: {  	_ =	shalt  }
0x86: {  	_ =	shalt  }
0x87: {  	_ =	shalt  }
.Lfunc_end0:
.L_simem_size_0:
called_computation.1_lowered:
.L_overlay_start_0:
0x88: {  	s2 =	sld [smem:$0x3FD9]  }
0x89: {  	s3 =	sld [smem:$0x3FFE];
	_ =	sdelay $0x1  }
0x8a: {  	s1 =	srdreg.scid  }
0x8b: {  	s0 =	sand.u32 $0x1, s1  }
0x8c: {  	s17 =	sshll.u32 s0, $0xA;
	s2 =	sadd.s32 s3, s2  }
0x8d: {  	s2 =	sadd.s32 s2, s17  }
0x8e: {  	[smem:$0x3FBE] =	sst s2  }
0x8f: {  	_ = 	snop  }
0x90: {  	s2 =	sld [smem:$0x3FD0];
	(tm) =	ssettm $0x1  }
0x91: {  	s18 =	sld [smem:$0x3FFB];
	_ =	sdelay $0x3  }
0x92: {  	_ =	strace s18  }
0x93: {  	s3 =	sld [smem:$0x3FFC];
	_ =	sdelay $0x3  }
0x94: {  	_ =	strace s3  }
0x95: {  	s3 =	sld [smem:$0x3FFD];
	_ =	sdelay $0x3  }
0x96: {  	_ =	strace s3  }
0x97: {  	_ =	strace $0x8FFFFFFF  }
0x98: {  	s19 =	sld [smem:$0x3FDB];
	_ =	sdelay $0x1  }
0x99: {  	s4 =	simm.s32 $_scs_section_size  }
0x9a: {  	s5 =	simm.s32 $_size__tile_overlayer_lowered;
	s6 =	simm.s32 $_tile_overlayer_lowered  }
0x9b: {  	s22 =	simm.s32 $0x1BFF;
	s21 =	sshll.u32 s6, $0x1;
	s3 =	sadd.s32 s4, s19  }
0x9c: {  	s7 =	simm.s32 $0x0;
	s20 =	sshll.u32 s5, $0x1;
	s5 =	sadd.s32 s21, s3  }
0x9d: {  	[timem:s7], [sflag:s22] =	dma.local [hbm:s5], s20  }
0x9e: {  	_ =	swait.ge [sflag:s22], s20  }
0x9f: {  	s4 =	ssub.s32 $0x0, s20;
	[sflag:s22] =	ssyncset.done $0x0  }
0xa0: {  	[sflag:s22] =	ssyncadd.s32 s4;
	_ =	sdelay $0x1  }
0xa1: {  	s23 =	simm.s32 $0x1B8B  }
0xa2: {  	_ =	swait.ge [sflag:s23], $0x1  }
0xa3: {  	[sflag:s23] =	ssyncset.done $0x0  }
0xa4: {  	s25 =	simm.s32 $0x1B8E;
	s24 =	sld [smem:$0x3FFE];
	[sflag:s23] =	ssyncadd.s32 $0xFFFFFFFF  }
0xa5: {  	s26 =	simm.s32 $execute0_lowered;
	[smem:$0x3FD2] =	sst s25  }
0xa6: {  	s5 =	sshll.u32 s26, $0x1;
	_ =	strace $0x80000049;
	[dreg:$0x1] =	wrdreg $0xFFFFFFFF  }
0xa7: {  	s28 =	simm.s32 $_size_execute0_lowered;
	s3 =	sadd.s32 s3, s5;
	[dreg:$0x0] =	wrdreg $0x0  }
0xa8: {  	s5 =	sshll.u32 s28, $0x1;
	[dreg:$0x2] =	wrdreg s3  }
0xa9: {  	[dreg:$0x3] =	wrdreg s5  }
0xaa: {  	[dreg:$0x4] =	wrdreg $0xC0  }
0xab: {  	_ =	task [dreg:s7], $0x5FFFF  }
0xac: {  	[dreg:$0x1] =	wrdreg $0xFFFFFFFF  }
0xad: {  	[dreg:$0x0] =	wrdreg $0x60  }
0xae: {  	[dreg:$0x2] =	wrdreg s2  }
0xaf: {  	[dreg:$0x3] =	wrdreg s24  }
0xb0: {  	[dreg:$0x4] =	wrdreg $0x0  }
0xb1: {  	[dreg:$0x5] =	wrdreg $0x140000  }
0xb2: {  	[dreg:$0x6] =	wrdreg $0x9  }
0xb3: {  	_ =	task.clear_ibuf [dreg:s7], $0x7FFFF;
	_ =	strace $0x90000049  }
0xb4: {  	s29 =	simm.s32 $0x9;
	_ =	strace $0x8000004B  }
0xb5: {  	_ =	swait.ge [sflag:s29], $0x1  }
0xb6: {  	[sflag:s29] =	ssyncadd.s32 $0xFFFFFFFF  }
0xb7: {  	_ =	strace $0x9000004B  }
0xb8: {  	_ =	sfence  }
0xb9: {  	s30 =	sld [smem:$0x0];
	_ =	sdelay $0x2  }
0xba: {  	s31 =	sshll.u32 s1, $0xD;
	s1 =	sshrl.u32 s1, $0x2  }
0xbb: {  	s3 =	sand.u32 $0x4000, s31;
	s1 =	sadd.s32 s1, s30  }
0xbc: {  	s0 =	sor.u32 s3, s0;
	s1 =	sshll.u32 s1, $0x11  }
0xbd: {  	s0 =	sor.u32 s1, s0  }
0xbe: {  	s0 =	sadd.s32 $0x8F2B, s0  }
0xbf: {  	[sflag:s0] =	ssyncadd.remote.s32 $0x1  }
0xc0: {  	_ =	sfence.sel $0xFFFF  }
0xc1: {  	[dreg:$0x0] =	wrdreg $0xFFFFFFFF;
	(pc) =	sbr.abs _section_cstart, $3  }
0xc2: {  	[dreg:$0x1] =	wrdreg $0xFFFFFFFF  }
0xc3: {  	_ =	task.clear_ibuf [dreg:s7], $0x2FFFF;
	_ =	strace $0x9FFFFFFF  }
0xc4: {  	(tm) =	ssettm $0x7FFFFFFF  }
0xc5: {  	_ =	shalt  }
tec
execute0_lowered:
.L_overlay_start_1:
0x0: {  	(tag) =	ssettag $0x1  }
0x1: {  	s1 =	rddreg [dreg:$0x0]  }
0x2: {  	s0 =	rddreg [dreg:$0x1]  }
0x3: {  	s2 =	srdreg.scid;
	s3 =	rddreg [dreg:$0x2]  }
0x4: {  	s18 =	stileid.u32;
	s4 =	rddreg [dreg:$0x3]  }
0x5: {  	s6 =	simm.s32 $0x0;
	s28 =	simm.s32 $0x3;
	s29 =	simm.s32 $0x4  }
0x6: {  	s30 =	simm.s32 $0x40;
	s31 =	simm.s32 $0x1D680;
	s5 =	sand.u32 $0x1, s2  }
0x7: {  	s8 =	sshll.u32 s18, $0x1;
	[smem:$0x7FF] =	sst s6;
	s10 =	smul.u32 $0x14000, s18  }
0x8: {  	s7 =	sadd.s32 $0x20A00, s0;
	s12 =	smul.u32 $0x2800, s18;
	s2 =	sor.u32 s5, s8  }
0x9: {  	s11 =	sadd.s32 $0x16C00, s0;
	s8 =	ssub.s32 $0x2, s5;
	s2 =	smul.u32 $0x4E8, s2  }
0xa: {  	p0 =	seq.s32 s18, $0xF;
	_ =	strace $0x8000004A;
	s13 =	sshrl.u32 s8, $0x1  }
0xb: {  	s9 =	sadd.s32 s2, s0;
	s2 =	smul.u32 $0x280, s18;
	s0 =	ssub.s32 s8, s13  }
0xc: {  	s8 =	sadd.s32 s10, s3;
	s14 =	sadd.s32 $0x3000, s9;
	s6 =	sadd.s32 $0xCE00, s9  }
0xd: {  	s9 =	sadd.s32 s12, s4;
	s18 =	smax.u32 s0, $0x1;
	[dreg:$0x5] =	wrdreg s14  }
0xe: {  	s0 =	sadd.s32 $0x25800, s4;
	[dreg:$0x6] =	wrdreg s6;
	s15 =	sor.u32 $0x28, s2  }
0xf: {  	s14 =	sor.u32 $0x50, s2;
	s19 =	sor.u32 $0x78, s2;
	s21 =	sadd.s32 $0xA0, s2  }
0x10: {  	s13 =	sshll.u32 s15, $0x7;
	s6 =	sshll.u32 s15, $0x4;
	s16 =	sshll.u32 s14, $0x7  }
0x11: {  	s17 =	sshll.u32 s14, $0x4;
	s20 =	sshll.u32 s19, $0x7;
	s13 =	sadd.s32 s13, s3  }
0x12: {  	s15 =	sshll.u32 s21, $0x7;
	s6 =	sadd.s32 s6, s4;
	[dreg:$0x7] =	wrdreg s13  }
0x13: {  	s24 =	sshll.u32 s21, $0x4;
	s23 =	sadd.s32 s15, s3;
	[dreg:$0x8] =	wrdreg s6  }
0x14: {  	s6 =	sadd.s32 s16, s3;
	s13 =	sshll.u32 s19, $0x4;
	[dreg:$0xd] =	wrdreg s23  }
0x15: {  	s16 =	smul.u32 $0x138800, s5;
	[dreg:$0x9] =	wrdreg s6;
	s6 =	sadd.s32 s17, s4  }
0x16: {  	s5 =	smul.u32 $0x27100, s5;
	s22 =	sadd.s32 s13, s4;
	[dreg:$0xa] =	wrdreg s6  }
0x17: {  	s13 =	sadd.s32 $0xC8, s2;
	s6 =	sadd.s32 s20, s3;
	[dreg:$0xc] =	wrdreg s22  }
0x18: {  	s10 =	sadd.s32 s10, s16;
	s26 =	sshrl.u32 s16, $0x3;
	s12 =	sadd.s32 s12, s5  }
0x19: {  	s5 =	sshrl.u32 s5, $0x3;
	s14 =	sshll.u32 s13, $0x7;
	s15 =	sshll.u32 s13, $0x4  }
0x1a: {  	s16 =	sadd.s32 $0xF0, s2;
	s20 =	sadd.s32 $0x118, s2;
	s22 =	sadd.s32 $0x140, s2  }
0x1b: {  	[dreg:$0xb] =	wrdreg s6;
	s6 =	sadd.s32 s24, s4;
	s25 =	sshrl.u32 s10, $0x3  }
0x1c: {  	s5 =	sadd.s32 s11, s5;
	s17 =	sshll.u32 s16, $0x7;
	s10 =	sshll.u32 s16, $0x4  }
0x1d: {  	s21 =	sshll.u32 s20, $0x7;
	s23 =	sshll.u32 s22, $0x7;
	s24 =	sshll.u32 s22, $0x4  }
0x1e: {  	[dreg:$0xe] =	wrdreg s6;
	s6 =	sadd.s32 s7, s25;
	s7 =	sadd.s32 s7, s26  }
0x1f: {  	s19 =	sadd.s32 s10, s4;
	s10 =	sadd.s32 s21, s3;
	[dreg:$0xf] =	wrdreg s6  }
0x20: {  	s25 =	sadd.s32 $0x168, s2;
	s21 =	sadd.s32 $0x208, s2;
	[dreg:$0x14] =	wrdreg s19  }
0x21: {  	s6 =	sshrl.u32 s12, $0x3;
	[dreg:$0x15] =	wrdreg s10;
	s26 =	sshll.u32 s25, $0x7  }
0x22: {  	s10 =	sshll.u32 s25, $0x4;
	s12 =	sadd.s32 $0x190, s2;
	s6 =	sadd.s32 s11, s6  }
0x23: {  	s22 =	sshll.u32 s21, $0x7;
	s11 =	sadd.s32 s10, s4;
	[dreg:$0x10] =	wrdreg s6  }
0x24: {  	s13 =	sshll.u32 s12, $0x7;
	s6 =	sadd.s32 s14, s3;
	[dreg:$0x1a] =	wrdreg s11  }
0x25: {  	s14 =	sadd.s32 $0x1B8, s2;
	s10 =	sadd.s32 s13, s3;
	[dreg:$0x11] =	wrdreg s6  }
0x26: {  	s6 =	sadd.s32 s15, s4;
	[dreg:$0x1b] =	wrdreg s10;
	s15 =	sshll.u32 s14, $0x7  }
0x27: {  	s16 =	sshll.u32 s14, $0x4;
	[dreg:$0x12] =	wrdreg s6;
	s6 =	sadd.s32 s17, s3  }
0x28: {  	s17 =	sadd.s32 $0x1E0, s2;
	[dreg:$0x13] =	wrdreg s6;
	s6 =	sshll.u32 s20, $0x4  }
0x29: {  	s19 =	sshll.u32 s17, $0x7;
	s10 =	sshll.u32 s17, $0x4;
	s17 =	sadd.s32 $0x4B00, s5  }
0x2a: {  	s5 =	simm.s32 $0x1B600;
	s6 =	sadd.s32 s6, s4;
	s20 =	sadd.s32 s10, s4  }
0x2b: {  	s10 =	sadd.s32 s22, s3;
	s22 =	simm.s32 $0x18F40;
	[dreg:$0x16] =	wrdreg s6  }
0x2c: {  	s6 =	sadd.s32 s23, s3;
	[smem:$0x7F9] =	sst s20;
	s23 =	sadd.s32 $0x230, s2  }
0x2d: {  	[smem:$0x7FA] =	sst s10;
	s2 =	sadd.s32 $0x258, s2;
	s20 =	sshrl.u32 @p0 s0, $0x3  }
0x2e: {  	s0 =	simm.s32 $0x1F680;
	[dreg:$0x17] =	wrdreg s6;
	s6 =	sadd.s32 s24, s4  }
0x2f: {  	s24 =	sshll.u32 s23, $0x7;
	s25 =	sshll.u32 s23, $0x4;
	s23 =	simm.s32 $0x1B680  }
0x30: {  	[dreg:$0x18] =	wrdreg s6;
	s6 =	sadd.s32 s26, s3;
	s26 =	sshll.u32 s2, $0x7  }
0x31: {  	s2 =	sshll.u32 s2, $0x4;
	[dreg:$0x19] =	wrdreg s6;
	s6 =	sshll.u32 s12, $0x4  }
0x32: {  	s14 =	sadd.s32 s26, s3;
	s26 =	simm.s32 $0x2;
	s6 =	sadd.s32 s6, s4  }
0x33: {  	[dreg:$0x1c] =	wrdreg s6;
	s6 =	sadd.s32 s15, s3;
	s15 =	sadd.s32 s2, s4  }
0x34: {  	s2 =	sadd.s32 $0x12C000, s3;
	[dreg:$0x1d] =	wrdreg s6;
	s6 =	sadd.s32 s16, s4  }
0x35: {  	s16 =	sadd.s32 $0x25800, s7;
	[dreg:$0x1e] =	wrdreg s6;
	s6 =	sadd.s32 s19, s3  }
0x36: {  	s7 =	simm.s32 $0x0;
	[dreg:$0x1f] =	wrdreg s6;
	s6 =	sshll.u32 s21, $0x4  }
0x37: {  	s19 =	sshrl.u32 @p0 s2, $0x3;
	s2 =	simm.s32 $0x5;
	s6 =	sadd.s32 s6, s4  }
0x38: {  	s21 =	simm.s32 $0x16800;
	[smem:$0x7FB] =	sst s6;
	s6 =	sadd.s32 s24, s3  }
0x39: {  	v0 =	vimm.f32 $0.0e+00;
	vm0 =	vcmask $0x300;
	s24 =	simm.s32 $0x1FA80;
	[smem:$0x7FC] =	sst s6;
	s6 =	sadd.s32 s25, s4  }
0x3a: {  	v1 =	vsel vm0, $0x3F800000, v0;
	s25 =	simm.s32 $0x1;
	[smem:$0x7FD] =	sst s6;
	s6 =	simm.s32 $0x1B640  }
.LBB2_1:
0x3b: {  	s10 =	simm.s32 $0x1B6C0  }
0x3c: {  	[tilespmem:s10+$0xFFFFFFD0] =	vst v0  }
0x3d: {  	[tilespmem:s10+$0xFFFFFFE0] =	vst v0  }
0x3e: {  	[tilespmem:s10+$0xFFFFFFF0] =	vst v0  }
0x3f: {  	[tilespmem:s10+$0x0] =	vst v0  }
0x40: {  	[tilespmem:s10+$0x10] =	vst v0  }
0x41: {  	[tilespmem:s10+$0x20] =	vst v0  }
0x42: {  	[tilespmem:s10+$0x30] =	vst v0  }
0x43: {  	s12 =	simm.s32 $0x0;
	s11 =	simm.s32 $0x40;
	[tilespmem:s10+$0xFFFFFFC0] =	vst v0  }
.LBB2_2:
0x44: {  	p1 =	sne.s32 s11, $0xFC0;
	[tilespmem:s12+$0x1F680] =	vst v1;
	s10 =	sadd.s32 $0x80, s10  }
0x45: {  	[tilespmem:s10+$0xFFFFFFD0] =	vst v0  }
0x46: {  	[tilespmem:s10+$0xFFFFFFE0] =	vst v0  }
0x47: {  	[tilespmem:s10+$0xFFFFFFF0] =	vst v0  }
.Ltmp0:
0x48: {  	[tilespmem:s10+$0x0] =	vst v0;
	(pc) =	sbr.rel @p1 .LBB2_2-.Ltmp0, $4  }
0x49: {  	[tilespmem:s10+$0x10] =	vst v0  }
0x4a: {  	[tilespmem:s10+$0x20] =	vst v0  }
0x4b: {  	[tilespmem:s10+$0x30] =	vst v0  }
0x4c: {  	s12 =	sshra.s32 s11, $0x2;
	s11 =	sadd.s32 $0x40, s11;
	[tilespmem:s10+$0xFFFFFFC0] =	vst v0  }
0x4d: {  	[tilespmem:s12+$0x1F680] =	vst v1  }
0x4e: {  	[tilespmem:$0x1FA80] =	vst v0  }
0x4f: {  	[tilespmem:$0x1FA90] =	vst v0  }
0x50: {  	[tilespmem:$0x1FAA0] =	vst v0  }
0x51: {  	[tilespmem:$0x1FAB0] =	vst v0  }
0x52: {  	[tilespmem:$0x1FAC0] =	vst v0  }
0x53: {  	[tilespmem:$0x1FAD0] =	vst v0  }
0x54: {  	[tilespmem:$0x1FAE0] =	vst v0  }
0x55: {  	[tilespmem:$0x1FAF0] =	vst v0  }
0x56: {  	[tilespmem:$0x1FB00] =	vst v0  }
0x57: {  	[tilespmem:$0x1FB10] =	vst v0  }
0x58: {  	[tilespmem:$0x1FB20] =	vst v0  }
0x59: {  	[tilespmem:$0x1FB30] =	vst v0  }
0x5a: {  	[tilespmem:$0x1FB40] =	vst v0  }
0x5b: {  	[tilespmem:$0x1FB50] =	vst v0  }
0x5c: {  	[tilespmem:$0x1FB60] =	vst v0  }
0x5d: {  	[tilespmem:$0x1FB70] =	vst v0  }
0x5e: {  	[tilespmem:$0x1FB80] =	vst v0  }
0x5f: {  	[tilespmem:$0x1FB90] =	vst v0  }
0x60: {  	[tilespmem:$0x1FBA0] =	vst v0  }
0x61: {  	[tilespmem:$0x1FBB0] =	vst v0  }
0x62: {  	[tilespmem:$0x1FBC0] =	vst v0  }
0x63: {  	[tilespmem:$0x1FBD0] =	vst v0  }
0x64: {  	[tilespmem:$0x1FBE0] =	vst v0  }
0x65: {  	[tilespmem:$0x1FBF0] =	vst v0  }
0x66: {  	[tilespmem:$0x1FC00] =	vst v0  }
0x67: {  	[tilespmem:$0x1FC10] =	vst v0  }
0x68: {  	[tilespmem:$0x1FC20] =	vst v0  }
0x69: {  	[tilespmem:$0x1FC30] =	vst v0  }
0x6a: {  	[tilespmem:$0x1FC40] =	vst v0  }
0x6b: {  	[tilespmem:$0x1FC50] =	vst v0  }
0x6c: {  	[tilespmem:$0x1FC60] =	vst v0  }
0x6d: {  	[tilespmem:$0x1FC70] =	vst v0  }
0x6e: {  	[tilespmem:$0x1FC80] =	vst v0  }
0x6f: {  	[tilespmem:$0x1FC90] =	vst v0  }
0x70: {  	[tilespmem:$0x1FCA0] =	vst v0  }
0x71: {  	[tilespmem:$0x1FCB0] =	vst v0  }
0x72: {  	[tilespmem:$0x1FCC0] =	vst v0  }
0x73: {  	[tilespmem:$0x1FCD0] =	vst v0  }
0x74: {  	[tilespmem:$0x1FCE0] =	vst v0  }
0x75: {  	s10 =	simm.s32 $0x0;
	s11 =	rddreg [dreg:$0x5];
	[tilespmem:$0x1FCF0] =	vst v0  }
0x76: {  	[tilespmem:s21], [sflag:$0x1] =	stream.linear.gather [hbm4b:s11+s10], $0x2740, $0x38;
	[tilespmem:$0x1FD00] =	vst v63  }
0x77: {  	s13 =	rddreg [dreg:$0x6]  }
0x78: {  	[tilespmem:s22], [sflag:$0x2] =	stream.linear.gather [hbm4b:s13+s10], $0x2740, $0x38;
	[tilespmem:$0x1FD00] =	vst v63  }
0x79: {  	_ = 	snop  }
0x7a: {  	[spmem:s8] =	stream.linear.scatter [tilespmem:s23], [sflag:$0x3], $0x1400, $0x38;
	[tilespmem:$0x1FD00] =	vst v63  }
0x7b: {  	s12 =	rddreg [dreg:$0x8]  }
0x7c: {  	[spmem:s9] =	stream.linear.scatter [tilespmem:s24], [sflag:$0x4], $0x280, $0x38;
	[tilespmem:$0x1FD00] =	vst v63  }
0x7d: {  	s11 =	rddreg [dreg:$0x7]  }
0x7e: {  	[spmem:s11] =	stream.linear.scatter [tilespmem:s23], [sflag:$0x3], $0x1400, $0x38;
	[tilespmem:$0x1FD00] =	vst v63  }
0x7f: {  	s13 =	rddreg [dreg:$0x9]  }
0x80: {  	[spmem:s12] =	stream.linear.scatter [tilespmem:s24], [sflag:$0x4], $0x280, $0x38;
	[tilespmem:$0x1FD00] =	vst v63  }
0x81: {  	s11 =	rddreg [dreg:$0xa]  }
0x82: {  	[spmem:s13] =	stream.linear.scatter [tilespmem:s23], [sflag:$0x3], $0x1400, $0x38;
	[tilespmem:$0x1FD00] =	vst v63  }
0x83: {  	s12 =	rddreg [dreg:$0xb]  }
0x84: {  	[spmem:s11] =	stream.linear.scatter [tilespmem:s24], [sflag:$0x4], $0x280, $0x38;
	[tilespmem:$0x1FD00] =	vst v63  }
0x85: {  	s13 =	rddreg [dreg:$0xc]  }
0x86: {  	[spmem:s12] =	stream.linear.scatter [tilespmem:s23], [sflag:$0x3], $0x1400, $0x38;
	[tilespmem:$0x1FD00] =	vst v63  }
0x87: {  	s11 =	rddreg [dreg:$0xd]  }
0x88: {  	[spmem:s13] =	stream.linear.scatter [tilespmem:s24], [sflag:$0x4], $0x280, $0x38;
	[tilespmem:$0x1FD00] =	vst v63  }
0x89: {  	s12 =	rddreg [dreg:$0xe]  }
0x8a: {  	[spmem:s11] =	stream.linear.scatter [tilespmem:s23], [sflag:$0x3], $0x1400, $0x38;
	[tilespmem:$0x1FD00] =	vst v63  }
0x8b: {  	s13 =	rddreg [dreg:$0x11]  }
0x8c: {  	[spmem:s12] =	stream.linear.scatter [tilespmem:s24], [sflag:$0x4], $0x280, $0x38;
	[tilespmem:$0x1FD00] =	vst v63  }
0x8d: {  	s11 =	rddreg [dreg:$0x12]  }
0x8e: {  	[spmem:s13] =	stream.linear.scatter [tilespmem:s23], [sflag:$0x3], $0x1400, $0x38;
	[tilespmem:$0x1FD00] =	vst v63  }
0x8f: {  	s12 =	rddreg [dreg:$0x13]  }
0x90: {  	[spmem:s11] =	stream.linear.scatter [tilespmem:s24], [sflag:$0x4], $0x280, $0x38;
	[tilespmem:$0x1FD00] =	vst v63  }
0x91: {  	s13 =	rddreg [dreg:$0x14]  }
0x92: {  	[spmem:s12] =	stream.linear.scatter [tilespmem:s23], [sflag:$0x3], $0x1400, $0x38;
	[tilespmem:$0x1FD00] =	vst v63  }
0x93: {  	s11 =	rddreg [dreg:$0x15]  }
0x94: {  	[spmem:s13] =	stream.linear.scatter [tilespmem:s24], [sflag:$0x4], $0x280, $0x38;
	[tilespmem:$0x1FD00] =	vst v63  }
0x95: {  	s12 =	rddreg [dreg:$0x16]  }
0x96: {  	[spmem:s11] =	stream.linear.scatter [tilespmem:s23], [sflag:$0x3], $0x1400, $0x38;
	[tilespmem:$0x1FD00] =	vst v63  }
0x97: {  	s13 =	rddreg [dreg:$0x17]  }
0x98: {  	[spmem:s12] =	stream.linear.scatter [tilespmem:s24], [sflag:$0x4], $0x280, $0x38;
	[tilespmem:$0x1FD00] =	vst v63  }
0x99: {  	s11 =	rddreg [dreg:$0x18]  }
0x9a: {  	[spmem:s13] =	stream.linear.scatter [tilespmem:s23], [sflag:$0x3], $0x1400, $0x38;
	[tilespmem:$0x1FD00] =	vst v63  }
0x9b: {  	s12 =	rddreg [dreg:$0x19]  }
0x9c: {  	[spmem:s11] =	stream.linear.scatter [tilespmem:s24], [sflag:$0x4], $0x280, $0x38;
	[tilespmem:$0x1FD00] =	vst v63  }
0x9d: {  	s13 =	rddreg [dreg:$0x1a]  }
0x9e: {  	[spmem:s12] =	stream.linear.scatter [tilespmem:s23], [sflag:$0x3], $0x1400, $0x38;
	[tilespmem:$0x1FD00] =	vst v63  }
0x9f: {  	s11 =	rddreg [dreg:$0x1b]  }
0xa0: {  	[spmem:s13] =	stream.linear.scatter [tilespmem:s24], [sflag:$0x4], $0x280, $0x38;
	[tilespmem:$0x1FD00] =	vst v63  }
0xa1: {  	s12 =	rddreg [dreg:$0x1c]  }
0xa2: {  	[spmem:s11] =	stream.linear.scatter [tilespmem:s23], [sflag:$0x3], $0x1400, $0x38;
	[tilespmem:$0x1FD00] =	vst v63  }
0xa3: {  	s13 =	rddreg [dreg:$0x1d]  }
0xa4: {  	[spmem:s12] =	stream.linear.scatter [tilespmem:s24], [sflag:$0x4], $0x280, $0x38;
	[tilespmem:$0x1FD00] =	vst v63  }
0xa5: {  	s11 =	rddreg [dreg:$0x1e]  }
0xa6: {  	[spmem:s13] =	stream.linear.scatter [tilespmem:s23], [sflag:$0x3], $0x1400, $0x38;
	[tilespmem:$0x1FD00] =	vst v63  }
0xa7: {  	s12 =	rddreg [dreg:$0x1f]  }
0xa8: {  	[spmem:s11] =	stream.linear.scatter [tilespmem:s24], [sflag:$0x4], $0x280, $0x38;
	[tilespmem:$0x1FD00] =	vst v63  }
0xa9: {  	s13 =	sld [smem:$0x7F9]  }
0xaa: {  	[spmem:s12] =	stream.linear.scatter [tilespmem:s23], [sflag:$0x3], $0x1400, $0x38;
	[tilespmem:$0x1FD00] =	vst v63  }
0xab: {  	s11 =	sld [smem:$0x7FA]  }
0xac: {  	[spmem:s13] =	stream.linear.scatter [tilespmem:s24], [sflag:$0x4], $0x280, $0x38;
	[tilespmem:$0x1FD00] =	vst v63  }
0xad: {  	s12 =	sld [smem:$0x7FB]  }
0xae: {  	[spmem:s11] =	stream.linear.scatter [tilespmem:s23], [sflag:$0x3], $0x1400, $0x38;
	[tilespmem:$0x1FD00] =	vst v63  }
0xaf: {  	s13 =	sld [smem:$0x7FC]  }
0xb0: {  	[spmem:s12] =	stream.linear.scatter [tilespmem:s24], [sflag:$0x4], $0x280, $0x38;
	[tilespmem:$0x1FD00] =	vst v63  }
0xb1: {  	s11 =	sld [smem:$0x7FD]  }
0xb2: {  	[spmem:s13] =	stream.linear.scatter [tilespmem:s23], [sflag:$0x3], $0x1400, $0x38;
	[tilespmem:$0x1FD00] =	vst v63  }
0xb3: {  	_ = 	snop  }
0xb4: {  	[spmem:s11] =	stream.linear.scatter [tilespmem:s24], [sflag:$0x4], $0x280, $0x38;
	[tilespmem:$0x1FD00] =	vst v63  }
0xb5: {  	_ = 	snop  }
0xb6: {  	[spmem:s14] =	stream.linear.scatter [tilespmem:s23], [sflag:$0x3], $0x1400, $0x38;
	[tilespmem:$0x1FD00] =	vst v63  }
0xb7: {  	_ = 	snop  }
0xb8: {  	[spmem:s15] =	stream.linear.scatter [tilespmem:s24], [sflag:$0x4], $0x280, $0x38;
	[tilespmem:$0x1FD00] =	vst v63  }
0xb9: {  	_ =	swait.ge [sflag:s25], $0x2740  }
0xba: {  	[sflag:s25] =	ssyncset.done $0x0  }
0xbb: {  	[sflag:s25] =	ssyncadd.s32 $0xFFFFD8C0  }
0xbc: {  	_ =	swait.ge [sflag:s26], $0x2740  }
0xbd: {  	[sflag:s26] =	ssyncset.done $0x0  }
0xbe: {  	[sflag:s26] =	ssyncadd.s32 $0xFFFFD8C0  }
0xbf: {  	_ =	swait.ge [sflag:s28], $0x1400  }
0xc0: {  	[sflag:s28] =	ssyncset.done $0x0  }
0xc1: {  	[sflag:s28] =	ssyncadd.s32 $0xFFFFEC00  }
0xc2: {  	_ =	swait.ge [sflag:s28], $0x1400  }
0xc3: {  	[sflag:s28] =	ssyncset.done $0x0  }
0xc4: {  	[sflag:s28] =	ssyncadd.s32 $0xFFFFEC00  }
0xc5: {  	_ =	swait.ge [sflag:s28], $0x1400  }
0xc6: {  	[sflag:s28] =	ssyncset.done $0x0  }
0xc7: {  	[sflag:s28] =	ssyncadd.s32 $0xFFFFEC00  }
0xc8: {  	_ =	swait.ge [sflag:s28], $0x1400  }
0xc9: {  	[sflag:s28] =	ssyncset.done $0x0  }
0xca: {  	[sflag:s28] =	ssyncadd.s32 $0xFFFFEC00  }
0xcb: {  	_ =	swait.ge [sflag:s28], $0x1400  }
0xcc: {  	[sflag:s28] =	ssyncset.done $0x0  }
0xcd: {  	[sflag:s28] =	ssyncadd.s32 $0xFFFFEC00  }
0xce: {  	_ =	swait.ge [sflag:s28], $0x1400  }
0xcf: {  	[sflag:s28] =	ssyncset.done $0x0  }
0xd0: {  	[sflag:s28] =	ssyncadd.s32 $0xFFFFEC00  }
0xd1: {  	_ =	swait.ge [sflag:s28], $0x1400  }
0xd2: {  	[sflag:s28] =	ssyncset.done $0x0  }
0xd3: {  	[sflag:s28] =	ssyncadd.s32 $0xFFFFEC00  }
0xd4: {  	_ =	swait.ge [sflag:s28], $0x1400  }
0xd5: {  	[sflag:s28] =	ssyncset.done $0x0  }
0xd6: {  	[sflag:s28] =	ssyncadd.s32 $0xFFFFEC00  }
0xd7: {  	_ =	swait.ge [sflag:s28], $0x1400  }
0xd8: {  	[sflag:s28] =	ssyncset.done $0x0  }
0xd9: {  	[sflag:s28] =	ssyncadd.s32 $0xFFFFEC00  }
0xda: {  	_ =	swait.ge [sflag:s28], $0x1400  }
0xdb: {  	[sflag:s28] =	ssyncset.done $0x0  }
0xdc: {  	[sflag:s28] =	ssyncadd.s32 $0xFFFFEC00  }
0xdd: {  	_ =	swait.ge [sflag:s28], $0x1400  }
0xde: {  	[sflag:s28] =	ssyncset.done $0x0  }
0xdf: {  	[sflag:s28] =	ssyncadd.s32 $0xFFFFEC00  }
0xe0: {  	_ =	swait.ge [sflag:s28], $0x1400  }
0xe1: {  	[sflag:s28] =	ssyncset.done $0x0  }
0xe2: {  	[sflag:s28] =	ssyncadd.s32 $0xFFFFEC00  }
0xe3: {  	_ =	swait.ge [sflag:s28], $0x1400  }
0xe4: {  	[sflag:s28] =	ssyncset.done $0x0  }
0xe5: {  	[sflag:s28] =	ssyncadd.s32 $0xFFFFEC00  }
0xe6: {  	_ =	swait.ge [sflag:s28], $0x1400  }
0xe7: {  	[sflag:s28] =	ssyncset.done $0x0  }
0xe8: {  	[sflag:s28] =	ssyncadd.s32 $0xFFFFEC00  }
0xe9: {  	_ =	swait.ge [sflag:s28], $0x1400  }
0xea: {  	[sflag:s28] =	ssyncset.done $0x0  }
0xeb: {  	[sflag:s28] =	ssyncadd.s32 $0xFFFFEC00  }
0xec: {  	_ =	swait.ge [sflag:s28], $0x1400  }
0xed: {  	[sflag:s28] =	ssyncset.done $0x0  }
0xee: {  	[sflag:s28] =	ssyncadd.s32 $0xFFFFEC00  }
0xef: {  	_ =	swait.ge [sflag:s29], $0x280  }
0xf0: {  	[sflag:s29] =	ssyncset.done $0x0  }
0xf1: {  	[sflag:s29] =	ssyncadd.s32 $0xFFFFFD80  }
0xf2: {  	_ =	swait.ge [sflag:s29], $0x280  }
0xf3: {  	[sflag:s29] =	ssyncset.done $0x0  }
0xf4: {  	[sflag:s29] =	ssyncadd.s32 $0xFFFFFD80  }
0xf5: {  	_ =	swait.ge [sflag:s29], $0x280  }
0xf6: {  	[sflag:s29] =	ssyncset.done $0x0  }
0xf7: {  	[sflag:s29] =	ssyncadd.s32 $0xFFFFFD80  }
0xf8: {  	_ =	swait.ge [sflag:s29], $0x280  }
0xf9: {  	[sflag:s29] =	ssyncset.done $0x0  }
0xfa: {  	[sflag:s29] =	ssyncadd.s32 $0xFFFFFD80  }
0xfb: {  	_ =	swait.ge [sflag:s29], $0x280  }
0xfc: {  	[sflag:s29] =	ssyncset.done $0x0  }
0xfd: {  	[sflag:s29] =	ssyncadd.s32 $0xFFFFFD80  }
0xfe: {  	_ =	swait.ge [sflag:s29], $0x280  }
0xff: {  	[sflag:s29] =	ssyncset.done $0x0  }
0x100: {  	[sflag:s29] =	ssyncadd.s32 $0xFFFFFD80  }
0x101: {  	_ =	swait.ge [sflag:s29], $0x280  }
0x102: {  	[sflag:s29] =	ssyncset.done $0x0  }
0x103: {  	[sflag:s29] =	ssyncadd.s32 $0xFFFFFD80  }
0x104: {  	_ =	swait.ge [sflag:s29], $0x280  }
0x105: {  	[sflag:s29] =	ssyncset.done $0x0  }
0x106: {  	[sflag:s29] =	ssyncadd.s32 $0xFFFFFD80  }
0x107: {  	_ =	swait.ge [sflag:s29], $0x280  }
0x108: {  	[sflag:s29] =	ssyncset.done $0x0  }
0x109: {  	[sflag:s29] =	ssyncadd.s32 $0xFFFFFD80  }
0x10a: {  	_ =	swait.ge [sflag:s29], $0x280  }
0x10b: {  	[sflag:s29] =	ssyncset.done $0x0  }
0x10c: {  	[sflag:s29] =	ssyncadd.s32 $0xFFFFFD80  }
0x10d: {  	_ =	swait.ge [sflag:s29], $0x280  }
0x10e: {  	[sflag:s29] =	ssyncset.done $0x0  }
0x10f: {  	[sflag:s29] =	ssyncadd.s32 $0xFFFFFD80  }
0x110: {  	_ =	swait.ge [sflag:s29], $0x280  }
0x111: {  	[sflag:s29] =	ssyncset.done $0x0  }
0x112: {  	[sflag:s29] =	ssyncadd.s32 $0xFFFFFD80  }
0x113: {  	_ =	swait.ge [sflag:s29], $0x280  }
0x114: {  	[sflag:s29] =	ssyncset.done $0x0  }
0x115: {  	[sflag:s29] =	ssyncadd.s32 $0xFFFFFD80  }
0x116: {  	_ =	swait.ge [sflag:s29], $0x280  }
0x117: {  	[sflag:s29] =	ssyncset.done $0x0  }
0x118: {  	[sflag:s29] =	ssyncadd.s32 $0xFFFFFD80  }
0x119: {  	_ =	swait.ge [sflag:s29], $0x280  }
0x11a: {  	[sflag:s29] =	ssyncset.done $0x0  }
0x11b: {  	[sflag:s29] =	ssyncadd.s32 $0xFFFFFD80  }
0x11c: {  	_ =	swait.ge [sflag:s29], $0x280  }
0x11d: {  	[sflag:s29] =	ssyncset.done $0x0  }
0x11e: {  	[sflag:s29] =	ssyncadd.s32 $0xFFFFFD80  }
0x11f: {  	[bflag:$0x0] =	sbarrier.arrive $0xFFFF  }
0x120: {  	[tilespmem:s23], [sflag:$0x1] =	stream.indirect.gather [hbm4b:s1+s30], $0x80, s21, s30, $0xb8;
	[tilespmem:$0x1FD00] =	vst v63  }
0x121: {  	_ =	swait.ge [sflag:s25], $0x2000  }
0x122: {  	[sflag:s25] =	ssyncset.done $0x0  }
0x123: {  	s12 =	simm.s32 $0x16840;
	[sflag:s25] =	ssyncadd.s32 $0xFFFFE000  }
0x124: {  	[tilespmem:s31], [sflag:$0x2] =	stream.indirect.gather [hbm4b:s1+s30], $0x80, s12, s30, $0xb8;
	[tilespmem:$0x1FD00] =	vst v63  }
0x125: {  	_ = 	snop  }
0x126: {  	[spmem:s3] =	stream.indirect.scatter.add.f32 [tilespmem:s23], [sflag:$0x5], $0x80, s22, s30, $0xb8;
	[tilespmem:$0x1FD00] =	vst v63  }
0x127: {  	_ =	swait.ge [sflag:s2], $0x2000  }
0x128: {  	[sflag:s2] =	ssyncset.done $0x0  }
0x129: {  	[sflag:s2] =	ssyncadd.s32 $0xFFFFE000  }
0x12a: {  	[spmem:s4] =	stream.indirect.scatter.add.f32 [tilespmem:s0], [sflag:$0x5], $0x10, s22, s30, $0xb8;
	[tilespmem:$0x1FD00] =	vst v63  }
0x12b: {  	_ =	swait.ge [sflag:s2], $0x400  }
0x12c: {  	[sflag:s2] =	ssyncset.done $0x0  }
0x12d: {  	[sflag:s2] =	ssyncadd.s32 $0xFFFFFC00  }
0x12e: {  	_ =	swait.ge [sflag:s26], $0x2000  }
0x12f: {  	[sflag:s26] =	ssyncset.done $0x0  }
0x130: {  	s13 =	simm.s32 $0x16880;
	[sflag:s26] =	ssyncadd.s32 $0xFFFFE000  }
0x131: {  	[tilespmem:s23], [sflag:$0x1] =	stream.indirect.gather [hbm4b:s1+s30], $0x80, s13, s30, $0xb8;
	[tilespmem:$0x1FD00] =	vst v63  }
0x132: {  	s11 =	simm.s32 $0x18F80  }
0x133: {  	[spmem:s3] =	stream.indirect.scatter.add.f32 [tilespmem:s31], [sflag:$0x5], $0x80, s11, s30, $0xb8;
	[tilespmem:$0x1FD00] =	vst v63  }
0x134: {  	_ =	swait.ge [sflag:s2], $0x2000  }
0x135: {  	[sflag:s2] =	ssyncset.done $0x0  }
0x136: {  	[sflag:s2] =	ssyncadd.s32 $0xFFFFE000  }
0x137: {  	[spmem:s4] =	stream.indirect.scatter.add.f32 [tilespmem:s0], [sflag:$0x5], $0x10, s11, s30, $0xb8;
	[tilespmem:$0x1FD00] =	vst v63  }
0x138: {  	_ =	swait.ge [sflag:s2], $0x400  }
0x139: {  	[sflag:s2] =	ssyncset.done $0x0  }
0x13a: {  	[sflag:s2] =	ssyncadd.s32 $0xFFFFFC00  }
0x13b: {  	_ =	swait.ge [sflag:s25], $0x2000  }
0x13c: {  	[sflag:s25] =	ssyncset.done $0x0  }
0x13d: {  	s12 =	simm.s32 $0x168C0;
	[sflag:s25] =	ssyncadd.s32 $0xFFFFE000  }
0x13e: {  	[tilespmem:s31], [sflag:$0x2] =	stream.indirect.gather [hbm4b:s1+s30], $0x80, s12, s30, $0xb8;
	[tilespmem:$0x1FD00] =	vst v63  }
0x13f: {  	s13 =	simm.s32 $0x18FC0  }
0x140: {  	[spmem:s3] =	stream.indirect.scatter.add.f32 [tilespmem:s23], [sflag:$0x5], $0x80, s13, s30, $0xb8;
	[tilespmem:$0x1FD00] =	vst v63  }
0x141: {  	_ =	swait.ge [sflag:s2], $0x2000  }
0x142: {  	[sflag:s2] =	ssyncset.done $0x0  }
0x143: {  	[sflag:s2] =	ssyncadd.s32 $0xFFFFE000  }
0x144: {  	[spmem:s4] =	stream.indirect.scatter.add.f32 [tilespmem:s0], [sflag:$0x5], $0x10, s13, s30, $0xb8;
	[tilespmem:$0x1FD00] =	vst v63  }
0x145: {  	_ =	swait.ge [sflag:s2], $0x400  }
0x146: {  	s10 =	simm.s32 $0xFFFF6800;
	[sflag:s2] =	ssyncset.done $0x0  }
.LBB2_4:
0x147: {  	p1 =	sne.s32 s10, $0xFFFFFE00  }
0x148: {  	[sflag:s2] =	ssyncadd.s32 $0xFFFFFC00;
	s11 =	smov.u32 s10;
	s10 =	sadd.s32 $0x200, s10  }
0x149: {  	_ =	swait.ge [sflag:s26], $0x2000  }
0x14a: {  	s11 =	sshra.s32 s11, $0x2;
	[sflag:s26] =	ssyncset.done $0x0  }
0x14b: {  	s12 =	sadd.s32 $0x18F00, s11;
	[sflag:s26] =	ssyncadd.s32 $0xFFFFE000  }
0x14c: {  	[tilespmem:s23], [sflag:$0x1] =	stream.indirect.gather [hbm4b:s1+s30], $0x80, s12, s30, $0xb8;
	[tilespmem:$0x1FD00] =	vst v63  }
0x14d: {  	s12 =	sadd.s32 $0x1B600, s11  }
0x14e: {  	[spmem:s3] =	stream.indirect.scatter.add.f32 [tilespmem:s31], [sflag:$0x5], $0x80, s12, s30, $0xb8;
	[tilespmem:$0x1FD00] =	vst v63  }
0x14f: {  	_ =	swait.ge [sflag:s2], $0x2000  }
0x150: {  	[sflag:s2] =	ssyncset.done $0x0  }
0x151: {  	[sflag:s2] =	ssyncadd.s32 $0xFFFFE000  }
0x152: {  	[spmem:s4] =	stream.indirect.scatter.add.f32 [tilespmem:s0], [sflag:$0x5], $0x10, s12, s30, $0xb8;
	[tilespmem:$0x1FD00] =	vst v63  }
0x153: {  	_ =	swait.ge [sflag:s2], $0x400  }
0x154: {  	[sflag:s2] =	ssyncset.done $0x0  }
0x155: {  	[sflag:s2] =	ssyncadd.s32 $0xFFFFFC00  }
0x156: {  	_ =	swait.ge [sflag:s25], $0x2000  }
0x157: {  	[sflag:s25] =	ssyncset.done $0x0  }
0x158: {  	s12 =	sadd.s32 $0x18F40, s11;
	[sflag:s25] =	ssyncadd.s32 $0xFFFFE000  }
0x159: {  	[tilespmem:s31], [sflag:$0x2] =	stream.indirect.gather [hbm4b:s1+s30], $0x80, s12, s30, $0xb8;
	[tilespmem:$0x1FD00] =	vst v63  }
0x15a: {  	s11 =	sadd.s32 $0x1B640, s11  }
0x15b: {  	[spmem:s3] =	stream.indirect.scatter.add.f32 [tilespmem:s23], [sflag:$0x5], $0x80, s11, s30, $0xb8;
	[tilespmem:$0x1FD00] =	vst v63  }
0x15c: {  	_ =	swait.ge [sflag:s2], $0x2000  }
.Ltmp1:
0x15d: {  	[sflag:s2] =	ssyncset.done $0x0;
	(pc) =	sbr.rel @p1 .LBB2_4-.Ltmp1, $4  }
0x15e: {  	[sflag:s2] =	ssyncadd.s32 $0xFFFFE000  }
0x15f: {  	[spmem:s4] =	stream.indirect.scatter.add.f32 [tilespmem:s0], [sflag:$0x5], $0x10, s11, s30, $0xb8;
	[tilespmem:$0x1FD00] =	vst v63  }
0x160: {  	_ =	swait.ge [sflag:s2], $0x400  }
0x161: {  	[sflag:s2] =	ssyncset.done $0x0  }
0x162: {  	[sflag:s2] =	ssyncadd.s32 $0xFFFFFC00  }
0x163: {  	_ =	swait.ge [sflag:s26], $0x2000  }
0x164: {  	[sflag:s26] =	ssyncset.done $0x0  }
0x165: {  	s10 =	simm.s32 $0x18F00;
	[sflag:s26] =	ssyncadd.s32 $0xFFFFE000  }
0x166: {  	[tilespmem:s23], [sflag:$0x1] =	stream.indirect.gather [hbm4b:s1+s30], $0x80, s10, s30, $0xb8;
	[tilespmem:$0x1FD00] =	vst v63  }
0x167: {  	_ = 	snop  }
0x168: {  	[spmem:s3] =	stream.indirect.scatter.add.f32 [tilespmem:s31], [sflag:$0x5], $0x80, s5, s30, $0xb8;
	[tilespmem:$0x1FD00] =	vst v63  }
0x169: {  	_ =	swait.ge [sflag:s2], $0x2000  }
0x16a: {  	[sflag:s2] =	ssyncset.done $0x0  }
0x16b: {  	[sflag:s2] =	ssyncadd.s32 $0xFFFFE000  }
0x16c: {  	[spmem:s4] =	stream.indirect.scatter.add.f32 [tilespmem:s0], [sflag:$0x5], $0x10, s5, s30, $0xb8;
	[tilespmem:$0x1FD00] =	vst v63  }
0x16d: {  	_ =	swait.ge [sflag:s2], $0x400  }
0x16e: {  	[sflag:s2] =	ssyncset.done $0x0  }
0x16f: {  	[sflag:s2] =	ssyncadd.s32 $0xFFFFFC00  }
0x170: {  	_ =	swait.ge [sflag:s25], $0x2000  }
0x171: {  	[sflag:s25] =	ssyncset.done $0x0  }
0x172: {  	[sflag:s25] =	ssyncadd.s32 $0xFFFFE000  }
0x173: {  	[spmem:s3] =	stream.indirect.scatter.add.f32 [tilespmem:s23], [sflag:$0x5], $0x80, s6, s30, $0xb8;
	[tilespmem:$0x1FD00] =	vst v63  }
0x174: {  	_ =	swait.ge [sflag:s2], $0x2000  }
0x175: {  	[sflag:s2] =	ssyncset.done $0x0  }
0x176: {  	[sflag:s2] =	ssyncadd.s32 $0xFFFFE000  }
0x177: {  	[spmem:s4] =	stream.indirect.scatter.add.f32 [tilespmem:s0], [sflag:$0x5], $0x10, s6, s30, $0xb8;
	[tilespmem:$0x1FD00] =	vst v63  }
0x178: {  	_ =	swait.ge [sflag:s2], $0x400  }
0x179: {  	[sflag:s2] =	ssyncset.done $0x0  }
0x17a: {  	[sflag:s2] =	ssyncadd.s32 $0xFFFFFC00  }
0x17b: {  	s10 =	simm.s32 @p0 $0x1FC1;
	[bflag:$0x0] =	sbarrier.arrive $0xFFFF  }
0x17c: {  	[hbm:s16], [sflag:s10] =	dma.local @p0 [spmem:s19], $0x1900  }
0x17d: {  	s10 =	simm.s32 @p0 $0x1FC2  }
0x17e: {  	[hbm:s17], [sflag:s10] =	dma.local @p0 [spmem:s20], $0x320  }
0x17f: {  	s10 =	simm.s32 @p0 $0x1  }
0x180: {  	_ =	swait.ge @p0 [sflag:s10], $0x1900  }
0x181: {  	[sflag:s10] =	ssyncset.done @p0 $0x0  }
0x182: {  	[sflag:s10] =	ssyncadd.s32 @p0 $0xFFFFE700;
	s10 =	simm.s32 @p0 $0x2  }
0x183: {  	s11 =	stileid.u32;
	_ =	swait.ge @p0 [sflag:s10], $0x320  }
0x184: {  	s12 =	sshrl.u32 @!p0 s8, $0x3;
	s11 =	sshll.u32 @!p0 s11, $0x6;
	[sflag:s10] =	ssyncset.done @p0 $0x0  }
0x185: {  	s13 =	rddreg [dreg:$0xf];
	[sflag:s10] =	ssyncadd.s32 @p0 $0xFFFFFCE0;
	s10 =	sor.u32 @!p0 $0x1C01, s11  }
0x186: {  	[hbm:s13], [sflag:s10] =	dma.local @!p0 [spmem:s12], $0x2800  }
0x187: {  	s10 =	sor.u32 @!p0 $0x1C02, s11;
	s11 =	sshrl.u32 @!p0 s9, $0x3;
	s12 =	rddreg [dreg:$0x10]  }
0x188: {  	[hbm:s12], [sflag:s10] =	dma.local @!p0 [spmem:s11], $0x500  }
0x189: {  	s7 =	sadd.s32 $0x1, s7;
	s10 =	simm.s32 @!p0 $0x1  }
0x18a: {  	p1 =	sne.s32 s7, s18;
	_ =	swait.ge @!p0 [sflag:s10], $0x2800  }
.Ltmp2:
0x18b: {  	[sflag:s10] =	ssyncset.done @!p0 $0x0;
	(pc) =	sbr.rel @p1 .LBB2_1-.Ltmp2, $4  }
0x18c: {  	[sflag:s10] =	ssyncadd.s32 @!p0 $0xFFFFD800;
	s10 =	simm.s32 @!p0 $0x2  }
0x18d: {  	_ =	swait.ge @!p0 [sflag:s10], $0x500  }
0x18e: {  	[sflag:s10] =	ssyncset.done @!p0 $0x0  }
0x18f: {  	[sflag:s10] =	ssyncadd.s32 @!p0 $0xFFFFFB00  }
0x190: {  	_ =	sfence.sel $0x180000  }
0x191: {  	[bflag:$0x0] =	sbarrier.arrive $0xFFFF  }
0x192: {  	_ =	strace $0x9000004A  }
0x193: {  	s0 =	stileid.u32;
	[bflag:$0x2] =	sbarrier.arrive $0xFFFF  }
0x194: {  	p0 =	sne.s32 s0, $0x0;
	s0 =	rddreg [dreg:$0x4]  }
0x195: {  	s0 =	sadd.s32 @!p0 $0x100000, s0  }
0x196: {  	[sflag:s0] =	ssyncadd.tile.s32 @!p0 $0x1;
	_ =	shalt  }
.Lfunc_end2:
_tile_overlayer_lowered:
.L_overlay_start_2:
0x197: {  	(tag) =	ssettag $0x2  }
0x198: {  	s0 =	rddreg [dreg:$0x0];
	s2 =	stileid.u32  }
0x199: {  	s1 =	rddreg [dreg:$0x1];
	p0 =	sne.s32 s2, $0x0  }
0x19a: {  	s3 =	rddreg [dreg:$0x2];
	[bflag:$0x3] =	sbarrier.arrive $0xFFFF;
	s2 =	simm.s32 @!p0 $0x1C05  }
0x19b: {  	[timem:s3], [sflag:s2] =	dma.local @!p0 [hbm:s0], s1  }
0x19c: {  	s0 =	simm.s32 @!p0 $0x5  }
0x19d: {  	_ =	swait.ge @!p0 [sflag:s0], s1  }
0x19e: {  	s1 =	ssub.s32 @!p0 $0x0, s1;
	[sflag:s0] =	ssyncset.done @!p0 $0x0  }
0x19f: {  	[sflag:s0] =	ssyncadd.s32 @!p0 s1  }
0x1a0: {  	[bflag:$0x3] =	sbarrier.arrive $0xFFFF  }
0x1a1: {  	_ =	shalt  }

</sc_bundles>
